<compile_context>
chip_gen: v7x
topology: tpu7x:2x2x1
jax: 0.10.2.dev20260603
libtpu: 0.0.44.dev20260713+nightly
codegen_flags: <defaults>
</compile_context>

<pallas_src>
import functools

import jax
import jax.numpy as jnp
from jax import lax
from jax.experimental import pallas as pl
from jax.experimental.pallas import tpu as pltpu
from jax.experimental.pallas import tpu_sc as plsc

N = 10000
NPAD = 10240
E = 320000
D = 128
DH = D // 2
NC = 2
NS = 16
TILES = NC * NS
B = 128
EPAD = 327680
KD = EPAD // TILES // B
KA = EPAD // NS // B
RPS = NPAD // NS
ZR = 64
NBUF = 5
PF = 4

_f32 = jnp.float32



def _sc_mesh():
    return plsc.VectorSubcoreMesh(core_axis_name="c", subcore_axis_name="s")


def _deg_body(src_hbm, dst_hbm, out_hbm, srcv, dstv, ones, stage, acc_o, acc_i,
              osem, isem):
    c = lax.axis_index("c")
    s = lax.axis_index("s")
    tile = c * NS + s
    pltpu.sync_copy(src_hbm.at[tile], srcv)
    pltpu.sync_copy(dst_hbm.at[tile], dstv)
    for l in range(B // 16):
        ones[pl.ds(l * 16, 16)] = jnp.ones((16,), _f32)
    for l in range(RPS // 16):
        stage[pl.ds(l * 16, 16)] = jnp.zeros((16,), _f32)
    pltpu.sync_copy(stage, acc_o.at[pl.ds(s * RPS, RPS)])
    pltpu.sync_copy(stage, acc_i.at[pl.ds(s * RPS, RPS)])
    plsc.subcore_barrier()

    @pl.loop(0, KD, step=4)
    def _(j):
        for b in range(4):
            pltpu.async_copy(ones, acc_o.at[srcv.at[j + b]], osem, add=True)
            pltpu.async_copy(ones, acc_i.at[dstv.at[j + b]], isem, add=True)
        for b in range(4):
            pltpu.make_async_copy(ones, acc_o.at[srcv.at[j + b]], osem).wait()
            pltpu.make_async_copy(ones, acc_i.at[dstv.at[j + b]], isem).wait()

    plsc.subcore_barrier()
    pltpu.sync_copy(acc_o.at[pl.ds(s * RPS, RPS)],
                    out_hbm.at[c, 0, pl.ds(s * RPS, RPS)])
    pltpu.sync_copy(acc_i.at[pl.ds(s * RPS, RPS)],
                    out_hbm.at[c, 1, pl.ds(s * RPS, RPS)])


def _sc_degrees(src3, dst3):
    kern = pl.kernel(
        _deg_body,
        out_type=jax.ShapeDtypeStruct((NC, 2, NPAD), _f32),
        mesh=_sc_mesh(),
        scratch_types=[
            pltpu.VMEM((KD, B), jnp.int32),
            pltpu.VMEM((KD, B), jnp.int32),
            pltpu.VMEM((B,), _f32),
            pltpu.VMEM((RPS,), _f32),
            pltpu.VMEM_SHARED((NPAD,), _f32),
            pltpu.VMEM_SHARED((NPAD,), _f32),
            pltpu.SemaphoreType.DMA,
            pltpu.SemaphoreType.DMA,
        ],
    )
    return kern(src3, dst3)


def _agg_body(table_hbm, src_hbm, dst_hbm, out_hbm, srcv, dstv, rows, zstage,
              acc, *sems):
    gsems, ssems = sems[:NBUF], sems[NBUF:]
    c = lax.axis_index("c")
    s = lax.axis_index("s")
    pltpu.sync_copy(src_hbm.at[c, s], srcv)
    pltpu.sync_copy(dst_hbm.at[s], dstv)

    for b in range(PF):
        pltpu.async_copy(table_hbm.at[srcv.at[b]], rows.at[b], gsems[b])

    @pl.loop(0, ZR)
    def _(i):
        for l in range(DH // 16):
            zstage[i, pl.ds(l * 16, 16)] = jnp.zeros((16,), _f32)

    @pl.loop(0, RPS // ZR)
    def _(j):
        pltpu.sync_copy(zstage, acc.at[pl.ds(s * RPS + j * ZR, ZR)])

    plsc.subcore_barrier()

    @pl.loop(0, KA, step=NBUF)
    def _(j):
        for b in range(NBUF):
            chunk = j + b
            pltpu.make_async_copy(table_hbm.at[srcv.at[chunk]],
                                  rows.at[b], gsems[b]).wait()
            pltpu.async_copy(rows.at[b], acc.at[dstv.at[chunk]], ssems[b],
                             add=True)
            bp = (b + PF) % NBUF

            @pl.when(chunk + PF < KA)
            def _():
                @pl.when(chunk + PF >= NBUF)
                def _():
                    pltpu.make_async_copy(
                        rows.at[bp], acc.at[dstv.at[chunk]],
                        ssems[bp]).wait()

                pltpu.async_copy(table_hbm.at[srcv.at[chunk + PF]],
                                 rows.at[bp], gsems[bp])

    for chunk in range(KA - NBUF, KA):
        b = chunk % NBUF
        pltpu.make_async_copy(rows.at[b], acc.at[dstv.at[chunk]],
                              ssems[b]).wait()

    plsc.subcore_barrier()

    for j in range(RPS // ZR):
        pltpu.async_copy(acc.at[pl.ds(s * RPS + j * ZR, ZR)],
                         out_hbm.at[c, pl.ds(s * RPS + j * ZR, ZR)], gsems[0])
    for j in range(RPS // ZR):
        pltpu.make_async_copy(acc.at[pl.ds(s * RPS + j * ZR, ZR)],
                              out_hbm.at[c, pl.ds(s * RPS + j * ZR, ZR)],
                              gsems[0]).wait()


def _sc_aggregate(table2, srcb, dst16):
    kern = pl.kernel(
        _agg_body,
        out_type=jax.ShapeDtypeStruct((NC, NPAD, DH), _f32),
        mesh=_sc_mesh(),
        scratch_types=[
            pltpu.VMEM((KA, B), jnp.int32),
            pltpu.VMEM((KA, B), jnp.int32),
            pltpu.VMEM((NBUF, B, DH), _f32),
            pltpu.VMEM((ZR, DH), _f32),
            pltpu.VMEM_SHARED((NPAD, DH), _f32),
        ] + [pltpu.SemaphoreType.DMA] * (2 * NBUF),
        compiler_params=pltpu.CompilerParams(use_tc_tiling_on_sc=False),
    )
    return kern(table2, srcb, dst16)



R = 1280
NR = NPAD // R


def _inv_sqrt_deg(two_col):
    deg = two_col[:, 0:1] + two_col[:, 1:2]
    return lax.rsqrt(jnp.maximum(deg, 1.0))


def _tc0_body(x_ref, w_ref, do_ref, o_ref):
    t = jnp.dot(x_ref[...], w_ref[0], preferred_element_type=_f32)
    o_ref[...] = t * _inv_sqrt_deg(do_ref[...])


def _split_w(W):
    return jnp.transpose(W.reshape(D, NC, DH), (1, 0, 2))


def _tc_layer0(x_pad, W0, do_p):
    return pl.pallas_call(
        _tc0_body,
        grid=(NR, NC),
        in_specs=[
            pl.BlockSpec((R, D), lambda i, c: (i, 0)),
            pl.BlockSpec((1, D, DH), lambda i, c: (c, 0, 0)),
            pl.BlockSpec((R, NC), lambda i, c: (i, 0)),
        ],
        out_specs=pl.BlockSpec((R, DH), lambda i, c: (c * NR + i, 0)),
        out_shape=jax.ShapeDtypeStruct((NC * NPAD, DH), _f32),
    )(x_pad, W0, do_p)


def _tc1_body(p_ref, di_ref, do_ref, b0_ref, w_ref, o_ref):
    agg = jnp.concatenate([p_ref[0], p_ref[1]], axis=1)
    h = jnp.maximum(agg * _inv_sqrt_deg(di_ref[...]) + b0_ref[...][None, :], 0.0)
    t = jnp.dot(h, w_ref[0], preferred_element_type=_f32)
    o_ref[...] = t * _inv_sqrt_deg(do_ref[...])


def _tc_layer1(p, di_p, do_p, b0, W1):
    return pl.pallas_call(
        _tc1_body,
        grid=(NR, NC),
        in_specs=[
            pl.BlockSpec((NC, R, DH), lambda i, c: (0, i, 0)),
            pl.BlockSpec((R, NC), lambda i, c: (i, 0)),
            pl.BlockSpec((R, NC), lambda i, c: (i, 0)),
            pl.BlockSpec((D,), lambda i, c: (0,)),
            pl.BlockSpec((1, D, DH), lambda i, c: (c, 0, 0)),
        ],
        out_specs=pl.BlockSpec((R, DH), lambda i, c: (c * NR + i, 0)),
        out_shape=jax.ShapeDtypeStruct((NC * NPAD, DH), _f32),
    )(p, di_p, do_p, b0, W1)


def _tc2_body(p_ref, di_ref, b1_ref, o_ref):
    agg = jnp.concatenate([p_ref[0], p_ref[1]], axis=1)
    o_ref[...] = agg * _inv_sqrt_deg(di_ref[...]) + b1_ref[...][None, :]


def _tc_final(p, di_p, b1):
    return pl.pallas_call(
        _tc2_body,
        grid=(NR,),
        in_specs=[
            pl.BlockSpec((NC, R, DH), lambda i: (0, i, 0)),
            pl.BlockSpec((R, NC), lambda i: (i, 0)),
            pl.BlockSpec((D,), lambda i: (0,)),
        ],
        out_specs=pl.BlockSpec((R, D), lambda i: (i, 0)),
        out_shape=jax.ShapeDtypeStruct((NPAD, D), _f32),
    )(p, di_p, b1)



def kernel(x, edge_index, W0, b0, W1, b1):
    pad = jnp.full((EPAD - E,), NPAD - 1, jnp.int32)
    srcf = jnp.concatenate([edge_index[0], pad])
    dstf = jnp.concatenate([edge_index[1], pad])
    src3 = srcf.reshape(TILES, KD, B)
    dst3 = dstf.reshape(TILES, KD, B)
    bias = jnp.array([0, NPAD], jnp.int32)[:, None, None, None]
    srcb = srcf.reshape(NS, KA, B)[None] + bias
    dst16 = dstf.reshape(NS, KA, B)
    x_pad = jnp.pad(x, ((0, NPAD - N), (0, 0)))

    degp = _sc_degrees(src3, dst3)
    do_p = jnp.transpose(degp[:, 0, :])
    di_p = jnp.transpose(degp[:, 1, :])

    t0 = _tc_layer0(x_pad, _split_w(W0), do_p)
    p0 = _sc_aggregate(t0, srcb, dst16)
    t1 = _tc_layer1(p0, di_p, do_p, b0, _split_w(W1))
    p1 = _sc_aggregate(t1, srcb, dst16)
    out = _tc_final(p1, di_p, b1)
    return out[:N]

# --- scband reference (transcript-rebuilt; emitter-appended) ---
"""Pipeline reference for scband-encoder-27608049778882 (READ-ONLY COPY).

The authoritative reference and input builder live on the scoring server;
editing this copy changes nothing except your own understanding.
"""

import jax, jax.numpy as jnp
import numpy as np

N_NODES = 10000
N_EDGES = 320000
IN_FEATS = 128
N_HIDDEN = 128


def setup_inputs(seed: int = 0) -> dict:
    key = jax.random.key(seed)
    k1, k2, k3, k4, k5, k6 = jax.random.split(key, 6)
    x = jax.random.normal(k1, (N_NODES, IN_FEATS), dtype=jnp.float32)
    edge_index = jax.random.randint(k2, (2, N_EDGES), 0, N_NODES, dtype=jnp.int32)
    # GCN parameters: input layer (in_feats -> n_hidden) and one hidden layer (n_hidden -> n_hidden)
    W0 = jax.random.normal(k3, (IN_FEATS, N_HIDDEN), dtype=jnp.float32) / np.sqrt(IN_FEATS)
    b0 = jnp.zeros((N_HIDDEN,), dtype=jnp.float32)
    W1 = jax.random.normal(k4, (N_HIDDEN, N_HIDDEN), dtype=jnp.float32) / np.sqrt(N_HIDDEN)
    b1 = jnp.zeros((N_HIDDEN,), dtype=jnp.float32)
    return {"x": x, "edge_index": edge_index, "W0": W0, "b0": b0, "W1": W1, "b1": b1}


def _gcn_layer(h, src, dst, deg_out_src_norm, deg_in_dst_norm, W, b):
    # DGL GraphConv with norm='both': D^{-1/2} A D^{-1/2} X W + b
    m = h[src] * deg_out_src_norm[:, None]
    agg = jax.ops.segment_sum(m * deg_in_dst_norm[:, None], dst, num_segments=N_NODES)
    return agg @ W + b


def reference(x, edge_index, W0, b0, W1, b1):
    src = edge_index[0]
    dst = edge_index[1]
    ones = jnp.ones((N_EDGES,), dtype=jnp.float32)
    deg_out = jax.ops.segment_sum(ones, src, num_segments=N_NODES)
    deg_in = jax.ops.segment_sum(ones, dst, num_segments=N_NODES)
    inv_sqrt_out = 1.0 / jnp.sqrt(jnp.clip(deg_out, 1.0))
    inv_sqrt_in = 1.0 / jnp.sqrt(jnp.clip(deg_in, 1.0))
    norm_src = inv_sqrt_out[src]
    norm_dst = inv_sqrt_in[dst]
    # Layer 0: in_feats -> n_hidden, relu activation (dropout=0.0 -> identity)
    h = _gcn_layer(x, src, dst, norm_src, norm_dst, W0, b0)
    h = jax.nn.relu(h)
    # Layer 1 (output layer of the encoder): n_hidden -> n_hidden, no activation
    h = _gcn_layer(h, src, dst, norm_src, norm_dst, W1, b1)
    return h

if __name__ == "__main__":
    import jax
    _d = setup_inputs()
    print(jax.jit(kernel)(*tuple(_d.values())))

</pallas_src>

<mosaic_0001>
#map = affine_map<(d0, d1) -> (0, 0)>
#map1 = affine_map<(d0, d1) -> (0, 0, 0, 0)>
#map2 = affine_map<(d0, d1) -> (0, 0, 0)>
module attributes {stable_mosaic.version = 14 : i64} {
  func.func @_agg_body(%arg0: i32, %arg1: i32, %arg2: memref<20480x64xf32, #tpu.memory_space<hbm>>, %arg3: memref<2x16x160x128xi32, #tpu.memory_space<hbm>>, %arg4: memref<16x160x128xi32, #tpu.memory_space<hbm>>, %arg5: memref<2x10240x64xf32, #tpu.memory_space<hbm>>, %arg6: memref<160x128xi32, #tpu.memory_space<vmem>>, %arg7: memref<160x128xi32, #tpu.memory_space<vmem>>, %arg8: memref<5x128x64xf32, #tpu.memory_space<vmem>>, %arg9: memref<64x64xf32, #tpu.memory_space<vmem>>, %arg10: memref<10240x64xf32, #tpu.memory_space<vmem_shared>>, %arg11: memref<!tpu.dma_semaphore, #tpu.memory_space<semaphore_mem>>, %arg12: memref<!tpu.dma_semaphore, #tpu.memory_space<semaphore_mem>>, %arg13: memref<!tpu.dma_semaphore, #tpu.memory_space<semaphore_mem>>, %arg14: memref<!tpu.dma_semaphore, #tpu.memory_space<semaphore_mem>>, %arg15: memref<!tpu.dma_semaphore, #tpu.memory_space<semaphore_mem>>, %arg16: memref<!tpu.dma_semaphore, #tpu.memory_space<semaphore_mem>>, %arg17: memref<!tpu.dma_semaphore, #tpu.memory_space<semaphore_mem>>, %arg18: memref<!tpu.dma_semaphore, #tpu.memory_space<semaphore_mem>>, %arg19: memref<!tpu.dma_semaphore, #tpu.memory_space<semaphore_mem>>, %arg20: memref<!tpu.dma_semaphore, #tpu.memory_space<semaphore_mem>>) attributes {dimension_semantics = [#tpu.dimension_semantics<core_parallel>, #tpu.dimension_semantics<subcore_parallel>], iteration_bounds = array<i64: 2, 16>, scalar_prefetch = 0 : i64, scratch_operands = 15 : i64, tpu.core_type = #tpu.core_type<sc_vector_subcore>, window_params = [{transform_indices = #map}, {transform_indices = #map1}, {transform_indices = #map2}, {transform_indices = #map2}]} {
    "tpu.region"() ({
      %run_scoped3A = tpu.sem_alloc : memref<!tpu.dma_semaphore, #tpu.memory_space<semaphore_mem>>
      %dma_start3A_379 = arith.constant 0 : i32
      %dma_start3A_380 = arith.constant 0 : i32
      %dma_start3A_381 = tpu.memref_slice %arg3[%arg0, %arg1, %dma_start3A_379, %dma_start3A_380] : memref<2x16x160x128xi32, #tpu.memory_space<hbm>> -> memref<1x1x160x128xi32, #tpu.memory_space<hbm>>
      %dma_start3A_382 = tpu.memref_squeeze %dma_start3A_381 : memref<1x1x160x128xi32, #tpu.memory_space<hbm>> -> memref<160x128xi32, #tpu.memory_space<hbm>>
      %dma_start3A_383 = arith.constant 0 : i32
      %dma_start3A_384 = arith.constant 0 : i32
      %dma_start3A_385 = tpu.memref_slice %arg3[%arg0, %arg1, %dma_start3A_383, %dma_start3A_384] : memref<2x16x160x128xi32, #tpu.memory_space<hbm>> -> memref<1x1x160x128xi32, #tpu.memory_space<hbm>>
      %dma_start3A_386 = tpu.memref_squeeze %dma_start3A_385 : memref<1x1x160x128xi32, #tpu.memory_space<hbm>> -> memref<160x128xi32, #tpu.memory_space<hbm>>
      tpu.enqueue_dma source(%dma_start3A_386 : memref<160x128xi32, #tpu.memory_space<hbm>>) target(%arg6 : memref<160x128xi32, #tpu.memory_space<vmem>>) target_semaphore(%run_scoped3A : memref<!tpu.dma_semaphore, #tpu.memory_space<semaphore_mem>>)
      %dma_wait3A_387 = arith.constant 0 : i32
      %dma_wait3A_388 = arith.constant 0 : i32
      %dma_wait3A_389 = tpu.memref_slice %arg3[%arg0, %arg1, %dma_wait3A_387, %dma_wait3A_388] : memref<2x16x160x128xi32, #tpu.memory_space<hbm>> -> memref<1x1x160x128xi32, #tpu.memory_space<hbm>>
      %dma_wait3A_390 = tpu.memref_squeeze %dma_wait3A_389 : memref<1x1x160x128xi32, #tpu.memory_space<hbm>> -> memref<160x128xi32, #tpu.memory_space<hbm>>
      %dma_wait3A_391 = arith.constant 0 : i32
      %dma_wait3A_392 = arith.constant 0 : i32
      %dma_wait3A_393 = tpu.memref_slice %arg3[%arg0, %arg1, %dma_wait3A_391, %dma_wait3A_392] : memref<2x16x160x128xi32, #tpu.memory_space<hbm>> -> memref<1x1x160x128xi32, #tpu.memory_space<hbm>>
      %dma_wait3A_394 = tpu.memref_squeeze %dma_wait3A_393 : memref<1x1x160x128xi32, #tpu.memory_space<hbm>> -> memref<160x128xi32, #tpu.memory_space<hbm>>
      tpu.wait_dma2 semaphore(%run_scoped3A : memref<!tpu.dma_semaphore, #tpu.memory_space<semaphore_mem>>) src(%dma_wait3A_394 : memref<160x128xi32, #tpu.memory_space<hbm>>) dst(%arg6 : memref<160x128xi32, #tpu.memory_space<vmem>>)
      tpu.yield
    }) : () -> ()
    "tpu.region"() ({
      %run_scoped3A = tpu.sem_alloc : memref<!tpu.dma_semaphore, #tpu.memory_space<semaphore_mem>>
      %dma_start3A_379 = arith.constant 0 : i32
      %dma_start3A_380 = arith.constant 0 : i32
      %dma_start3A_381 = tpu.memref_slice %arg4[%arg1, %dma_start3A_379, %dma_start3A_380] : memref<16x160x128xi32, #tpu.memory_space<hbm>> -> memref<1x160x128xi32, #tpu.memory_space<hbm>>
      %dma_start3A_382 = tpu.memref_squeeze %dma_start3A_381 : memref<1x160x128xi32, #tpu.memory_space<hbm>> -> memref<160x128xi32, #tpu.memory_space<hbm>>
      %dma_start3A_383 = arith.constant 0 : i32
      %dma_start3A_384 = arith.constant 0 : i32
      %dma_start3A_385 = tpu.memref_slice %arg4[%arg1, %dma_start3A_383, %dma_start3A_384] : memref<16x160x128xi32, #tpu.memory_space<hbm>> -> memref<1x160x128xi32, #tpu.memory_space<hbm>>
      %dma_start3A_386 = tpu.memref_squeeze %dma_start3A_385 : memref<1x160x128xi32, #tpu.memory_space<hbm>> -> memref<160x128xi32, #tpu.memory_space<hbm>>
      tpu.enqueue_dma source(%dma_start3A_386 : memref<160x128xi32, #tpu.memory_space<hbm>>) target(%arg7 : memref<160x128xi32, #tpu.memory_space<vmem>>) target_semaphore(%run_scoped3A : memref<!tpu.dma_semaphore, #tpu.memory_space<semaphore_mem>>)
      %dma_wait3A_387 = arith.constant 0 : i32
      %dma_wait3A_388 = arith.constant 0 : i32
      %dma_wait3A_389 = tpu.memref_slice %arg4[%arg1, %dma_wait3A_387, %dma_wait3A_388] : memref<16x160x128xi32, #tpu.memory_space<hbm>> -> memref<1x160x128xi32, #tpu.memory_space<hbm>>
      %dma_wait3A_390 = tpu.memref_squeeze %dma_wait3A_389 : memref<1x160x128xi32, #tpu.memory_space<hbm>> -> memref<160x128xi32, #tpu.memory_space<hbm>>
      %dma_wait3A_391 = arith.constant 0 : i32
      %dma_wait3A_392 = arith.constant 0 : i32
      %dma_wait3A_393 = tpu.memref_slice %arg4[%arg1, %dma_wait3A_391, %dma_wait3A_392] : memref<16x160x128xi32, #tpu.memory_space<hbm>> -> memref<1x160x128xi32, #tpu.memory_space<hbm>>
      %dma_wait3A_394 = tpu.memref_squeeze %dma_wait3A_393 : memref<1x160x128xi32, #tpu.memory_space<hbm>> -> memref<160x128xi32, #tpu.memory_space<hbm>>
      tpu.wait_dma2 semaphore(%run_scoped3A : memref<!tpu.dma_semaphore, #tpu.memory_space<semaphore_mem>>) src(%dma_wait3A_394 : memref<160x128xi32, #tpu.memory_space<hbm>>) dst(%arg7 : memref<160x128xi32, #tpu.memory_space<vmem>>)
      tpu.yield
    }) : () -> ()
    %dma_start3A = arith.constant 0 : i32
    %dma_start3A_0 = arith.constant 0 : i32
    %dma_start3A_1 = arith.constant 0 : i32
    %dma_start3A_2 = arith.constant 0 : i32
    %dma_start3A_3 = tpu.memref_slice %arg8[%dma_start3A_0, %dma_start3A_1, %dma_start3A_2] : memref<5x128x64xf32, #tpu.memory_space<vmem>> -> memref<1x128x64xf32, #tpu.memory_space<vmem>>
    %dma_start3A_4 = tpu.memref_squeeze %dma_start3A_3 : memref<1x128x64xf32, #tpu.memory_space<vmem>> -> memref<128x64xf32, #tpu.memory_space<vmem>>
    %dma_start3A_5 = arith.constant 0 : i32
    %dma_start3A_6 = tpu.memref_slice %arg6[%dma_start3A, %dma_start3A_5] : memref<160x128xi32, #tpu.memory_space<vmem>> -> memref<1x128xi32, #tpu.memory_space<vmem>>
    %dma_start3A_7 = tpu.memref_squeeze %dma_start3A_6 : memref<1x128xi32, #tpu.memory_space<vmem>> -> memref<128xi32, #tpu.memory_space<vmem>>
    %dma_start3A_8 = arith.constant 0 : i32
    %dma_start3A_9 = arith.constant 0 : i32
    %dma_start3A_10 = tpu.memref_slice %arg2[%dma_start3A_8, %dma_start3A_9] : memref<20480x64xf32, #tpu.memory_space<hbm>> -> memref<20480x64xf32, #tpu.memory_space<hbm>>
    tpu.enqueue_indirect_dma source(%dma_start3A_10 : memref<20480x64xf32, #tpu.memory_space<hbm>>) target(%dma_start3A_4 : memref<128x64xf32, #tpu.memory_space<vmem>>) offsets(%dma_start3A_7 : memref<128xi32, #tpu.memory_space<vmem>>) semaphore(%arg11 : memref<!tpu.dma_semaphore, #tpu.memory_space<semaphore_mem>>)
    %dma_start3A_11 = arith.constant 1 : i32
    %dma_start3A_12 = arith.constant 1 : i32
    %dma_start3A_13 = arith.constant 0 : i32
    %dma_start3A_14 = arith.constant 0 : i32
    %dma_start3A_15 = tpu.memref_slice %arg8[%dma_start3A_12, %dma_start3A_13, %dma_start3A_14] : memref<5x128x64xf32, #tpu.memory_space<vmem>> -> memref<1x128x64xf32, #tpu.memory_space<vmem>>
    %dma_start3A_16 = tpu.memref_squeeze %dma_start3A_15 : memref<1x128x64xf32, #tpu.memory_space<vmem>> -> memref<128x64xf32, #tpu.memory_space<vmem>>
    %dma_start3A_17 = arith.constant 0 : i32
    %dma_start3A_18 = tpu.memref_slice %arg6[%dma_start3A_11, %dma_start3A_17] : memref<160x128xi32, #tpu.memory_space<vmem>> -> memref<1x128xi32, #tpu.memory_space<vmem>>
    %dma_start3A_19 = tpu.memref_squeeze %dma_start3A_18 : memref<1x128xi32, #tpu.memory_space<vmem>> -> memref<128xi32, #tpu.memory_space<vmem>>
    %dma_start3A_20 = arith.constant 0 : i32
    %dma_start3A_21 = arith.constant 0 : i32
    %dma_start3A_22 = tpu.memref_slice %arg2[%dma_start3A_20, %dma_start3A_21] : memref<20480x64xf32, #tpu.memory_space<hbm>> -> memref<20480x64xf32, #tpu.memory_space<hbm>>
    tpu.enqueue_indirect_dma source(%dma_start3A_22 : memref<20480x64xf32, #tpu.memory_space<hbm>>) target(%dma_start3A_16 : memref<128x64xf32, #tpu.memory_space<vmem>>) offsets(%dma_start3A_19 : memref<128xi32, #tpu.memory_space<vmem>>) semaphore(%arg12 : memref<!tpu.dma_semaphore, #tpu.memory_space<semaphore_mem>>)
    %dma_start3A_23 = arith.constant 2 : i32
    %dma_start3A_24 = arith.constant 2 : i32
    %dma_start3A_25 = arith.constant 0 : i32
    %dma_start3A_26 = arith.constant 0 : i32
    %dma_start3A_27 = tpu.memref_slice %arg8[%dma_start3A_24, %dma_start3A_25, %dma_start3A_26] : memref<5x128x64xf32, #tpu.memory_space<vmem>> -> memref<1x128x64xf32, #tpu.memory_space<vmem>>
    %dma_start3A_28 = tpu.memref_squeeze %dma_start3A_27 : memref<1x128x64xf32, #tpu.memory_space<vmem>> -> memref<128x64xf32, #tpu.memory_space<vmem>>
    %dma_start3A_29 = arith.constant 0 : i32
    %dma_start3A_30 = tpu.memref_slice %arg6[%dma_start3A_23, %dma_start3A_29] : memref<160x128xi32, #tpu.memory_space<vmem>> -> memref<1x128xi32, #tpu.memory_space<vmem>>
    %dma_start3A_31 = tpu.memref_squeeze %dma_start3A_30 : memref<1x128xi32, #tpu.memory_space<vmem>> -> memref<128xi32, #tpu.memory_space<vmem>>
    %dma_start3A_32 = arith.constant 0 : i32
    %dma_start3A_33 = arith.constant 0 : i32
    %dma_start3A_34 = tpu.memref_slice %arg2[%dma_start3A_32, %dma_start3A_33] : memref<20480x64xf32, #tpu.memory_space<hbm>> -> memref<20480x64xf32, #tpu.memory_space<hbm>>
    tpu.enqueue_indirect_dma source(%dma_start3A_34 : memref<20480x64xf32, #tpu.memory_space<hbm>>) target(%dma_start3A_28 : memref<128x64xf32, #tpu.memory_space<vmem>>) offsets(%dma_start3A_31 : memref<128xi32, #tpu.memory_space<vmem>>) semaphore(%arg13 : memref<!tpu.dma_semaphore, #tpu.memory_space<semaphore_mem>>)
    %dma_start3A_35 = arith.constant 3 : i32
    %dma_start3A_36 = arith.constant 3 : i32
    %dma_start3A_37 = arith.constant 0 : i32
    %dma_start3A_38 = arith.constant 0 : i32
    %dma_start3A_39 = tpu.memref_slice %arg8[%dma_start3A_36, %dma_start3A_37, %dma_start3A_38] : memref<5x128x64xf32, #tpu.memory_space<vmem>> -> memref<1x128x64xf32, #tpu.memory_space<vmem>>
    %dma_start3A_40 = tpu.memref_squeeze %dma_start3A_39 : memref<1x128x64xf32, #tpu.memory_space<vmem>> -> memref<128x64xf32, #tpu.memory_space<vmem>>
    %dma_start3A_41 = arith.constant 0 : i32
    %dma_start3A_42 = tpu.memref_slice %arg6[%dma_start3A_35, %dma_start3A_41] : memref<160x128xi32, #tpu.memory_space<vmem>> -> memref<1x128xi32, #tpu.memory_space<vmem>>
    %dma_start3A_43 = tpu.memref_squeeze %dma_start3A_42 : memref<1x128xi32, #tpu.memory_space<vmem>> -> memref<128xi32, #tpu.memory_space<vmem>>
    %dma_start3A_44 = arith.constant 0 : i32
    %dma_start3A_45 = arith.constant 0 : i32
    %dma_start3A_46 = tpu.memref_slice %arg2[%dma_start3A_44, %dma_start3A_45] : memref<20480x64xf32, #tpu.memory_space<hbm>> -> memref<20480x64xf32, #tpu.memory_space<hbm>>
    tpu.enqueue_indirect_dma source(%dma_start3A_46 : memref<20480x64xf32, #tpu.memory_space<hbm>>) target(%dma_start3A_40 : memref<128x64xf32, #tpu.memory_space<vmem>>) offsets(%dma_start3A_43 : memref<128xi32, #tpu.memory_space<vmem>>) semaphore(%arg14 : memref<!tpu.dma_semaphore, #tpu.memory_space<semaphore_mem>>)
    %scan3A = arith.constant 0 : i32
    %scan3A_47 = arith.constant 64 : i32
    %scan3A_48 = arith.addi %scan3A, %scan3A_47 : i32
    %scan3A_49 = arith.constant 1 : i32
    scf.for %scan3A_379 = %scan3A to %scan3A_48 step %scan3A_49  : i32 {
      %mul3A_380 = arith.constant 1 : i32
      %mul3A_381 = arith.muli %scan3A_379, %mul3A_380 : i32
      %add3A_382 = arith.constant 0 : i32
      %add3A_383 = arith.addi %add3A_382, %mul3A_381 : i32
      %broadcast_in_dim3A = arith.constant 0.000000e+00 : f32
      %broadcast_in_dim3A_384 = vector.broadcast %broadcast_in_dim3A : f32 to vector<16xf32>
      %swap3A = arith.index_cast %add3A_383 : i32 to index
      %swap3A_385 = arith.constant 0 : index
      %swap3A_386 = tpu.vector_load %arg9[%swap3A, %swap3A_385] {strides = array<i32>} : memref<64x64xf32, #tpu.memory_space<vmem>>, vector<1x16xf32>,
      %swap3A_387 = vector.shape_cast %swap3A_386 : vector<1x16xf32> to vector<16xf32>
      %swap3A_388 = vector.shape_cast %broadcast_in_dim3A_384 : vector<16xf32> to vector<1x16xf32>
      tpu.vector_store %arg9[%swap3A, %swap3A_385], %swap3A_388 {strides = array<i32>} : memref<64x64xf32, #tpu.memory_space<vmem>>, vector<1x16xf32>,
      %broadcast_in_dim3A_389 = arith.constant 0.000000e+00 : f32
      %broadcast_in_dim3A_390 = vector.broadcast %broadcast_in_dim3A_389 : f32 to vector<16xf32>
      %swap3A_391 = arith.index_cast %add3A_383 : i32 to index
      %swap3A_392 = arith.constant 16 : index
      %swap3A_393 = tpu.vector_load %arg9[%swap3A_391, %swap3A_392] {strides = array<i32>} : memref<64x64xf32, #tpu.memory_space<vmem>>, vector<1x16xf32>,
      %swap3A_394 = vector.shape_cast %swap3A_393 : vector<1x16xf32> to vector<16xf32>
      %swap3A_395 = vector.shape_cast %broadcast_in_dim3A_390 : vector<16xf32> to vector<1x16xf32>
      tpu.vector_store %arg9[%swap3A_391, %swap3A_392], %swap3A_395 {strides = array<i32>} : memref<64x64xf32, #tpu.memory_space<vmem>>, vector<1x16xf32>,
      %broadcast_in_dim3A_396 = arith.constant 0.000000e+00 : f32
      %broadcast_in_dim3A_397 = vector.broadcast %broadcast_in_dim3A_396 : f32 to vector<16xf32>
      %swap3A_398 = arith.index_cast %add3A_383 : i32 to index
      %swap3A_399 = arith.constant 32 : index
      %swap3A_400 = tpu.vector_load %arg9[%swap3A_398, %swap3A_399] {strides = array<i32>} : memref<64x64xf32, #tpu.memory_space<vmem>>, vector<1x16xf32>,
      %swap3A_401 = vector.shape_cast %swap3A_400 : vector<1x16xf32> to vector<16xf32>
      %swap3A_402 = vector.shape_cast %broadcast_in_dim3A_397 : vector<16xf32> to vector<1x16xf32>
      tpu.vector_store %arg9[%swap3A_398, %swap3A_399], %swap3A_402 {strides = array<i32>} : memref<64x64xf32, #tpu.memory_space<vmem>>, vector<1x16xf32>,
      %broadcast_in_dim3A_403 = arith.constant 0.000000e+00 : f32
      %broadcast_in_dim3A_404 = vector.broadcast %broadcast_in_dim3A_403 : f32 to vector<16xf32>
      %swap3A_405 = arith.index_cast %add3A_383 : i32 to index
      %swap3A_406 = arith.constant 48 : index
      %swap3A_407 = tpu.vector_load %arg9[%swap3A_405, %swap3A_406] {strides = array<i32>} : memref<64x64xf32, #tpu.memory_space<vmem>>, vector<1x16xf32>,
      %swap3A_408 = vector.shape_cast %swap3A_407 : vector<1x16xf32> to vector<16xf32>
      %swap3A_409 = vector.shape_cast %broadcast_in_dim3A_404 : vector<16xf32> to vector<1x16xf32>
      tpu.vector_store %arg9[%swap3A_405, %swap3A_406], %swap3A_409 {strides = array<i32>} : memref<64x64xf32, #tpu.memory_space<vmem>>, vector<1x16xf32>,
    }
    %scan3A_50 = arith.constant 64 : i32
    %scan3A_51 = arith.constant 0 : i32
    %scan3A_52 = arith.constant 10 : i32
    %scan3A_53 = arith.addi %scan3A_51, %scan3A_52 : i32
    %scan3A_54 = arith.constant 1 : i32
    scf.for %scan3A_379 = %scan3A_51 to %scan3A_53 step %scan3A_54  : i32 {
      %mul3A_380 = arith.constant 1 : i32
      %mul3A_381 = arith.muli %scan3A_379, %mul3A_380 : i32
      %add3A_382 = arith.constant 0 : i32
      %add3A_383 = arith.addi %add3A_382, %mul3A_381 : i32
      %mul3A_384 = arith.constant 640 : i32
      %mul3A_385 = arith.muli %arg1, %mul3A_384 : i32
      %mul3A_386 = arith.constant 64 : i32
      %mul3A_387 = arith.muli %add3A_383, %mul3A_386 : i32
      %add3A_388 = arith.addi %mul3A_385, %mul3A_387 : i32
      "tpu.region"() ({
        %run_scoped3A = tpu.sem_alloc : memref<!tpu.dma_semaphore, #tpu.memory_space<semaphore_mem>>
        %dma_start3A_389 = arith.constant 0 : i32
        %dma_start3A_390 = tpu.memref_slice %arg10[%add3A_388, %dma_start3A_389] : memref<10240x64xf32, #tpu.memory_space<vmem_shared>> -> memref<64x64xf32, #tpu.memory_space<vmem_shared>>
        %dma_start3A_391 = arith.constant 0 : i32
        %dma_start3A_392 = tpu.memref_slice %arg10[%add3A_388, %dma_start3A_391] : memref<10240x64xf32, #tpu.memory_space<vmem_shared>> -> memref<64x64xf32, #tpu.memory_space<vmem_shared>>
        tpu.enqueue_dma source(%arg9 : memref<64x64xf32, #tpu.memory_space<vmem>>) target(%dma_start3A_392 : memref<64x64xf32, #tpu.memory_space<vmem_shared>>) target_semaphore(%run_scoped3A : memref<!tpu.dma_semaphore, #tpu.memory_space<semaphore_mem>>)
        %dma_wait3A_393 = arith.constant 0 : i32
        %dma_wait3A_394 = tpu.memref_slice %arg10[%add3A_388, %dma_wait3A_393] : memref<10240x64xf32, #tpu.memory_space<vmem_shared>> -> memref<64x64xf32, #tpu.memory_space<vmem_shared>>
        %dma_wait3A_395 = arith.constant 0 : i32
        %dma_wait3A_396 = tpu.memref_slice %arg10[%add3A_388, %dma_wait3A_395] : memref<10240x64xf32, #tpu.memory_space<vmem_shared>> -> memref<64x64xf32, #tpu.memory_space<vmem_shared>>
        tpu.wait_dma2 semaphore(%run_scoped3A : memref<!tpu.dma_semaphore, #tpu.memory_space<semaphore_mem>>) src(%arg9 : memref<64x64xf32, #tpu.memory_space<vmem>>) dst(%dma_wait3A_396 : memref<64x64xf32, #tpu.memory_space<vmem_shared>>)
        tpu.yield
      }) : () -> ()
    }
    %scan3A_55 = arith.constant 10 : i32
    %barrier3A = arith.constant 0 : index
    tpu.barrier barrier_id(%barrier3A)
    %scan3A_56 = arith.constant 0 : i32
    %scan3A_57 = arith.constant 32 : i32
    %scan3A_58 = arith.addi %scan3A_56, %scan3A_57 : i32
    %scan3A_59 = arith.constant 1 : i32
    scf.for %scan3A_379 = %scan3A_56 to %scan3A_58 step %scan3A_59  : i32 {
      %mul3A_380 = arith.constant 5 : i32
      %mul3A_381 = arith.muli %scan3A_379, %mul3A_380 : i32
      %add3A_382 = arith.constant 0 : i32
      %add3A_383 = arith.addi %add3A_382, %mul3A_381 : i32
      %add3A_384 = arith.constant 0 : i32
      %add3A_385 = arith.addi %add3A_383, %add3A_384 : i32
      %dma_wait3A_386 = arith.constant 0 : i32
      %dma_wait3A_387 = arith.constant 0 : i32
      %dma_wait3A_388 = arith.constant 0 : i32
      %dma_wait3A_389 = tpu.memref_slice %arg8[%dma_wait3A_386, %dma_wait3A_387, %dma_wait3A_388] : memref<5x128x64xf32, #tpu.memory_space<vmem>> -> memref<1x128x64xf32, #tpu.memory_space<vmem>>
      %dma_wait3A_390 = tpu.memref_squeeze %dma_wait3A_389 : memref<1x128x64xf32, #tpu.memory_space<vmem>> -> memref<128x64xf32, #tpu.memory_space<vmem>>
      %dma_wait3A_391 = arith.constant 0 : i32
      %dma_wait3A_392 = tpu.memref_slice %arg6[%add3A_385, %dma_wait3A_391] : memref<160x128xi32, #tpu.memory_space<vmem>> -> memref<1x128xi32, #tpu.memory_space<vmem>>
      %dma_wait3A_393 = tpu.memref_squeeze %dma_wait3A_392 : memref<1x128xi32, #tpu.memory_space<vmem>> -> memref<128xi32, #tpu.memory_space<vmem>>
      %dma_wait3A_394 = arith.constant 0 : i32
      %dma_wait3A_395 = arith.constant 0 : i32
      %dma_wait3A_396 = tpu.memref_slice %arg2[%dma_wait3A_394, %dma_wait3A_395] : memref<20480x64xf32, #tpu.memory_space<hbm>> -> memref<20480x64xf32, #tpu.memory_space<hbm>>
      tpu.wait_indirect_dma semaphore(%arg11 : memref<!tpu.dma_semaphore, #tpu.memory_space<semaphore_mem>>) src(%dma_wait3A_396 : memref<20480x64xf32, #tpu.memory_space<hbm>>) dst(%dma_wait3A_390 : memref<128x64xf32, #tpu.memory_space<vmem>>)
      %dma_start3A_397 = arith.constant 0 : i32
      %dma_start3A_398 = arith.constant 0 : i32
      %dma_start3A_399 = arith.constant 0 : i32
      %dma_start3A_400 = tpu.memref_slice %arg8[%dma_start3A_397, %dma_start3A_398, %dma_start3A_399] : memref<5x128x64xf32, #tpu.memory_space<vmem>> -> memref<1x128x64xf32, #tpu.memory_space<vmem>>
      %dma_start3A_401 = tpu.memref_squeeze %dma_start3A_400 : memref<1x128x64xf32, #tpu.memory_space<vmem>> -> memref<128x64xf32, #tpu.memory_space<vmem>>
      %dma_start3A_402 = arith.constant 0 : i32
      %dma_start3A_403 = tpu.memref_slice %arg7[%add3A_385, %dma_start3A_402] : memref<160x128xi32, #tpu.memory_space<vmem>> -> memref<1x128xi32, #tpu.memory_space<vmem>>
      %dma_start3A_404 = tpu.memref_squeeze %dma_start3A_403 : memref<1x128xi32, #tpu.memory_space<vmem>> -> memref<128xi32, #tpu.memory_space<vmem>>
      %dma_start3A_405 = arith.constant 0 : i32
      %dma_start3A_406 = arith.constant 0 : i32
      %dma_start3A_407 = tpu.memref_slice %arg10[%dma_start3A_405, %dma_start3A_406] : memref<10240x64xf32, #tpu.memory_space<vmem_shared>> -> memref<10240x64xf32, #tpu.memory_space<vmem_shared>>
      tpu.enqueue_indirect_dma source(%dma_start3A_401 : memref<128x64xf32, #tpu.memory_space<vmem>>) target(%dma_start3A_407 : memref<10240x64xf32, #tpu.memory_space<vmem_shared>>) offsets(%dma_start3A_404 : memref<128xi32, #tpu.memory_space<vmem>>) semaphore(%arg16 : memref<!tpu.dma_semaphore, #tpu.memory_space<semaphore_mem>>) {add = true}
      %add3A_408 = arith.constant 4 : i32
      %add3A_409 = arith.addi %add3A_385, %add3A_408 : i32
      %lt3A = arith.constant 160 : i32
      %lt3A_410 = arith.cmpi slt, %add3A_409, %lt3A : i32
      %convert_element_type3A = arith.extui %lt3A_410 : i1 to i32
      %cond3A = arith.constant 0 : i32
      %cond3A_411 = arith.cmpi ne, %convert_element_type3A, %cond3A : i32
      scf.if %cond3A_411 {
        %add3A_536 = arith.constant 4 : i32
        %add3A_537 = arith.addi %add3A_385, %add3A_536 : i32
        %ge3A = arith.constant 5 : i32
        %ge3A_538 = arith.cmpi sge, %add3A_537, %ge3A : i32
        %convert_element_type3A_539 = arith.extui %ge3A_538 : i1 to i32
        %cond3A_540 = arith.constant 0 : i32
        %cond3A_541 = arith.cmpi ne, %convert_element_type3A_539, %cond3A_540 : i32
        scf.if %cond3A_541 {
          %dma_wait3A_555 = arith.constant 4 : i32
          %dma_wait3A_556 = arith.constant 0 : i32
          %dma_wait3A_557 = arith.constant 0 : i32
          %dma_wait3A_558 = tpu.memref_slice %arg8[%dma_wait3A_555, %dma_wait3A_556, %dma_wait3A_557] : memref<5x128x64xf32, #tpu.memory_space<vmem>> -> memref<1x128x64xf32, #tpu.memory_space<vmem>>
          %dma_wait3A_559 = tpu.memref_squeeze %dma_wait3A_558 : memref<1x128x64xf32, #tpu.memory_space<vmem>> -> memref<128x64xf32, #tpu.memory_space<vmem>>
          %dma_wait3A_560 = arith.constant 0 : i32
          %dma_wait3A_561 = tpu.memref_slice %arg7[%add3A_385, %dma_wait3A_560] : memref<160x128xi32, #tpu.memory_space<vmem>> -> memref<1x128xi32, #tpu.memory_space<vmem>>
          %dma_wait3A_562 = tpu.memref_squeeze %dma_wait3A_561 : memref<1x128xi32, #tpu.memory_space<vmem>> -> memref<128xi32, #tpu.memory_space<vmem>>
          %dma_wait3A_563 = arith.constant 0 : i32
          %dma_wait3A_564 = arith.constant 0 : i32
          %dma_wait3A_565 = tpu.memref_slice %arg10[%dma_wait3A_563, %dma_wait3A_564] : memref<10240x64xf32, #tpu.memory_space<vmem_shared>> -> memref<10240x64xf32, #tpu.memory_space<vmem_shared>>
          tpu.wait_indirect_dma semaphore(%arg20 : memref<!tpu.dma_semaphore, #tpu.memory_space<semaphore_mem>>) src(%dma_wait3A_559 : memref<128x64xf32, #tpu.memory_space<vmem>>) dst(%dma_wait3A_565 : memref<10240x64xf32, #tpu.memory_space<vmem_shared>>)
        } else {
        }
        %add3A_542 = arith.constant 4 : i32
        %add3A_543 = arith.addi %add3A_385, %add3A_542 : i32
        %dma_start3A_544 = arith.constant 4 : i32
        %dma_start3A_545 = arith.constant 0 : i32
        %dma_start3A_546 = arith.constant 0 : i32
        %dma_start3A_547 = tpu.memref_slice %arg8[%dma_start3A_544, %dma_start3A_545, %dma_start3A_546] : memref<5x128x64xf32, #tpu.memory_space<vmem>> -> memref<1x128x64xf32, #tpu.memory_space<vmem>>
        %dma_start3A_548 = tpu.memref_squeeze %dma_start3A_547 : memref<1x128x64xf32, #tpu.memory_space<vmem>> -> memref<128x64xf32, #tpu.memory_space<vmem>>
        %dma_start3A_549 = arith.constant 0 : i32
        %dma_start3A_550 = tpu.memref_slice %arg6[%add3A_543, %dma_start3A_549] : memref<160x128xi32, #tpu.memory_space<vmem>> -> memref<1x128xi32, #tpu.memory_space<vmem>>
        %dma_start3A_551 = tpu.memref_squeeze %dma_start3A_550 : memref<1x128xi32, #tpu.memory_space<vmem>> -> memref<128xi32, #tpu.memory_space<vmem>>
        %dma_start3A_552 = arith.constant 0 : i32
        %dma_start3A_553 = arith.constant 0 : i32
        %dma_start3A_554 = tpu.memref_slice %arg2[%dma_start3A_552, %dma_start3A_553] : memref<20480x64xf32, #tpu.memory_space<hbm>> -> memref<20480x64xf32, #tpu.memory_space<hbm>>
        tpu.enqueue_indirect_dma source(%dma_start3A_554 : memref<20480x64xf32, #tpu.memory_space<hbm>>) target(%dma_start3A_548 : memref<128x64xf32, #tpu.memory_space<vmem>>) offsets(%dma_start3A_551 : memref<128xi32, #tpu.memory_space<vmem>>) semaphore(%arg15 : memref<!tpu.dma_semaphore, #tpu.memory_space<semaphore_mem>>)
      } else {
      }
      %add3A_412 = arith.constant 1 : i32
      %add3A_413 = arith.addi %add3A_383, %add3A_412 : i32
      %dma_wait3A_414 = arith.constant 1 : i32
      %dma_wait3A_415 = arith.constant 0 : i32
      %dma_wait3A_416 = arith.constant 0 : i32
      %dma_wait3A_417 = tpu.memref_slice %arg8[%dma_wait3A_414, %dma_wait3A_415, %dma_wait3A_416] : memref<5x128x64xf32, #tpu.memory_space<vmem>> -> memref<1x128x64xf32, #tpu.memory_space<vmem>>
      %dma_wait3A_418 = tpu.memref_squeeze %dma_wait3A_417 : memref<1x128x64xf32, #tpu.memory_space<vmem>> -> memref<128x64xf32, #tpu.memory_space<vmem>>
      %dma_wait3A_419 = arith.constant 0 : i32
      %dma_wait3A_420 = tpu.memref_slice %arg6[%add3A_413, %dma_wait3A_419] : memref<160x128xi32, #tpu.memory_space<vmem>> -> memref<1x128xi32, #tpu.memory_space<vmem>>
      %dma_wait3A_421 = tpu.memref_squeeze %dma_wait3A_420 : memref<1x128xi32, #tpu.memory_space<vmem>> -> memref<128xi32, #tpu.memory_space<vmem>>
      %dma_wait3A_422 = arith.constant 0 : i32
      %dma_wait3A_423 = arith.constant 0 : i32
      %dma_wait3A_424 = tpu.memref_slice %arg2[%dma_wait3A_422, %dma_wait3A_423] : memref<20480x64xf32, #tpu.memory_space<hbm>> -> memref<20480x64xf32, #tpu.memory_space<hbm>>
      tpu.wait_indirect_dma semaphore(%arg12 : memref<!tpu.dma_semaphore, #tpu.memory_space<semaphore_mem>>) src(%dma_wait3A_424 : memref<20480x64xf32, #tpu.memory_space<hbm>>) dst(%dma_wait3A_418 : memref<128x64xf32, #tpu.memory_space<vmem>>)
      %dma_start3A_425 = arith.constant 1 : i32
      %dma_start3A_426 = arith.constant 0 : i32
      %dma_start3A_427 = arith.constant 0 : i32
      %dma_start3A_428 = tpu.memref_slice %arg8[%dma_start3A_425, %dma_start3A_426, %dma_start3A_427] : memref<5x128x64xf32, #tpu.memory_space<vmem>> -> memref<1x128x64xf32, #tpu.memory_space<vmem>>
      %dma_start3A_429 = tpu.memref_squeeze %dma_start3A_428 : memref<1x128x64xf32, #tpu.memory_space<vmem>> -> memref<128x64xf32, #tpu.memory_space<vmem>>
      %dma_start3A_430 = arith.constant 0 : i32
      %dma_start3A_431 = tpu.memref_slice %arg7[%add3A_413, %dma_start3A_430] : memref<160x128xi32, #tpu.memory_space<vmem>> -> memref<1x128xi32, #tpu.memory_space<vmem>>
      %dma_start3A_432 = tpu.memref_squeeze %dma_start3A_431 : memref<1x128xi32, #tpu.memory_space<vmem>> -> memref<128xi32, #tpu.memory_space<vmem>>
      %dma_start3A_433 = arith.constant 0 : i32
      %dma_start3A_434 = arith.constant 0 : i32
      %dma_start3A_435 = tpu.memref_slice %arg10[%dma_start3A_433, %dma_start3A_434] : memref<10240x64xf32, #tpu.memory_space<vmem_shared>> -> memref<10240x64xf32, #tpu.memory_space<vmem_shared>>
      tpu.enqueue_indirect_dma source(%dma_start3A_429 : memref<128x64xf32, #tpu.memory_space<vmem>>) target(%dma_start3A_435 : memref<10240x64xf32, #tpu.memory_space<vmem_shared>>) offsets(%dma_start3A_432 : memref<128xi32, #tpu.memory_space<vmem>>) semaphore(%arg17 : memref<!tpu.dma_semaphore, #tpu.memory_space<semaphore_mem>>) {add = true}
      %add3A_436 = arith.constant 4 : i32
      %add3A_437 = arith.addi %add3A_413, %add3A_436 : i32
      %lt3A_438 = arith.constant 160 : i32
      %lt3A_439 = arith.cmpi slt, %add3A_437, %lt3A_438 : i32
      %convert_element_type3A_440 = arith.extui %lt3A_439 : i1 to i32
      %cond3A_441 = arith.constant 0 : i32
      %cond3A_442 = arith.cmpi ne, %convert_element_type3A_440, %cond3A_441 : i32
      scf.if %cond3A_442 {
        %add3A_536 = arith.constant 4 : i32
        %add3A_537 = arith.addi %add3A_413, %add3A_536 : i32
        %ge3A = arith.constant 5 : i32
        %ge3A_538 = arith.cmpi sge, %add3A_537, %ge3A : i32
        %convert_element_type3A_539 = arith.extui %ge3A_538 : i1 to i32
        %cond3A_540 = arith.constant 0 : i32
        %cond3A_541 = arith.cmpi ne, %convert_element_type3A_539, %cond3A_540 : i32
        scf.if %cond3A_541 {
          %dma_wait3A_555 = arith.constant 0 : i32
          %dma_wait3A_556 = arith.constant 0 : i32
          %dma_wait3A_557 = arith.constant 0 : i32
          %dma_wait3A_558 = tpu.memref_slice %arg8[%dma_wait3A_555, %dma_wait3A_556, %dma_wait3A_557] : memref<5x128x64xf32, #tpu.memory_space<vmem>> -> memref<1x128x64xf32, #tpu.memory_space<vmem>>
          %dma_wait3A_559 = tpu.memref_squeeze %dma_wait3A_558 : memref<1x128x64xf32, #tpu.memory_space<vmem>> -> memref<128x64xf32, #tpu.memory_space<vmem>>
          %dma_wait3A_560 = arith.constant 0 : i32
          %dma_wait3A_561 = tpu.memref_slice %arg7[%add3A_413, %dma_wait3A_560] : memref<160x128xi32, #tpu.memory_space<vmem>> -> memref<1x128xi32, #tpu.memory_space<vmem>>
          %dma_wait3A_562 = tpu.memref_squeeze %dma_wait3A_561 : memref<1x128xi32, #tpu.memory_space<vmem>> -> memref<128xi32, #tpu.memory_space<vmem>>
          %dma_wait3A_563 = arith.constant 0 : i32
          %dma_wait3A_564 = arith.constant 0 : i32
          %dma_wait3A_565 = tpu.memref_slice %arg10[%dma_wait3A_563, %dma_wait3A_564] : memref<10240x64xf32, #tpu.memory_space<vmem_shared>> -> memref<10240x64xf32, #tpu.memory_space<vmem_shared>>
          tpu.wait_indirect_dma semaphore(%arg16 : memref<!tpu.dma_semaphore, #tpu.memory_space<semaphore_mem>>) src(%dma_wait3A_559 : memref<128x64xf32, #tpu.memory_space<vmem>>) dst(%dma_wait3A_565 : memref<10240x64xf32, #tpu.memory_space<vmem_shared>>)
        } else {
        }
        %add3A_542 = arith.constant 4 : i32
        %add3A_543 = arith.addi %add3A_413, %add3A_542 : i32
        %dma_start3A_544 = arith.constant 0 : i32
        %dma_start3A_545 = arith.constant 0 : i32
        %dma_start3A_546 = arith.constant 0 : i32
        %dma_start3A_547 = tpu.memref_slice %arg8[%dma_start3A_544, %dma_start3A_545, %dma_start3A_546] : memref<5x128x64xf32, #tpu.memory_space<vmem>> -> memref<1x128x64xf32, #tpu.memory_space<vmem>>
        %dma_start3A_548 = tpu.memref_squeeze %dma_start3A_547 : memref<1x128x64xf32, #tpu.memory_space<vmem>> -> memref<128x64xf32, #tpu.memory_space<vmem>>
        %dma_start3A_549 = arith.constant 0 : i32
        %dma_start3A_550 = tpu.memref_slice %arg6[%add3A_543, %dma_start3A_549] : memref<160x128xi32, #tpu.memory_space<vmem>> -> memref<1x128xi32, #tpu.memory_space<vmem>>
        %dma_start3A_551 = tpu.memref_squeeze %dma_start3A_550 : memref<1x128xi32, #tpu.memory_space<vmem>> -> memref<128xi32, #tpu.memory_space<vmem>>
        %dma_start3A_552 = arith.constant 0 : i32
        %dma_start3A_553 = arith.constant 0 : i32
        %dma_start3A_554 = tpu.memref_slice %arg2[%dma_start3A_552, %dma_start3A_553] : memref<20480x64xf32, #tpu.memory_space<hbm>> -> memref<20480x64xf32, #tpu.memory_space<hbm>>
        tpu.enqueue_indirect_dma source(%dma_start3A_554 : memref<20480x64xf32, #tpu.memory_space<hbm>>) target(%dma_start3A_548 : memref<128x64xf32, #tpu.memory_space<vmem>>) offsets(%dma_start3A_551 : memref<128xi32, #tpu.memory_space<vmem>>) semaphore(%arg11 : memref<!tpu.dma_semaphore, #tpu.memory_space<semaphore_mem>>)
      } else {
      }
      %add3A_443 = arith.constant 2 : i32
      %add3A_444 = arith.addi %add3A_383, %add3A_443 : i32
      %dma_wait3A_445 = arith.constant 2 : i32
      %dma_wait3A_446 = arith.constant 0 : i32
      %dma_wait3A_447 = arith.constant 0 : i32
      %dma_wait3A_448 = tpu.memref_slice %arg8[%dma_wait3A_445, %dma_wait3A_446, %dma_wait3A_447] : memref<5x128x64xf32, #tpu.memory_space<vmem>> -> memref<1x128x64xf32, #tpu.memory_space<vmem>>
      %dma_wait3A_449 = tpu.memref_squeeze %dma_wait3A_448 : memref<1x128x64xf32, #tpu.memory_space<vmem>> -> memref<128x64xf32, #tpu.memory_space<vmem>>
      %dma_wait3A_450 = arith.constant 0 : i32
      %dma_wait3A_451 = tpu.memref_slice %arg6[%add3A_444, %dma_wait3A_450] : memref<160x128xi32, #tpu.memory_space<vmem>> -> memref<1x128xi32, #tpu.memory_space<vmem>>
      %dma_wait3A_452 = tpu.memref_squeeze %dma_wait3A_451 : memref<1x128xi32, #tpu.memory_space<vmem>> -> memref<128xi32, #tpu.memory_space<vmem>>
      %dma_wait3A_453 = arith.constant 0 : i32
      %dma_wait3A_454 = arith.constant 0 : i32
      %dma_wait3A_455 = tpu.memref_slice %arg2[%dma_wait3A_453, %dma_wait3A_454] : memref<20480x64xf32, #tpu.memory_space<hbm>> -> memref<20480x64xf32, #tpu.memory_space<hbm>>
      tpu.wait_indirect_dma semaphore(%arg13 : memref<!tpu.dma_semaphore, #tpu.memory_space<semaphore_mem>>) src(%dma_wait3A_455 : memref<20480x64xf32, #tpu.memory_space<hbm>>) dst(%dma_wait3A_449 : memref<128x64xf32, #tpu.memory_space<vmem>>)
      %dma_start3A_456 = arith.constant 2 : i32
      %dma_start3A_457 = arith.constant 0 : i32
      %dma_start3A_458 = arith.constant 0 : i32
      %dma_start3A_459 = tpu.memref_slice %arg8[%dma_start3A_456, %dma_start3A_457, %dma_start3A_458] : memref<5x128x64xf32, #tpu.memory_space<vmem>> -> memref<1x128x64xf32, #tpu.memory_space<vmem>>
      %dma_start3A_460 = tpu.memref_squeeze %dma_start3A_459 : memref<1x128x64xf32, #tpu.memory_space<vmem>> -> memref<128x64xf32, #tpu.memory_space<vmem>>
      %dma_start3A_461 = arith.constant 0 : i32
      %dma_start3A_462 = tpu.memref_slice %arg7[%add3A_444, %dma_start3A_461] : memref<160x128xi32, #tpu.memory_space<vmem>> -> memref<1x128xi32, #tpu.memory_space<vmem>>
      %dma_start3A_463 = tpu.memref_squeeze %dma_start3A_462 : memref<1x128xi32, #tpu.memory_space<vmem>> -> memref<128xi32, #tpu.memory_space<vmem>>
      %dma_start3A_464 = arith.constant 0 : i32
      %dma_start3A_465 = arith.constant 0 : i32
      %dma_start3A_466 = tpu.memref_slice %arg10[%dma_start3A_464, %dma_start3A_465] : memref<10240x64xf32, #tpu.memory_space<vmem_shared>> -> memref<10240x64xf32, #tpu.memory_space<vmem_shared>>
      tpu.enqueue_indirect_dma source(%dma_start3A_460 : memref<128x64xf32, #tpu.memory_space<vmem>>) target(%dma_start3A_466 : memref<10240x64xf32, #tpu.memory_space<vmem_shared>>) offsets(%dma_start3A_463 : memref<128xi32, #tpu.memory_space<vmem>>) semaphore(%arg18 : memref<!tpu.dma_semaphore, #tpu.memory_space<semaphore_mem>>) {add = true}
      %add3A_467 = arith.constant 4 : i32
      %add3A_468 = arith.addi %add3A_444, %add3A_467 : i32
      %lt3A_469 = arith.constant 160 : i32
      %lt3A_470 = arith.cmpi slt, %add3A_468, %lt3A_469 : i32
      %convert_element_type3A_471 = arith.extui %lt3A_470 : i1 to i32
      %cond3A_472 = arith.constant 0 : i32
      %cond3A_473 = arith.cmpi ne, %convert_element_type3A_471, %cond3A_472 : i32
      scf.if %cond3A_473 {
        %add3A_536 = arith.constant 4 : i32
        %add3A_537 = arith.addi %add3A_444, %add3A_536 : i32
        %ge3A = arith.constant 5 : i32
        %ge3A_538 = arith.cmpi sge, %add3A_537, %ge3A : i32
        %convert_element_type3A_539 = arith.extui %ge3A_538 : i1 to i32
        %cond3A_540 = arith.constant 0 : i32
        %cond3A_541 = arith.cmpi ne, %convert_element_type3A_539, %cond3A_540 : i32
        scf.if %cond3A_541 {
          %dma_wait3A_555 = arith.constant 1 : i32
          %dma_wait3A_556 = arith.constant 0 : i32
          %dma_wait3A_557 = arith.constant 0 : i32
          %dma_wait3A_558 = tpu.memref_slice %arg8[%dma_wait3A_555, %dma_wait3A_556, %dma_wait3A_557] : memref<5x128x64xf32, #tpu.memory_space<vmem>> -> memref<1x128x64xf32, #tpu.memory_space<vmem>>
          %dma_wait3A_559 = tpu.memref_squeeze %dma_wait3A_558 : memref<1x128x64xf32, #tpu.memory_space<vmem>> -> memref<128x64xf32, #tpu.memory_space<vmem>>
          %dma_wait3A_560 = arith.constant 0 : i32
          %dma_wait3A_561 = tpu.memref_slice %arg7[%add3A_444, %dma_wait3A_560] : memref<160x128xi32, #tpu.memory_space<vmem>> -> memref<1x128xi32, #tpu.memory_space<vmem>>
          %dma_wait3A_562 = tpu.memref_squeeze %dma_wait3A_561 : memref<1x128xi32, #tpu.memory_space<vmem>> -> memref<128xi32, #tpu.memory_space<vmem>>
          %dma_wait3A_563 = arith.constant 0 : i32
          %dma_wait3A_564 = arith.constant 0 : i32
          %dma_wait3A_565 = tpu.memref_slice %arg10[%dma_wait3A_563, %dma_wait3A_564] : memref<10240x64xf32, #tpu.memory_space<vmem_shared>> -> memref<10240x64xf32, #tpu.memory_space<vmem_shared>>
          tpu.wait_indirect_dma semaphore(%arg17 : memref<!tpu.dma_semaphore, #tpu.memory_space<semaphore_mem>>) src(%dma_wait3A_559 : memref<128x64xf32, #tpu.memory_space<vmem>>) dst(%dma_wait3A_565 : memref<10240x64xf32, #tpu.memory_space<vmem_shared>>)
        } else {
        }
        %add3A_542 = arith.constant 4 : i32
        %add3A_543 = arith.addi %add3A_444, %add3A_542 : i32
        %dma_start3A_544 = arith.constant 1 : i32
        %dma_start3A_545 = arith.constant 0 : i32
        %dma_start3A_546 = arith.constant 0 : i32
        %dma_start3A_547 = tpu.memref_slice %arg8[%dma_start3A_544, %dma_start3A_545, %dma_start3A_546] : memref<5x128x64xf32, #tpu.memory_space<vmem>> -> memref<1x128x64xf32, #tpu.memory_space<vmem>>
        %dma_start3A_548 = tpu.memref_squeeze %dma_start3A_547 : memref<1x128x64xf32, #tpu.memory_space<vmem>> -> memref<128x64xf32, #tpu.memory_space<vmem>>
        %dma_start3A_549 = arith.constant 0 : i32
        %dma_start3A_550 = tpu.memref_slice %arg6[%add3A_543, %dma_start3A_549] : memref<160x128xi32, #tpu.memory_space<vmem>> -> memref<1x128xi32, #tpu.memory_space<vmem>>
        %dma_start3A_551 = tpu.memref_squeeze %dma_start3A_550 : memref<1x128xi32, #tpu.memory_space<vmem>> -> memref<128xi32, #tpu.memory_space<vmem>>
        %dma_start3A_552 = arith.constant 0 : i32
        %dma_start3A_553 = arith.constant 0 : i32
        %dma_start3A_554 = tpu.memref_slice %arg2[%dma_start3A_552, %dma_start3A_553] : memref<20480x64xf32, #tpu.memory_space<hbm>> -> memref<20480x64xf32, #tpu.memory_space<hbm>>
        tpu.enqueue_indirect_dma source(%dma_start3A_554 : memref<20480x64xf32, #tpu.memory_space<hbm>>) target(%dma_start3A_548 : memref<128x64xf32, #tpu.memory_space<vmem>>) offsets(%dma_start3A_551 : memref<128xi32, #tpu.memory_space<vmem>>) semaphore(%arg12 : memref<!tpu.dma_semaphore, #tpu.memory_space<semaphore_mem>>)
      } else {
      }
      %add3A_474 = arith.constant 3 : i32
      %add3A_475 = arith.addi %add3A_383, %add3A_474 : i32
      %dma_wait3A_476 = arith.constant 3 : i32
      %dma_wait3A_477 = arith.constant 0 : i32
      %dma_wait3A_478 = arith.constant 0 : i32
      %dma_wait3A_479 = tpu.memref_slice %arg8[%dma_wait3A_476, %dma_wait3A_477, %dma_wait3A_478] : memref<5x128x64xf32, #tpu.memory_space<vmem>> -> memref<1x128x64xf32, #tpu.memory_space<vmem>>
      %dma_wait3A_480 = tpu.memref_squeeze %dma_wait3A_479 : memref<1x128x64xf32, #tpu.memory_space<vmem>> -> memref<128x64xf32, #tpu.memory_space<vmem>>
      %dma_wait3A_481 = arith.constant 0 : i32
      %dma_wait3A_482 = tpu.memref_slice %arg6[%add3A_475, %dma_wait3A_481] : memref<160x128xi32, #tpu.memory_space<vmem>> -> memref<1x128xi32, #tpu.memory_space<vmem>>
      %dma_wait3A_483 = tpu.memref_squeeze %dma_wait3A_482 : memref<1x128xi32, #tpu.memory_space<vmem>> -> memref<128xi32, #tpu.memory_space<vmem>>
      %dma_wait3A_484 = arith.constant 0 : i32
      %dma_wait3A_485 = arith.constant 0 : i32
      %dma_wait3A_486 = tpu.memref_slice %arg2[%dma_wait3A_484, %dma_wait3A_485] : memref<20480x64xf32, #tpu.memory_space<hbm>> -> memref<20480x64xf32, #tpu.memory_space<hbm>>
      tpu.wait_indirect_dma semaphore(%arg14 : memref<!tpu.dma_semaphore, #tpu.memory_space<semaphore_mem>>) src(%dma_wait3A_486 : memref<20480x64xf32, #tpu.memory_space<hbm>>) dst(%dma_wait3A_480 : memref<128x64xf32, #tpu.memory_space<vmem>>)
      %dma_start3A_487 = arith.constant 3 : i32
      %dma_start3A_488 = arith.constant 0 : i32
      %dma_start3A_489 = arith.constant 0 : i32
      %dma_start3A_490 = tpu.memref_slice %arg8[%dma_start3A_487, %dma_start3A_488, %dma_start3A_489] : memref<5x128x64xf32, #tpu.memory_space<vmem>> -> memref<1x128x64xf32, #tpu.memory_space<vmem>>
      %dma_start3A_491 = tpu.memref_squeeze %dma_start3A_490 : memref<1x128x64xf32, #tpu.memory_space<vmem>> -> memref<128x64xf32, #tpu.memory_space<vmem>>
      %dma_start3A_492 = arith.constant 0 : i32
      %dma_start3A_493 = tpu.memref_slice %arg7[%add3A_475, %dma_start3A_492] : memref<160x128xi32, #tpu.memory_space<vmem>> -> memref<1x128xi32, #tpu.memory_space<vmem>>
      %dma_start3A_494 = tpu.memref_squeeze %dma_start3A_493 : memref<1x128xi32, #tpu.memory_space<vmem>> -> memref<128xi32, #tpu.memory_space<vmem>>
      %dma_start3A_495 = arith.constant 0 : i32
      %dma_start3A_496 = arith.constant 0 : i32
      %dma_start3A_497 = tpu.memref_slice %arg10[%dma_start3A_495, %dma_start3A_496] : memref<10240x64xf32, #tpu.memory_space<vmem_shared>> -> memref<10240x64xf32, #tpu.memory_space<vmem_shared>>
      tpu.enqueue_indirect_dma source(%dma_start3A_491 : memref<128x64xf32, #tpu.memory_space<vmem>>) target(%dma_start3A_497 : memref<10240x64xf32, #tpu.memory_space<vmem_shared>>) offsets(%dma_start3A_494 : memref<128xi32, #tpu.memory_space<vmem>>) semaphore(%arg19 : memref<!tpu.dma_semaphore, #tpu.memory_space<semaphore_mem>>) {add = true}
      %add3A_498 = arith.constant 4 : i32
      %add3A_499 = arith.addi %add3A_475, %add3A_498 : i32
      %lt3A_500 = arith.constant 160 : i32
      %lt3A_501 = arith.cmpi slt, %add3A_499, %lt3A_500 : i32
      %convert_element_type3A_502 = arith.extui %lt3A_501 : i1 to i32
      %cond3A_503 = arith.constant 0 : i32
      %cond3A_504 = arith.cmpi ne, %convert_element_type3A_502, %cond3A_503 : i32
      scf.if %cond3A_504 {
        %add3A_536 = arith.constant 4 : i32
        %add3A_537 = arith.addi %add3A_475, %add3A_536 : i32
        %ge3A = arith.constant 5 : i32
        %ge3A_538 = arith.cmpi sge, %add3A_537, %ge3A : i32
        %convert_element_type3A_539 = arith.extui %ge3A_538 : i1 to i32
        %cond3A_540 = arith.constant 0 : i32
        %cond3A_541 = arith.cmpi ne, %convert_element_type3A_539, %cond3A_540 : i32
        scf.if %cond3A_541 {
          %dma_wait3A_555 = arith.constant 2 : i32
          %dma_wait3A_556 = arith.constant 0 : i32
          %dma_wait3A_557 = arith.constant 0 : i32
          %dma_wait3A_558 = tpu.memref_slice %arg8[%dma_wait3A_555, %dma_wait3A_556, %dma_wait3A_557] : memref<5x128x64xf32, #tpu.memory_space<vmem>> -> memref<1x128x64xf32, #tpu.memory_space<vmem>>
          %dma_wait3A_559 = tpu.memref_squeeze %dma_wait3A_558 : memref<1x128x64xf32, #tpu.memory_space<vmem>> -> memref<128x64xf32, #tpu.memory_space<vmem>>
          %dma_wait3A_560 = arith.constant 0 : i32
          %dma_wait3A_561 = tpu.memref_slice %arg7[%add3A_475, %dma_wait3A_560] : memref<160x128xi32, #tpu.memory_space<vmem>> -> memref<1x128xi32, #tpu.memory_space<vmem>>
          %dma_wait3A_562 = tpu.memref_squeeze %dma_wait3A_561 : memref<1x128xi32, #tpu.memory_space<vmem>> -> memref<128xi32, #tpu.memory_space<vmem>>
          %dma_wait3A_563 = arith.constant 0 : i32
          %dma_wait3A_564 = arith.constant 0 : i32
          %dma_wait3A_565 = tpu.memref_slice %arg10[%dma_wait3A_563, %dma_wait3A_564] : memref<10240x64xf32, #tpu.memory_space<vmem_shared>> -> memref<10240x64xf32, #tpu.memory_space<vmem_shared>>
          tpu.wait_indirect_dma semaphore(%arg18 : memref<!tpu.dma_semaphore, #tpu.memory_space<semaphore_mem>>) src(%dma_wait3A_559 : memref<128x64xf32, #tpu.memory_space<vmem>>) dst(%dma_wait3A_565 : memref<10240x64xf32, #tpu.memory_space<vmem_shared>>)
        } else {
        }
        %add3A_542 = arith.constant 4 : i32
        %add3A_543 = arith.addi %add3A_475, %add3A_542 : i32
        %dma_start3A_544 = arith.constant 2 : i32
        %dma_start3A_545 = arith.constant 0 : i32
        %dma_start3A_546 = arith.constant 0 : i32
        %dma_start3A_547 = tpu.memref_slice %arg8[%dma_start3A_544, %dma_start3A_545, %dma_start3A_546] : memref<5x128x64xf32, #tpu.memory_space<vmem>> -> memref<1x128x64xf32, #tpu.memory_space<vmem>>
        %dma_start3A_548 = tpu.memref_squeeze %dma_start3A_547 : memref<1x128x64xf32, #tpu.memory_space<vmem>> -> memref<128x64xf32, #tpu.memory_space<vmem>>
        %dma_start3A_549 = arith.constant 0 : i32
        %dma_start3A_550 = tpu.memref_slice %arg6[%add3A_543, %dma_start3A_549] : memref<160x128xi32, #tpu.memory_space<vmem>> -> memref<1x128xi32, #tpu.memory_space<vmem>>
        %dma_start3A_551 = tpu.memref_squeeze %dma_start3A_550 : memref<1x128xi32, #tpu.memory_space<vmem>> -> memref<128xi32, #tpu.memory_space<vmem>>
        %dma_start3A_552 = arith.constant 0 : i32
        %dma_start3A_553 = arith.constant 0 : i32
        %dma_start3A_554 = tpu.memref_slice %arg2[%dma_start3A_552, %dma_start3A_553] : memref<20480x64xf32, #tpu.memory_space<hbm>> -> memref<20480x64xf32, #tpu.memory_space<hbm>>
        tpu.enqueue_indirect_dma source(%dma_start3A_554 : memref<20480x64xf32, #tpu.memory_space<hbm>>) target(%dma_start3A_548 : memref<128x64xf32, #tpu.memory_space<vmem>>) offsets(%dma_start3A_551 : memref<128xi32, #tpu.memory_space<vmem>>) semaphore(%arg13 : memref<!tpu.dma_semaphore, #tpu.memory_space<semaphore_mem>>)
      } else {
      }
      %add3A_505 = arith.constant 4 : i32
      %add3A_506 = arith.addi %add3A_383, %add3A_505 : i32
      %dma_wait3A_507 = arith.constant 4 : i32
      %dma_wait3A_508 = arith.constant 0 : i32
      %dma_wait3A_509 = arith.constant 0 : i32
      %dma_wait3A_510 = tpu.memref_slice %arg8[%dma_wait3A_507, %dma_wait3A_508, %dma_wait3A_509] : memref<5x128x64xf32, #tpu.memory_space<vmem>> -> memref<1x128x64xf32, #tpu.memory_space<vmem>>
      %dma_wait3A_511 = tpu.memref_squeeze %dma_wait3A_510 : memref<1x128x64xf32, #tpu.memory_space<vmem>> -> memref<128x64xf32, #tpu.memory_space<vmem>>
      %dma_wait3A_512 = arith.constant 0 : i32
      %dma_wait3A_513 = tpu.memref_slice %arg6[%add3A_506, %dma_wait3A_512] : memref<160x128xi32, #tpu.memory_space<vmem>> -> memref<1x128xi32, #tpu.memory_space<vmem>>
      %dma_wait3A_514 = tpu.memref_squeeze %dma_wait3A_513 : memref<1x128xi32, #tpu.memory_space<vmem>> -> memref<128xi32, #tpu.memory_space<vmem>>
      %dma_wait3A_515 = arith.constant 0 : i32
      %dma_wait3A_516 = arith.constant 0 : i32
      %dma_wait3A_517 = tpu.memref_slice %arg2[%dma_wait3A_515, %dma_wait3A_516] : memref<20480x64xf32, #tpu.memory_space<hbm>> -> memref<20480x64xf32, #tpu.memory_space<hbm>>
      tpu.wait_indirect_dma semaphore(%arg15 : memref<!tpu.dma_semaphore, #tpu.memory_space<semaphore_mem>>) src(%dma_wait3A_517 : memref<20480x64xf32, #tpu.memory_space<hbm>>) dst(%dma_wait3A_511 : memref<128x64xf32, #tpu.memory_space<vmem>>)
      %dma_start3A_518 = arith.constant 4 : i32
      %dma_start3A_519 = arith.constant 0 : i32
      %dma_start3A_520 = arith.constant 0 : i32
      %dma_start3A_521 = tpu.memref_slice %arg8[%dma_start3A_518, %dma_start3A_519, %dma_start3A_520] : memref<5x128x64xf32, #tpu.memory_space<vmem>> -> memref<1x128x64xf32, #tpu.memory_space<vmem>>
      %dma_start3A_522 = tpu.memref_squeeze %dma_start3A_521 : memref<1x128x64xf32, #tpu.memory_space<vmem>> -> memref<128x64xf32, #tpu.memory_space<vmem>>
      %dma_start3A_523 = arith.constant 0 : i32
      %dma_start3A_524 = tpu.memref_slice %arg7[%add3A_506, %dma_start3A_523] : memref<160x128xi32, #tpu.memory_space<vmem>> -> memref<1x128xi32, #tpu.memory_space<vmem>>
      %dma_start3A_525 = tpu.memref_squeeze %dma_start3A_524 : memref<1x128xi32, #tpu.memory_space<vmem>> -> memref<128xi32, #tpu.memory_space<vmem>>
      %dma_start3A_526 = arith.constant 0 : i32
      %dma_start3A_527 = arith.constant 0 : i32
      %dma_start3A_528 = tpu.memref_slice %arg10[%dma_start3A_526, %dma_start3A_527] : memref<10240x64xf32, #tpu.memory_space<vmem_shared>> -> memref<10240x64xf32, #tpu.memory_space<vmem_shared>>
      tpu.enqueue_indirect_dma source(%dma_start3A_522 : memref<128x64xf32, #tpu.memory_space<vmem>>) target(%dma_start3A_528 : memref<10240x64xf32, #tpu.memory_space<vmem_shared>>) offsets(%dma_start3A_525 : memref<128xi32, #tpu.memory_space<vmem>>) semaphore(%arg20 : memref<!tpu.dma_semaphore, #tpu.memory_space<semaphore_mem>>) {add = true}
      %add3A_529 = arith.constant 4 : i32
      %add3A_530 = arith.addi %add3A_506, %add3A_529 : i32
      %lt3A_531 = arith.constant 160 : i32
      %lt3A_532 = arith.cmpi slt, %add3A_530, %lt3A_531 : i32
      %convert_element_type3A_533 = arith.extui %lt3A_532 : i1 to i32
      %cond3A_534 = arith.constant 0 : i32
      %cond3A_535 = arith.cmpi ne, %convert_element_type3A_533, %cond3A_534 : i32
      scf.if %cond3A_535 {
        %add3A_536 = arith.constant 4 : i32
        %add3A_537 = arith.addi %add3A_506, %add3A_536 : i32
        %ge3A = arith.constant 5 : i32
        %ge3A_538 = arith.cmpi sge, %add3A_537, %ge3A : i32
        %convert_element_type3A_539 = arith.extui %ge3A_538 : i1 to i32
        %cond3A_540 = arith.constant 0 : i32
        %cond3A_541 = arith.cmpi ne, %convert_element_type3A_539, %cond3A_540 : i32
        scf.if %cond3A_541 {
          %dma_wait3A_555 = arith.constant 3 : i32
          %dma_wait3A_556 = arith.constant 0 : i32
          %dma_wait3A_557 = arith.constant 0 : i32
          %dma_wait3A_558 = tpu.memref_slice %arg8[%dma_wait3A_555, %dma_wait3A_556, %dma_wait3A_557] : memref<5x128x64xf32, #tpu.memory_space<vmem>> -> memref<1x128x64xf32, #tpu.memory_space<vmem>>
          %dma_wait3A_559 = tpu.memref_squeeze %dma_wait3A_558 : memref<1x128x64xf32, #tpu.memory_space<vmem>> -> memref<128x64xf32, #tpu.memory_space<vmem>>
          %dma_wait3A_560 = arith.constant 0 : i32
          %dma_wait3A_561 = tpu.memref_slice %arg7[%add3A_506, %dma_wait3A_560] : memref<160x128xi32, #tpu.memory_space<vmem>> -> memref<1x128xi32, #tpu.memory_space<vmem>>
          %dma_wait3A_562 = tpu.memref_squeeze %dma_wait3A_561 : memref<1x128xi32, #tpu.memory_space<vmem>> -> memref<128xi32, #tpu.memory_space<vmem>>
          %dma_wait3A_563 = arith.constant 0 : i32
          %dma_wait3A_564 = arith.constant 0 : i32
          %dma_wait3A_565 = tpu.memref_slice %arg10[%dma_wait3A_563, %dma_wait3A_564] : memref<10240x64xf32, #tpu.memory_space<vmem_shared>> -> memref<10240x64xf32, #tpu.memory_space<vmem_shared>>
          tpu.wait_indirect_dma semaphore(%arg19 : memref<!tpu.dma_semaphore, #tpu.memory_space<semaphore_mem>>) src(%dma_wait3A_559 : memref<128x64xf32, #tpu.memory_space<vmem>>) dst(%dma_wait3A_565 : memref<10240x64xf32, #tpu.memory_space<vmem_shared>>)
        } else {
        }
        %add3A_542 = arith.constant 4 : i32
        %add3A_543 = arith.addi %add3A_506, %add3A_542 : i32
        %dma_start3A_544 = arith.constant 3 : i32
        %dma_start3A_545 = arith.constant 0 : i32
        %dma_start3A_546 = arith.constant 0 : i32
        %dma_start3A_547 = tpu.memref_slice %arg8[%dma_start3A_544, %dma_start3A_545, %dma_start3A_546] : memref<5x128x64xf32, #tpu.memory_space<vmem>> -> memref<1x128x64xf32, #tpu.memory_space<vmem>>
        %dma_start3A_548 = tpu.memref_squeeze %dma_start3A_547 : memref<1x128x64xf32, #tpu.memory_space<vmem>> -> memref<128x64xf32, #tpu.memory_space<vmem>>
        %dma_start3A_549 = arith.constant 0 : i32
        %dma_start3A_550 = tpu.memref_slice %arg6[%add3A_543, %dma_start3A_549] : memref<160x128xi32, #tpu.memory_space<vmem>> -> memref<1x128xi32, #tpu.memory_space<vmem>>
        %dma_start3A_551 = tpu.memref_squeeze %dma_start3A_550 : memref<1x128xi32, #tpu.memory_space<vmem>> -> memref<128xi32, #tpu.memory_space<vmem>>
        %dma_start3A_552 = arith.constant 0 : i32
        %dma_start3A_553 = arith.constant 0 : i32
        %dma_start3A_554 = tpu.memref_slice %arg2[%dma_start3A_552, %dma_start3A_553] : memref<20480x64xf32, #tpu.memory_space<hbm>> -> memref<20480x64xf32, #tpu.memory_space<hbm>>
        tpu.enqueue_indirect_dma source(%dma_start3A_554 : memref<20480x64xf32, #tpu.memory_space<hbm>>) target(%dma_start3A_548 : memref<128x64xf32, #tpu.memory_space<vmem>>) offsets(%dma_start3A_551 : memref<128xi32, #tpu.memory_space<vmem>>) semaphore(%arg14 : memref<!tpu.dma_semaphore, #tpu.memory_space<semaphore_mem>>)
      } else {
      }
    }
    %scan3A_60 = arith.constant 32 : i32
    %dma_wait3A = arith.constant 0 : i32
    %dma_wait3A_61 = arith.constant 155 : i32
    %dma_wait3A_62 = arith.constant 0 : i32
    %dma_wait3A_63 = arith.constant 0 : i32
    %dma_wait3A_64 = tpu.memref_slice %arg8[%dma_wait3A, %dma_wait3A_62, %dma_wait3A_63] : memref<5x128x64xf32, #tpu.memory_space<vmem>> -> memref<1x128x64xf32, #tpu.memory_space<vmem>>
    %dma_wait3A_65 = tpu.memref_squeeze %dma_wait3A_64 : memref<1x128x64xf32, #tpu.memory_space<vmem>> -> memref<128x64xf32, #tpu.memory_space<vmem>>
    %dma_wait3A_66 = arith.constant 0 : i32
    %dma_wait3A_67 = tpu.memref_slice %arg7[%dma_wait3A_61, %dma_wait3A_66] : memref<160x128xi32, #tpu.memory_space<vmem>> -> memref<1x128xi32, #tpu.memory_space<vmem>>
    %dma_wait3A_68 = tpu.memref_squeeze %dma_wait3A_67 : memref<1x128xi32, #tpu.memory_space<vmem>> -> memref<128xi32, #tpu.memory_space<vmem>>
    %dma_wait3A_69 = arith.constant 0 : i32
    %dma_wait3A_70 = arith.constant 0 : i32
    %dma_wait3A_71 = tpu.memref_slice %arg10[%dma_wait3A_69, %dma_wait3A_70] : memref<10240x64xf32, #tpu.memory_space<vmem_shared>> -> memref<10240x64xf32, #tpu.memory_space<vmem_shared>>
    tpu.wait_indirect_dma semaphore(%arg16 : memref<!tpu.dma_semaphore, #tpu.memory_space<semaphore_mem>>) src(%dma_wait3A_65 : memref<128x64xf32, #tpu.memory_space<vmem>>) dst(%dma_wait3A_71 : memref<10240x64xf32, #tpu.memory_space<vmem_shared>>)
    %dma_wait3A_72 = arith.constant 1 : i32
    %dma_wait3A_73 = arith.constant 156 : i32
    %dma_wait3A_74 = arith.constant 0 : i32
    %dma_wait3A_75 = arith.constant 0 : i32
    %dma_wait3A_76 = tpu.memref_slice %arg8[%dma_wait3A_72, %dma_wait3A_74, %dma_wait3A_75] : memref<5x128x64xf32, #tpu.memory_space<vmem>> -> memref<1x128x64xf32, #tpu.memory_space<vmem>>
    %dma_wait3A_77 = tpu.memref_squeeze %dma_wait3A_76 : memref<1x128x64xf32, #tpu.memory_space<vmem>> -> memref<128x64xf32, #tpu.memory_space<vmem>>
    %dma_wait3A_78 = arith.constant 0 : i32
    %dma_wait3A_79 = tpu.memref_slice %arg7[%dma_wait3A_73, %dma_wait3A_78] : memref<160x128xi32, #tpu.memory_space<vmem>> -> memref<1x128xi32, #tpu.memory_space<vmem>>
    %dma_wait3A_80 = tpu.memref_squeeze %dma_wait3A_79 : memref<1x128xi32, #tpu.memory_space<vmem>> -> memref<128xi32, #tpu.memory_space<vmem>>
    %dma_wait3A_81 = arith.constant 0 : i32
    %dma_wait3A_82 = arith.constant 0 : i32
    %dma_wait3A_83 = tpu.memref_slice %arg10[%dma_wait3A_81, %dma_wait3A_82] : memref<10240x64xf32, #tpu.memory_space<vmem_shared>> -> memref<10240x64xf32, #tpu.memory_space<vmem_shared>>
    tpu.wait_indirect_dma semaphore(%arg17 : memref<!tpu.dma_semaphore, #tpu.memory_space<semaphore_mem>>) src(%dma_wait3A_77 : memref<128x64xf32, #tpu.memory_space<vmem>>) dst(%dma_wait3A_83 : memref<10240x64xf32, #tpu.memory_space<vmem_shared>>)
    %dma_wait3A_84 = arith.constant 2 : i32
    %dma_wait3A_85 = arith.constant 157 : i32
    %dma_wait3A_86 = arith.constant 0 : i32
    %dma_wait3A_87 = arith.constant 0 : i32
    %dma_wait3A_88 = tpu.memref_slice %arg8[%dma_wait3A_84, %dma_wait3A_86, %dma_wait3A_87] : memref<5x128x64xf32, #tpu.memory_space<vmem>> -> memref<1x128x64xf32, #tpu.memory_space<vmem>>
    %dma_wait3A_89 = tpu.memref_squeeze %dma_wait3A_88 : memref<1x128x64xf32, #tpu.memory_space<vmem>> -> memref<128x64xf32, #tpu.memory_space<vmem>>
    %dma_wait3A_90 = arith.constant 0 : i32
    %dma_wait3A_91 = tpu.memref_slice %arg7[%dma_wait3A_85, %dma_wait3A_90] : memref<160x128xi32, #tpu.memory_space<vmem>> -> memref<1x128xi32, #tpu.memory_space<vmem>>
    %dma_wait3A_92 = tpu.memref_squeeze %dma_wait3A_91 : memref<1x128xi32, #tpu.memory_space<vmem>> -> memref<128xi32, #tpu.memory_space<vmem>>
    %dma_wait3A_93 = arith.constant 0 : i32
    %dma_wait3A_94 = arith.constant 0 : i32
    %dma_wait3A_95 = tpu.memref_slice %arg10[%dma_wait3A_93, %dma_wait3A_94] : memref<10240x64xf32, #tpu.memory_space<vmem_shared>> -> memref<10240x64xf32, #tpu.memory_space<vmem_shared>>
    tpu.wait_indirect_dma semaphore(%arg18 : memref<!tpu.dma_semaphore, #tpu.memory_space<semaphore_mem>>) src(%dma_wait3A_89 : memref<128x64xf32, #tpu.memory_space<vmem>>) dst(%dma_wait3A_95 : memref<10240x64xf32, #tpu.memory_space<vmem_shared>>)
    %dma_wait3A_96 = arith.constant 3 : i32
    %dma_wait3A_97 = arith.constant 158 : i32
    %dma_wait3A_98 = arith.constant 0 : i32
    %dma_wait3A_99 = arith.constant 0 : i32
    %dma_wait3A_100 = tpu.memref_slice %arg8[%dma_wait3A_96, %dma_wait3A_98, %dma_wait3A_99] : memref<5x128x64xf32, #tpu.memory_space<vmem>> -> memref<1x128x64xf32, #tpu.memory_space<vmem>>
    %dma_wait3A_101 = tpu.memref_squeeze %dma_wait3A_100 : memref<1x128x64xf32, #tpu.memory_space<vmem>> -> memref<128x64xf32, #tpu.memory_space<vmem>>
    %dma_wait3A_102 = arith.constant 0 : i32
    %dma_wait3A_103 = tpu.memref_slice %arg7[%dma_wait3A_97, %dma_wait3A_102] : memref<160x128xi32, #tpu.memory_space<vmem>> -> memref<1x128xi32, #tpu.memory_space<vmem>>
    %dma_wait3A_104 = tpu.memref_squeeze %dma_wait3A_103 : memref<1x128xi32, #tpu.memory_space<vmem>> -> memref<128xi32, #tpu.memory_space<vmem>>
    %dma_wait3A_105 = arith.constant 0 : i32
    %dma_wait3A_106 = arith.constant 0 : i32
    %dma_wait3A_107 = tpu.memref_slice %arg10[%dma_wait3A_105, %dma_wait3A_106] : memref<10240x64xf32, #tpu.memory_space<vmem_shared>> -> memref<10240x64xf32, #tpu.memory_space<vmem_shared>>
    tpu.wait_indirect_dma semaphore(%arg19 : memref<!tpu.dma_semaphore, #tpu.memory_space<semaphore_mem>>) src(%dma_wait3A_101 : memref<128x64xf32, #tpu.memory_space<vmem>>) dst(%dma_wait3A_107 : memref<10240x64xf32, #tpu.memory_space<vmem_shared>>)
    %dma_wait3A_108 = arith.constant 4 : i32
    %dma_wait3A_109 = arith.constant 159 : i32
    %dma_wait3A_110 = arith.constant 0 : i32
    %dma_wait3A_111 = arith.constant 0 : i32
    %dma_wait3A_112 = tpu.memref_slice %arg8[%dma_wait3A_108, %dma_wait3A_110, %dma_wait3A_111] : memref<5x128x64xf32, #tpu.memory_space<vmem>> -> memref<1x128x64xf32, #tpu.memory_space<vmem>>
    %dma_wait3A_113 = tpu.memref_squeeze %dma_wait3A_112 : memref<1x128x64xf32, #tpu.memory_space<vmem>> -> memref<128x64xf32, #tpu.memory_space<vmem>>
    %dma_wait3A_114 = arith.constant 0 : i32
    %dma_wait3A_115 = tpu.memref_slice %arg7[%dma_wait3A_109, %dma_wait3A_114] : memref<160x128xi32, #tpu.memory_space<vmem>> -> memref<1x128xi32, #tpu.memory_space<vmem>>
    %dma_wait3A_116 = tpu.memref_squeeze %dma_wait3A_115 : memref<1x128xi32, #tpu.memory_space<vmem>> -> memref<128xi32, #tpu.memory_space<vmem>>
    %dma_wait3A_117 = arith.constant 0 : i32
    %dma_wait3A_118 = arith.constant 0 : i32
    %dma_wait3A_119 = tpu.memref_slice %arg10[%dma_wait3A_117, %dma_wait3A_118] : memref<10240x64xf32, #tpu.memory_space<vmem_shared>> -> memref<10240x64xf32, #tpu.memory_space<vmem_shared>>
    tpu.wait_indirect_dma semaphore(%arg20 : memref<!tpu.dma_semaphore, #tpu.memory_space<semaphore_mem>>) src(%dma_wait3A_113 : memref<128x64xf32, #tpu.memory_space<vmem>>) dst(%dma_wait3A_119 : memref<10240x64xf32, #tpu.memory_space<vmem_shared>>)
    %barrier3A_120 = arith.constant 0 : index
    tpu.barrier barrier_id(%barrier3A_120)
    %mul3A = arith.constant 640 : i32
    %mul3A_121 = arith.muli %arg1, %mul3A : i32
    %add3A = arith.constant 0 : i32
    %add3A_122 = arith.addi %mul3A_121, %add3A : i32
    %mul3A_123 = arith.constant 640 : i32
    %mul3A_124 = arith.muli %arg1, %mul3A_123 : i32
    %add3A_125 = arith.constant 0 : i32
    %add3A_126 = arith.addi %mul3A_124, %add3A_125 : i32
    %dma_start3A_127 = arith.constant 0 : i32
    %dma_start3A_128 = tpu.memref_slice %arg5[%arg0, %add3A_126, %dma_start3A_127] : memref<2x10240x64xf32, #tpu.memory_space<hbm>> -> memref<1x64x64xf32, #tpu.memory_space<hbm>>
    %dma_start3A_129 = tpu.memref_squeeze %dma_start3A_128 : memref<1x64x64xf32, #tpu.memory_space<hbm>> -> memref<64x64xf32, #tpu.memory_space<hbm>>
    %dma_start3A_130 = arith.constant 0 : i32
    %dma_start3A_131 = tpu.memref_slice %arg10[%add3A_122, %dma_start3A_130] : memref<10240x64xf32, #tpu.memory_space<vmem_shared>> -> memref<64x64xf32, #tpu.memory_space<vmem_shared>>
    tpu.enqueue_dma source(%dma_start3A_131 : memref<64x64xf32, #tpu.memory_space<vmem_shared>>) target(%dma_start3A_129 : memref<64x64xf32, #tpu.memory_space<hbm>>) target_semaphore(%arg11 : memref<!tpu.dma_semaphore, #tpu.memory_space<semaphore_mem>>)
    %mul3A_132 = arith.constant 640 : i32
    %mul3A_133 = arith.muli %arg1, %mul3A_132 : i32
    %add3A_134 = arith.constant 64 : i32
    %add3A_135 = arith.addi %mul3A_133, %add3A_134 : i32
    %mul3A_136 = arith.constant 640 : i32
    %mul3A_137 = arith.muli %arg1, %mul3A_136 : i32
    %add3A_138 = arith.constant 64 : i32
    %add3A_139 = arith.addi %mul3A_137, %add3A_138 : i32
    %dma_start3A_140 = arith.constant 0 : i32
    %dma_start3A_141 = tpu.memref_slice %arg5[%arg0, %add3A_139, %dma_start3A_140] : memref<2x10240x64xf32, #tpu.memory_space<hbm>> -> memref<1x64x64xf32, #tpu.memory_space<hbm>>
    %dma_start3A_142 = tpu.memref_squeeze %dma_start3A_141 : memref<1x64x64xf32, #tpu.memory_space<hbm>> -> memref<64x64xf32, #tpu.memory_space<hbm>>
    %dma_start3A_143 = arith.constant 0 : i32
    %dma_start3A_144 = tpu.memref_slice %arg10[%add3A_135, %dma_start3A_143] : memref<10240x64xf32, #tpu.memory_space<vmem_shared>> -> memref<64x64xf32, #tpu.memory_space<vmem_shared>>
    tpu.enqueue_dma source(%dma_start3A_144 : memref<64x64xf32, #tpu.memory_space<vmem_shared>>) target(%dma_start3A_142 : memref<64x64xf32, #tpu.memory_space<hbm>>) target_semaphore(%arg11 : memref<!tpu.dma_semaphore, #tpu.memory_space<semaphore_mem>>)
    %mul3A_145 = arith.constant 640 : i32
    %mul3A_146 = arith.muli %arg1, %mul3A_145 : i32
    %add3A_147 = arith.constant 128 : i32
    %add3A_148 = arith.addi %mul3A_146, %add3A_147 : i32
    %mul3A_149 = arith.constant 640 : i32
    %mul3A_150 = arith.muli %arg1, %mul3A_149 : i32
    %add3A_151 = arith.constant 128 : i32
    %add3A_152 = arith.addi %mul3A_150, %add3A_151 : i32
    %dma_start3A_153 = arith.constant 0 : i32
    %dma_start3A_154 = tpu.memref_slice %arg5[%arg0, %add3A_152, %dma_start3A_153] : memref<2x10240x64xf32, #tpu.memory_space<hbm>> -> memref<1x64x64xf32, #tpu.memory_space<hbm>>
    %dma_start3A_155 = tpu.memref_squeeze %dma_start3A_154 : memref<1x64x64xf32, #tpu.memory_space<hbm>> -> memref<64x64xf32, #tpu.memory_space<hbm>>
    %dma_start3A_156 = arith.constant 0 : i32
    %dma_start3A_157 = tpu.memref_slice %arg10[%add3A_148, %dma_start3A_156] : memref<10240x64xf32, #tpu.memory_space<vmem_shared>> -> memref<64x64xf32, #tpu.memory_space<vmem_shared>>
    tpu.enqueue_dma source(%dma_start3A_157 : memref<64x64xf32, #tpu.memory_space<vmem_shared>>) target(%dma_start3A_155 : memref<64x64xf32, #tpu.memory_space<hbm>>) target_semaphore(%arg11 : memref<!tpu.dma_semaphore, #tpu.memory_space<semaphore_mem>>)
    %mul3A_158 = arith.constant 640 : i32
    %mul3A_159 = arith.muli %arg1, %mul3A_158 : i32
    %add3A_160 = arith.constant 192 : i32
    %add3A_161 = arith.addi %mul3A_159, %add3A_160 : i32
    %mul3A_162 = arith.constant 640 : i32
    %mul3A_163 = arith.muli %arg1, %mul3A_162 : i32
    %add3A_164 = arith.constant 192 : i32
    %add3A_165 = arith.addi %mul3A_163, %add3A_164 : i32
    %dma_start3A_166 = arith.constant 0 : i32
    %dma_start3A_167 = tpu.memref_slice %arg5[%arg0, %add3A_165, %dma_start3A_166] : memref<2x10240x64xf32, #tpu.memory_space<hbm>> -> memref<1x64x64xf32, #tpu.memory_space<hbm>>
    %dma_start3A_168 = tpu.memref_squeeze %dma_start3A_167 : memref<1x64x64xf32, #tpu.memory_space<hbm>> -> memref<64x64xf32, #tpu.memory_space<hbm>>
    %dma_start3A_169 = arith.constant 0 : i32
    %dma_start3A_170 = tpu.memref_slice %arg10[%add3A_161, %dma_start3A_169] : memref<10240x64xf32, #tpu.memory_space<vmem_shared>> -> memref<64x64xf32, #tpu.memory_space<vmem_shared>>
    tpu.enqueue_dma source(%dma_start3A_170 : memref<64x64xf32, #tpu.memory_space<vmem_shared>>) target(%dma_start3A_168 : memref<64x64xf32, #tpu.memory_space<hbm>>) target_semaphore(%arg11 : memref<!tpu.dma_semaphore, #tpu.memory_space<semaphore_mem>>)
    %mul3A_171 = arith.constant 640 : i32
    %mul3A_172 = arith.muli %arg1, %mul3A_171 : i32
    %add3A_173 = arith.constant 256 : i32
    %add3A_174 = arith.addi %mul3A_172, %add3A_173 : i32
    %mul3A_175 = arith.constant 640 : i32
    %mul3A_176 = arith.muli %arg1, %mul3A_175 : i32
    %add3A_177 = arith.constant 256 : i32
    %add3A_178 = arith.addi %mul3A_176, %add3A_177 : i32
    %dma_start3A_179 = arith.constant 0 : i32
    %dma_start3A_180 = tpu.memref_slice %arg5[%arg0, %add3A_178, %dma_start3A_179] : memref<2x10240x64xf32, #tpu.memory_space<hbm>> -> memref<1x64x64xf32, #tpu.memory_space<hbm>>
    %dma_start3A_181 = tpu.memref_squeeze %dma_start3A_180 : memref<1x64x64xf32, #tpu.memory_space<hbm>> -> memref<64x64xf32, #tpu.memory_space<hbm>>
    %dma_start3A_182 = arith.constant 0 : i32
    %dma_start3A_183 = tpu.memref_slice %arg10[%add3A_174, %dma_start3A_182] : memref<10240x64xf32, #tpu.memory_space<vmem_shared>> -> memref<64x64xf32, #tpu.memory_space<vmem_shared>>
    tpu.enqueue_dma source(%dma_start3A_183 : memref<64x64xf32, #tpu.memory_space<vmem_shared>>) target(%dma_start3A_181 : memref<64x64xf32, #tpu.memory_space<hbm>>) target_semaphore(%arg11 : memref<!tpu.dma_semaphore, #tpu.memory_space<semaphore_mem>>)
    %mul3A_184 = arith.constant 640 : i32
    %mul3A_185 = arith.muli %arg1, %mul3A_184 : i32
    %add3A_186 = arith.constant 320 : i32
    %add3A_187 = arith.addi %mul3A_185, %add3A_186 : i32
    %mul3A_188 = arith.constant 640 : i32
    %mul3A_189 = arith.muli %arg1, %mul3A_188 : i32
    %add3A_190 = arith.constant 320 : i32
    %add3A_191 = arith.addi %mul3A_189, %add3A_190 : i32
    %dma_start3A_192 = arith.constant 0 : i32
    %dma_start3A_193 = tpu.memref_slice %arg5[%arg0, %add3A_191, %dma_start3A_192] : memref<2x10240x64xf32, #tpu.memory_space<hbm>> -> memref<1x64x64xf32, #tpu.memory_space<hbm>>
    %dma_start3A_194 = tpu.memref_squeeze %dma_start3A_193 : memref<1x64x64xf32, #tpu.memory_space<hbm>> -> memref<64x64xf32, #tpu.memory_space<hbm>>
    %dma_start3A_195 = arith.constant 0 : i32
    %dma_start3A_196 = tpu.memref_slice %arg10[%add3A_187, %dma_start3A_195] : memref<10240x64xf32, #tpu.memory_space<vmem_shared>> -> memref<64x64xf32, #tpu.memory_space<vmem_shared>>
    tpu.enqueue_dma source(%dma_start3A_196 : memref<64x64xf32, #tpu.memory_space<vmem_shared>>) target(%dma_start3A_194 : memref<64x64xf32, #tpu.memory_space<hbm>>) target_semaphore(%arg11 : memref<!tpu.dma_semaphore, #tpu.memory_space<semaphore_mem>>)
    %mul3A_197 = arith.constant 640 : i32
    %mul3A_198 = arith.muli %arg1, %mul3A_197 : i32
    %add3A_199 = arith.constant 384 : i32
    %add3A_200 = arith.addi %mul3A_198, %add3A_199 : i32
    %mul3A_201 = arith.constant 640 : i32
    %mul3A_202 = arith.muli %arg1, %mul3A_201 : i32
    %add3A_203 = arith.constant 384 : i32
    %add3A_204 = arith.addi %mul3A_202, %add3A_203 : i32
    %dma_start3A_205 = arith.constant 0 : i32
    %dma_start3A_206 = tpu.memref_slice %arg5[%arg0, %add3A_204, %dma_start3A_205] : memref<2x10240x64xf32, #tpu.memory_space<hbm>> -> memref<1x64x64xf32, #tpu.memory_space<hbm>>
    %dma_start3A_207 = tpu.memref_squeeze %dma_start3A_206 : memref<1x64x64xf32, #tpu.memory_space<hbm>> -> memref<64x64xf32, #tpu.memory_space<hbm>>
    %dma_start3A_208 = arith.constant 0 : i32
    %dma_start3A_209 = tpu.memref_slice %arg10[%add3A_200, %dma_start3A_208] : memref<10240x64xf32, #tpu.memory_space<vmem_shared>> -> memref<64x64xf32, #tpu.memory_space<vmem_shared>>
    tpu.enqueue_dma source(%dma_start3A_209 : memref<64x64xf32, #tpu.memory_space<vmem_shared>>) target(%dma_start3A_207 : memref<64x64xf32, #tpu.memory_space<hbm>>) target_semaphore(%arg11 : memref<!tpu.dma_semaphore, #tpu.memory_space<semaphore_mem>>)
    %mul3A_210 = arith.constant 640 : i32
    %mul3A_211 = arith.muli %arg1, %mul3A_210 : i32
    %add3A_212 = arith.constant 448 : i32
    %add3A_213 = arith.addi %mul3A_211, %add3A_212 : i32
    %mul3A_214 = arith.constant 640 : i32
    %mul3A_215 = arith.muli %arg1, %mul3A_214 : i32
    %add3A_216 = arith.constant 448 : i32
    %add3A_217 = arith.addi %mul3A_215, %add3A_216 : i32
    %dma_start3A_218 = arith.constant 0 : i32
    %dma_start3A_219 = tpu.memref_slice %arg5[%arg0, %add3A_217, %dma_start3A_218] : memref<2x10240x64xf32, #tpu.memory_space<hbm>> -> memref<1x64x64xf32, #tpu.memory_space<hbm>>
    %dma_start3A_220 = tpu.memref_squeeze %dma_start3A_219 : memref<1x64x64xf32, #tpu.memory_space<hbm>> -> memref<64x64xf32, #tpu.memory_space<hbm>>
    %dma_start3A_221 = arith.constant 0 : i32
    %dma_start3A_222 = tpu.memref_slice %arg10[%add3A_213, %dma_start3A_221] : memref<10240x64xf32, #tpu.memory_space<vmem_shared>> -> memref<64x64xf32, #tpu.memory_space<vmem_shared>>
    tpu.enqueue_dma source(%dma_start3A_222 : memref<64x64xf32, #tpu.memory_space<vmem_shared>>) target(%dma_start3A_220 : memref<64x64xf32, #tpu.memory_space<hbm>>) target_semaphore(%arg11 : memref<!tpu.dma_semaphore, #tpu.memory_space<semaphore_mem>>)
    %mul3A_223 = arith.constant 640 : i32
    %mul3A_224 = arith.muli %arg1, %mul3A_223 : i32
    %add3A_225 = arith.constant 512 : i32
    %add3A_226 = arith.addi %mul3A_224, %add3A_225 : i32
    %mul3A_227 = arith.constant 640 : i32
    %mul3A_228 = arith.muli %arg1, %mul3A_227 : i32
    %add3A_229 = arith.constant 512 : i32
    %add3A_230 = arith.addi %mul3A_228, %add3A_229 : i32
    %dma_start3A_231 = arith.constant 0 : i32
    %dma_start3A_232 = tpu.memref_slice %arg5[%arg0, %add3A_230, %dma_start3A_231] : memref<2x10240x64xf32, #tpu.memory_space<hbm>> -> memref<1x64x64xf32, #tpu.memory_space<hbm>>
    %dma_start3A_233 = tpu.memref_squeeze %dma_start3A_232 : memref<1x64x64xf32, #tpu.memory_space<hbm>> -> memref<64x64xf32, #tpu.memory_space<hbm>>
    %dma_start3A_234 = arith.constant 0 : i32
    %dma_start3A_235 = tpu.memref_slice %arg10[%add3A_226, %dma_start3A_234] : memref<10240x64xf32, #tpu.memory_space<vmem_shared>> -> memref<64x64xf32, #tpu.memory_space<vmem_shared>>
    tpu.enqueue_dma source(%dma_start3A_235 : memref<64x64xf32, #tpu.memory_space<vmem_shared>>) target(%dma_start3A_233 : memref<64x64xf32, #tpu.memory_space<hbm>>) target_semaphore(%arg11 : memref<!tpu.dma_semaphore, #tpu.memory_space<semaphore_mem>>)
    %mul3A_236 = arith.constant 640 : i32
    %mul3A_237 = arith.muli %arg1, %mul3A_236 : i32
    %add3A_238 = arith.constant 576 : i32
    %add3A_239 = arith.addi %mul3A_237, %add3A_238 : i32
    %mul3A_240 = arith.constant 640 : i32
    %mul3A_241 = arith.muli %arg1, %mul3A_240 : i32
    %add3A_242 = arith.constant 576 : i32
    %add3A_243 = arith.addi %mul3A_241, %add3A_242 : i32
    %dma_start3A_244 = arith.constant 0 : i32
    %dma_start3A_245 = tpu.memref_slice %arg5[%arg0, %add3A_243, %dma_start3A_244] : memref<2x10240x64xf32, #tpu.memory_space<hbm>> -> memref<1x64x64xf32, #tpu.memory_space<hbm>>
    %dma_start3A_246 = tpu.memref_squeeze %dma_start3A_245 : memref<1x64x64xf32, #tpu.memory_space<hbm>> -> memref<64x64xf32, #tpu.memory_space<hbm>>
    %dma_start3A_247 = arith.constant 0 : i32
    %dma_start3A_248 = tpu.memref_slice %arg10[%add3A_239, %dma_start3A_247] : memref<10240x64xf32, #tpu.memory_space<vmem_shared>> -> memref<64x64xf32, #tpu.memory_space<vmem_shared>>
    tpu.enqueue_dma source(%dma_start3A_248 : memref<64x64xf32, #tpu.memory_space<vmem_shared>>) target(%dma_start3A_246 : memref<64x64xf32, #tpu.memory_space<hbm>>) target_semaphore(%arg11 : memref<!tpu.dma_semaphore, #tpu.memory_space<semaphore_mem>>)
    %mul3A_249 = arith.constant 640 : i32
    %mul3A_250 = arith.muli %arg1, %mul3A_249 : i32
    %add3A_251 = arith.constant 0 : i32
    %add3A_252 = arith.addi %mul3A_250, %add3A_251 : i32
    %mul3A_253 = arith.constant 640 : i32
    %mul3A_254 = arith.muli %arg1, %mul3A_253 : i32
    %add3A_255 = arith.constant 0 : i32
    %add3A_256 = arith.addi %mul3A_254, %add3A_255 : i32
    %dma_wait3A_257 = arith.constant 0 : i32
    %dma_wait3A_258 = tpu.memref_slice %arg5[%arg0, %add3A_256, %dma_wait3A_257] : memref<2x10240x64xf32, #tpu.memory_space<hbm>> -> memref<1x64x64xf32, #tpu.memory_space<hbm>>
    %dma_wait3A_259 = tpu.memref_squeeze %dma_wait3A_258 : memref<1x64x64xf32, #tpu.memory_space<hbm>> -> memref<64x64xf32, #tpu.memory_space<hbm>>
    %dma_wait3A_260 = arith.constant 0 : i32
    %dma_wait3A_261 = tpu.memref_slice %arg10[%add3A_252, %dma_wait3A_260] : memref<10240x64xf32, #tpu.memory_space<vmem_shared>> -> memref<64x64xf32, #tpu.memory_space<vmem_shared>>
    tpu.wait_dma2 semaphore(%arg11 : memref<!tpu.dma_semaphore, #tpu.memory_space<semaphore_mem>>) src(%dma_wait3A_261 : memref<64x64xf32, #tpu.memory_space<vmem_shared>>) dst(%dma_wait3A_259 : memref<64x64xf32, #tpu.memory_space<hbm>>)
    %mul3A_262 = arith.constant 640 : i32
    %mul3A_263 = arith.muli %arg1, %mul3A_262 : i32
    %add3A_264 = arith.constant 64 : i32
    %add3A_265 = arith.addi %mul3A_263, %add3A_264 : i32
    %mul3A_266 = arith.constant 640 : i32
    %mul3A_267 = arith.muli %arg1, %mul3A_266 : i32
    %add3A_268 = arith.constant 64 : i32
    %add3A_269 = arith.addi %mul3A_267, %add3A_268 : i32
    %dma_wait3A_270 = arith.constant 0 : i32
    %dma_wait3A_271 = tpu.memref_slice %arg5[%arg0, %add3A_269, %dma_wait3A_270] : memref<2x10240x64xf32, #tpu.memory_space<hbm>> -> memref<1x64x64xf32, #tpu.memory_space<hbm>>
    %dma_wait3A_272 = tpu.memref_squeeze %dma_wait3A_271 : memref<1x64x64xf32, #tpu.memory_space<hbm>> -> memref<64x64xf32, #tpu.memory_space<hbm>>
    %dma_wait3A_273 = arith.constant 0 : i32
    %dma_wait3A_274 = tpu.memref_slice %arg10[%add3A_265, %dma_wait3A_273] : memref<10240x64xf32, #tpu.memory_space<vmem_shared>> -> memref<64x64xf32, #tpu.memory_space<vmem_shared>>
    tpu.wait_dma2 semaphore(%arg11 : memref<!tpu.dma_semaphore, #tpu.memory_space<semaphore_mem>>) src(%dma_wait3A_274 : memref<64x64xf32, #tpu.memory_space<vmem_shared>>) dst(%dma_wait3A_272 : memref<64x64xf32, #tpu.memory_space<hbm>>)
    %mul3A_275 = arith.constant 640 : i32
    %mul3A_276 = arith.muli %arg1, %mul3A_275 : i32
    %add3A_277 = arith.constant 128 : i32
    %add3A_278 = arith.addi %mul3A_276, %add3A_277 : i32
    %mul3A_279 = arith.constant 640 : i32
    %mul3A_280 = arith.muli %arg1, %mul3A_279 : i32
    %add3A_281 = arith.constant 128 : i32
    %add3A_282 = arith.addi %mul3A_280, %add3A_281 : i32
    %dma_wait3A_283 = arith.constant 0 : i32
    %dma_wait3A_284 = tpu.memref_slice %arg5[%arg0, %add3A_282, %dma_wait3A_283] : memref<2x10240x64xf32, #tpu.memory_space<hbm>> -> memref<1x64x64xf32, #tpu.memory_space<hbm>>
    %dma_wait3A_285 = tpu.memref_squeeze %dma_wait3A_284 : memref<1x64x64xf32, #tpu.memory_space<hbm>> -> memref<64x64xf32, #tpu.memory_space<hbm>>
    %dma_wait3A_286 = arith.constant 0 : i32
    %dma_wait3A_287 = tpu.memref_slice %arg10[%add3A_278, %dma_wait3A_286] : memref<10240x64xf32, #tpu.memory_space<vmem_shared>> -> memref<64x64xf32, #tpu.memory_space<vmem_shared>>
    tpu.wait_dma2 semaphore(%arg11 : memref<!tpu.dma_semaphore, #tpu.memory_space<semaphore_mem>>) src(%dma_wait3A_287 : memref<64x64xf32, #tpu.memory_space<vmem_shared>>) dst(%dma_wait3A_285 : memref<64x64xf32, #tpu.memory_space<hbm>>)
    %mul3A_288 = arith.constant 640 : i32
    %mul3A_289 = arith.muli %arg1, %mul3A_288 : i32
    %add3A_290 = arith.constant 192 : i32
    %add3A_291 = arith.addi %mul3A_289, %add3A_290 : i32
    %mul3A_292 = arith.constant 640 : i32
    %mul3A_293 = arith.muli %arg1, %mul3A_292 : i32
    %add3A_294 = arith.constant 192 : i32
    %add3A_295 = arith.addi %mul3A_293, %add3A_294 : i32
    %dma_wait3A_296 = arith.constant 0 : i32
    %dma_wait3A_297 = tpu.memref_slice %arg5[%arg0, %add3A_295, %dma_wait3A_296] : memref<2x10240x64xf32, #tpu.memory_space<hbm>> -> memref<1x64x64xf32, #tpu.memory_space<hbm>>
    %dma_wait3A_298 = tpu.memref_squeeze %dma_wait3A_297 : memref<1x64x64xf32, #tpu.memory_space<hbm>> -> memref<64x64xf32, #tpu.memory_space<hbm>>
    %dma_wait3A_299 = arith.constant 0 : i32
    %dma_wait3A_300 = tpu.memref_slice %arg10[%add3A_291, %dma_wait3A_299] : memref<10240x64xf32, #tpu.memory_space<vmem_shared>> -> memref<64x64xf32, #tpu.memory_space<vmem_shared>>
    tpu.wait_dma2 semaphore(%arg11 : memref<!tpu.dma_semaphore, #tpu.memory_space<semaphore_mem>>) src(%dma_wait3A_300 : memref<64x64xf32, #tpu.memory_space<vmem_shared>>) dst(%dma_wait3A_298 : memref<64x64xf32, #tpu.memory_space<hbm>>)
    %mul3A_301 = arith.constant 640 : i32
    %mul3A_302 = arith.muli %arg1, %mul3A_301 : i32
    %add3A_303 = arith.constant 256 : i32
    %add3A_304 = arith.addi %mul3A_302, %add3A_303 : i32
    %mul3A_305 = arith.constant 640 : i32
    %mul3A_306 = arith.muli %arg1, %mul3A_305 : i32
    %add3A_307 = arith.constant 256 : i32
    %add3A_308 = arith.addi %mul3A_306, %add3A_307 : i32
    %dma_wait3A_309 = arith.constant 0 : i32
    %dma_wait3A_310 = tpu.memref_slice %arg5[%arg0, %add3A_308, %dma_wait3A_309] : memref<2x10240x64xf32, #tpu.memory_space<hbm>> -> memref<1x64x64xf32, #tpu.memory_space<hbm>>
    %dma_wait3A_311 = tpu.memref_squeeze %dma_wait3A_310 : memref<1x64x64xf32, #tpu.memory_space<hbm>> -> memref<64x64xf32, #tpu.memory_space<hbm>>
    %dma_wait3A_312 = arith.constant 0 : i32
    %dma_wait3A_313 = tpu.memref_slice %arg10[%add3A_304, %dma_wait3A_312] : memref<10240x64xf32, #tpu.memory_space<vmem_shared>> -> memref<64x64xf32, #tpu.memory_space<vmem_shared>>
    tpu.wait_dma2 semaphore(%arg11 : memref<!tpu.dma_semaphore, #tpu.memory_space<semaphore_mem>>) src(%dma_wait3A_313 : memref<64x64xf32, #tpu.memory_space<vmem_shared>>) dst(%dma_wait3A_311 : memref<64x64xf32, #tpu.memory_space<hbm>>)
    %mul3A_314 = arith.constant 640 : i32
    %mul3A_315 = arith.muli %arg1, %mul3A_314 : i32
    %add3A_316 = arith.constant 320 : i32
    %add3A_317 = arith.addi %mul3A_315, %add3A_316 : i32
    %mul3A_318 = arith.constant 640 : i32
    %mul3A_319 = arith.muli %arg1, %mul3A_318 : i32
    %add3A_320 = arith.constant 320 : i32
    %add3A_321 = arith.addi %mul3A_319, %add3A_320 : i32
    %dma_wait3A_322 = arith.constant 0 : i32
    %dma_wait3A_323 = tpu.memref_slice %arg5[%arg0, %add3A_321, %dma_wait3A_322] : memref<2x10240x64xf32, #tpu.memory_space<hbm>> -> memref<1x64x64xf32, #tpu.memory_space<hbm>>
    %dma_wait3A_324 = tpu.memref_squeeze %dma_wait3A_323 : memref<1x64x64xf32, #tpu.memory_space<hbm>> -> memref<64x64xf32, #tpu.memory_space<hbm>>
    %dma_wait3A_325 = arith.constant 0 : i32
    %dma_wait3A_326 = tpu.memref_slice %arg10[%add3A_317, %dma_wait3A_325] : memref<10240x64xf32, #tpu.memory_space<vmem_shared>> -> memref<64x64xf32, #tpu.memory_space<vmem_shared>>
    tpu.wait_dma2 semaphore(%arg11 : memref<!tpu.dma_semaphore, #tpu.memory_space<semaphore_mem>>) src(%dma_wait3A_326 : memref<64x64xf32, #tpu.memory_space<vmem_shared>>) dst(%dma_wait3A_324 : memref<64x64xf32, #tpu.memory_space<hbm>>)
    %mul3A_327 = arith.constant 640 : i32
    %mul3A_328 = arith.muli %arg1, %mul3A_327 : i32
    %add3A_329 = arith.constant 384 : i32
    %add3A_330 = arith.addi %mul3A_328, %add3A_329 : i32
    %mul3A_331 = arith.constant 640 : i32
    %mul3A_332 = arith.muli %arg1, %mul3A_331 : i32
    %add3A_333 = arith.constant 384 : i32
    %add3A_334 = arith.addi %mul3A_332, %add3A_333 : i32
    %dma_wait3A_335 = arith.constant 0 : i32
    %dma_wait3A_336 = tpu.memref_slice %arg5[%arg0, %add3A_334, %dma_wait3A_335] : memref<2x10240x64xf32, #tpu.memory_space<hbm>> -> memref<1x64x64xf32, #tpu.memory_space<hbm>>
    %dma_wait3A_337 = tpu.memref_squeeze %dma_wait3A_336 : memref<1x64x64xf32, #tpu.memory_space<hbm>> -> memref<64x64xf32, #tpu.memory_space<hbm>>
    %dma_wait3A_338 = arith.constant 0 : i32
    %dma_wait3A_339 = tpu.memref_slice %arg10[%add3A_330, %dma_wait3A_338] : memref<10240x64xf32, #tpu.memory_space<vmem_shared>> -> memref<64x64xf32, #tpu.memory_space<vmem_shared>>
    tpu.wait_dma2 semaphore(%arg11 : memref<!tpu.dma_semaphore, #tpu.memory_space<semaphore_mem>>) src(%dma_wait3A_339 : memref<64x64xf32, #tpu.memory_space<vmem_shared>>) dst(%dma_wait3A_337 : memref<64x64xf32, #tpu.memory_space<hbm>>)
    %mul3A_340 = arith.constant 640 : i32
    %mul3A_341 = arith.muli %arg1, %mul3A_340 : i32
    %add3A_342 = arith.constant 448 : i32
    %add3A_343 = arith.addi %mul3A_341, %add3A_342 : i32
    %mul3A_344 = arith.constant 640 : i32
    %mul3A_345 = arith.muli %arg1, %mul3A_344 : i32
    %add3A_346 = arith.constant 448 : i32
    %add3A_347 = arith.addi %mul3A_345, %add3A_346 : i32
    %dma_wait3A_348 = arith.constant 0 : i32
    %dma_wait3A_349 = tpu.memref_slice %arg5[%arg0, %add3A_347, %dma_wait3A_348] : memref<2x10240x64xf32, #tpu.memory_space<hbm>> -> memref<1x64x64xf32, #tpu.memory_space<hbm>>
    %dma_wait3A_350 = tpu.memref_squeeze %dma_wait3A_349 : memref<1x64x64xf32, #tpu.memory_space<hbm>> -> memref<64x64xf32, #tpu.memory_space<hbm>>
    %dma_wait3A_351 = arith.constant 0 : i32
    %dma_wait3A_352 = tpu.memref_slice %arg10[%add3A_343, %dma_wait3A_351] : memref<10240x64xf32, #tpu.memory_space<vmem_shared>> -> memref<64x64xf32, #tpu.memory_space<vmem_shared>>
    tpu.wait_dma2 semaphore(%arg11 : memref<!tpu.dma_semaphore, #tpu.memory_space<semaphore_mem>>) src(%dma_wait3A_352 : memref<64x64xf32, #tpu.memory_space<vmem_shared>>) dst(%dma_wait3A_350 : memref<64x64xf32, #tpu.memory_space<hbm>>)
    %mul3A_353 = arith.constant 640 : i32
    %mul3A_354 = arith.muli %arg1, %mul3A_353 : i32
    %add3A_355 = arith.constant 512 : i32
    %add3A_356 = arith.addi %mul3A_354, %add3A_355 : i32
    %mul3A_357 = arith.constant 640 : i32
    %mul3A_358 = arith.muli %arg1, %mul3A_357 : i32
    %add3A_359 = arith.constant 512 : i32
    %add3A_360 = arith.addi %mul3A_358, %add3A_359 : i32
    %dma_wait3A_361 = arith.constant 0 : i32
    %dma_wait3A_362 = tpu.memref_slice %arg5[%arg0, %add3A_360, %dma_wait3A_361] : memref<2x10240x64xf32, #tpu.memory_space<hbm>> -> memref<1x64x64xf32, #tpu.memory_space<hbm>>
    %dma_wait3A_363 = tpu.memref_squeeze %dma_wait3A_362 : memref<1x64x64xf32, #tpu.memory_space<hbm>> -> memref<64x64xf32, #tpu.memory_space<hbm>>
    %dma_wait3A_364 = arith.constant 0 : i32
    %dma_wait3A_365 = tpu.memref_slice %arg10[%add3A_356, %dma_wait3A_364] : memref<10240x64xf32, #tpu.memory_space<vmem_shared>> -> memref<64x64xf32, #tpu.memory_space<vmem_shared>>
    tpu.wait_dma2 semaphore(%arg11 : memref<!tpu.dma_semaphore, #tpu.memory_space<semaphore_mem>>) src(%dma_wait3A_365 : memref<64x64xf32, #tpu.memory_space<vmem_shared>>) dst(%dma_wait3A_363 : memref<64x64xf32, #tpu.memory_space<hbm>>)
    %mul3A_366 = arith.constant 640 : i32
    %mul3A_367 = arith.muli %arg1, %mul3A_366 : i32
    %add3A_368 = arith.constant 576 : i32
    %add3A_369 = arith.addi %mul3A_367, %add3A_368 : i32
    %mul3A_370 = arith.constant 640 : i32
    %mul3A_371 = arith.muli %arg1, %mul3A_370 : i32
    %add3A_372 = arith.constant 576 : i32
    %add3A_373 = arith.addi %mul3A_371, %add3A_372 : i32
    %dma_wait3A_374 = arith.constant 0 : i32
    %dma_wait3A_375 = tpu.memref_slice %arg5[%arg0, %add3A_373, %dma_wait3A_374] : memref<2x10240x64xf32, #tpu.memory_space<hbm>> -> memref<1x64x64xf32, #tpu.memory_space<hbm>>
    %dma_wait3A_376 = tpu.memref_squeeze %dma_wait3A_375 : memref<1x64x64xf32, #tpu.memory_space<hbm>> -> memref<64x64xf32, #tpu.memory_space<hbm>>
    %dma_wait3A_377 = arith.constant 0 : i32
    %dma_wait3A_378 = tpu.memref_slice %arg10[%add3A_369, %dma_wait3A_377] : memref<10240x64xf32, #tpu.memory_space<vmem_shared>> -> memref<64x64xf32, #tpu.memory_space<vmem_shared>>
    tpu.wait_dma2 semaphore(%arg11 : memref<!tpu.dma_semaphore, #tpu.memory_space<semaphore_mem>>) src(%dma_wait3A_378 : memref<64x64xf32, #tpu.memory_space<vmem_shared>>) dst(%dma_wait3A_376 : memref<64x64xf32, #tpu.memory_space<hbm>>)
    return
  }
}

#map = affine_map<(d0, d1) -> (0, 0, 0)>
module attributes {stable_mosaic.version = 14 : i64} {
  func.func @_deg_body(%arg0: i32, %arg1: i32, %arg2: memref<32x80x128xi32, #tpu.memory_space<hbm>>, %arg3: memref<32x80x128xi32, #tpu.memory_space<hbm>>, %arg4: memref<2x2x10240xf32, #tpu.memory_space<hbm>>, %arg5: memref<80x128xi32, #tpu.memory_space<vmem>>, %arg6: memref<80x128xi32, #tpu.memory_space<vmem>>, %arg7: memref<128xf32, #tpu.memory_space<vmem>>, %arg8: memref<640xf32, #tpu.memory_space<vmem>>, %arg9: memref<10240xf32, #tpu.memory_space<vmem_shared>>, %arg10: memref<10240xf32, #tpu.memory_space<vmem_shared>>, %arg11: memref<!tpu.dma_semaphore, #tpu.memory_space<semaphore_mem>>, %arg12: memref<!tpu.dma_semaphore, #tpu.memory_space<semaphore_mem>>) attributes {dimension_semantics = [#tpu.dimension_semantics<core_parallel>, #tpu.dimension_semantics<subcore_parallel>], iteration_bounds = array<i64: 2, 16>, scalar_prefetch = 0 : i64, scratch_operands = 8 : i64, tpu.core_type = #tpu.core_type<sc_vector_subcore>, window_params = [{transform_indices = #map}, {transform_indices = #map}, {transform_indices = #map}]} {
    %mul3A = arith.constant 16 : i32
    %mul3A_0 = arith.muli %arg0, %mul3A : i32
    %add3A = arith.addi %mul3A_0, %arg1 : i32
    "tpu.region"() ({
      %run_scoped3A_305 = tpu.sem_alloc : memref<!tpu.dma_semaphore, #tpu.memory_space<semaphore_mem>>
      %dma_start3A = arith.constant 0 : i32
      %dma_start3A_306 = arith.constant 0 : i32
      %dma_start3A_307 = tpu.memref_slice %arg2[%add3A, %dma_start3A, %dma_start3A_306] : memref<32x80x128xi32, #tpu.memory_space<hbm>> -> memref<1x80x128xi32, #tpu.memory_space<hbm>>
      %dma_start3A_308 = tpu.memref_squeeze %dma_start3A_307 : memref<1x80x128xi32, #tpu.memory_space<hbm>> -> memref<80x128xi32, #tpu.memory_space<hbm>>
      %dma_start3A_309 = arith.constant 0 : i32
      %dma_start3A_310 = arith.constant 0 : i32
      %dma_start3A_311 = tpu.memref_slice %arg2[%add3A, %dma_start3A_309, %dma_start3A_310] : memref<32x80x128xi32, #tpu.memory_space<hbm>> -> memref<1x80x128xi32, #tpu.memory_space<hbm>>
      %dma_start3A_312 = tpu.memref_squeeze %dma_start3A_311 : memref<1x80x128xi32, #tpu.memory_space<hbm>> -> memref<80x128xi32, #tpu.memory_space<hbm>>
      tpu.enqueue_dma source(%dma_start3A_312 : memref<80x128xi32, #tpu.memory_space<hbm>>) target(%arg5 : memref<80x128xi32, #tpu.memory_space<vmem>>) target_semaphore(%run_scoped3A_305 : memref<!tpu.dma_semaphore, #tpu.memory_space<semaphore_mem>>)
      %dma_wait3A = arith.constant 0 : i32
      %dma_wait3A_313 = arith.constant 0 : i32
      %dma_wait3A_314 = tpu.memref_slice %arg2[%add3A, %dma_wait3A, %dma_wait3A_313] : memref<32x80x128xi32, #tpu.memory_space<hbm>> -> memref<1x80x128xi32, #tpu.memory_space<hbm>>
      %dma_wait3A_315 = tpu.memref_squeeze %dma_wait3A_314 : memref<1x80x128xi32, #tpu.memory_space<hbm>> -> memref<80x128xi32, #tpu.memory_space<hbm>>
      %dma_wait3A_316 = arith.constant 0 : i32
      %dma_wait3A_317 = arith.constant 0 : i32
      %dma_wait3A_318 = tpu.memref_slice %arg2[%add3A, %dma_wait3A_316, %dma_wait3A_317] : memref<32x80x128xi32, #tpu.memory_space<hbm>> -> memref<1x80x128xi32, #tpu.memory_space<hbm>>
      %dma_wait3A_319 = tpu.memref_squeeze %dma_wait3A_318 : memref<1x80x128xi32, #tpu.memory_space<hbm>> -> memref<80x128xi32, #tpu.memory_space<hbm>>
      tpu.wait_dma2 semaphore(%run_scoped3A_305 : memref<!tpu.dma_semaphore, #tpu.memory_space<semaphore_mem>>) src(%dma_wait3A_319 : memref<80x128xi32, #tpu.memory_space<hbm>>) dst(%arg5 : memref<80x128xi32, #tpu.memory_space<vmem>>)
      tpu.yield
    }) : () -> ()
    "tpu.region"() ({
      %run_scoped3A_305 = tpu.sem_alloc : memref<!tpu.dma_semaphore, #tpu.memory_space<semaphore_mem>>
      %dma_start3A = arith.constant 0 : i32
      %dma_start3A_306 = arith.constant 0 : i32
      %dma_start3A_307 = tpu.memref_slice %arg3[%add3A, %dma_start3A, %dma_start3A_306] : memref<32x80x128xi32, #tpu.memory_space<hbm>> -> memref<1x80x128xi32, #tpu.memory_space<hbm>>
      %dma_start3A_308 = tpu.memref_squeeze %dma_start3A_307 : memref<1x80x128xi32, #tpu.memory_space<hbm>> -> memref<80x128xi32, #tpu.memory_space<hbm>>
      %dma_start3A_309 = arith.constant 0 : i32
      %dma_start3A_310 = arith.constant 0 : i32
      %dma_start3A_311 = tpu.memref_slice %arg3[%add3A, %dma_start3A_309, %dma_start3A_310] : memref<32x80x128xi32, #tpu.memory_space<hbm>> -> memref<1x80x128xi32, #tpu.memory_space<hbm>>
      %dma_start3A_312 = tpu.memref_squeeze %dma_start3A_311 : memref<1x80x128xi32, #tpu.memory_space<hbm>> -> memref<80x128xi32, #tpu.memory_space<hbm>>
      tpu.enqueue_dma source(%dma_start3A_312 : memref<80x128xi32, #tpu.memory_space<hbm>>) target(%arg6 : memref<80x128xi32, #tpu.memory_space<vmem>>) target_semaphore(%run_scoped3A_305 : memref<!tpu.dma_semaphore, #tpu.memory_space<semaphore_mem>>)
      %dma_wait3A = arith.constant 0 : i32
      %dma_wait3A_313 = arith.constant 0 : i32
      %dma_wait3A_314 = tpu.memref_slice %arg3[%add3A, %dma_wait3A, %dma_wait3A_313] : memref<32x80x128xi32, #tpu.memory_space<hbm>> -> memref<1x80x128xi32, #tpu.memory_space<hbm>>
      %dma_wait3A_315 = tpu.memref_squeeze %dma_wait3A_314 : memref<1x80x128xi32, #tpu.memory_space<hbm>> -> memref<80x128xi32, #tpu.memory_space<hbm>>
      %dma_wait3A_316 = arith.constant 0 : i32
      %dma_wait3A_317 = arith.constant 0 : i32
      %dma_wait3A_318 = tpu.memref_slice %arg3[%add3A, %dma_wait3A_316, %dma_wait3A_317] : memref<32x80x128xi32, #tpu.memory_space<hbm>> -> memref<1x80x128xi32, #tpu.memory_space<hbm>>
      %dma_wait3A_319 = tpu.memref_squeeze %dma_wait3A_318 : memref<1x80x128xi32, #tpu.memory_space<hbm>> -> memref<80x128xi32, #tpu.memory_space<hbm>>
      tpu.wait_dma2 semaphore(%run_scoped3A_305 : memref<!tpu.dma_semaphore, #tpu.memory_space<semaphore_mem>>) src(%dma_wait3A_319 : memref<80x128xi32, #tpu.memory_space<hbm>>) dst(%arg6 : memref<80x128xi32, #tpu.memory_space<vmem>>)
      tpu.yield
    }) : () -> ()
    %broadcast_in_dim3A = arith.constant 1.000000e+00 : f32
    %broadcast_in_dim3A_1 = vector.broadcast %broadcast_in_dim3A : f32 to vector<16xf32>
    %swap3A = arith.constant 0 : index
    %swap3A_2 = tpu.vector_load %arg7[%swap3A] {strides = array<i32>} : memref<128xf32, #tpu.memory_space<vmem>>, vector<16xf32>,
    %swap3A_3 = vector.shape_cast %swap3A_2 : vector<16xf32> to vector<16xf32>
    %swap3A_4 = vector.shape_cast %broadcast_in_dim3A_1 : vector<16xf32> to vector<16xf32>
    tpu.vector_store %arg7[%swap3A], %swap3A_4 {strides = array<i32>} : memref<128xf32, #tpu.memory_space<vmem>>, vector<16xf32>,
    %broadcast_in_dim3A_5 = arith.constant 1.000000e+00 : f32
    %broadcast_in_dim3A_6 = vector.broadcast %broadcast_in_dim3A_5 : f32 to vector<16xf32>
    %swap3A_7 = arith.constant 16 : index
    %swap3A_8 = tpu.vector_load %arg7[%swap3A_7] {strides = array<i32>} : memref<128xf32, #tpu.memory_space<vmem>>, vector<16xf32>,
    %swap3A_9 = vector.shape_cast %swap3A_8 : vector<16xf32> to vector<16xf32>
    %swap3A_10 = vector.shape_cast %broadcast_in_dim3A_6 : vector<16xf32> to vector<16xf32>
    tpu.vector_store %arg7[%swap3A_7], %swap3A_10 {strides = array<i32>} : memref<128xf32, #tpu.memory_space<vmem>>, vector<16xf32>,
    %broadcast_in_dim3A_11 = arith.constant 1.000000e+00 : f32
    %broadcast_in_dim3A_12 = vector.broadcast %broadcast_in_dim3A_11 : f32 to vector<16xf32>
    %swap3A_13 = arith.constant 32 : index
    %swap3A_14 = tpu.vector_load %arg7[%swap3A_13] {strides = array<i32>} : memref<128xf32, #tpu.memory_space<vmem>>, vector<16xf32>,
    %swap3A_15 = vector.shape_cast %swap3A_14 : vector<16xf32> to vector<16xf32>
    %swap3A_16 = vector.shape_cast %broadcast_in_dim3A_12 : vector<16xf32> to vector<16xf32>
    tpu.vector_store %arg7[%swap3A_13], %swap3A_16 {strides = array<i32>} : memref<128xf32, #tpu.memory_space<vmem>>, vector<16xf32>,
    %broadcast_in_dim3A_17 = arith.constant 1.000000e+00 : f32
    %broadcast_in_dim3A_18 = vector.broadcast %broadcast_in_dim3A_17 : f32 to vector<16xf32>
    %swap3A_19 = arith.constant 48 : index
    %swap3A_20 = tpu.vector_load %arg7[%swap3A_19] {strides = array<i32>} : memref<128xf32, #tpu.memory_space<vmem>>, vector<16xf32>,
    %swap3A_21 = vector.shape_cast %swap3A_20 : vector<16xf32> to vector<16xf32>
    %swap3A_22 = vector.shape_cast %broadcast_in_dim3A_18 : vector<16xf32> to vector<16xf32>
    tpu.vector_store %arg7[%swap3A_19], %swap3A_22 {strides = array<i32>} : memref<128xf32, #tpu.memory_space<vmem>>, vector<16xf32>,
    %broadcast_in_dim3A_23 = arith.constant 1.000000e+00 : f32
    %broadcast_in_dim3A_24 = vector.broadcast %broadcast_in_dim3A_23 : f32 to vector<16xf32>
    %swap3A_25 = arith.constant 64 : index
    %swap3A_26 = tpu.vector_load %arg7[%swap3A_25] {strides = array<i32>} : memref<128xf32, #tpu.memory_space<vmem>>, vector<16xf32>,
    %swap3A_27 = vector.shape_cast %swap3A_26 : vector<16xf32> to vector<16xf32>
    %swap3A_28 = vector.shape_cast %broadcast_in_dim3A_24 : vector<16xf32> to vector<16xf32>
    tpu.vector_store %arg7[%swap3A_25], %swap3A_28 {strides = array<i32>} : memref<128xf32, #tpu.memory_space<vmem>>, vector<16xf32>,
    %broadcast_in_dim3A_29 = arith.constant 1.000000e+00 : f32
    %broadcast_in_dim3A_30 = vector.broadcast %broadcast_in_dim3A_29 : f32 to vector<16xf32>
    %swap3A_31 = arith.constant 80 : index
    %swap3A_32 = tpu.vector_load %arg7[%swap3A_31] {strides = array<i32>} : memref<128xf32, #tpu.memory_space<vmem>>, vector<16xf32>,
    %swap3A_33 = vector.shape_cast %swap3A_32 : vector<16xf32> to vector<16xf32>
    %swap3A_34 = vector.shape_cast %broadcast_in_dim3A_30 : vector<16xf32> to vector<16xf32>
    tpu.vector_store %arg7[%swap3A_31], %swap3A_34 {strides = array<i32>} : memref<128xf32, #tpu.memory_space<vmem>>, vector<16xf32>,
    %broadcast_in_dim3A_35 = arith.constant 1.000000e+00 : f32
    %broadcast_in_dim3A_36 = vector.broadcast %broadcast_in_dim3A_35 : f32 to vector<16xf32>
    %swap3A_37 = arith.constant 96 : index
    %swap3A_38 = tpu.vector_load %arg7[%swap3A_37] {strides = array<i32>} : memref<128xf32, #tpu.memory_space<vmem>>, vector<16xf32>,
    %swap3A_39 = vector.shape_cast %swap3A_38 : vector<16xf32> to vector<16xf32>
    %swap3A_40 = vector.shape_cast %broadcast_in_dim3A_36 : vector<16xf32> to vector<16xf32>
    tpu.vector_store %arg7[%swap3A_37], %swap3A_40 {strides = array<i32>} : memref<128xf32, #tpu.memory_space<vmem>>, vector<16xf32>,
    %broadcast_in_dim3A_41 = arith.constant 1.000000e+00 : f32
    %broadcast_in_dim3A_42 = vector.broadcast %broadcast_in_dim3A_41 : f32 to vector<16xf32>
    %swap3A_43 = arith.constant 112 : index
    %swap3A_44 = tpu.vector_load %arg7[%swap3A_43] {strides = array<i32>} : memref<128xf32, #tpu.memory_space<vmem>>, vector<16xf32>,
    %swap3A_45 = vector.shape_cast %swap3A_44 : vector<16xf32> to vector<16xf32>
    %swap3A_46 = vector.shape_cast %broadcast_in_dim3A_42 : vector<16xf32> to vector<16xf32>
    tpu.vector_store %arg7[%swap3A_43], %swap3A_46 {strides = array<i32>} : memref<128xf32, #tpu.memory_space<vmem>>, vector<16xf32>,
    %broadcast_in_dim3A_47 = arith.constant 0.000000e+00 : f32
    %broadcast_in_dim3A_48 = vector.broadcast %broadcast_in_dim3A_47 : f32 to vector<16xf32>
    %swap3A_49 = arith.constant 0 : index
    %swap3A_50 = tpu.vector_load %arg8[%swap3A_49] {strides = array<i32>} : memref<640xf32, #tpu.memory_space<vmem>>, vector<16xf32>,
    %swap3A_51 = vector.shape_cast %swap3A_50 : vector<16xf32> to vector<16xf32>
    %swap3A_52 = vector.shape_cast %broadcast_in_dim3A_48 : vector<16xf32> to vector<16xf32>
    tpu.vector_store %arg8[%swap3A_49], %swap3A_52 {strides = array<i32>} : memref<640xf32, #tpu.memory_space<vmem>>, vector<16xf32>,
    %broadcast_in_dim3A_53 = arith.constant 0.000000e+00 : f32
    %broadcast_in_dim3A_54 = vector.broadcast %broadcast_in_dim3A_53 : f32 to vector<16xf32>
    %swap3A_55 = arith.constant 16 : index
    %swap3A_56 = tpu.vector_load %arg8[%swap3A_55] {strides = array<i32>} : memref<640xf32, #tpu.memory_space<vmem>>, vector<16xf32>,
    %swap3A_57 = vector.shape_cast %swap3A_56 : vector<16xf32> to vector<16xf32>
    %swap3A_58 = vector.shape_cast %broadcast_in_dim3A_54 : vector<16xf32> to vector<16xf32>
    tpu.vector_store %arg8[%swap3A_55], %swap3A_58 {strides = array<i32>} : memref<640xf32, #tpu.memory_space<vmem>>, vector<16xf32>,
    %broadcast_in_dim3A_59 = arith.constant 0.000000e+00 : f32
    %broadcast_in_dim3A_60 = vector.broadcast %broadcast_in_dim3A_59 : f32 to vector<16xf32>
    %swap3A_61 = arith.constant 32 : index
    %swap3A_62 = tpu.vector_load %arg8[%swap3A_61] {strides = array<i32>} : memref<640xf32, #tpu.memory_space<vmem>>, vector<16xf32>,
    %swap3A_63 = vector.shape_cast %swap3A_62 : vector<16xf32> to vector<16xf32>
    %swap3A_64 = vector.shape_cast %broadcast_in_dim3A_60 : vector<16xf32> to vector<16xf32>
    tpu.vector_store %arg8[%swap3A_61], %swap3A_64 {strides = array<i32>} : memref<640xf32, #tpu.memory_space<vmem>>, vector<16xf32>,
    %broadcast_in_dim3A_65 = arith.constant 0.000000e+00 : f32
    %broadcast_in_dim3A_66 = vector.broadcast %broadcast_in_dim3A_65 : f32 to vector<16xf32>
    %swap3A_67 = arith.constant 48 : index
    %swap3A_68 = tpu.vector_load %arg8[%swap3A_67] {strides = array<i32>} : memref<640xf32, #tpu.memory_space<vmem>>, vector<16xf32>,
    %swap3A_69 = vector.shape_cast %swap3A_68 : vector<16xf32> to vector<16xf32>
    %swap3A_70 = vector.shape_cast %broadcast_in_dim3A_66 : vector<16xf32> to vector<16xf32>
    tpu.vector_store %arg8[%swap3A_67], %swap3A_70 {strides = array<i32>} : memref<640xf32, #tpu.memory_space<vmem>>, vector<16xf32>,
    %broadcast_in_dim3A_71 = arith.constant 0.000000e+00 : f32
    %broadcast_in_dim3A_72 = vector.broadcast %broadcast_in_dim3A_71 : f32 to vector<16xf32>
    %swap3A_73 = arith.constant 64 : index
    %swap3A_74 = tpu.vector_load %arg8[%swap3A_73] {strides = array<i32>} : memref<640xf32, #tpu.memory_space<vmem>>, vector<16xf32>,
    %swap3A_75 = vector.shape_cast %swap3A_74 : vector<16xf32> to vector<16xf32>
    %swap3A_76 = vector.shape_cast %broadcast_in_dim3A_72 : vector<16xf32> to vector<16xf32>
    tpu.vector_store %arg8[%swap3A_73], %swap3A_76 {strides = array<i32>} : memref<640xf32, #tpu.memory_space<vmem>>, vector<16xf32>,
    %broadcast_in_dim3A_77 = arith.constant 0.000000e+00 : f32
    %broadcast_in_dim3A_78 = vector.broadcast %broadcast_in_dim3A_77 : f32 to vector<16xf32>
    %swap3A_79 = arith.constant 80 : index
    %swap3A_80 = tpu.vector_load %arg8[%swap3A_79] {strides = array<i32>} : memref<640xf32, #tpu.memory_space<vmem>>, vector<16xf32>,
    %swap3A_81 = vector.shape_cast %swap3A_80 : vector<16xf32> to vector<16xf32>
    %swap3A_82 = vector.shape_cast %broadcast_in_dim3A_78 : vector<16xf32> to vector<16xf32>
    tpu.vector_store %arg8[%swap3A_79], %swap3A_82 {strides = array<i32>} : memref<640xf32, #tpu.memory_space<vmem>>, vector<16xf32>,
    %broadcast_in_dim3A_83 = arith.constant 0.000000e+00 : f32
    %broadcast_in_dim3A_84 = vector.broadcast %broadcast_in_dim3A_83 : f32 to vector<16xf32>
    %swap3A_85 = arith.constant 96 : index
    %swap3A_86 = tpu.vector_load %arg8[%swap3A_85] {strides = array<i32>} : memref<640xf32, #tpu.memory_space<vmem>>, vector<16xf32>,
    %swap3A_87 = vector.shape_cast %swap3A_86 : vector<16xf32> to vector<16xf32>
    %swap3A_88 = vector.shape_cast %broadcast_in_dim3A_84 : vector<16xf32> to vector<16xf32>
    tpu.vector_store %arg8[%swap3A_85], %swap3A_88 {strides = array<i32>} : memref<640xf32, #tpu.memory_space<vmem>>, vector<16xf32>,
    %broadcast_in_dim3A_89 = arith.constant 0.000000e+00 : f32
    %broadcast_in_dim3A_90 = vector.broadcast %broadcast_in_dim3A_89 : f32 to vector<16xf32>
    %swap3A_91 = arith.constant 112 : index
    %swap3A_92 = tpu.vector_load %arg8[%swap3A_91] {strides = array<i32>} : memref<640xf32, #tpu.memory_space<vmem>>, vector<16xf32>,
    %swap3A_93 = vector.shape_cast %swap3A_92 : vector<16xf32> to vector<16xf32>
    %swap3A_94 = vector.shape_cast %broadcast_in_dim3A_90 : vector<16xf32> to vector<16xf32>
    tpu.vector_store %arg8[%swap3A_91], %swap3A_94 {strides = array<i32>} : memref<640xf32, #tpu.memory_space<vmem>>, vector<16xf32>,
    %broadcast_in_dim3A_95 = arith.constant 0.000000e+00 : f32
    %broadcast_in_dim3A_96 = vector.broadcast %broadcast_in_dim3A_95 : f32 to vector<16xf32>
    %swap3A_97 = arith.constant 128 : index
    %swap3A_98 = tpu.vector_load %arg8[%swap3A_97] {strides = array<i32>} : memref<640xf32, #tpu.memory_space<vmem>>, vector<16xf32>,
    %swap3A_99 = vector.shape_cast %swap3A_98 : vector<16xf32> to vector<16xf32>
    %swap3A_100 = vector.shape_cast %broadcast_in_dim3A_96 : vector<16xf32> to vector<16xf32>
    tpu.vector_store %arg8[%swap3A_97], %swap3A_100 {strides = array<i32>} : memref<640xf32, #tpu.memory_space<vmem>>, vector<16xf32>,
    %broadcast_in_dim3A_101 = arith.constant 0.000000e+00 : f32
    %broadcast_in_dim3A_102 = vector.broadcast %broadcast_in_dim3A_101 : f32 to vector<16xf32>
    %swap3A_103 = arith.constant 144 : index
    %swap3A_104 = tpu.vector_load %arg8[%swap3A_103] {strides = array<i32>} : memref<640xf32, #tpu.memory_space<vmem>>, vector<16xf32>,
    %swap3A_105 = vector.shape_cast %swap3A_104 : vector<16xf32> to vector<16xf32>
    %swap3A_106 = vector.shape_cast %broadcast_in_dim3A_102 : vector<16xf32> to vector<16xf32>
    tpu.vector_store %arg8[%swap3A_103], %swap3A_106 {strides = array<i32>} : memref<640xf32, #tpu.memory_space<vmem>>, vector<16xf32>,
    %broadcast_in_dim3A_107 = arith.constant 0.000000e+00 : f32
    %broadcast_in_dim3A_108 = vector.broadcast %broadcast_in_dim3A_107 : f32 to vector<16xf32>
    %swap3A_109 = arith.constant 160 : index
    %swap3A_110 = tpu.vector_load %arg8[%swap3A_109] {strides = array<i32>} : memref<640xf32, #tpu.memory_space<vmem>>, vector<16xf32>,
    %swap3A_111 = vector.shape_cast %swap3A_110 : vector<16xf32> to vector<16xf32>
    %swap3A_112 = vector.shape_cast %broadcast_in_dim3A_108 : vector<16xf32> to vector<16xf32>
    tpu.vector_store %arg8[%swap3A_109], %swap3A_112 {strides = array<i32>} : memref<640xf32, #tpu.memory_space<vmem>>, vector<16xf32>,
    %broadcast_in_dim3A_113 = arith.constant 0.000000e+00 : f32
    %broadcast_in_dim3A_114 = vector.broadcast %broadcast_in_dim3A_113 : f32 to vector<16xf32>
    %swap3A_115 = arith.constant 176 : index
    %swap3A_116 = tpu.vector_load %arg8[%swap3A_115] {strides = array<i32>} : memref<640xf32, #tpu.memory_space<vmem>>, vector<16xf32>,
    %swap3A_117 = vector.shape_cast %swap3A_116 : vector<16xf32> to vector<16xf32>
    %swap3A_118 = vector.shape_cast %broadcast_in_dim3A_114 : vector<16xf32> to vector<16xf32>
    tpu.vector_store %arg8[%swap3A_115], %swap3A_118 {strides = array<i32>} : memref<640xf32, #tpu.memory_space<vmem>>, vector<16xf32>,
    %broadcast_in_dim3A_119 = arith.constant 0.000000e+00 : f32
    %broadcast_in_dim3A_120 = vector.broadcast %broadcast_in_dim3A_119 : f32 to vector<16xf32>
    %swap3A_121 = arith.constant 192 : index
    %swap3A_122 = tpu.vector_load %arg8[%swap3A_121] {strides = array<i32>} : memref<640xf32, #tpu.memory_space<vmem>>, vector<16xf32>,
    %swap3A_123 = vector.shape_cast %swap3A_122 : vector<16xf32> to vector<16xf32>
    %swap3A_124 = vector.shape_cast %broadcast_in_dim3A_120 : vector<16xf32> to vector<16xf32>
    tpu.vector_store %arg8[%swap3A_121], %swap3A_124 {strides = array<i32>} : memref<640xf32, #tpu.memory_space<vmem>>, vector<16xf32>,
    %broadcast_in_dim3A_125 = arith.constant 0.000000e+00 : f32
    %broadcast_in_dim3A_126 = vector.broadcast %broadcast_in_dim3A_125 : f32 to vector<16xf32>
    %swap3A_127 = arith.constant 208 : index
    %swap3A_128 = tpu.vector_load %arg8[%swap3A_127] {strides = array<i32>} : memref<640xf32, #tpu.memory_space<vmem>>, vector<16xf32>,
    %swap3A_129 = vector.shape_cast %swap3A_128 : vector<16xf32> to vector<16xf32>
    %swap3A_130 = vector.shape_cast %broadcast_in_dim3A_126 : vector<16xf32> to vector<16xf32>
    tpu.vector_store %arg8[%swap3A_127], %swap3A_130 {strides = array<i32>} : memref<640xf32, #tpu.memory_space<vmem>>, vector<16xf32>,
    %broadcast_in_dim3A_131 = arith.constant 0.000000e+00 : f32
    %broadcast_in_dim3A_132 = vector.broadcast %broadcast_in_dim3A_131 : f32 to vector<16xf32>
    %swap3A_133 = arith.constant 224 : index
    %swap3A_134 = tpu.vector_load %arg8[%swap3A_133] {strides = array<i32>} : memref<640xf32, #tpu.memory_space<vmem>>, vector<16xf32>,
    %swap3A_135 = vector.shape_cast %swap3A_134 : vector<16xf32> to vector<16xf32>
    %swap3A_136 = vector.shape_cast %broadcast_in_dim3A_132 : vector<16xf32> to vector<16xf32>
    tpu.vector_store %arg8[%swap3A_133], %swap3A_136 {strides = array<i32>} : memref<640xf32, #tpu.memory_space<vmem>>, vector<16xf32>,
    %broadcast_in_dim3A_137 = arith.constant 0.000000e+00 : f32
    %broadcast_in_dim3A_138 = vector.broadcast %broadcast_in_dim3A_137 : f32 to vector<16xf32>
    %swap3A_139 = arith.constant 240 : index
    %swap3A_140 = tpu.vector_load %arg8[%swap3A_139] {strides = array<i32>} : memref<640xf32, #tpu.memory_space<vmem>>, vector<16xf32>,
    %swap3A_141 = vector.shape_cast %swap3A_140 : vector<16xf32> to vector<16xf32>
    %swap3A_142 = vector.shape_cast %broadcast_in_dim3A_138 : vector<16xf32> to vector<16xf32>
    tpu.vector_store %arg8[%swap3A_139], %swap3A_142 {strides = array<i32>} : memref<640xf32, #tpu.memory_space<vmem>>, vector<16xf32>,
    %broadcast_in_dim3A_143 = arith.constant 0.000000e+00 : f32
    %broadcast_in_dim3A_144 = vector.broadcast %broadcast_in_dim3A_143 : f32 to vector<16xf32>
    %swap3A_145 = arith.constant 256 : index
    %swap3A_146 = tpu.vector_load %arg8[%swap3A_145] {strides = array<i32>} : memref<640xf32, #tpu.memory_space<vmem>>, vector<16xf32>,
    %swap3A_147 = vector.shape_cast %swap3A_146 : vector<16xf32> to vector<16xf32>
    %swap3A_148 = vector.shape_cast %broadcast_in_dim3A_144 : vector<16xf32> to vector<16xf32>
    tpu.vector_store %arg8[%swap3A_145], %swap3A_148 {strides = array<i32>} : memref<640xf32, #tpu.memory_space<vmem>>, vector<16xf32>,
    %broadcast_in_dim3A_149 = arith.constant 0.000000e+00 : f32
    %broadcast_in_dim3A_150 = vector.broadcast %broadcast_in_dim3A_149 : f32 to vector<16xf32>
    %swap3A_151 = arith.constant 272 : index
    %swap3A_152 = tpu.vector_load %arg8[%swap3A_151] {strides = array<i32>} : memref<640xf32, #tpu.memory_space<vmem>>, vector<16xf32>,
    %swap3A_153 = vector.shape_cast %swap3A_152 : vector<16xf32> to vector<16xf32>
    %swap3A_154 = vector.shape_cast %broadcast_in_dim3A_150 : vector<16xf32> to vector<16xf32>
    tpu.vector_store %arg8[%swap3A_151], %swap3A_154 {strides = array<i32>} : memref<640xf32, #tpu.memory_space<vmem>>, vector<16xf32>,
    %broadcast_in_dim3A_155 = arith.constant 0.000000e+00 : f32
    %broadcast_in_dim3A_156 = vector.broadcast %broadcast_in_dim3A_155 : f32 to vector<16xf32>
    %swap3A_157 = arith.constant 288 : index
    %swap3A_158 = tpu.vector_load %arg8[%swap3A_157] {strides = array<i32>} : memref<640xf32, #tpu.memory_space<vmem>>, vector<16xf32>,
    %swap3A_159 = vector.shape_cast %swap3A_158 : vector<16xf32> to vector<16xf32>
    %swap3A_160 = vector.shape_cast %broadcast_in_dim3A_156 : vector<16xf32> to vector<16xf32>
    tpu.vector_store %arg8[%swap3A_157], %swap3A_160 {strides = array<i32>} : memref<640xf32, #tpu.memory_space<vmem>>, vector<16xf32>,
    %broadcast_in_dim3A_161 = arith.constant 0.000000e+00 : f32
    %broadcast_in_dim3A_162 = vector.broadcast %broadcast_in_dim3A_161 : f32 to vector<16xf32>
    %swap3A_163 = arith.constant 304 : index
    %swap3A_164 = tpu.vector_load %arg8[%swap3A_163] {strides = array<i32>} : memref<640xf32, #tpu.memory_space<vmem>>, vector<16xf32>,
    %swap3A_165 = vector.shape_cast %swap3A_164 : vector<16xf32> to vector<16xf32>
    %swap3A_166 = vector.shape_cast %broadcast_in_dim3A_162 : vector<16xf32> to vector<16xf32>
    tpu.vector_store %arg8[%swap3A_163], %swap3A_166 {strides = array<i32>} : memref<640xf32, #tpu.memory_space<vmem>>, vector<16xf32>,
    %broadcast_in_dim3A_167 = arith.constant 0.000000e+00 : f32
    %broadcast_in_dim3A_168 = vector.broadcast %broadcast_in_dim3A_167 : f32 to vector<16xf32>
    %swap3A_169 = arith.constant 320 : index
    %swap3A_170 = tpu.vector_load %arg8[%swap3A_169] {strides = array<i32>} : memref<640xf32, #tpu.memory_space<vmem>>, vector<16xf32>,
    %swap3A_171 = vector.shape_cast %swap3A_170 : vector<16xf32> to vector<16xf32>
    %swap3A_172 = vector.shape_cast %broadcast_in_dim3A_168 : vector<16xf32> to vector<16xf32>
    tpu.vector_store %arg8[%swap3A_169], %swap3A_172 {strides = array<i32>} : memref<640xf32, #tpu.memory_space<vmem>>, vector<16xf32>,
    %broadcast_in_dim3A_173 = arith.constant 0.000000e+00 : f32
    %broadcast_in_dim3A_174 = vector.broadcast %broadcast_in_dim3A_173 : f32 to vector<16xf32>
    %swap3A_175 = arith.constant 336 : index
    %swap3A_176 = tpu.vector_load %arg8[%swap3A_175] {strides = array<i32>} : memref<640xf32, #tpu.memory_space<vmem>>, vector<16xf32>,
    %swap3A_177 = vector.shape_cast %swap3A_176 : vector<16xf32> to vector<16xf32>
    %swap3A_178 = vector.shape_cast %broadcast_in_dim3A_174 : vector<16xf32> to vector<16xf32>
    tpu.vector_store %arg8[%swap3A_175], %swap3A_178 {strides = array<i32>} : memref<640xf32, #tpu.memory_space<vmem>>, vector<16xf32>,
    %broadcast_in_dim3A_179 = arith.constant 0.000000e+00 : f32
    %broadcast_in_dim3A_180 = vector.broadcast %broadcast_in_dim3A_179 : f32 to vector<16xf32>
    %swap3A_181 = arith.constant 352 : index
    %swap3A_182 = tpu.vector_load %arg8[%swap3A_181] {strides = array<i32>} : memref<640xf32, #tpu.memory_space<vmem>>, vector<16xf32>,
    %swap3A_183 = vector.shape_cast %swap3A_182 : vector<16xf32> to vector<16xf32>
    %swap3A_184 = vector.shape_cast %broadcast_in_dim3A_180 : vector<16xf32> to vector<16xf32>
    tpu.vector_store %arg8[%swap3A_181], %swap3A_184 {strides = array<i32>} : memref<640xf32, #tpu.memory_space<vmem>>, vector<16xf32>,
    %broadcast_in_dim3A_185 = arith.constant 0.000000e+00 : f32
    %broadcast_in_dim3A_186 = vector.broadcast %broadcast_in_dim3A_185 : f32 to vector<16xf32>
    %swap3A_187 = arith.constant 368 : index
    %swap3A_188 = tpu.vector_load %arg8[%swap3A_187] {strides = array<i32>} : memref<640xf32, #tpu.memory_space<vmem>>, vector<16xf32>,
    %swap3A_189 = vector.shape_cast %swap3A_188 : vector<16xf32> to vector<16xf32>
    %swap3A_190 = vector.shape_cast %broadcast_in_dim3A_186 : vector<16xf32> to vector<16xf32>
    tpu.vector_store %arg8[%swap3A_187], %swap3A_190 {strides = array<i32>} : memref<640xf32, #tpu.memory_space<vmem>>, vector<16xf32>,
    %broadcast_in_dim3A_191 = arith.constant 0.000000e+00 : f32
    %broadcast_in_dim3A_192 = vector.broadcast %broadcast_in_dim3A_191 : f32 to vector<16xf32>
    %swap3A_193 = arith.constant 384 : index
    %swap3A_194 = tpu.vector_load %arg8[%swap3A_193] {strides = array<i32>} : memref<640xf32, #tpu.memory_space<vmem>>, vector<16xf32>,
    %swap3A_195 = vector.shape_cast %swap3A_194 : vector<16xf32> to vector<16xf32>
    %swap3A_196 = vector.shape_cast %broadcast_in_dim3A_192 : vector<16xf32> to vector<16xf32>
    tpu.vector_store %arg8[%swap3A_193], %swap3A_196 {strides = array<i32>} : memref<640xf32, #tpu.memory_space<vmem>>, vector<16xf32>,
    %broadcast_in_dim3A_197 = arith.constant 0.000000e+00 : f32
    %broadcast_in_dim3A_198 = vector.broadcast %broadcast_in_dim3A_197 : f32 to vector<16xf32>
    %swap3A_199 = arith.constant 400 : index
    %swap3A_200 = tpu.vector_load %arg8[%swap3A_199] {strides = array<i32>} : memref<640xf32, #tpu.memory_space<vmem>>, vector<16xf32>,
    %swap3A_201 = vector.shape_cast %swap3A_200 : vector<16xf32> to vector<16xf32>
    %swap3A_202 = vector.shape_cast %broadcast_in_dim3A_198 : vector<16xf32> to vector<16xf32>
    tpu.vector_store %arg8[%swap3A_199], %swap3A_202 {strides = array<i32>} : memref<640xf32, #tpu.memory_space<vmem>>, vector<16xf32>,
    %broadcast_in_dim3A_203 = arith.constant 0.000000e+00 : f32
    %broadcast_in_dim3A_204 = vector.broadcast %broadcast_in_dim3A_203 : f32 to vector<16xf32>
    %swap3A_205 = arith.constant 416 : index
    %swap3A_206 = tpu.vector_load %arg8[%swap3A_205] {strides = array<i32>} : memref<640xf32, #tpu.memory_space<vmem>>, vector<16xf32>,
    %swap3A_207 = vector.shape_cast %swap3A_206 : vector<16xf32> to vector<16xf32>
    %swap3A_208 = vector.shape_cast %broadcast_in_dim3A_204 : vector<16xf32> to vector<16xf32>
    tpu.vector_store %arg8[%swap3A_205], %swap3A_208 {strides = array<i32>} : memref<640xf32, #tpu.memory_space<vmem>>, vector<16xf32>,
    %broadcast_in_dim3A_209 = arith.constant 0.000000e+00 : f32
    %broadcast_in_dim3A_210 = vector.broadcast %broadcast_in_dim3A_209 : f32 to vector<16xf32>
    %swap3A_211 = arith.constant 432 : index
    %swap3A_212 = tpu.vector_load %arg8[%swap3A_211] {strides = array<i32>} : memref<640xf32, #tpu.memory_space<vmem>>, vector<16xf32>,
    %swap3A_213 = vector.shape_cast %swap3A_212 : vector<16xf32> to vector<16xf32>
    %swap3A_214 = vector.shape_cast %broadcast_in_dim3A_210 : vector<16xf32> to vector<16xf32>
    tpu.vector_store %arg8[%swap3A_211], %swap3A_214 {strides = array<i32>} : memref<640xf32, #tpu.memory_space<vmem>>, vector<16xf32>,
    %broadcast_in_dim3A_215 = arith.constant 0.000000e+00 : f32
    %broadcast_in_dim3A_216 = vector.broadcast %broadcast_in_dim3A_215 : f32 to vector<16xf32>
    %swap3A_217 = arith.constant 448 : index
    %swap3A_218 = tpu.vector_load %arg8[%swap3A_217] {strides = array<i32>} : memref<640xf32, #tpu.memory_space<vmem>>, vector<16xf32>,
    %swap3A_219 = vector.shape_cast %swap3A_218 : vector<16xf32> to vector<16xf32>
    %swap3A_220 = vector.shape_cast %broadcast_in_dim3A_216 : vector<16xf32> to vector<16xf32>
    tpu.vector_store %arg8[%swap3A_217], %swap3A_220 {strides = array<i32>} : memref<640xf32, #tpu.memory_space<vmem>>, vector<16xf32>,
    %broadcast_in_dim3A_221 = arith.constant 0.000000e+00 : f32
    %broadcast_in_dim3A_222 = vector.broadcast %broadcast_in_dim3A_221 : f32 to vector<16xf32>
    %swap3A_223 = arith.constant 464 : index
    %swap3A_224 = tpu.vector_load %arg8[%swap3A_223] {strides = array<i32>} : memref<640xf32, #tpu.memory_space<vmem>>, vector<16xf32>,
    %swap3A_225 = vector.shape_cast %swap3A_224 : vector<16xf32> to vector<16xf32>
    %swap3A_226 = vector.shape_cast %broadcast_in_dim3A_222 : vector<16xf32> to vector<16xf32>
    tpu.vector_store %arg8[%swap3A_223], %swap3A_226 {strides = array<i32>} : memref<640xf32, #tpu.memory_space<vmem>>, vector<16xf32>,
    %broadcast_in_dim3A_227 = arith.constant 0.000000e+00 : f32
    %broadcast_in_dim3A_228 = vector.broadcast %broadcast_in_dim3A_227 : f32 to vector<16xf32>
    %swap3A_229 = arith.constant 480 : index
    %swap3A_230 = tpu.vector_load %arg8[%swap3A_229] {strides = array<i32>} : memref<640xf32, #tpu.memory_space<vmem>>, vector<16xf32>,
    %swap3A_231 = vector.shape_cast %swap3A_230 : vector<16xf32> to vector<16xf32>
    %swap3A_232 = vector.shape_cast %broadcast_in_dim3A_228 : vector<16xf32> to vector<16xf32>
    tpu.vector_store %arg8[%swap3A_229], %swap3A_232 {strides = array<i32>} : memref<640xf32, #tpu.memory_space<vmem>>, vector<16xf32>,
    %broadcast_in_dim3A_233 = arith.constant 0.000000e+00 : f32
    %broadcast_in_dim3A_234 = vector.broadcast %broadcast_in_dim3A_233 : f32 to vector<16xf32>
    %swap3A_235 = arith.constant 496 : index
    %swap3A_236 = tpu.vector_load %arg8[%swap3A_235] {strides = array<i32>} : memref<640xf32, #tpu.memory_space<vmem>>, vector<16xf32>,
    %swap3A_237 = vector.shape_cast %swap3A_236 : vector<16xf32> to vector<16xf32>
    %swap3A_238 = vector.shape_cast %broadcast_in_dim3A_234 : vector<16xf32> to vector<16xf32>
    tpu.vector_store %arg8[%swap3A_235], %swap3A_238 {strides = array<i32>} : memref<640xf32, #tpu.memory_space<vmem>>, vector<16xf32>,
    %broadcast_in_dim3A_239 = arith.constant 0.000000e+00 : f32
    %broadcast_in_dim3A_240 = vector.broadcast %broadcast_in_dim3A_239 : f32 to vector<16xf32>
    %swap3A_241 = arith.constant 512 : index
    %swap3A_242 = tpu.vector_load %arg8[%swap3A_241] {strides = array<i32>} : memref<640xf32, #tpu.memory_space<vmem>>, vector<16xf32>,
    %swap3A_243 = vector.shape_cast %swap3A_242 : vector<16xf32> to vector<16xf32>
    %swap3A_244 = vector.shape_cast %broadcast_in_dim3A_240 : vector<16xf32> to vector<16xf32>
    tpu.vector_store %arg8[%swap3A_241], %swap3A_244 {strides = array<i32>} : memref<640xf32, #tpu.memory_space<vmem>>, vector<16xf32>,
    %broadcast_in_dim3A_245 = arith.constant 0.000000e+00 : f32
    %broadcast_in_dim3A_246 = vector.broadcast %broadcast_in_dim3A_245 : f32 to vector<16xf32>
    %swap3A_247 = arith.constant 528 : index
    %swap3A_248 = tpu.vector_load %arg8[%swap3A_247] {strides = array<i32>} : memref<640xf32, #tpu.memory_space<vmem>>, vector<16xf32>,
    %swap3A_249 = vector.shape_cast %swap3A_248 : vector<16xf32> to vector<16xf32>
    %swap3A_250 = vector.shape_cast %broadcast_in_dim3A_246 : vector<16xf32> to vector<16xf32>
    tpu.vector_store %arg8[%swap3A_247], %swap3A_250 {strides = array<i32>} : memref<640xf32, #tpu.memory_space<vmem>>, vector<16xf32>,
    %broadcast_in_dim3A_251 = arith.constant 0.000000e+00 : f32
    %broadcast_in_dim3A_252 = vector.broadcast %broadcast_in_dim3A_251 : f32 to vector<16xf32>
    %swap3A_253 = arith.constant 544 : index
    %swap3A_254 = tpu.vector_load %arg8[%swap3A_253] {strides = array<i32>} : memref<640xf32, #tpu.memory_space<vmem>>, vector<16xf32>,
    %swap3A_255 = vector.shape_cast %swap3A_254 : vector<16xf32> to vector<16xf32>
    %swap3A_256 = vector.shape_cast %broadcast_in_dim3A_252 : vector<16xf32> to vector<16xf32>
    tpu.vector_store %arg8[%swap3A_253], %swap3A_256 {strides = array<i32>} : memref<640xf32, #tpu.memory_space<vmem>>, vector<16xf32>,
    %broadcast_in_dim3A_257 = arith.constant 0.000000e+00 : f32
    %broadcast_in_dim3A_258 = vector.broadcast %broadcast_in_dim3A_257 : f32 to vector<16xf32>
    %swap3A_259 = arith.constant 560 : index
    %swap3A_260 = tpu.vector_load %arg8[%swap3A_259] {strides = array<i32>} : memref<640xf32, #tpu.memory_space<vmem>>, vector<16xf32>,
    %swap3A_261 = vector.shape_cast %swap3A_260 : vector<16xf32> to vector<16xf32>
    %swap3A_262 = vector.shape_cast %broadcast_in_dim3A_258 : vector<16xf32> to vector<16xf32>
    tpu.vector_store %arg8[%swap3A_259], %swap3A_262 {strides = array<i32>} : memref<640xf32, #tpu.memory_space<vmem>>, vector<16xf32>,
    %broadcast_in_dim3A_263 = arith.constant 0.000000e+00 : f32
    %broadcast_in_dim3A_264 = vector.broadcast %broadcast_in_dim3A_263 : f32 to vector<16xf32>
    %swap3A_265 = arith.constant 576 : index
    %swap3A_266 = tpu.vector_load %arg8[%swap3A_265] {strides = array<i32>} : memref<640xf32, #tpu.memory_space<vmem>>, vector<16xf32>,
    %swap3A_267 = vector.shape_cast %swap3A_266 : vector<16xf32> to vector<16xf32>
    %swap3A_268 = vector.shape_cast %broadcast_in_dim3A_264 : vector<16xf32> to vector<16xf32>
    tpu.vector_store %arg8[%swap3A_265], %swap3A_268 {strides = array<i32>} : memref<640xf32, #tpu.memory_space<vmem>>, vector<16xf32>,
    %broadcast_in_dim3A_269 = arith.constant 0.000000e+00 : f32
    %broadcast_in_dim3A_270 = vector.broadcast %broadcast_in_dim3A_269 : f32 to vector<16xf32>
    %swap3A_271 = arith.constant 592 : index
    %swap3A_272 = tpu.vector_load %arg8[%swap3A_271] {strides = array<i32>} : memref<640xf32, #tpu.memory_space<vmem>>, vector<16xf32>,
    %swap3A_273 = vector.shape_cast %swap3A_272 : vector<16xf32> to vector<16xf32>
    %swap3A_274 = vector.shape_cast %broadcast_in_dim3A_270 : vector<16xf32> to vector<16xf32>
    tpu.vector_store %arg8[%swap3A_271], %swap3A_274 {strides = array<i32>} : memref<640xf32, #tpu.memory_space<vmem>>, vector<16xf32>,
    %broadcast_in_dim3A_275 = arith.constant 0.000000e+00 : f32
    %broadcast_in_dim3A_276 = vector.broadcast %broadcast_in_dim3A_275 : f32 to vector<16xf32>
    %swap3A_277 = arith.constant 608 : index
    %swap3A_278 = tpu.vector_load %arg8[%swap3A_277] {strides = array<i32>} : memref<640xf32, #tpu.memory_space<vmem>>, vector<16xf32>,
    %swap3A_279 = vector.shape_cast %swap3A_278 : vector<16xf32> to vector<16xf32>
    %swap3A_280 = vector.shape_cast %broadcast_in_dim3A_276 : vector<16xf32> to vector<16xf32>
    tpu.vector_store %arg8[%swap3A_277], %swap3A_280 {strides = array<i32>} : memref<640xf32, #tpu.memory_space<vmem>>, vector<16xf32>,
    %broadcast_in_dim3A_281 = arith.constant 0.000000e+00 : f32
    %broadcast_in_dim3A_282 = vector.broadcast %broadcast_in_dim3A_281 : f32 to vector<16xf32>
    %swap3A_283 = arith.constant 624 : index
    %swap3A_284 = tpu.vector_load %arg8[%swap3A_283] {strides = array<i32>} : memref<640xf32, #tpu.memory_space<vmem>>, vector<16xf32>,
    %swap3A_285 = vector.shape_cast %swap3A_284 : vector<16xf32> to vector<16xf32>
    %swap3A_286 = vector.shape_cast %broadcast_in_dim3A_282 : vector<16xf32> to vector<16xf32>
    tpu.vector_store %arg8[%swap3A_283], %swap3A_286 {strides = array<i32>} : memref<640xf32, #tpu.memory_space<vmem>>, vector<16xf32>,
    %mul3A_287 = arith.constant 640 : i32
    %mul3A_288 = arith.muli %arg1, %mul3A_287 : i32
    "tpu.region"() ({
      %run_scoped3A_305 = tpu.sem_alloc : memref<!tpu.dma_semaphore, #tpu.memory_space<semaphore_mem>>
      %dma_start3A = tpu.memref_slice %arg9[%mul3A_288] : memref<10240xf32, #tpu.memory_space<vmem_shared>> -> memref<640xf32, #tpu.memory_space<vmem_shared>>
      %dma_start3A_306 = tpu.memref_slice %arg9[%mul3A_288] : memref<10240xf32, #tpu.memory_space<vmem_shared>> -> memref<640xf32, #tpu.memory_space<vmem_shared>>
      tpu.enqueue_dma source(%arg8 : memref<640xf32, #tpu.memory_space<vmem>>) target(%dma_start3A_306 : memref<640xf32, #tpu.memory_space<vmem_shared>>) target_semaphore(%run_scoped3A_305 : memref<!tpu.dma_semaphore, #tpu.memory_space<semaphore_mem>>)
      %dma_wait3A = tpu.memref_slice %arg9[%mul3A_288] : memref<10240xf32, #tpu.memory_space<vmem_shared>> -> memref<640xf32, #tpu.memory_space<vmem_shared>>
      %dma_wait3A_307 = tpu.memref_slice %arg9[%mul3A_288] : memref<10240xf32, #tpu.memory_space<vmem_shared>> -> memref<640xf32, #tpu.memory_space<vmem_shared>>
      tpu.wait_dma2 semaphore(%run_scoped3A_305 : memref<!tpu.dma_semaphore, #tpu.memory_space<semaphore_mem>>) src(%arg8 : memref<640xf32, #tpu.memory_space<vmem>>) dst(%dma_wait3A_307 : memref<640xf32, #tpu.memory_space<vmem_shared>>)
      tpu.yield
    }) : () -> ()
    %mul3A_289 = arith.constant 640 : i32
    %mul3A_290 = arith.muli %arg1, %mul3A_289 : i32
    "tpu.region"() ({
      %run_scoped3A_305 = tpu.sem_alloc : memref<!tpu.dma_semaphore, #tpu.memory_space<semaphore_mem>>
      %dma_start3A = tpu.memref_slice %arg10[%mul3A_290] : memref<10240xf32, #tpu.memory_space<vmem_shared>> -> memref<640xf32, #tpu.memory_space<vmem_shared>>
      %dma_start3A_306 = tpu.memref_slice %arg10[%mul3A_290] : memref<10240xf32, #tpu.memory_space<vmem_shared>> -> memref<640xf32, #tpu.memory_space<vmem_shared>>
      tpu.enqueue_dma source(%arg8 : memref<640xf32, #tpu.memory_space<vmem>>) target(%dma_start3A_306 : memref<640xf32, #tpu.memory_space<vmem_shared>>) target_semaphore(%run_scoped3A_305 : memref<!tpu.dma_semaphore, #tpu.memory_space<semaphore_mem>>)
      %dma_wait3A = tpu.memref_slice %arg10[%mul3A_290] : memref<10240xf32, #tpu.memory_space<vmem_shared>> -> memref<640xf32, #tpu.memory_space<vmem_shared>>
      %dma_wait3A_307 = tpu.memref_slice %arg10[%mul3A_290] : memref<10240xf32, #tpu.memory_space<vmem_shared>> -> memref<640xf32, #tpu.memory_space<vmem_shared>>
      tpu.wait_dma2 semaphore(%run_scoped3A_305 : memref<!tpu.dma_semaphore, #tpu.memory_space<semaphore_mem>>) src(%arg8 : memref<640xf32, #tpu.memory_space<vmem>>) dst(%dma_wait3A_307 : memref<640xf32, #tpu.memory_space<vmem_shared>>)
      tpu.yield
    }) : () -> ()
    %barrier3A = arith.constant 0 : index
    tpu.barrier barrier_id(%barrier3A)
    %scan3A = arith.constant 0 : i32
    %scan3A_291 = arith.constant 20 : i32
    %scan3A_292 = arith.addi %scan3A, %scan3A_291 : i32
    %scan3A_293 = arith.constant 1 : i32
    scf.for %scan3A_305 = %scan3A to %scan3A_292 step %scan3A_293  : i32 {
      %mul3A_306 = arith.constant 4 : i32
      %mul3A_307 = arith.muli %scan3A_305, %mul3A_306 : i32
      %add3A_308 = arith.constant 0 : i32
      %add3A_309 = arith.addi %add3A_308, %mul3A_307 : i32
      %add3A_310 = arith.constant 0 : i32
      %add3A_311 = arith.addi %add3A_309, %add3A_310 : i32
      %dma_start3A = arith.constant 0 : i32
      %dma_start3A_312 = tpu.memref_slice %arg5[%add3A_311, %dma_start3A] : memref<80x128xi32, #tpu.memory_space<vmem>> -> memref<1x128xi32, #tpu.memory_space<vmem>>
      %dma_start3A_313 = tpu.memref_squeeze %dma_start3A_312 : memref<1x128xi32, #tpu.memory_space<vmem>> -> memref<128xi32, #tpu.memory_space<vmem>>
      %dma_start3A_314 = arith.constant 0 : i32
      %dma_start3A_315 = tpu.memref_slice %arg9[%dma_start3A_314] : memref<10240xf32, #tpu.memory_space<vmem_shared>> -> memref<10240xf32, #tpu.memory_space<vmem_shared>>
      tpu.enqueue_indirect_dma source(%arg7 : memref<128xf32, #tpu.memory_space<vmem>>) target(%dma_start3A_315 : memref<10240xf32, #tpu.memory_space<vmem_shared>>) offsets(%dma_start3A_313 : memref<128xi32, #tpu.memory_space<vmem>>) semaphore(%arg11 : memref<!tpu.dma_semaphore, #tpu.memory_space<semaphore_mem>>) {add = true}
      %add3A_316 = arith.constant 0 : i32
      %add3A_317 = arith.addi %add3A_309, %add3A_316 : i32
      %dma_start3A_318 = arith.constant 0 : i32
      %dma_start3A_319 = tpu.memref_slice %arg6[%add3A_317, %dma_start3A_318] : memref<80x128xi32, #tpu.memory_space<vmem>> -> memref<1x128xi32, #tpu.memory_space<vmem>>
      %dma_start3A_320 = tpu.memref_squeeze %dma_start3A_319 : memref<1x128xi32, #tpu.memory_space<vmem>> -> memref<128xi32, #tpu.memory_space<vmem>>
      %dma_start3A_321 = arith.constant 0 : i32
      %dma_start3A_322 = tpu.memref_slice %arg10[%dma_start3A_321] : memref<10240xf32, #tpu.memory_space<vmem_shared>> -> memref<10240xf32, #tpu.memory_space<vmem_shared>>
      tpu.enqueue_indirect_dma source(%arg7 : memref<128xf32, #tpu.memory_space<vmem>>) target(%dma_start3A_322 : memref<10240xf32, #tpu.memory_space<vmem_shared>>) offsets(%dma_start3A_320 : memref<128xi32, #tpu.memory_space<vmem>>) semaphore(%arg12 : memref<!tpu.dma_semaphore, #tpu.memory_space<semaphore_mem>>) {add = true}
      %add3A_323 = arith.constant 1 : i32
      %add3A_324 = arith.addi %add3A_309, %add3A_323 : i32
      %dma_start3A_325 = arith.constant 0 : i32
      %dma_start3A_326 = tpu.memref_slice %arg5[%add3A_324, %dma_start3A_325] : memref<80x128xi32, #tpu.memory_space<vmem>> -> memref<1x128xi32, #tpu.memory_space<vmem>>
      %dma_start3A_327 = tpu.memref_squeeze %dma_start3A_326 : memref<1x128xi32, #tpu.memory_space<vmem>> -> memref<128xi32, #tpu.memory_space<vmem>>
      %dma_start3A_328 = arith.constant 0 : i32
      %dma_start3A_329 = tpu.memref_slice %arg9[%dma_start3A_328] : memref<10240xf32, #tpu.memory_space<vmem_shared>> -> memref<10240xf32, #tpu.memory_space<vmem_shared>>
      tpu.enqueue_indirect_dma source(%arg7 : memref<128xf32, #tpu.memory_space<vmem>>) target(%dma_start3A_329 : memref<10240xf32, #tpu.memory_space<vmem_shared>>) offsets(%dma_start3A_327 : memref<128xi32, #tpu.memory_space<vmem>>) semaphore(%arg11 : memref<!tpu.dma_semaphore, #tpu.memory_space<semaphore_mem>>) {add = true}
      %add3A_330 = arith.constant 1 : i32
      %add3A_331 = arith.addi %add3A_309, %add3A_330 : i32
      %dma_start3A_332 = arith.constant 0 : i32
      %dma_start3A_333 = tpu.memref_slice %arg6[%add3A_331, %dma_start3A_332] : memref<80x128xi32, #tpu.memory_space<vmem>> -> memref<1x128xi32, #tpu.memory_space<vmem>>
      %dma_start3A_334 = tpu.memref_squeeze %dma_start3A_333 : memref<1x128xi32, #tpu.memory_space<vmem>> -> memref<128xi32, #tpu.memory_space<vmem>>
      %dma_start3A_335 = arith.constant 0 : i32
      %dma_start3A_336 = tpu.memref_slice %arg10[%dma_start3A_335] : memref<10240xf32, #tpu.memory_space<vmem_shared>> -> memref<10240xf32, #tpu.memory_space<vmem_shared>>
      tpu.enqueue_indirect_dma source(%arg7 : memref<128xf32, #tpu.memory_space<vmem>>) target(%dma_start3A_336 : memref<10240xf32, #tpu.memory_space<vmem_shared>>) offsets(%dma_start3A_334 : memref<128xi32, #tpu.memory_space<vmem>>) semaphore(%arg12 : memref<!tpu.dma_semaphore, #tpu.memory_space<semaphore_mem>>) {add = true}
      %add3A_337 = arith.constant 2 : i32
      %add3A_338 = arith.addi %add3A_309, %add3A_337 : i32
      %dma_start3A_339 = arith.constant 0 : i32
      %dma_start3A_340 = tpu.memref_slice %arg5[%add3A_338, %dma_start3A_339] : memref<80x128xi32, #tpu.memory_space<vmem>> -> memref<1x128xi32, #tpu.memory_space<vmem>>
      %dma_start3A_341 = tpu.memref_squeeze %dma_start3A_340 : memref<1x128xi32, #tpu.memory_space<vmem>> -> memref<128xi32, #tpu.memory_space<vmem>>
      %dma_start3A_342 = arith.constant 0 : i32
      %dma_start3A_343 = tpu.memref_slice %arg9[%dma_start3A_342] : memref<10240xf32, #tpu.memory_space<vmem_shared>> -> memref<10240xf32, #tpu.memory_space<vmem_shared>>
      tpu.enqueue_indirect_dma source(%arg7 : memref<128xf32, #tpu.memory_space<vmem>>) target(%dma_start3A_343 : memref<10240xf32, #tpu.memory_space<vmem_shared>>) offsets(%dma_start3A_341 : memref<128xi32, #tpu.memory_space<vmem>>) semaphore(%arg11 : memref<!tpu.dma_semaphore, #tpu.memory_space<semaphore_mem>>) {add = true}
      %add3A_344 = arith.constant 2 : i32
      %add3A_345 = arith.addi %add3A_309, %add3A_344 : i32
      %dma_start3A_346 = arith.constant 0 : i32
      %dma_start3A_347 = tpu.memref_slice %arg6[%add3A_345, %dma_start3A_346] : memref<80x128xi32, #tpu.memory_space<vmem>> -> memref<1x128xi32, #tpu.memory_space<vmem>>
      %dma_start3A_348 = tpu.memref_squeeze %dma_start3A_347 : memref<1x128xi32, #tpu.memory_space<vmem>> -> memref<128xi32, #tpu.memory_space<vmem>>
      %dma_start3A_349 = arith.constant 0 : i32
      %dma_start3A_350 = tpu.memref_slice %arg10[%dma_start3A_349] : memref<10240xf32, #tpu.memory_space<vmem_shared>> -> memref<10240xf32, #tpu.memory_space<vmem_shared>>
      tpu.enqueue_indirect_dma source(%arg7 : memref<128xf32, #tpu.memory_space<vmem>>) target(%dma_start3A_350 : memref<10240xf32, #tpu.memory_space<vmem_shared>>) offsets(%dma_start3A_348 : memref<128xi32, #tpu.memory_space<vmem>>) semaphore(%arg12 : memref<!tpu.dma_semaphore, #tpu.memory_space<semaphore_mem>>) {add = true}
      %add3A_351 = arith.constant 3 : i32
      %add3A_352 = arith.addi %add3A_309, %add3A_351 : i32
      %dma_start3A_353 = arith.constant 0 : i32
      %dma_start3A_354 = tpu.memref_slice %arg5[%add3A_352, %dma_start3A_353] : memref<80x128xi32, #tpu.memory_space<vmem>> -> memref<1x128xi32, #tpu.memory_space<vmem>>
      %dma_start3A_355 = tpu.memref_squeeze %dma_start3A_354 : memref<1x128xi32, #tpu.memory_space<vmem>> -> memref<128xi32, #tpu.memory_space<vmem>>
      %dma_start3A_356 = arith.constant 0 : i32
      %dma_start3A_357 = tpu.memref_slice %arg9[%dma_start3A_356] : memref<10240xf32, #tpu.memory_space<vmem_shared>> -> memref<10240xf32, #tpu.memory_space<vmem_shared>>
      tpu.enqueue_indirect_dma source(%arg7 : memref<128xf32, #tpu.memory_space<vmem>>) target(%dma_start3A_357 : memref<10240xf32, #tpu.memory_space<vmem_shared>>) offsets(%dma_start3A_355 : memref<128xi32, #tpu.memory_space<vmem>>) semaphore(%arg11 : memref<!tpu.dma_semaphore, #tpu.memory_space<semaphore_mem>>) {add = true}
      %add3A_358 = arith.constant 3 : i32
      %add3A_359 = arith.addi %add3A_309, %add3A_358 : i32
      %dma_start3A_360 = arith.constant 0 : i32
      %dma_start3A_361 = tpu.memref_slice %arg6[%add3A_359, %dma_start3A_360] : memref<80x128xi32, #tpu.memory_space<vmem>> -> memref<1x128xi32, #tpu.memory_space<vmem>>
      %dma_start3A_362 = tpu.memref_squeeze %dma_start3A_361 : memref<1x128xi32, #tpu.memory_space<vmem>> -> memref<128xi32, #tpu.memory_space<vmem>>
      %dma_start3A_363 = arith.constant 0 : i32
      %dma_start3A_364 = tpu.memref_slice %arg10[%dma_start3A_363] : memref<10240xf32, #tpu.memory_space<vmem_shared>> -> memref<10240xf32, #tpu.memory_space<vmem_shared>>
      tpu.enqueue_indirect_dma source(%arg7 : memref<128xf32, #tpu.memory_space<vmem>>) target(%dma_start3A_364 : memref<10240xf32, #tpu.memory_space<vmem_shared>>) offsets(%dma_start3A_362 : memref<128xi32, #tpu.memory_space<vmem>>) semaphore(%arg12 : memref<!tpu.dma_semaphore, #tpu.memory_space<semaphore_mem>>) {add = true}
      %add3A_365 = arith.constant 0 : i32
      %add3A_366 = arith.addi %add3A_309, %add3A_365 : i32
      %dma_wait3A = arith.constant 0 : i32
      %dma_wait3A_367 = tpu.memref_slice %arg5[%add3A_366, %dma_wait3A] : memref<80x128xi32, #tpu.memory_space<vmem>> -> memref<1x128xi32, #tpu.memory_space<vmem>>
      %dma_wait3A_368 = tpu.memref_squeeze %dma_wait3A_367 : memref<1x128xi32, #tpu.memory_space<vmem>> -> memref<128xi32, #tpu.memory_space<vmem>>
      %dma_wait3A_369 = arith.constant 0 : i32
      %dma_wait3A_370 = tpu.memref_slice %arg9[%dma_wait3A_369] : memref<10240xf32, #tpu.memory_space<vmem_shared>> -> memref<10240xf32, #tpu.memory_space<vmem_shared>>
      tpu.wait_indirect_dma semaphore(%arg11 : memref<!tpu.dma_semaphore, #tpu.memory_space<semaphore_mem>>) src(%arg7 : memref<128xf32, #tpu.memory_space<vmem>>) dst(%dma_wait3A_370 : memref<10240xf32, #tpu.memory_space<vmem_shared>>)
      %add3A_371 = arith.constant 0 : i32
      %add3A_372 = arith.addi %add3A_309, %add3A_371 : i32
      %dma_wait3A_373 = arith.constant 0 : i32
      %dma_wait3A_374 = tpu.memref_slice %arg6[%add3A_372, %dma_wait3A_373] : memref<80x128xi32, #tpu.memory_space<vmem>> -> memref<1x128xi32, #tpu.memory_space<vmem>>
      %dma_wait3A_375 = tpu.memref_squeeze %dma_wait3A_374 : memref<1x128xi32, #tpu.memory_space<vmem>> -> memref<128xi32, #tpu.memory_space<vmem>>
      %dma_wait3A_376 = arith.constant 0 : i32
      %dma_wait3A_377 = tpu.memref_slice %arg10[%dma_wait3A_376] : memref<10240xf32, #tpu.memory_space<vmem_shared>> -> memref<10240xf32, #tpu.memory_space<vmem_shared>>
      tpu.wait_indirect_dma semaphore(%arg12 : memref<!tpu.dma_semaphore, #tpu.memory_space<semaphore_mem>>) src(%arg7 : memref<128xf32, #tpu.memory_space<vmem>>) dst(%dma_wait3A_377 : memref<10240xf32, #tpu.memory_space<vmem_shared>>)
      %add3A_378 = arith.constant 1 : i32
      %add3A_379 = arith.addi %add3A_309, %add3A_378 : i32
      %dma_wait3A_380 = arith.constant 0 : i32
      %dma_wait3A_381 = tpu.memref_slice %arg5[%add3A_379, %dma_wait3A_380] : memref<80x128xi32, #tpu.memory_space<vmem>> -> memref<1x128xi32, #tpu.memory_space<vmem>>
      %dma_wait3A_382 = tpu.memref_squeeze %dma_wait3A_381 : memref<1x128xi32, #tpu.memory_space<vmem>> -> memref<128xi32, #tpu.memory_space<vmem>>
      %dma_wait3A_383 = arith.constant 0 : i32
      %dma_wait3A_384 = tpu.memref_slice %arg9[%dma_wait3A_383] : memref<10240xf32, #tpu.memory_space<vmem_shared>> -> memref<10240xf32, #tpu.memory_space<vmem_shared>>
      tpu.wait_indirect_dma semaphore(%arg11 : memref<!tpu.dma_semaphore, #tpu.memory_space<semaphore_mem>>) src(%arg7 : memref<128xf32, #tpu.memory_space<vmem>>) dst(%dma_wait3A_384 : memref<10240xf32, #tpu.memory_space<vmem_shared>>)
      %add3A_385 = arith.constant 1 : i32
      %add3A_386 = arith.addi %add3A_309, %add3A_385 : i32
      %dma_wait3A_387 = arith.constant 0 : i32
      %dma_wait3A_388 = tpu.memref_slice %arg6[%add3A_386, %dma_wait3A_387] : memref<80x128xi32, #tpu.memory_space<vmem>> -> memref<1x128xi32, #tpu.memory_space<vmem>>
      %dma_wait3A_389 = tpu.memref_squeeze %dma_wait3A_388 : memref<1x128xi32, #tpu.memory_space<vmem>> -> memref<128xi32, #tpu.memory_space<vmem>>
      %dma_wait3A_390 = arith.constant 0 : i32
      %dma_wait3A_391 = tpu.memref_slice %arg10[%dma_wait3A_390] : memref<10240xf32, #tpu.memory_space<vmem_shared>> -> memref<10240xf32, #tpu.memory_space<vmem_shared>>
      tpu.wait_indirect_dma semaphore(%arg12 : memref<!tpu.dma_semaphore, #tpu.memory_space<semaphore_mem>>) src(%arg7 : memref<128xf32, #tpu.memory_space<vmem>>) dst(%dma_wait3A_391 : memref<10240xf32, #tpu.memory_space<vmem_shared>>)
      %add3A_392 = arith.constant 2 : i32
      %add3A_393 = arith.addi %add3A_309, %add3A_392 : i32
      %dma_wait3A_394 = arith.constant 0 : i32
      %dma_wait3A_395 = tpu.memref_slice %arg5[%add3A_393, %dma_wait3A_394] : memref<80x128xi32, #tpu.memory_space<vmem>> -> memref<1x128xi32, #tpu.memory_space<vmem>>
      %dma_wait3A_396 = tpu.memref_squeeze %dma_wait3A_395 : memref<1x128xi32, #tpu.memory_space<vmem>> -> memref<128xi32, #tpu.memory_space<vmem>>
      %dma_wait3A_397 = arith.constant 0 : i32
      %dma_wait3A_398 = tpu.memref_slice %arg9[%dma_wait3A_397] : memref<10240xf32, #tpu.memory_space<vmem_shared>> -> memref<10240xf32, #tpu.memory_space<vmem_shared>>
      tpu.wait_indirect_dma semaphore(%arg11 : memref<!tpu.dma_semaphore, #tpu.memory_space<semaphore_mem>>) src(%arg7 : memref<128xf32, #tpu.memory_space<vmem>>) dst(%dma_wait3A_398 : memref<10240xf32, #tpu.memory_space<vmem_shared>>)
      %add3A_399 = arith.constant 2 : i32
      %add3A_400 = arith.addi %add3A_309, %add3A_399 : i32
      %dma_wait3A_401 = arith.constant 0 : i32
      %dma_wait3A_402 = tpu.memref_slice %arg6[%add3A_400, %dma_wait3A_401] : memref<80x128xi32, #tpu.memory_space<vmem>> -> memref<1x128xi32, #tpu.memory_space<vmem>>
      %dma_wait3A_403 = tpu.memref_squeeze %dma_wait3A_402 : memref<1x128xi32, #tpu.memory_space<vmem>> -> memref<128xi32, #tpu.memory_space<vmem>>
      %dma_wait3A_404 = arith.constant 0 : i32
      %dma_wait3A_405 = tpu.memref_slice %arg10[%dma_wait3A_404] : memref<10240xf32, #tpu.memory_space<vmem_shared>> -> memref<10240xf32, #tpu.memory_space<vmem_shared>>
      tpu.wait_indirect_dma semaphore(%arg12 : memref<!tpu.dma_semaphore, #tpu.memory_space<semaphore_mem>>) src(%arg7 : memref<128xf32, #tpu.memory_space<vmem>>) dst(%dma_wait3A_405 : memref<10240xf32, #tpu.memory_space<vmem_shared>>)
      %add3A_406 = arith.constant 3 : i32
      %add3A_407 = arith.addi %add3A_309, %add3A_406 : i32
      %dma_wait3A_408 = arith.constant 0 : i32
      %dma_wait3A_409 = tpu.memref_slice %arg5[%add3A_407, %dma_wait3A_408] : memref<80x128xi32, #tpu.memory_space<vmem>> -> memref<1x128xi32, #tpu.memory_space<vmem>>
      %dma_wait3A_410 = tpu.memref_squeeze %dma_wait3A_409 : memref<1x128xi32, #tpu.memory_space<vmem>> -> memref<128xi32, #tpu.memory_space<vmem>>
      %dma_wait3A_411 = arith.constant 0 : i32
      %dma_wait3A_412 = tpu.memref_slice %arg9[%dma_wait3A_411] : memref<10240xf32, #tpu.memory_space<vmem_shared>> -> memref<10240xf32, #tpu.memory_space<vmem_shared>>
      tpu.wait_indirect_dma semaphore(%arg11 : memref<!tpu.dma_semaphore, #tpu.memory_space<semaphore_mem>>) src(%arg7 : memref<128xf32, #tpu.memory_space<vmem>>) dst(%dma_wait3A_412 : memref<10240xf32, #tpu.memory_space<vmem_shared>>)
      %add3A_413 = arith.constant 3 : i32
      %add3A_414 = arith.addi %add3A_309, %add3A_413 : i32
      %dma_wait3A_415 = arith.constant 0 : i32
      %dma_wait3A_416 = tpu.memref_slice %arg6[%add3A_414, %dma_wait3A_415] : memref<80x128xi32, #tpu.memory_space<vmem>> -> memref<1x128xi32, #tpu.memory_space<vmem>>
      %dma_wait3A_417 = tpu.memref_squeeze %dma_wait3A_416 : memref<1x128xi32, #tpu.memory_space<vmem>> -> memref<128xi32, #tpu.memory_space<vmem>>
      %dma_wait3A_418 = arith.constant 0 : i32
      %dma_wait3A_419 = tpu.memref_slice %arg10[%dma_wait3A_418] : memref<10240xf32, #tpu.memory_space<vmem_shared>> -> memref<10240xf32, #tpu.memory_space<vmem_shared>>
      tpu.wait_indirect_dma semaphore(%arg12 : memref<!tpu.dma_semaphore, #tpu.memory_space<semaphore_mem>>) src(%arg7 : memref<128xf32, #tpu.memory_space<vmem>>) dst(%dma_wait3A_419 : memref<10240xf32, #tpu.memory_space<vmem_shared>>)
    }
    %scan3A_294 = arith.constant 20 : i32
    %barrier3A_295 = arith.constant 0 : index
    tpu.barrier barrier_id(%barrier3A_295)
    %mul3A_296 = arith.constant 640 : i32
    %mul3A_297 = arith.muli %arg1, %mul3A_296 : i32
    %mul3A_298 = arith.constant 640 : i32
    %mul3A_299 = arith.muli %arg1, %mul3A_298 : i32
    %run_scoped3A = arith.constant 0 : i32
    "tpu.region"() ({
      %run_scoped3A_305 = tpu.sem_alloc : memref<!tpu.dma_semaphore, #tpu.memory_space<semaphore_mem>>
      %dma_start3A = tpu.memref_slice %arg4[%arg0, %run_scoped3A, %mul3A_299] : memref<2x2x10240xf32, #tpu.memory_space<hbm>> -> memref<1x1x640xf32, #tpu.memory_space<hbm>>
      %dma_start3A_306 = tpu.memref_squeeze %dma_start3A : memref<1x1x640xf32, #tpu.memory_space<hbm>> -> memref<640xf32, #tpu.memory_space<hbm>>
      %dma_start3A_307 = tpu.memref_slice %arg9[%mul3A_297] : memref<10240xf32, #tpu.memory_space<vmem_shared>> -> memref<640xf32, #tpu.memory_space<vmem_shared>>
      tpu.enqueue_dma source(%dma_start3A_307 : memref<640xf32, #tpu.memory_space<vmem_shared>>) target(%dma_start3A_306 : memref<640xf32, #tpu.memory_space<hbm>>) target_semaphore(%run_scoped3A_305 : memref<!tpu.dma_semaphore, #tpu.memory_space<semaphore_mem>>)
      %dma_wait3A = tpu.memref_slice %arg4[%arg0, %run_scoped3A, %mul3A_299] : memref<2x2x10240xf32, #tpu.memory_space<hbm>> -> memref<1x1x640xf32, #tpu.memory_space<hbm>>
      %dma_wait3A_308 = tpu.memref_squeeze %dma_wait3A : memref<1x1x640xf32, #tpu.memory_space<hbm>> -> memref<640xf32, #tpu.memory_space<hbm>>
      %dma_wait3A_309 = tpu.memref_slice %arg9[%mul3A_297] : memref<10240xf32, #tpu.memory_space<vmem_shared>> -> memref<640xf32, #tpu.memory_space<vmem_shared>>
      tpu.wait_dma2 semaphore(%run_scoped3A_305 : memref<!tpu.dma_semaphore, #tpu.memory_space<semaphore_mem>>) src(%dma_wait3A_309 : memref<640xf32, #tpu.memory_space<vmem_shared>>) dst(%dma_wait3A_308 : memref<640xf32, #tpu.memory_space<hbm>>)
      tpu.yield
    }) : () -> ()
    %mul3A_300 = arith.constant 640 : i32
    %mul3A_301 = arith.muli %arg1, %mul3A_300 : i32
    %mul3A_302 = arith.constant 640 : i32
    %mul3A_303 = arith.muli %arg1, %mul3A_302 : i32
    %run_scoped3A_304 = arith.constant 1 : i32
    "tpu.region"() ({
      %run_scoped3A_305 = tpu.sem_alloc : memref<!tpu.dma_semaphore, #tpu.memory_space<semaphore_mem>>
      %dma_start3A = tpu.memref_slice %arg4[%arg0, %run_scoped3A_304, %mul3A_303] : memref<2x2x10240xf32, #tpu.memory_space<hbm>> -> memref<1x1x640xf32, #tpu.memory_space<hbm>>
      %dma_start3A_306 = tpu.memref_squeeze %dma_start3A : memref<1x1x640xf32, #tpu.memory_space<hbm>> -> memref<640xf32, #tpu.memory_space<hbm>>
      %dma_start3A_307 = tpu.memref_slice %arg10[%mul3A_301] : memref<10240xf32, #tpu.memory_space<vmem_shared>> -> memref<640xf32, #tpu.memory_space<vmem_shared>>
      tpu.enqueue_dma source(%dma_start3A_307 : memref<640xf32, #tpu.memory_space<vmem_shared>>) target(%dma_start3A_306 : memref<640xf32, #tpu.memory_space<hbm>>) target_semaphore(%run_scoped3A_305 : memref<!tpu.dma_semaphore, #tpu.memory_space<semaphore_mem>>)
      %dma_wait3A = tpu.memref_slice %arg4[%arg0, %run_scoped3A_304, %mul3A_303] : memref<2x2x10240xf32, #tpu.memory_space<hbm>> -> memref<1x1x640xf32, #tpu.memory_space<hbm>>
      %dma_wait3A_308 = tpu.memref_squeeze %dma_wait3A : memref<1x1x640xf32, #tpu.memory_space<hbm>> -> memref<640xf32, #tpu.memory_space<hbm>>
      %dma_wait3A_309 = tpu.memref_slice %arg10[%mul3A_301] : memref<10240xf32, #tpu.memory_space<vmem_shared>> -> memref<640xf32, #tpu.memory_space<vmem_shared>>
      tpu.wait_dma2 semaphore(%run_scoped3A_305 : memref<!tpu.dma_semaphore, #tpu.memory_space<semaphore_mem>>) src(%dma_wait3A_309 : memref<640xf32, #tpu.memory_space<vmem_shared>>) dst(%dma_wait3A_308 : memref<640xf32, #tpu.memory_space<hbm>>)
      tpu.yield
    }) : () -> ()
    return
  }
}

#map = affine_map<(d0, d1) -> (0, 0)>
#map1 = affine_map<(d0, d1) -> (0, 0, 0, 0)>
#map2 = affine_map<(d0, d1) -> (0, 0, 0)>
module attributes {stable_mosaic.version = 14 : i64} {
  func.func @_agg_body(%arg0: i32, %arg1: i32, %arg2: memref<20480x64xf32, #tpu.memory_space<hbm>>, %arg3: memref<2x16x160x128xi32, #tpu.memory_space<hbm>>, %arg4: memref<16x160x128xi32, #tpu.memory_space<hbm>>, %arg5: memref<2x10240x64xf32, #tpu.memory_space<hbm>>, %arg6: memref<160x128xi32, #tpu.memory_space<vmem>>, %arg7: memref<160x128xi32, #tpu.memory_space<vmem>>, %arg8: memref<5x128x64xf32, #tpu.memory_space<vmem>>, %arg9: memref<64x64xf32, #tpu.memory_space<vmem>>, %arg10: memref<10240x64xf32, #tpu.memory_space<vmem_shared>>, %arg11: memref<!tpu.dma_semaphore, #tpu.memory_space<semaphore_mem>>, %arg12: memref<!tpu.dma_semaphore, #tpu.memory_space<semaphore_mem>>, %arg13: memref<!tpu.dma_semaphore, #tpu.memory_space<semaphore_mem>>, %arg14: memref<!tpu.dma_semaphore, #tpu.memory_space<semaphore_mem>>, %arg15: memref<!tpu.dma_semaphore, #tpu.memory_space<semaphore_mem>>, %arg16: memref<!tpu.dma_semaphore, #tpu.memory_space<semaphore_mem>>, %arg17: memref<!tpu.dma_semaphore, #tpu.memory_space<semaphore_mem>>, %arg18: memref<!tpu.dma_semaphore, #tpu.memory_space<semaphore_mem>>, %arg19: memref<!tpu.dma_semaphore, #tpu.memory_space<semaphore_mem>>, %arg20: memref<!tpu.dma_semaphore, #tpu.memory_space<semaphore_mem>>) attributes {dimension_semantics = [#tpu.dimension_semantics<core_parallel>, #tpu.dimension_semantics<subcore_parallel>], iteration_bounds = array<i64: 2, 16>, scalar_prefetch = 0 : i64, scratch_operands = 15 : i64, tpu.core_type = #tpu.core_type<sc_vector_subcore>, window_params = [{transform_indices = #map}, {transform_indices = #map1}, {transform_indices = #map2}, {transform_indices = #map2}]} {
    "tpu.region"() ({
      %run_scoped3A = tpu.sem_alloc : memref<!tpu.dma_semaphore, #tpu.memory_space<semaphore_mem>>
      %dma_start3A_379 = arith.constant 0 : i32
      %dma_start3A_380 = arith.constant 0 : i32
      %dma_start3A_381 = tpu.memref_slice %arg3[%arg0, %arg1, %dma_start3A_379, %dma_start3A_380] : memref<2x16x160x128xi32, #tpu.memory_space<hbm>> -> memref<1x1x160x128xi32, #tpu.memory_space<hbm>>
      %dma_start3A_382 = tpu.memref_squeeze %dma_start3A_381 : memref<1x1x160x128xi32, #tpu.memory_space<hbm>> -> memref<160x128xi32, #tpu.memory_space<hbm>>
      %dma_start3A_383 = arith.constant 0 : i32
      %dma_start3A_384 = arith.constant 0 : i32
      %dma_start3A_385 = tpu.memref_slice %arg3[%arg0, %arg1, %dma_start3A_383, %dma_start3A_384] : memref<2x16x160x128xi32, #tpu.memory_space<hbm>> -> memref<1x1x160x128xi32, #tpu.memory_space<hbm>>
      %dma_start3A_386 = tpu.memref_squeeze %dma_start3A_385 : memref<1x1x160x128xi32, #tpu.memory_space<hbm>> -> memref<160x128xi32, #tpu.memory_space<hbm>>
      tpu.enqueue_dma source(%dma_start3A_386 : memref<160x128xi32, #tpu.memory_space<hbm>>) target(%arg6 : memref<160x128xi32, #tpu.memory_space<vmem>>) target_semaphore(%run_scoped3A : memref<!tpu.dma_semaphore, #tpu.memory_space<semaphore_mem>>)
      %dma_wait3A_387 = arith.constant 0 : i32
      %dma_wait3A_388 = arith.constant 0 : i32
      %dma_wait3A_389 = tpu.memref_slice %arg3[%arg0, %arg1, %dma_wait3A_387, %dma_wait3A_388] : memref<2x16x160x128xi32, #tpu.memory_space<hbm>> -> memref<1x1x160x128xi32, #tpu.memory_space<hbm>>
      %dma_wait3A_390 = tpu.memref_squeeze %dma_wait3A_389 : memref<1x1x160x128xi32, #tpu.memory_space<hbm>> -> memref<160x128xi32, #tpu.memory_space<hbm>>
      %dma_wait3A_391 = arith.constant 0 : i32
      %dma_wait3A_392 = arith.constant 0 : i32
      %dma_wait3A_393 = tpu.memref_slice %arg3[%arg0, %arg1, %dma_wait3A_391, %dma_wait3A_392] : memref<2x16x160x128xi32, #tpu.memory_space<hbm>> -> memref<1x1x160x128xi32, #tpu.memory_space<hbm>>
      %dma_wait3A_394 = tpu.memref_squeeze %dma_wait3A_393 : memref<1x1x160x128xi32, #tpu.memory_space<hbm>> -> memref<160x128xi32, #tpu.memory_space<hbm>>
      tpu.wait_dma2 semaphore(%run_scoped3A : memref<!tpu.dma_semaphore, #tpu.memory_space<semaphore_mem>>) src(%dma_wait3A_394 : memref<160x128xi32, #tpu.memory_space<hbm>>) dst(%arg6 : memref<160x128xi32, #tpu.memory_space<vmem>>)
      tpu.yield
    }) : () -> ()
    "tpu.region"() ({
      %run_scoped3A = tpu.sem_alloc : memref<!tpu.dma_semaphore, #tpu.memory_space<semaphore_mem>>
      %dma_start3A_379 = arith.constant 0 : i32
      %dma_start3A_380 = arith.constant 0 : i32
      %dma_start3A_381 = tpu.memref_slice %arg4[%arg1, %dma_start3A_379, %dma_start3A_380] : memref<16x160x128xi32, #tpu.memory_space<hbm>> -> memref<1x160x128xi32, #tpu.memory_space<hbm>>
      %dma_start3A_382 = tpu.memref_squeeze %dma_start3A_381 : memref<1x160x128xi32, #tpu.memory_space<hbm>> -> memref<160x128xi32, #tpu.memory_space<hbm>>
      %dma_start3A_383 = arith.constant 0 : i32
      %dma_start3A_384 = arith.constant 0 : i32
      %dma_start3A_385 = tpu.memref_slice %arg4[%arg1, %dma_start3A_383, %dma_start3A_384] : memref<16x160x128xi32, #tpu.memory_space<hbm>> -> memref<1x160x128xi32, #tpu.memory_space<hbm>>
      %dma_start3A_386 = tpu.memref_squeeze %dma_start3A_385 : memref<1x160x128xi32, #tpu.memory_space<hbm>> -> memref<160x128xi32, #tpu.memory_space<hbm>>
      tpu.enqueue_dma source(%dma_start3A_386 : memref<160x128xi32, #tpu.memory_space<hbm>>) target(%arg7 : memref<160x128xi32, #tpu.memory_space<vmem>>) target_semaphore(%run_scoped3A : memref<!tpu.dma_semaphore, #tpu.memory_space<semaphore_mem>>)
      %dma_wait3A_387 = arith.constant 0 : i32
      %dma_wait3A_388 = arith.constant 0 : i32
      %dma_wait3A_389 = tpu.memref_slice %arg4[%arg1, %dma_wait3A_387, %dma_wait3A_388] : memref<16x160x128xi32, #tpu.memory_space<hbm>> -> memref<1x160x128xi32, #tpu.memory_space<hbm>>
      %dma_wait3A_390 = tpu.memref_squeeze %dma_wait3A_389 : memref<1x160x128xi32, #tpu.memory_space<hbm>> -> memref<160x128xi32, #tpu.memory_space<hbm>>
      %dma_wait3A_391 = arith.constant 0 : i32
      %dma_wait3A_392 = arith.constant 0 : i32
      %dma_wait3A_393 = tpu.memref_slice %arg4[%arg1, %dma_wait3A_391, %dma_wait3A_392] : memref<16x160x128xi32, #tpu.memory_space<hbm>> -> memref<1x160x128xi32, #tpu.memory_space<hbm>>
      %dma_wait3A_394 = tpu.memref_squeeze %dma_wait3A_393 : memref<1x160x128xi32, #tpu.memory_space<hbm>> -> memref<160x128xi32, #tpu.memory_space<hbm>>
      tpu.wait_dma2 semaphore(%run_scoped3A : memref<!tpu.dma_semaphore, #tpu.memory_space<semaphore_mem>>) src(%dma_wait3A_394 : memref<160x128xi32, #tpu.memory_space<hbm>>) dst(%arg7 : memref<160x128xi32, #tpu.memory_space<vmem>>)
      tpu.yield
    }) : () -> ()
    %dma_start3A = arith.constant 0 : i32
    %dma_start3A_0 = arith.constant 0 : i32
    %dma_start3A_1 = arith.constant 0 : i32
    %dma_start3A_2 = arith.constant 0 : i32
    %dma_start3A_3 = tpu.memref_slice %arg8[%dma_start3A_0, %dma_start3A_1, %dma_start3A_2] : memref<5x128x64xf32, #tpu.memory_space<vmem>> -> memref<1x128x64xf32, #tpu.memory_space<vmem>>
    %dma_start3A_4 = tpu.memref_squeeze %dma_start3A_3 : memref<1x128x64xf32, #tpu.memory_space<vmem>> -> memref<128x64xf32, #tpu.memory_space<vmem>>
    %dma_start3A_5 = arith.constant 0 : i32
    %dma_start3A_6 = tpu.memref_slice %arg6[%dma_start3A, %dma_start3A_5] : memref<160x128xi32, #tpu.memory_space<vmem>> -> memref<1x128xi32, #tpu.memory_space<vmem>>
    %dma_start3A_7 = tpu.memref_squeeze %dma_start3A_6 : memref<1x128xi32, #tpu.memory_space<vmem>> -> memref<128xi32, #tpu.memory_space<vmem>>
    %dma_start3A_8 = arith.constant 0 : i32
    %dma_start3A_9 = arith.constant 0 : i32
    %dma_start3A_10 = tpu.memref_slice %arg2[%dma_start3A_8, %dma_start3A_9] : memref<20480x64xf32, #tpu.memory_space<hbm>> -> memref<20480x64xf32, #tpu.memory_space<hbm>>
    tpu.enqueue_indirect_dma source(%dma_start3A_10 : memref<20480x64xf32, #tpu.memory_space<hbm>>) target(%dma_start3A_4 : memref<128x64xf32, #tpu.memory_space<vmem>>) offsets(%dma_start3A_7 : memref<128xi32, #tpu.memory_space<vmem>>) semaphore(%arg11 : memref<!tpu.dma_semaphore, #tpu.memory_space<semaphore_mem>>)
    %dma_start3A_11 = arith.constant 1 : i32
    %dma_start3A_12 = arith.constant 1 : i32
    %dma_start3A_13 = arith.constant 0 : i32
    %dma_start3A_14 = arith.constant 0 : i32
    %dma_start3A_15 = tpu.memref_slice %arg8[%dma_start3A_12, %dma_start3A_13, %dma_start3A_14] : memref<5x128x64xf32, #tpu.memory_space<vmem>> -> memref<1x128x64xf32, #tpu.memory_space<vmem>>
    %dma_start3A_16 = tpu.memref_squeeze %dma_start3A_15 : memref<1x128x64xf32, #tpu.memory_space<vmem>> -> memref<128x64xf32, #tpu.memory_space<vmem>>
    %dma_start3A_17 = arith.constant 0 : i32
    %dma_start3A_18 = tpu.memref_slice %arg6[%dma_start3A_11, %dma_start3A_17] : memref<160x128xi32, #tpu.memory_space<vmem>> -> memref<1x128xi32, #tpu.memory_space<vmem>>
    %dma_start3A_19 = tpu.memref_squeeze %dma_start3A_18 : memref<1x128xi32, #tpu.memory_space<vmem>> -> memref<128xi32, #tpu.memory_space<vmem>>
    %dma_start3A_20 = arith.constant 0 : i32
    %dma_start3A_21 = arith.constant 0 : i32
    %dma_start3A_22 = tpu.memref_slice %arg2[%dma_start3A_20, %dma_start3A_21] : memref<20480x64xf32, #tpu.memory_space<hbm>> -> memref<20480x64xf32, #tpu.memory_space<hbm>>
    tpu.enqueue_indirect_dma source(%dma_start3A_22 : memref<20480x64xf32, #tpu.memory_space<hbm>>) target(%dma_start3A_16 : memref<128x64xf32, #tpu.memory_space<vmem>>) offsets(%dma_start3A_19 : memref<128xi32, #tpu.memory_space<vmem>>) semaphore(%arg12 : memref<!tpu.dma_semaphore, #tpu.memory_space<semaphore_mem>>)
    %dma_start3A_23 = arith.constant 2 : i32
    %dma_start3A_24 = arith.constant 2 : i32
    %dma_start3A_25 = arith.constant 0 : i32
    %dma_start3A_26 = arith.constant 0 : i32
    %dma_start3A_27 = tpu.memref_slice %arg8[%dma_start3A_24, %dma_start3A_25, %dma_start3A_26] : memref<5x128x64xf32, #tpu.memory_space<vmem>> -> memref<1x128x64xf32, #tpu.memory_space<vmem>>
    %dma_start3A_28 = tpu.memref_squeeze %dma_start3A_27 : memref<1x128x64xf32, #tpu.memory_space<vmem>> -> memref<128x64xf32, #tpu.memory_space<vmem>>
    %dma_start3A_29 = arith.constant 0 : i32
    %dma_start3A_30 = tpu.memref_slice %arg6[%dma_start3A_23, %dma_start3A_29] : memref<160x128xi32, #tpu.memory_space<vmem>> -> memref<1x128xi32, #tpu.memory_space<vmem>>
    %dma_start3A_31 = tpu.memref_squeeze %dma_start3A_30 : memref<1x128xi32, #tpu.memory_space<vmem>> -> memref<128xi32, #tpu.memory_space<vmem>>
    %dma_start3A_32 = arith.constant 0 : i32
    %dma_start3A_33 = arith.constant 0 : i32
    %dma_start3A_34 = tpu.memref_slice %arg2[%dma_start3A_32, %dma_start3A_33] : memref<20480x64xf32, #tpu.memory_space<hbm>> -> memref<20480x64xf32, #tpu.memory_space<hbm>>
    tpu.enqueue_indirect_dma source(%dma_start3A_34 : memref<20480x64xf32, #tpu.memory_space<hbm>>) target(%dma_start3A_28 : memref<128x64xf32, #tpu.memory_space<vmem>>) offsets(%dma_start3A_31 : memref<128xi32, #tpu.memory_space<vmem>>) semaphore(%arg13 : memref<!tpu.dma_semaphore, #tpu.memory_space<semaphore_mem>>)
    %dma_start3A_35 = arith.constant 3 : i32
    %dma_start3A_36 = arith.constant 3 : i32
    %dma_start3A_37 = arith.constant 0 : i32
    %dma_start3A_38 = arith.constant 0 : i32
    %dma_start3A_39 = tpu.memref_slice %arg8[%dma_start3A_36, %dma_start3A_37, %dma_start3A_38] : memref<5x128x64xf32, #tpu.memory_space<vmem>> -> memref<1x128x64xf32, #tpu.memory_space<vmem>>
    %dma_start3A_40 = tpu.memref_squeeze %dma_start3A_39 : memref<1x128x64xf32, #tpu.memory_space<vmem>> -> memref<128x64xf32, #tpu.memory_space<vmem>>
    %dma_start3A_41 = arith.constant 0 : i32
    %dma_start3A_42 = tpu.memref_slice %arg6[%dma_start3A_35, %dma_start3A_41] : memref<160x128xi32, #tpu.memory_space<vmem>> -> memref<1x128xi32, #tpu.memory_space<vmem>>
    %dma_start3A_43 = tpu.memref_squeeze %dma_start3A_42 : memref<1x128xi32, #tpu.memory_space<vmem>> -> memref<128xi32, #tpu.memory_space<vmem>>
    %dma_start3A_44 = arith.constant 0 : i32
    %dma_start3A_45 = arith.constant 0 : i32
    %dma_start3A_46 = tpu.memref_slice %arg2[%dma_start3A_44, %dma_start3A_45] : memref<20480x64xf32, #tpu.memory_space<hbm>> -> memref<20480x64xf32, #tpu.memory_space<hbm>>
    tpu.enqueue_indirect_dma source(%dma_start3A_46 : memref<20480x64xf32, #tpu.memory_space<hbm>>) target(%dma_start3A_40 : memref<128x64xf32, #tpu.memory_space<vmem>>) offsets(%dma_start3A_43 : memref<128xi32, #tpu.memory_space<vmem>>) semaphore(%arg14 : memref<!tpu.dma_semaphore, #tpu.memory_space<semaphore_mem>>)
    %scan3A = arith.constant 0 : i32
    %scan3A_47 = arith.constant 64 : i32
    %scan3A_48 = arith.addi %scan3A, %scan3A_47 : i32
    %scan3A_49 = arith.constant 1 : i32
    scf.for %scan3A_379 = %scan3A to %scan3A_48 step %scan3A_49  : i32 {
      %mul3A_380 = arith.constant 1 : i32
      %mul3A_381 = arith.muli %scan3A_379, %mul3A_380 : i32
      %add3A_382 = arith.constant 0 : i32
      %add3A_383 = arith.addi %add3A_382, %mul3A_381 : i32
      %broadcast_in_dim3A = arith.constant 0.000000e+00 : f32
      %broadcast_in_dim3A_384 = vector.broadcast %broadcast_in_dim3A : f32 to vector<16xf32>
      %swap3A = arith.index_cast %add3A_383 : i32 to index
      %swap3A_385 = arith.constant 0 : index
      %swap3A_386 = tpu.vector_load %arg9[%swap3A, %swap3A_385] {strides = array<i32>} : memref<64x64xf32, #tpu.memory_space<vmem>>, vector<1x16xf32>,
      %swap3A_387 = vector.shape_cast %swap3A_386 : vector<1x16xf32> to vector<16xf32>
      %swap3A_388 = vector.shape_cast %broadcast_in_dim3A_384 : vector<16xf32> to vector<1x16xf32>
      tpu.vector_store %arg9[%swap3A, %swap3A_385], %swap3A_388 {strides = array<i32>} : memref<64x64xf32, #tpu.memory_space<vmem>>, vector<1x16xf32>,
      %broadcast_in_dim3A_389 = arith.constant 0.000000e+00 : f32
      %broadcast_in_dim3A_390 = vector.broadcast %broadcast_in_dim3A_389 : f32 to vector<16xf32>
      %swap3A_391 = arith.index_cast %add3A_383 : i32 to index
      %swap3A_392 = arith.constant 16 : index
      %swap3A_393 = tpu.vector_load %arg9[%swap3A_391, %swap3A_392] {strides = array<i32>} : memref<64x64xf32, #tpu.memory_space<vmem>>, vector<1x16xf32>,
      %swap3A_394 = vector.shape_cast %swap3A_393 : vector<1x16xf32> to vector<16xf32>
      %swap3A_395 = vector.shape_cast %broadcast_in_dim3A_390 : vector<16xf32> to vector<1x16xf32>
      tpu.vector_store %arg9[%swap3A_391, %swap3A_392], %swap3A_395 {strides = array<i32>} : memref<64x64xf32, #tpu.memory_space<vmem>>, vector<1x16xf32>,
      %broadcast_in_dim3A_396 = arith.constant 0.000000e+00 : f32
      %broadcast_in_dim3A_397 = vector.broadcast %broadcast_in_dim3A_396 : f32 to vector<16xf32>
      %swap3A_398 = arith.index_cast %add3A_383 : i32 to index
      %swap3A_399 = arith.constant 32 : index
      %swap3A_400 = tpu.vector_load %arg9[%swap3A_398, %swap3A_399] {strides = array<i32>} : memref<64x64xf32, #tpu.memory_space<vmem>>, vector<1x16xf32>,
      %swap3A_401 = vector.shape_cast %swap3A_400 : vector<1x16xf32> to vector<16xf32>
      %swap3A_402 = vector.shape_cast %broadcast_in_dim3A_397 : vector<16xf32> to vector<1x16xf32>
      tpu.vector_store %arg9[%swap3A_398, %swap3A_399], %swap3A_402 {strides = array<i32>} : memref<64x64xf32, #tpu.memory_space<vmem>>, vector<1x16xf32>,
      %broadcast_in_dim3A_403 = arith.constant 0.000000e+00 : f32
      %broadcast_in_dim3A_404 = vector.broadcast %broadcast_in_dim3A_403 : f32 to vector<16xf32>
      %swap3A_405 = arith.index_cast %add3A_383 : i32 to index
      %swap3A_406 = arith.constant 48 : index
      %swap3A_407 = tpu.vector_load %arg9[%swap3A_405, %swap3A_406] {strides = array<i32>} : memref<64x64xf32, #tpu.memory_space<vmem>>, vector<1x16xf32>,
      %swap3A_408 = vector.shape_cast %swap3A_407 : vector<1x16xf32> to vector<16xf32>
      %swap3A_409 = vector.shape_cast %broadcast_in_dim3A_404 : vector<16xf32> to vector<1x16xf32>
      tpu.vector_store %arg9[%swap3A_405, %swap3A_406], %swap3A_409 {strides = array<i32>} : memref<64x64xf32, #tpu.memory_space<vmem>>, vector<1x16xf32>,
    }
    %scan3A_50 = arith.constant 64 : i32
    %scan3A_51 = arith.constant 0 : i32
    %scan3A_52 = arith.constant 10 : i32
    %scan3A_53 = arith.addi %scan3A_51, %scan3A_52 : i32
    %scan3A_54 = arith.constant 1 : i32
    scf.for %scan3A_379 = %scan3A_51 to %scan3A_53 step %scan3A_54  : i32 {
      %mul3A_380 = arith.constant 1 : i32
      %mul3A_381 = arith.muli %scan3A_379, %mul3A_380 : i32
      %add3A_382 = arith.constant 0 : i32
      %add3A_383 = arith.addi %add3A_382, %mul3A_381 : i32
      %mul3A_384 = arith.constant 640 : i32
      %mul3A_385 = arith.muli %arg1, %mul3A_384 : i32
      %mul3A_386 = arith.constant 64 : i32
      %mul3A_387 = arith.muli %add3A_383, %mul3A_386 : i32
      %add3A_388 = arith.addi %mul3A_385, %mul3A_387 : i32
      "tpu.region"() ({
        %run_scoped3A = tpu.sem_alloc : memref<!tpu.dma_semaphore, #tpu.memory_space<semaphore_mem>>
        %dma_start3A_389 = arith.constant 0 : i32
        %dma_start3A_390 = tpu.memref_slice %arg10[%add3A_388, %dma_start3A_389] : memref<10240x64xf32, #tpu.memory_space<vmem_shared>> -> memref<64x64xf32, #tpu.memory_space<vmem_shared>>
        %dma_start3A_391 = arith.constant 0 : i32
        %dma_start3A_392 = tpu.memref_slice %arg10[%add3A_388, %dma_start3A_391] : memref<10240x64xf32, #tpu.memory_space<vmem_shared>> -> memref<64x64xf32, #tpu.memory_space<vmem_shared>>
        tpu.enqueue_dma source(%arg9 : memref<64x64xf32, #tpu.memory_space<vmem>>) target(%dma_start3A_392 : memref<64x64xf32, #tpu.memory_space<vmem_shared>>) target_semaphore(%run_scoped3A : memref<!tpu.dma_semaphore, #tpu.memory_space<semaphore_mem>>)
        %dma_wait3A_393 = arith.constant 0 : i32
        %dma_wait3A_394 = tpu.memref_slice %arg10[%add3A_388, %dma_wait3A_393] : memref<10240x64xf32, #tpu.memory_space<vmem_shared>> -> memref<64x64xf32, #tpu.memory_space<vmem_shared>>
        %dma_wait3A_395 = arith.constant 0 : i32
        %dma_wait3A_396 = tpu.memref_slice %arg10[%add3A_388, %dma_wait3A_395] : memref<10240x64xf32, #tpu.memory_space<vmem_shared>> -> memref<64x64xf32, #tpu.memory_space<vmem_shared>>
        tpu.wait_dma2 semaphore(%run_scoped3A : memref<!tpu.dma_semaphore, #tpu.memory_space<semaphore_mem>>) src(%arg9 : memref<64x64xf32, #tpu.memory_space<vmem>>) dst(%dma_wait3A_396 : memref<64x64xf32, #tpu.memory_space<vmem_shared>>)
        tpu.yield
      }) : () -> ()
    }
    %scan3A_55 = arith.constant 10 : i32
    %barrier3A = arith.constant 0 : index
    tpu.barrier barrier_id(%barrier3A)
    %scan3A_56 = arith.constant 0 : i32
    %scan3A_57 = arith.constant 32 : i32
    %scan3A_58 = arith.addi %scan3A_56, %scan3A_57 : i32
    %scan3A_59 = arith.constant 1 : i32
    scf.for %scan3A_379 = %scan3A_56 to %scan3A_58 step %scan3A_59  : i32 {
      %mul3A_380 = arith.constant 5 : i32
      %mul3A_381 = arith.muli %scan3A_379, %mul3A_380 : i32
      %add3A_382 = arith.constant 0 : i32
      %add3A_383 = arith.addi %add3A_382, %mul3A_381 : i32
      %add3A_384 = arith.constant 0 : i32
      %add3A_385 = arith.addi %add3A_383, %add3A_384 : i32
      %dma_wait3A_386 = arith.constant 0 : i32
      %dma_wait3A_387 = arith.constant 0 : i32
      %dma_wait3A_388 = arith.constant 0 : i32
      %dma_wait3A_389 = tpu.memref_slice %arg8[%dma_wait3A_386, %dma_wait3A_387, %dma_wait3A_388] : memref<5x128x64xf32, #tpu.memory_space<vmem>> -> memref<1x128x64xf32, #tpu.memory_space<vmem>>
      %dma_wait3A_390 = tpu.memref_squeeze %dma_wait3A_389 : memref<1x128x64xf32, #tpu.memory_space<vmem>> -> memref<128x64xf32, #tpu.memory_space<vmem>>
      %dma_wait3A_391 = arith.constant 0 : i32
      %dma_wait3A_392 = tpu.memref_slice %arg6[%add3A_385, %dma_wait3A_391] : memref<160x128xi32, #tpu.memory_space<vmem>> -> memref<1x128xi32, #tpu.memory_space<vmem>>
      %dma_wait3A_393 = tpu.memref_squeeze %dma_wait3A_392 : memref<1x128xi32, #tpu.memory_space<vmem>> -> memref<128xi32, #tpu.memory_space<vmem>>
      %dma_wait3A_394 = arith.constant 0 : i32
      %dma_wait3A_395 = arith.constant 0 : i32
      %dma_wait3A_396 = tpu.memref_slice %arg2[%dma_wait3A_394, %dma_wait3A_395] : memref<20480x64xf32, #tpu.memory_space<hbm>> -> memref<20480x64xf32, #tpu.memory_space<hbm>>
      tpu.wait_indirect_dma semaphore(%arg11 : memref<!tpu.dma_semaphore, #tpu.memory_space<semaphore_mem>>) src(%dma_wait3A_396 : memref<20480x64xf32, #tpu.memory_space<hbm>>) dst(%dma_wait3A_390 : memref<128x64xf32, #tpu.memory_space<vmem>>)
      %dma_start3A_397 = arith.constant 0 : i32
      %dma_start3A_398 = arith.constant 0 : i32
      %dma_start3A_399 = arith.constant 0 : i32
      %dma_start3A_400 = tpu.memref_slice %arg8[%dma_start3A_397, %dma_start3A_398, %dma_start3A_399] : memref<5x128x64xf32, #tpu.memory_space<vmem>> -> memref<1x128x64xf32, #tpu.memory_space<vmem>>
      %dma_start3A_401 = tpu.memref_squeeze %dma_start3A_400 : memref<1x128x64xf32, #tpu.memory_space<vmem>> -> memref<128x64xf32, #tpu.memory_space<vmem>>
      %dma_start3A_402 = arith.constant 0 : i32
      %dma_start3A_403 = tpu.memref_slice %arg7[%add3A_385, %dma_start3A_402] : memref<160x128xi32, #tpu.memory_space<vmem>> -> memref<1x128xi32, #tpu.memory_space<vmem>>
      %dma_start3A_404 = tpu.memref_squeeze %dma_start3A_403 : memref<1x128xi32, #tpu.memory_space<vmem>> -> memref<128xi32, #tpu.memory_space<vmem>>
      %dma_start3A_405 = arith.constant 0 : i32
      %dma_start3A_406 = arith.constant 0 : i32
      %dma_start3A_407 = tpu.memref_slice %arg10[%dma_start3A_405, %dma_start3A_406] : memref<10240x64xf32, #tpu.memory_space<vmem_shared>> -> memref<10240x64xf32, #tpu.memory_space<vmem_shared>>
      tpu.enqueue_indirect_dma source(%dma_start3A_401 : memref<128x64xf32, #tpu.memory_space<vmem>>) target(%dma_start3A_407 : memref<10240x64xf32, #tpu.memory_space<vmem_shared>>) offsets(%dma_start3A_404 : memref<128xi32, #tpu.memory_space<vmem>>) semaphore(%arg16 : memref<!tpu.dma_semaphore, #tpu.memory_space<semaphore_mem>>) {add = true}
      %add3A_408 = arith.constant 4 : i32
      %add3A_409 = arith.addi %add3A_385, %add3A_408 : i32
      %lt3A = arith.constant 160 : i32
      %lt3A_410 = arith.cmpi slt, %add3A_409, %lt3A : i32
      %convert_element_type3A = arith.extui %lt3A_410 : i1 to i32
      %cond3A = arith.constant 0 : i32
      %cond3A_411 = arith.cmpi ne, %convert_element_type3A, %cond3A : i32
      scf.if %cond3A_411 {
        %add3A_536 = arith.constant 4 : i32
        %add3A_537 = arith.addi %add3A_385, %add3A_536 : i32
        %ge3A = arith.constant 5 : i32
        %ge3A_538 = arith.cmpi sge, %add3A_537, %ge3A : i32
        %convert_element_type3A_539 = arith.extui %ge3A_538 : i1 to i32
        %cond3A_540 = arith.constant 0 : i32
        %cond3A_541 = arith.cmpi ne, %convert_element_type3A_539, %cond3A_540 : i32
        scf.if %cond3A_541 {
          %dma_wait3A_555 = arith.constant 4 : i32
          %dma_wait3A_556 = arith.constant 0 : i32
          %dma_wait3A_557 = arith.constant 0 : i32
          %dma_wait3A_558 = tpu.memref_slice %arg8[%dma_wait3A_555, %dma_wait3A_556, %dma_wait3A_557] : memref<5x128x64xf32, #tpu.memory_space<vmem>> -> memref<1x128x64xf32, #tpu.memory_space<vmem>>
          %dma_wait3A_559 = tpu.memref_squeeze %dma_wait3A_558 : memref<1x128x64xf32, #tpu.memory_space<vmem>> -> memref<128x64xf32, #tpu.memory_space<vmem>>
          %dma_wait3A_560 = arith.constant 0 : i32
          %dma_wait3A_561 = tpu.memref_slice %arg7[%add3A_385, %dma_wait3A_560] : memref<160x128xi32, #tpu.memory_space<vmem>> -> memref<1x128xi32, #tpu.memory_space<vmem>>
          %dma_wait3A_562 = tpu.memref_squeeze %dma_wait3A_561 : memref<1x128xi32, #tpu.memory_space<vmem>> -> memref<128xi32, #tpu.memory_space<vmem>>
          %dma_wait3A_563 = arith.constant 0 : i32
          %dma_wait3A_564 = arith.constant 0 : i32
          %dma_wait3A_565 = tpu.memref_slice %arg10[%dma_wait3A_563, %dma_wait3A_564] : memref<10240x64xf32, #tpu.memory_space<vmem_shared>> -> memref<10240x64xf32, #tpu.memory_space<vmem_shared>>
          tpu.wait_indirect_dma semaphore(%arg20 : memref<!tpu.dma_semaphore, #tpu.memory_space<semaphore_mem>>) src(%dma_wait3A_559 : memref<128x64xf32, #tpu.memory_space<vmem>>) dst(%dma_wait3A_565 : memref<10240x64xf32, #tpu.memory_space<vmem_shared>>)
        } else {
        }
        %add3A_542 = arith.constant 4 : i32
        %add3A_543 = arith.addi %add3A_385, %add3A_542 : i32
        %dma_start3A_544 = arith.constant 4 : i32
        %dma_start3A_545 = arith.constant 0 : i32
        %dma_start3A_546 = arith.constant 0 : i32
        %dma_start3A_547 = tpu.memref_slice %arg8[%dma_start3A_544, %dma_start3A_545, %dma_start3A_546] : memref<5x128x64xf32, #tpu.memory_space<vmem>> -> memref<1x128x64xf32, #tpu.memory_space<vmem>>
        %dma_start3A_548 = tpu.memref_squeeze %dma_start3A_547 : memref<1x128x64xf32, #tpu.memory_space<vmem>> -> memref<128x64xf32, #tpu.memory_space<vmem>>
        %dma_start3A_549 = arith.constant 0 : i32
        %dma_start3A_550 = tpu.memref_slice %arg6[%add3A_543, %dma_start3A_549] : memref<160x128xi32, #tpu.memory_space<vmem>> -> memref<1x128xi32, #tpu.memory_space<vmem>>
        %dma_start3A_551 = tpu.memref_squeeze %dma_start3A_550 : memref<1x128xi32, #tpu.memory_space<vmem>> -> memref<128xi32, #tpu.memory_space<vmem>>
        %dma_start3A_552 = arith.constant 0 : i32
        %dma_start3A_553 = arith.constant 0 : i32
        %dma_start3A_554 = tpu.memref_slice %arg2[%dma_start3A_552, %dma_start3A_553] : memref<20480x64xf32, #tpu.memory_space<hbm>> -> memref<20480x64xf32, #tpu.memory_space<hbm>>
        tpu.enqueue_indirect_dma source(%dma_start3A_554 : memref<20480x64xf32, #tpu.memory_space<hbm>>) target(%dma_start3A_548 : memref<128x64xf32, #tpu.memory_space<vmem>>) offsets(%dma_start3A_551 : memref<128xi32, #tpu.memory_space<vmem>>) semaphore(%arg15 : memref<!tpu.dma_semaphore, #tpu.memory_space<semaphore_mem>>)
      } else {
      }
      %add3A_412 = arith.constant 1 : i32
      %add3A_413 = arith.addi %add3A_383, %add3A_412 : i32
      %dma_wait3A_414 = arith.constant 1 : i32
      %dma_wait3A_415 = arith.constant 0 : i32
      %dma_wait3A_416 = arith.constant 0 : i32
      %dma_wait3A_417 = tpu.memref_slice %arg8[%dma_wait3A_414, %dma_wait3A_415, %dma_wait3A_416] : memref<5x128x64xf32, #tpu.memory_space<vmem>> -> memref<1x128x64xf32, #tpu.memory_space<vmem>>
      %dma_wait3A_418 = tpu.memref_squeeze %dma_wait3A_417 : memref<1x128x64xf32, #tpu.memory_space<vmem>> -> memref<128x64xf32, #tpu.memory_space<vmem>>
      %dma_wait3A_419 = arith.constant 0 : i32
      %dma_wait3A_420 = tpu.memref_slice %arg6[%add3A_413, %dma_wait3A_419] : memref<160x128xi32, #tpu.memory_space<vmem>> -> memref<1x128xi32, #tpu.memory_space<vmem>>
      %dma_wait3A_421 = tpu.memref_squeeze %dma_wait3A_420 : memref<1x128xi32, #tpu.memory_space<vmem>> -> memref<128xi32, #tpu.memory_space<vmem>>
      %dma_wait3A_422 = arith.constant 0 : i32
      %dma_wait3A_423 = arith.constant 0 : i32
      %dma_wait3A_424 = tpu.memref_slice %arg2[%dma_wait3A_422, %dma_wait3A_423] : memref<20480x64xf32, #tpu.memory_space<hbm>> -> memref<20480x64xf32, #tpu.memory_space<hbm>>
      tpu.wait_indirect_dma semaphore(%arg12 : memref<!tpu.dma_semaphore, #tpu.memory_space<semaphore_mem>>) src(%dma_wait3A_424 : memref<20480x64xf32, #tpu.memory_space<hbm>>) dst(%dma_wait3A_418 : memref<128x64xf32, #tpu.memory_space<vmem>>)
      %dma_start3A_425 = arith.constant 1 : i32
      %dma_start3A_426 = arith.constant 0 : i32
      %dma_start3A_427 = arith.constant 0 : i32
      %dma_start3A_428 = tpu.memref_slice %arg8[%dma_start3A_425, %dma_start3A_426, %dma_start3A_427] : memref<5x128x64xf32, #tpu.memory_space<vmem>> -> memref<1x128x64xf32, #tpu.memory_space<vmem>>
      %dma_start3A_429 = tpu.memref_squeeze %dma_start3A_428 : memref<1x128x64xf32, #tpu.memory_space<vmem>> -> memref<128x64xf32, #tpu.memory_space<vmem>>
      %dma_start3A_430 = arith.constant 0 : i32
      %dma_start3A_431 = tpu.memref_slice %arg7[%add3A_413, %dma_start3A_430] : memref<160x128xi32, #tpu.memory_space<vmem>> -> memref<1x128xi32, #tpu.memory_space<vmem>>
      %dma_start3A_432 = tpu.memref_squeeze %dma_start3A_431 : memref<1x128xi32, #tpu.memory_space<vmem>> -> memref<128xi32, #tpu.memory_space<vmem>>
      %dma_start3A_433 = arith.constant 0 : i32
      %dma_start3A_434 = arith.constant 0 : i32
      %dma_start3A_435 = tpu.memref_slice %arg10[%dma_start3A_433, %dma_start3A_434] : memref<10240x64xf32, #tpu.memory_space<vmem_shared>> -> memref<10240x64xf32, #tpu.memory_space<vmem_shared>>
      tpu.enqueue_indirect_dma source(%dma_start3A_429 : memref<128x64xf32, #tpu.memory_space<vmem>>) target(%dma_start3A_435 : memref<10240x64xf32, #tpu.memory_space<vmem_shared>>) offsets(%dma_start3A_432 : memref<128xi32, #tpu.memory_space<vmem>>) semaphore(%arg17 : memref<!tpu.dma_semaphore, #tpu.memory_space<semaphore_mem>>) {add = true}
      %add3A_436 = arith.constant 4 : i32
      %add3A_437 = arith.addi %add3A_413, %add3A_436 : i32
      %lt3A_438 = arith.constant 160 : i32
      %lt3A_439 = arith.cmpi slt, %add3A_437, %lt3A_438 : i32
      %convert_element_type3A_440 = arith.extui %lt3A_439 : i1 to i32
      %cond3A_441 = arith.constant 0 : i32
      %cond3A_442 = arith.cmpi ne, %convert_element_type3A_440, %cond3A_441 : i32
      scf.if %cond3A_442 {
        %add3A_536 = arith.constant 4 : i32
        %add3A_537 = arith.addi %add3A_413, %add3A_536 : i32
        %ge3A = arith.constant 5 : i32
        %ge3A_538 = arith.cmpi sge, %add3A_537, %ge3A : i32
        %convert_element_type3A_539 = arith.extui %ge3A_538 : i1 to i32
        %cond3A_540 = arith.constant 0 : i32
        %cond3A_541 = arith.cmpi ne, %convert_element_type3A_539, %cond3A_540 : i32
        scf.if %cond3A_541 {
          %dma_wait3A_555 = arith.constant 0 : i32
          %dma_wait3A_556 = arith.constant 0 : i32
          %dma_wait3A_557 = arith.constant 0 : i32
          %dma_wait3A_558 = tpu.memref_slice %arg8[%dma_wait3A_555, %dma_wait3A_556, %dma_wait3A_557] : memref<5x128x64xf32, #tpu.memory_space<vmem>> -> memref<1x128x64xf32, #tpu.memory_space<vmem>>
          %dma_wait3A_559 = tpu.memref_squeeze %dma_wait3A_558 : memref<1x128x64xf32, #tpu.memory_space<vmem>> -> memref<128x64xf32, #tpu.memory_space<vmem>>
          %dma_wait3A_560 = arith.constant 0 : i32
          %dma_wait3A_561 = tpu.memref_slice %arg7[%add3A_413, %dma_wait3A_560] : memref<160x128xi32, #tpu.memory_space<vmem>> -> memref<1x128xi32, #tpu.memory_space<vmem>>
          %dma_wait3A_562 = tpu.memref_squeeze %dma_wait3A_561 : memref<1x128xi32, #tpu.memory_space<vmem>> -> memref<128xi32, #tpu.memory_space<vmem>>
          %dma_wait3A_563 = arith.constant 0 : i32
          %dma_wait3A_564 = arith.constant 0 : i32
          %dma_wait3A_565 = tpu.memref_slice %arg10[%dma_wait3A_563, %dma_wait3A_564] : memref<10240x64xf32, #tpu.memory_space<vmem_shared>> -> memref<10240x64xf32, #tpu.memory_space<vmem_shared>>
          tpu.wait_indirect_dma semaphore(%arg16 : memref<!tpu.dma_semaphore, #tpu.memory_space<semaphore_mem>>) src(%dma_wait3A_559 : memref<128x64xf32, #tpu.memory_space<vmem>>) dst(%dma_wait3A_565 : memref<10240x64xf32, #tpu.memory_space<vmem_shared>>)
        } else {
        }
        %add3A_542 = arith.constant 4 : i32
        %add3A_543 = arith.addi %add3A_413, %add3A_542 : i32
        %dma_start3A_544 = arith.constant 0 : i32
        %dma_start3A_545 = arith.constant 0 : i32
        %dma_start3A_546 = arith.constant 0 : i32
        %dma_start3A_547 = tpu.memref_slice %arg8[%dma_start3A_544, %dma_start3A_545, %dma_start3A_546] : memref<5x128x64xf32, #tpu.memory_space<vmem>> -> memref<1x128x64xf32, #tpu.memory_space<vmem>>
        %dma_start3A_548 = tpu.memref_squeeze %dma_start3A_547 : memref<1x128x64xf32, #tpu.memory_space<vmem>> -> memref<128x64xf32, #tpu.memory_space<vmem>>
        %dma_start3A_549 = arith.constant 0 : i32
        %dma_start3A_550 = tpu.memref_slice %arg6[%add3A_543, %dma_start3A_549] : memref<160x128xi32, #tpu.memory_space<vmem>> -> memref<1x128xi32, #tpu.memory_space<vmem>>
        %dma_start3A_551 = tpu.memref_squeeze %dma_start3A_550 : memref<1x128xi32, #tpu.memory_space<vmem>> -> memref<128xi32, #tpu.memory_space<vmem>>
        %dma_start3A_552 = arith.constant 0 : i32
        %dma_start3A_553 = arith.constant 0 : i32
        %dma_start3A_554 = tpu.memref_slice %arg2[%dma_start3A_552, %dma_start3A_553] : memref<20480x64xf32, #tpu.memory_space<hbm>> -> memref<20480x64xf32, #tpu.memory_space<hbm>>
        tpu.enqueue_indirect_dma source(%dma_start3A_554 : memref<20480x64xf32, #tpu.memory_space<hbm>>) target(%dma_start3A_548 : memref<128x64xf32, #tpu.memory_space<vmem>>) offsets(%dma_start3A_551 : memref<128xi32, #tpu.memory_space<vmem>>) semaphore(%arg11 : memref<!tpu.dma_semaphore, #tpu.memory_space<semaphore_mem>>)
      } else {
      }
      %add3A_443 = arith.constant 2 : i32
      %add3A_444 = arith.addi %add3A_383, %add3A_443 : i32
      %dma_wait3A_445 = arith.constant 2 : i32
      %dma_wait3A_446 = arith.constant 0 : i32
      %dma_wait3A_447 = arith.constant 0 : i32
      %dma_wait3A_448 = tpu.memref_slice %arg8[%dma_wait3A_445, %dma_wait3A_446, %dma_wait3A_447] : memref<5x128x64xf32, #tpu.memory_space<vmem>> -> memref<1x128x64xf32, #tpu.memory_space<vmem>>
      %dma_wait3A_449 = tpu.memref_squeeze %dma_wait3A_448 : memref<1x128x64xf32, #tpu.memory_space<vmem>> -> memref<128x64xf32, #tpu.memory_space<vmem>>
      %dma_wait3A_450 = arith.constant 0 : i32
      %dma_wait3A_451 = tpu.memref_slice %arg6[%add3A_444, %dma_wait3A_450] : memref<160x128xi32, #tpu.memory_space<vmem>> -> memref<1x128xi32, #tpu.memory_space<vmem>>
      %dma_wait3A_452 = tpu.memref_squeeze %dma_wait3A_451 : memref<1x128xi32, #tpu.memory_space<vmem>> -> memref<128xi32, #tpu.memory_space<vmem>>
      %dma_wait3A_453 = arith.constant 0 : i32
      %dma_wait3A_454 = arith.constant 0 : i32
      %dma_wait3A_455 = tpu.memref_slice %arg2[%dma_wait3A_453, %dma_wait3A_454] : memref<20480x64xf32, #tpu.memory_space<hbm>> -> memref<20480x64xf32, #tpu.memory_space<hbm>>
      tpu.wait_indirect_dma semaphore(%arg13 : memref<!tpu.dma_semaphore, #tpu.memory_space<semaphore_mem>>) src(%dma_wait3A_455 : memref<20480x64xf32, #tpu.memory_space<hbm>>) dst(%dma_wait3A_449 : memref<128x64xf32, #tpu.memory_space<vmem>>)
      %dma_start3A_456 = arith.constant 2 : i32
      %dma_start3A_457 = arith.constant 0 : i32
      %dma_start3A_458 = arith.constant 0 : i32
      %dma_start3A_459 = tpu.memref_slice %arg8[%dma_start3A_456, %dma_start3A_457, %dma_start3A_458] : memref<5x128x64xf32, #tpu.memory_space<vmem>> -> memref<1x128x64xf32, #tpu.memory_space<vmem>>
      %dma_start3A_460 = tpu.memref_squeeze %dma_start3A_459 : memref<1x128x64xf32, #tpu.memory_space<vmem>> -> memref<128x64xf32, #tpu.memory_space<vmem>>
      %dma_start3A_461 = arith.constant 0 : i32
      %dma_start3A_462 = tpu.memref_slice %arg7[%add3A_444, %dma_start3A_461] : memref<160x128xi32, #tpu.memory_space<vmem>> -> memref<1x128xi32, #tpu.memory_space<vmem>>
      %dma_start3A_463 = tpu.memref_squeeze %dma_start3A_462 : memref<1x128xi32, #tpu.memory_space<vmem>> -> memref<128xi32, #tpu.memory_space<vmem>>
      %dma_start3A_464 = arith.constant 0 : i32
      %dma_start3A_465 = arith.constant 0 : i32
      %dma_start3A_466 = tpu.memref_slice %arg10[%dma_start3A_464, %dma_start3A_465] : memref<10240x64xf32, #tpu.memory_space<vmem_shared>> -> memref<10240x64xf32, #tpu.memory_space<vmem_shared>>
      tpu.enqueue_indirect_dma source(%dma_start3A_460 : memref<128x64xf32, #tpu.memory_space<vmem>>) target(%dma_start3A_466 : memref<10240x64xf32, #tpu.memory_space<vmem_shared>>) offsets(%dma_start3A_463 : memref<128xi32, #tpu.memory_space<vmem>>) semaphore(%arg18 : memref<!tpu.dma_semaphore, #tpu.memory_space<semaphore_mem>>) {add = true}
      %add3A_467 = arith.constant 4 : i32
      %add3A_468 = arith.addi %add3A_444, %add3A_467 : i32
      %lt3A_469 = arith.constant 160 : i32
      %lt3A_470 = arith.cmpi slt, %add3A_468, %lt3A_469 : i32
      %convert_element_type3A_471 = arith.extui %lt3A_470 : i1 to i32
      %cond3A_472 = arith.constant 0 : i32
      %cond3A_473 = arith.cmpi ne, %convert_element_type3A_471, %cond3A_472 : i32
      scf.if %cond3A_473 {
        %add3A_536 = arith.constant 4 : i32
        %add3A_537 = arith.addi %add3A_444, %add3A_536 : i32
        %ge3A = arith.constant 5 : i32
        %ge3A_538 = arith.cmpi sge, %add3A_537, %ge3A : i32
        %convert_element_type3A_539 = arith.extui %ge3A_538 : i1 to i32
        %cond3A_540 = arith.constant 0 : i32
        %cond3A_541 = arith.cmpi ne, %convert_element_type3A_539, %cond3A_540 : i32
        scf.if %cond3A_541 {
          %dma_wait3A_555 = arith.constant 1 : i32
          %dma_wait3A_556 = arith.constant 0 : i32
          %dma_wait3A_557 = arith.constant 0 : i32
          %dma_wait3A_558 = tpu.memref_slice %arg8[%dma_wait3A_555, %dma_wait3A_556, %dma_wait3A_557] : memref<5x128x64xf32, #tpu.memory_space<vmem>> -> memref<1x128x64xf32, #tpu.memory_space<vmem>>
          %dma_wait3A_559 = tpu.memref_squeeze %dma_wait3A_558 : memref<1x128x64xf32, #tpu.memory_space<vmem>> -> memref<128x64xf32, #tpu.memory_space<vmem>>
          %dma_wait3A_560 = arith.constant 0 : i32
          %dma_wait3A_561 = tpu.memref_slice %arg7[%add3A_444, %dma_wait3A_560] : memref<160x128xi32, #tpu.memory_space<vmem>> -> memref<1x128xi32, #tpu.memory_space<vmem>>
          %dma_wait3A_562 = tpu.memref_squeeze %dma_wait3A_561 : memref<1x128xi32, #tpu.memory_space<vmem>> -> memref<128xi32, #tpu.memory_space<vmem>>
          %dma_wait3A_563 = arith.constant 0 : i32
          %dma_wait3A_564 = arith.constant 0 : i32
          %dma_wait3A_565 = tpu.memref_slice %arg10[%dma_wait3A_563, %dma_wait3A_564] : memref<10240x64xf32, #tpu.memory_space<vmem_shared>> -> memref<10240x64xf32, #tpu.memory_space<vmem_shared>>
          tpu.wait_indirect_dma semaphore(%arg17 : memref<!tpu.dma_semaphore, #tpu.memory_space<semaphore_mem>>) src(%dma_wait3A_559 : memref<128x64xf32, #tpu.memory_space<vmem>>) dst(%dma_wait3A_565 : memref<10240x64xf32, #tpu.memory_space<vmem_shared>>)
        } else {
        }
        %add3A_542 = arith.constant 4 : i32
        %add3A_543 = arith.addi %add3A_444, %add3A_542 : i32
        %dma_start3A_544 = arith.constant 1 : i32
        %dma_start3A_545 = arith.constant 0 : i32
        %dma_start3A_546 = arith.constant 0 : i32
        %dma_start3A_547 = tpu.memref_slice %arg8[%dma_start3A_544, %dma_start3A_545, %dma_start3A_546] : memref<5x128x64xf32, #tpu.memory_space<vmem>> -> memref<1x128x64xf32, #tpu.memory_space<vmem>>
        %dma_start3A_548 = tpu.memref_squeeze %dma_start3A_547 : memref<1x128x64xf32, #tpu.memory_space<vmem>> -> memref<128x64xf32, #tpu.memory_space<vmem>>
        %dma_start3A_549 = arith.constant 0 : i32
        %dma_start3A_550 = tpu.memref_slice %arg6[%add3A_543, %dma_start3A_549] : memref<160x128xi32, #tpu.memory_space<vmem>> -> memref<1x128xi32, #tpu.memory_space<vmem>>
        %dma_start3A_551 = tpu.memref_squeeze %dma_start3A_550 : memref<1x128xi32, #tpu.memory_space<vmem>> -> memref<128xi32, #tpu.memory_space<vmem>>
        %dma_start3A_552 = arith.constant 0 : i32
        %dma_start3A_553 = arith.constant 0 : i32
        %dma_start3A_554 = tpu.memref_slice %arg2[%dma_start3A_552, %dma_start3A_553] : memref<20480x64xf32, #tpu.memory_space<hbm>> -> memref<20480x64xf32, #tpu.memory_space<hbm>>
        tpu.enqueue_indirect_dma source(%dma_start3A_554 : memref<20480x64xf32, #tpu.memory_space<hbm>>) target(%dma_start3A_548 : memref<128x64xf32, #tpu.memory_space<vmem>>) offsets(%dma_start3A_551 : memref<128xi32, #tpu.memory_space<vmem>>) semaphore(%arg12 : memref<!tpu.dma_semaphore, #tpu.memory_space<semaphore_mem>>)
      } else {
      }
      %add3A_474 = arith.constant 3 : i32
      %add3A_475 = arith.addi %add3A_383, %add3A_474 : i32
      %dma_wait3A_476 = arith.constant 3 : i32
      %dma_wait3A_477 = arith.constant 0 : i32
      %dma_wait3A_478 = arith.constant 0 : i32
      %dma_wait3A_479 = tpu.memref_slice %arg8[%dma_wait3A_476, %dma_wait3A_477, %dma_wait3A_478] : memref<5x128x64xf32, #tpu.memory_space<vmem>> -> memref<1x128x64xf32, #tpu.memory_space<vmem>>
      %dma_wait3A_480 = tpu.memref_squeeze %dma_wait3A_479 : memref<1x128x64xf32, #tpu.memory_space<vmem>> -> memref<128x64xf32, #tpu.memory_space<vmem>>
      %dma_wait3A_481 = arith.constant 0 : i32
      %dma_wait3A_482 = tpu.memref_slice %arg6[%add3A_475, %dma_wait3A_481] : memref<160x128xi32, #tpu.memory_space<vmem>> -> memref<1x128xi32, #tpu.memory_space<vmem>>
      %dma_wait3A_483 = tpu.memref_squeeze %dma_wait3A_482 : memref<1x128xi32, #tpu.memory_space<vmem>> -> memref<128xi32, #tpu.memory_space<vmem>>
      %dma_wait3A_484 = arith.constant 0 : i32
      %dma_wait3A_485 = arith.constant 0 : i32
      %dma_wait3A_486 = tpu.memref_slice %arg2[%dma_wait3A_484, %dma_wait3A_485] : memref<20480x64xf32, #tpu.memory_space<hbm>> -> memref<20480x64xf32, #tpu.memory_space<hbm>>
      tpu.wait_indirect_dma semaphore(%arg14 : memref<!tpu.dma_semaphore, #tpu.memory_space<semaphore_mem>>) src(%dma_wait3A_486 : memref<20480x64xf32, #tpu.memory_space<hbm>>) dst(%dma_wait3A_480 : memref<128x64xf32, #tpu.memory_space<vmem>>)
      %dma_start3A_487 = arith.constant 3 : i32
      %dma_start3A_488 = arith.constant 0 : i32
      %dma_start3A_489 = arith.constant 0 : i32
      %dma_start3A_490 = tpu.memref_slice %arg8[%dma_start3A_487, %dma_start3A_488, %dma_start3A_489] : memref<5x128x64xf32, #tpu.memory_space<vmem>> -> memref<1x128x64xf32, #tpu.memory_space<vmem>>
      %dma_start3A_491 = tpu.memref_squeeze %dma_start3A_490 : memref<1x128x64xf32, #tpu.memory_space<vmem>> -> memref<128x64xf32, #tpu.memory_space<vmem>>
      %dma_start3A_492 = arith.constant 0 : i32
      %dma_start3A_493 = tpu.memref_slice %arg7[%add3A_475, %dma_start3A_492] : memref<160x128xi32, #tpu.memory_space<vmem>> -> memref<1x128xi32, #tpu.memory_space<vmem>>
      %dma_start3A_494 = tpu.memref_squeeze %dma_start3A_493 : memref<1x128xi32, #tpu.memory_space<vmem>> -> memref<128xi32, #tpu.memory_space<vmem>>
      %dma_start3A_495 = arith.constant 0 : i32
      %dma_start3A_496 = arith.constant 0 : i32
      %dma_start3A_497 = tpu.memref_slice %arg10[%dma_start3A_495, %dma_start3A_496] : memref<10240x64xf32, #tpu.memory_space<vmem_shared>> -> memref<10240x64xf32, #tpu.memory_space<vmem_shared>>
      tpu.enqueue_indirect_dma source(%dma_start3A_491 : memref<128x64xf32, #tpu.memory_space<vmem>>) target(%dma_start3A_497 : memref<10240x64xf32, #tpu.memory_space<vmem_shared>>) offsets(%dma_start3A_494 : memref<128xi32, #tpu.memory_space<vmem>>) semaphore(%arg19 : memref<!tpu.dma_semaphore, #tpu.memory_space<semaphore_mem>>) {add = true}
      %add3A_498 = arith.constant 4 : i32
      %add3A_499 = arith.addi %add3A_475, %add3A_498 : i32
      %lt3A_500 = arith.constant 160 : i32
      %lt3A_501 = arith.cmpi slt, %add3A_499, %lt3A_500 : i32
      %convert_element_type3A_502 = arith.extui %lt3A_501 : i1 to i32
      %cond3A_503 = arith.constant 0 : i32
      %cond3A_504 = arith.cmpi ne, %convert_element_type3A_502, %cond3A_503 : i32
      scf.if %cond3A_504 {
        %add3A_536 = arith.constant 4 : i32
        %add3A_537 = arith.addi %add3A_475, %add3A_536 : i32
        %ge3A = arith.constant 5 : i32
        %ge3A_538 = arith.cmpi sge, %add3A_537, %ge3A : i32
        %convert_element_type3A_539 = arith.extui %ge3A_538 : i1 to i32
        %cond3A_540 = arith.constant 0 : i32
        %cond3A_541 = arith.cmpi ne, %convert_element_type3A_539, %cond3A_540 : i32
        scf.if %cond3A_541 {
          %dma_wait3A_555 = arith.constant 2 : i32
          %dma_wait3A_556 = arith.constant 0 : i32
          %dma_wait3A_557 = arith.constant 0 : i32
          %dma_wait3A_558 = tpu.memref_slice %arg8[%dma_wait3A_555, %dma_wait3A_556, %dma_wait3A_557] : memref<5x128x64xf32, #tpu.memory_space<vmem>> -> memref<1x128x64xf32, #tpu.memory_space<vmem>>
          %dma_wait3A_559 = tpu.memref_squeeze %dma_wait3A_558 : memref<1x128x64xf32, #tpu.memory_space<vmem>> -> memref<128x64xf32, #tpu.memory_space<vmem>>
          %dma_wait3A_560 = arith.constant 0 : i32
          %dma_wait3A_561 = tpu.memref_slice %arg7[%add3A_475, %dma_wait3A_560] : memref<160x128xi32, #tpu.memory_space<vmem>> -> memref<1x128xi32, #tpu.memory_space<vmem>>
          %dma_wait3A_562 = tpu.memref_squeeze %dma_wait3A_561 : memref<1x128xi32, #tpu.memory_space<vmem>> -> memref<128xi32, #tpu.memory_space<vmem>>
          %dma_wait3A_563 = arith.constant 0 : i32
          %dma_wait3A_564 = arith.constant 0 : i32
          %dma_wait3A_565 = tpu.memref_slice %arg10[%dma_wait3A_563, %dma_wait3A_564] : memref<10240x64xf32, #tpu.memory_space<vmem_shared>> -> memref<10240x64xf32, #tpu.memory_space<vmem_shared>>
          tpu.wait_indirect_dma semaphore(%arg18 : memref<!tpu.dma_semaphore, #tpu.memory_space<semaphore_mem>>) src(%dma_wait3A_559 : memref<128x64xf32, #tpu.memory_space<vmem>>) dst(%dma_wait3A_565 : memref<10240x64xf32, #tpu.memory_space<vmem_shared>>)
        } else {
        }
        %add3A_542 = arith.constant 4 : i32
        %add3A_543 = arith.addi %add3A_475, %add3A_542 : i32
        %dma_start3A_544 = arith.constant 2 : i32
        %dma_start3A_545 = arith.constant 0 : i32
        %dma_start3A_546 = arith.constant 0 : i32
        %dma_start3A_547 = tpu.memref_slice %arg8[%dma_start3A_544, %dma_start3A_545, %dma_start3A_546] : memref<5x128x64xf32, #tpu.memory_space<vmem>> -> memref<1x128x64xf32, #tpu.memory_space<vmem>>
        %dma_start3A_548 = tpu.memref_squeeze %dma_start3A_547 : memref<1x128x64xf32, #tpu.memory_space<vmem>> -> memref<128x64xf32, #tpu.memory_space<vmem>>
        %dma_start3A_549 = arith.constant 0 : i32
        %dma_start3A_550 = tpu.memref_slice %arg6[%add3A_543, %dma_start3A_549] : memref<160x128xi32, #tpu.memory_space<vmem>> -> memref<1x128xi32, #tpu.memory_space<vmem>>
        %dma_start3A_551 = tpu.memref_squeeze %dma_start3A_550 : memref<1x128xi32, #tpu.memory_space<vmem>> -> memref<128xi32, #tpu.memory_space<vmem>>
        %dma_start3A_552 = arith.constant 0 : i32
        %dma_start3A_553 = arith.constant 0 : i32
        %dma_start3A_554 = tpu.memref_slice %arg2[%dma_start3A_552, %dma_start3A_553] : memref<20480x64xf32, #tpu.memory_space<hbm>> -> memref<20480x64xf32, #tpu.memory_space<hbm>>
        tpu.enqueue_indirect_dma source(%dma_start3A_554 : memref<20480x64xf32, #tpu.memory_space<hbm>>) target(%dma_start3A_548 : memref<128x64xf32, #tpu.memory_space<vmem>>) offsets(%dma_start3A_551 : memref<128xi32, #tpu.memory_space<vmem>>) semaphore(%arg13 : memref<!tpu.dma_semaphore, #tpu.memory_space<semaphore_mem>>)
      } else {
      }
      %add3A_505 = arith.constant 4 : i32
      %add3A_506 = arith.addi %add3A_383, %add3A_505 : i32
      %dma_wait3A_507 = arith.constant 4 : i32
      %dma_wait3A_508 = arith.constant 0 : i32
      %dma_wait3A_509 = arith.constant 0 : i32
      %dma_wait3A_510 = tpu.memref_slice %arg8[%dma_wait3A_507, %dma_wait3A_508, %dma_wait3A_509] : memref<5x128x64xf32, #tpu.memory_space<vmem>> -> memref<1x128x64xf32, #tpu.memory_space<vmem>>
      %dma_wait3A_511 = tpu.memref_squeeze %dma_wait3A_510 : memref<1x128x64xf32, #tpu.memory_space<vmem>> -> memref<128x64xf32, #tpu.memory_space<vmem>>
      %dma_wait3A_512 = arith.constant 0 : i32
      %dma_wait3A_513 = tpu.memref_slice %arg6[%add3A_506, %dma_wait3A_512] : memref<160x128xi32, #tpu.memory_space<vmem>> -> memref<1x128xi32, #tpu.memory_space<vmem>>
      %dma_wait3A_514 = tpu.memref_squeeze %dma_wait3A_513 : memref<1x128xi32, #tpu.memory_space<vmem>> -> memref<128xi32, #tpu.memory_space<vmem>>
      %dma_wait3A_515 = arith.constant 0 : i32
      %dma_wait3A_516 = arith.constant 0 : i32
      %dma_wait3A_517 = tpu.memref_slice %arg2[%dma_wait3A_515, %dma_wait3A_516] : memref<20480x64xf32, #tpu.memory_space<hbm>> -> memref<20480x64xf32, #tpu.memory_space<hbm>>
      tpu.wait_indirect_dma semaphore(%arg15 : memref<!tpu.dma_semaphore, #tpu.memory_space<semaphore_mem>>) src(%dma_wait3A_517 : memref<20480x64xf32, #tpu.memory_space<hbm>>) dst(%dma_wait3A_511 : memref<128x64xf32, #tpu.memory_space<vmem>>)
      %dma_start3A_518 = arith.constant 4 : i32
      %dma_start3A_519 = arith.constant 0 : i32
      %dma_start3A_520 = arith.constant 0 : i32
      %dma_start3A_521 = tpu.memref_slice %arg8[%dma_start3A_518, %dma_start3A_519, %dma_start3A_520] : memref<5x128x64xf32, #tpu.memory_space<vmem>> -> memref<1x128x64xf32, #tpu.memory_space<vmem>>
      %dma_start3A_522 = tpu.memref_squeeze %dma_start3A_521 : memref<1x128x64xf32, #tpu.memory_space<vmem>> -> memref<128x64xf32, #tpu.memory_space<vmem>>
      %dma_start3A_523 = arith.constant 0 : i32
      %dma_start3A_524 = tpu.memref_slice %arg7[%add3A_506, %dma_start3A_523] : memref<160x128xi32, #tpu.memory_space<vmem>> -> memref<1x128xi32, #tpu.memory_space<vmem>>
      %dma_start3A_525 = tpu.memref_squeeze %dma_start3A_524 : memref<1x128xi32, #tpu.memory_space<vmem>> -> memref<128xi32, #tpu.memory_space<vmem>>
      %dma_start3A_526 = arith.constant 0 : i32
      %dma_start3A_527 = arith.constant 0 : i32
      %dma_start3A_528 = tpu.memref_slice %arg10[%dma_start3A_526, %dma_start3A_527] : memref<10240x64xf32, #tpu.memory_space<vmem_shared>> -> memref<10240x64xf32, #tpu.memory_space<vmem_shared>>
      tpu.enqueue_indirect_dma source(%dma_start3A_522 : memref<128x64xf32, #tpu.memory_space<vmem>>) target(%dma_start3A_528 : memref<10240x64xf32, #tpu.memory_space<vmem_shared>>) offsets(%dma_start3A_525 : memref<128xi32, #tpu.memory_space<vmem>>) semaphore(%arg20 : memref<!tpu.dma_semaphore, #tpu.memory_space<semaphore_mem>>) {add = true}
      %add3A_529 = arith.constant 4 : i32
      %add3A_530 = arith.addi %add3A_506, %add3A_529 : i32
      %lt3A_531 = arith.constant 160 : i32
      %lt3A_532 = arith.cmpi slt, %add3A_530, %lt3A_531 : i32
      %convert_element_type3A_533 = arith.extui %lt3A_532 : i1 to i32
      %cond3A_534 = arith.constant 0 : i32
      %cond3A_535 = arith.cmpi ne, %convert_element_type3A_533, %cond3A_534 : i32
      scf.if %cond3A_535 {
        %add3A_536 = arith.constant 4 : i32
        %add3A_537 = arith.addi %add3A_506, %add3A_536 : i32
        %ge3A = arith.constant 5 : i32
        %ge3A_538 = arith.cmpi sge, %add3A_537, %ge3A : i32
        %convert_element_type3A_539 = arith.extui %ge3A_538 : i1 to i32
        %cond3A_540 = arith.constant 0 : i32
        %cond3A_541 = arith.cmpi ne, %convert_element_type3A_539, %cond3A_540 : i32
        scf.if %cond3A_541 {
          %dma_wait3A_555 = arith.constant 3 : i32
          %dma_wait3A_556 = arith.constant 0 : i32
          %dma_wait3A_557 = arith.constant 0 : i32
          %dma_wait3A_558 = tpu.memref_slice %arg8[%dma_wait3A_555, %dma_wait3A_556, %dma_wait3A_557] : memref<5x128x64xf32, #tpu.memory_space<vmem>> -> memref<1x128x64xf32, #tpu.memory_space<vmem>>
          %dma_wait3A_559 = tpu.memref_squeeze %dma_wait3A_558 : memref<1x128x64xf32, #tpu.memory_space<vmem>> -> memref<128x64xf32, #tpu.memory_space<vmem>>
          %dma_wait3A_560 = arith.constant 0 : i32
          %dma_wait3A_561 = tpu.memref_slice %arg7[%add3A_506, %dma_wait3A_560] : memref<160x128xi32, #tpu.memory_space<vmem>> -> memref<1x128xi32, #tpu.memory_space<vmem>>
          %dma_wait3A_562 = tpu.memref_squeeze %dma_wait3A_561 : memref<1x128xi32, #tpu.memory_space<vmem>> -> memref<128xi32, #tpu.memory_space<vmem>>
          %dma_wait3A_563 = arith.constant 0 : i32
          %dma_wait3A_564 = arith.constant 0 : i32
          %dma_wait3A_565 = tpu.memref_slice %arg10[%dma_wait3A_563, %dma_wait3A_564] : memref<10240x64xf32, #tpu.memory_space<vmem_shared>> -> memref<10240x64xf32, #tpu.memory_space<vmem_shared>>
          tpu.wait_indirect_dma semaphore(%arg19 : memref<!tpu.dma_semaphore, #tpu.memory_space<semaphore_mem>>) src(%dma_wait3A_559 : memref<128x64xf32, #tpu.memory_space<vmem>>) dst(%dma_wait3A_565 : memref<10240x64xf32, #tpu.memory_space<vmem_shared>>)
        } else {
        }
        %add3A_542 = arith.constant 4 : i32
        %add3A_543 = arith.addi %add3A_506, %add3A_542 : i32
        %dma_start3A_544 = arith.constant 3 : i32
        %dma_start3A_545 = arith.constant 0 : i32
        %dma_start3A_546 = arith.constant 0 : i32
        %dma_start3A_547 = tpu.memref_slice %arg8[%dma_start3A_544, %dma_start3A_545, %dma_start3A_546] : memref<5x128x64xf32, #tpu.memory_space<vmem>> -> memref<1x128x64xf32, #tpu.memory_space<vmem>>
        %dma_start3A_548 = tpu.memref_squeeze %dma_start3A_547 : memref<1x128x64xf32, #tpu.memory_space<vmem>> -> memref<128x64xf32, #tpu.memory_space<vmem>>
        %dma_start3A_549 = arith.constant 0 : i32
        %dma_start3A_550 = tpu.memref_slice %arg6[%add3A_543, %dma_start3A_549] : memref<160x128xi32, #tpu.memory_space<vmem>> -> memref<1x128xi32, #tpu.memory_space<vmem>>
        %dma_start3A_551 = tpu.memref_squeeze %dma_start3A_550 : memref<1x128xi32, #tpu.memory_space<vmem>> -> memref<128xi32, #tpu.memory_space<vmem>>
        %dma_start3A_552 = arith.constant 0 : i32
        %dma_start3A_553 = arith.constant 0 : i32
        %dma_start3A_554 = tpu.memref_slice %arg2[%dma_start3A_552, %dma_start3A_553] : memref<20480x64xf32, #tpu.memory_space<hbm>> -> memref<20480x64xf32, #tpu.memory_space<hbm>>
        tpu.enqueue_indirect_dma source(%dma_start3A_554 : memref<20480x64xf32, #tpu.memory_space<hbm>>) target(%dma_start3A_548 : memref<128x64xf32, #tpu.memory_space<vmem>>) offsets(%dma_start3A_551 : memref<128xi32, #tpu.memory_space<vmem>>) semaphore(%arg14 : memref<!tpu.dma_semaphore, #tpu.memory_space<semaphore_mem>>)
      } else {
      }
    }
    %scan3A_60 = arith.constant 32 : i32
    %dma_wait3A = arith.constant 0 : i32
    %dma_wait3A_61 = arith.constant 155 : i32
    %dma_wait3A_62 = arith.constant 0 : i32
    %dma_wait3A_63 = arith.constant 0 : i32
    %dma_wait3A_64 = tpu.memref_slice %arg8[%dma_wait3A, %dma_wait3A_62, %dma_wait3A_63] : memref<5x128x64xf32, #tpu.memory_space<vmem>> -> memref<1x128x64xf32, #tpu.memory_space<vmem>>
    %dma_wait3A_65 = tpu.memref_squeeze %dma_wait3A_64 : memref<1x128x64xf32, #tpu.memory_space<vmem>> -> memref<128x64xf32, #tpu.memory_space<vmem>>
    %dma_wait3A_66 = arith.constant 0 : i32
    %dma_wait3A_67 = tpu.memref_slice %arg7[%dma_wait3A_61, %dma_wait3A_66] : memref<160x128xi32, #tpu.memory_space<vmem>> -> memref<1x128xi32, #tpu.memory_space<vmem>>
    %dma_wait3A_68 = tpu.memref_squeeze %dma_wait3A_67 : memref<1x128xi32, #tpu.memory_space<vmem>> -> memref<128xi32, #tpu.memory_space<vmem>>
    %dma_wait3A_69 = arith.constant 0 : i32
    %dma_wait3A_70 = arith.constant 0 : i32
    %dma_wait3A_71 = tpu.memref_slice %arg10[%dma_wait3A_69, %dma_wait3A_70] : memref<10240x64xf32, #tpu.memory_space<vmem_shared>> -> memref<10240x64xf32, #tpu.memory_space<vmem_shared>>
    tpu.wait_indirect_dma semaphore(%arg16 : memref<!tpu.dma_semaphore, #tpu.memory_space<semaphore_mem>>) src(%dma_wait3A_65 : memref<128x64xf32, #tpu.memory_space<vmem>>) dst(%dma_wait3A_71 : memref<10240x64xf32, #tpu.memory_space<vmem_shared>>)
    %dma_wait3A_72 = arith.constant 1 : i32
    %dma_wait3A_73 = arith.constant 156 : i32
    %dma_wait3A_74 = arith.constant 0 : i32
    %dma_wait3A_75 = arith.constant 0 : i32
    %dma_wait3A_76 = tpu.memref_slice %arg8[%dma_wait3A_72, %dma_wait3A_74, %dma_wait3A_75] : memref<5x128x64xf32, #tpu.memory_space<vmem>> -> memref<1x128x64xf32, #tpu.memory_space<vmem>>
    %dma_wait3A_77 = tpu.memref_squeeze %dma_wait3A_76 : memref<1x128x64xf32, #tpu.memory_space<vmem>> -> memref<128x64xf32, #tpu.memory_space<vmem>>
    %dma_wait3A_78 = arith.constant 0 : i32
    %dma_wait3A_79 = tpu.memref_slice %arg7[%dma_wait3A_73, %dma_wait3A_78] : memref<160x128xi32, #tpu.memory_space<vmem>> -> memref<1x128xi32, #tpu.memory_space<vmem>>
    %dma_wait3A_80 = tpu.memref_squeeze %dma_wait3A_79 : memref<1x128xi32, #tpu.memory_space<vmem>> -> memref<128xi32, #tpu.memory_space<vmem>>
    %dma_wait3A_81 = arith.constant 0 : i32
    %dma_wait3A_82 = arith.constant 0 : i32
    %dma_wait3A_83 = tpu.memref_slice %arg10[%dma_wait3A_81, %dma_wait3A_82] : memref<10240x64xf32, #tpu.memory_space<vmem_shared>> -> memref<10240x64xf32, #tpu.memory_space<vmem_shared>>
    tpu.wait_indirect_dma semaphore(%arg17 : memref<!tpu.dma_semaphore, #tpu.memory_space<semaphore_mem>>) src(%dma_wait3A_77 : memref<128x64xf32, #tpu.memory_space<vmem>>) dst(%dma_wait3A_83 : memref<10240x64xf32, #tpu.memory_space<vmem_shared>>)
    %dma_wait3A_84 = arith.constant 2 : i32
    %dma_wait3A_85 = arith.constant 157 : i32
    %dma_wait3A_86 = arith.constant 0 : i32
    %dma_wait3A_87 = arith.constant 0 : i32
    %dma_wait3A_88 = tpu.memref_slice %arg8[%dma_wait3A_84, %dma_wait3A_86, %dma_wait3A_87] : memref<5x128x64xf32, #tpu.memory_space<vmem>> -> memref<1x128x64xf32, #tpu.memory_space<vmem>>
    %dma_wait3A_89 = tpu.memref_squeeze %dma_wait3A_88 : memref<1x128x64xf32, #tpu.memory_space<vmem>> -> memref<128x64xf32, #tpu.memory_space<vmem>>
    %dma_wait3A_90 = arith.constant 0 : i32
    %dma_wait3A_91 = tpu.memref_slice %arg7[%dma_wait3A_85, %dma_wait3A_90] : memref<160x128xi32, #tpu.memory_space<vmem>> -> memref<1x128xi32, #tpu.memory_space<vmem>>
    %dma_wait3A_92 = tpu.memref_squeeze %dma_wait3A_91 : memref<1x128xi32, #tpu.memory_space<vmem>> -> memref<128xi32, #tpu.memory_space<vmem>>
    %dma_wait3A_93 = arith.constant 0 : i32
    %dma_wait3A_94 = arith.constant 0 : i32
    %dma_wait3A_95 = tpu.memref_slice %arg10[%dma_wait3A_93, %dma_wait3A_94] : memref<10240x64xf32, #tpu.memory_space<vmem_shared>> -> memref<10240x64xf32, #tpu.memory_space<vmem_shared>>
    tpu.wait_indirect_dma semaphore(%arg18 : memref<!tpu.dma_semaphore, #tpu.memory_space<semaphore_mem>>) src(%dma_wait3A_89 : memref<128x64xf32, #tpu.memory_space<vmem>>) dst(%dma_wait3A_95 : memref<10240x64xf32, #tpu.memory_space<vmem_shared>>)
    %dma_wait3A_96 = arith.constant 3 : i32
    %dma_wait3A_97 = arith.constant 158 : i32
    %dma_wait3A_98 = arith.constant 0 : i32
    %dma_wait3A_99 = arith.constant 0 : i32
    %dma_wait3A_100 = tpu.memref_slice %arg8[%dma_wait3A_96, %dma_wait3A_98, %dma_wait3A_99] : memref<5x128x64xf32, #tpu.memory_space<vmem>> -> memref<1x128x64xf32, #tpu.memory_space<vmem>>
    %dma_wait3A_101 = tpu.memref_squeeze %dma_wait3A_100 : memref<1x128x64xf32, #tpu.memory_space<vmem>> -> memref<128x64xf32, #tpu.memory_space<vmem>>
    %dma_wait3A_102 = arith.constant 0 : i32
    %dma_wait3A_103 = tpu.memref_slice %arg7[%dma_wait3A_97, %dma_wait3A_102] : memref<160x128xi32, #tpu.memory_space<vmem>> -> memref<1x128xi32, #tpu.memory_space<vmem>>
    %dma_wait3A_104 = tpu.memref_squeeze %dma_wait3A_103 : memref<1x128xi32, #tpu.memory_space<vmem>> -> memref<128xi32, #tpu.memory_space<vmem>>
    %dma_wait3A_105 = arith.constant 0 : i32
    %dma_wait3A_106 = arith.constant 0 : i32
    %dma_wait3A_107 = tpu.memref_slice %arg10[%dma_wait3A_105, %dma_wait3A_106] : memref<10240x64xf32, #tpu.memory_space<vmem_shared>> -> memref<10240x64xf32, #tpu.memory_space<vmem_shared>>
    tpu.wait_indirect_dma semaphore(%arg19 : memref<!tpu.dma_semaphore, #tpu.memory_space<semaphore_mem>>) src(%dma_wait3A_101 : memref<128x64xf32, #tpu.memory_space<vmem>>) dst(%dma_wait3A_107 : memref<10240x64xf32, #tpu.memory_space<vmem_shared>>)
    %dma_wait3A_108 = arith.constant 4 : i32
    %dma_wait3A_109 = arith.constant 159 : i32
    %dma_wait3A_110 = arith.constant 0 : i32
    %dma_wait3A_111 = arith.constant 0 : i32
    %dma_wait3A_112 = tpu.memref_slice %arg8[%dma_wait3A_108, %dma_wait3A_110, %dma_wait3A_111] : memref<5x128x64xf32, #tpu.memory_space<vmem>> -> memref<1x128x64xf32, #tpu.memory_space<vmem>>
    %dma_wait3A_113 = tpu.memref_squeeze %dma_wait3A_112 : memref<1x128x64xf32, #tpu.memory_space<vmem>> -> memref<128x64xf32, #tpu.memory_space<vmem>>
    %dma_wait3A_114 = arith.constant 0 : i32
    %dma_wait3A_115 = tpu.memref_slice %arg7[%dma_wait3A_109, %dma_wait3A_114] : memref<160x128xi32, #tpu.memory_space<vmem>> -> memref<1x128xi32, #tpu.memory_space<vmem>>
    %dma_wait3A_116 = tpu.memref_squeeze %dma_wait3A_115 : memref<1x128xi32, #tpu.memory_space<vmem>> -> memref<128xi32, #tpu.memory_space<vmem>>
    %dma_wait3A_117 = arith.constant 0 : i32
    %dma_wait3A_118 = arith.constant 0 : i32
    %dma_wait3A_119 = tpu.memref_slice %arg10[%dma_wait3A_117, %dma_wait3A_118] : memref<10240x64xf32, #tpu.memory_space<vmem_shared>> -> memref<10240x64xf32, #tpu.memory_space<vmem_shared>>
    tpu.wait_indirect_dma semaphore(%arg20 : memref<!tpu.dma_semaphore, #tpu.memory_space<semaphore_mem>>) src(%dma_wait3A_113 : memref<128x64xf32, #tpu.memory_space<vmem>>) dst(%dma_wait3A_119 : memref<10240x64xf32, #tpu.memory_space<vmem_shared>>)
    %barrier3A_120 = arith.constant 0 : index
    tpu.barrier barrier_id(%barrier3A_120)
    %mul3A = arith.constant 640 : i32
    %mul3A_121 = arith.muli %arg1, %mul3A : i32
    %add3A = arith.constant 0 : i32
    %add3A_122 = arith.addi %mul3A_121, %add3A : i32
    %mul3A_123 = arith.constant 640 : i32
    %mul3A_124 = arith.muli %arg1, %mul3A_123 : i32
    %add3A_125 = arith.constant 0 : i32
    %add3A_126 = arith.addi %mul3A_124, %add3A_125 : i32
    %dma_start3A_127 = arith.constant 0 : i32
    %dma_start3A_128 = tpu.memref_slice %arg5[%arg0, %add3A_126, %dma_start3A_127] : memref<2x10240x64xf32, #tpu.memory_space<hbm>> -> memref<1x64x64xf32, #tpu.memory_space<hbm>>
    %dma_start3A_129 = tpu.memref_squeeze %dma_start3A_128 : memref<1x64x64xf32, #tpu.memory_space<hbm>> -> memref<64x64xf32, #tpu.memory_space<hbm>>
    %dma_start3A_130 = arith.constant 0 : i32
    %dma_start3A_131 = tpu.memref_slice %arg10[%add3A_122, %dma_start3A_130] : memref<10240x64xf32, #tpu.memory_space<vmem_shared>> -> memref<64x64xf32, #tpu.memory_space<vmem_shared>>
    tpu.enqueue_dma source(%dma_start3A_131 : memref<64x64xf32, #tpu.memory_space<vmem_shared>>) target(%dma_start3A_129 : memref<64x64xf32, #tpu.memory_space<hbm>>) target_semaphore(%arg11 : memref<!tpu.dma_semaphore, #tpu.memory_space<semaphore_mem>>)
    %mul3A_132 = arith.constant 640 : i32
    %mul3A_133 = arith.muli %arg1, %mul3A_132 : i32
    %add3A_134 = arith.constant 64 : i32
    %add3A_135 = arith.addi %mul3A_133, %add3A_134 : i32
    %mul3A_136 = arith.constant 640 : i32
    %mul3A_137 = arith.muli %arg1, %mul3A_136 : i32
    %add3A_138 = arith.constant 64 : i32
    %add3A_139 = arith.addi %mul3A_137, %add3A_138 : i32
    %dma_start3A_140 = arith.constant 0 : i32
    %dma_start3A_141 = tpu.memref_slice %arg5[%arg0, %add3A_139, %dma_start3A_140] : memref<2x10240x64xf32, #tpu.memory_space<hbm>> -> memref<1x64x64xf32, #tpu.memory_space<hbm>>
    %dma_start3A_142 = tpu.memref_squeeze %dma_start3A_141 : memref<1x64x64xf32, #tpu.memory_space<hbm>> -> memref<64x64xf32, #tpu.memory_space<hbm>>
    %dma_start3A_143 = arith.constant 0 : i32
    %dma_start3A_144 = tpu.memref_slice %arg10[%add3A_135, %dma_start3A_143] : memref<10240x64xf32, #tpu.memory_space<vmem_shared>> -> memref<64x64xf32, #tpu.memory_space<vmem_shared>>
    tpu.enqueue_dma source(%dma_start3A_144 : memref<64x64xf32, #tpu.memory_space<vmem_shared>>) target(%dma_start3A_142 : memref<64x64xf32, #tpu.memory_space<hbm>>) target_semaphore(%arg11 : memref<!tpu.dma_semaphore, #tpu.memory_space<semaphore_mem>>)
    %mul3A_145 = arith.constant 640 : i32
    %mul3A_146 = arith.muli %arg1, %mul3A_145 : i32
    %add3A_147 = arith.constant 128 : i32
    %add3A_148 = arith.addi %mul3A_146, %add3A_147 : i32
    %mul3A_149 = arith.constant 640 : i32
    %mul3A_150 = arith.muli %arg1, %mul3A_149 : i32
    %add3A_151 = arith.constant 128 : i32
    %add3A_152 = arith.addi %mul3A_150, %add3A_151 : i32
    %dma_start3A_153 = arith.constant 0 : i32
    %dma_start3A_154 = tpu.memref_slice %arg5[%arg0, %add3A_152, %dma_start3A_153] : memref<2x10240x64xf32, #tpu.memory_space<hbm>> -> memref<1x64x64xf32, #tpu.memory_space<hbm>>
    %dma_start3A_155 = tpu.memref_squeeze %dma_start3A_154 : memref<1x64x64xf32, #tpu.memory_space<hbm>> -> memref<64x64xf32, #tpu.memory_space<hbm>>
    %dma_start3A_156 = arith.constant 0 : i32
    %dma_start3A_157 = tpu.memref_slice %arg10[%add3A_148, %dma_start3A_156] : memref<10240x64xf32, #tpu.memory_space<vmem_shared>> -> memref<64x64xf32, #tpu.memory_space<vmem_shared>>
    tpu.enqueue_dma source(%dma_start3A_157 : memref<64x64xf32, #tpu.memory_space<vmem_shared>>) target(%dma_start3A_155 : memref<64x64xf32, #tpu.memory_space<hbm>>) target_semaphore(%arg11 : memref<!tpu.dma_semaphore, #tpu.memory_space<semaphore_mem>>)
    %mul3A_158 = arith.constant 640 : i32
    %mul3A_159 = arith.muli %arg1, %mul3A_158 : i32
    %add3A_160 = arith.constant 192 : i32
    %add3A_161 = arith.addi %mul3A_159, %add3A_160 : i32
    %mul3A_162 = arith.constant 640 : i32
    %mul3A_163 = arith.muli %arg1, %mul3A_162 : i32
    %add3A_164 = arith.constant 192 : i32
    %add3A_165 = arith.addi %mul3A_163, %add3A_164 : i32
    %dma_start3A_166 = arith.constant 0 : i32
    %dma_start3A_167 = tpu.memref_slice %arg5[%arg0, %add3A_165, %dma_start3A_166] : memref<2x10240x64xf32, #tpu.memory_space<hbm>> -> memref<1x64x64xf32, #tpu.memory_space<hbm>>
    %dma_start3A_168 = tpu.memref_squeeze %dma_start3A_167 : memref<1x64x64xf32, #tpu.memory_space<hbm>> -> memref<64x64xf32, #tpu.memory_space<hbm>>
    %dma_start3A_169 = arith.constant 0 : i32
    %dma_start3A_170 = tpu.memref_slice %arg10[%add3A_161, %dma_start3A_169] : memref<10240x64xf32, #tpu.memory_space<vmem_shared>> -> memref<64x64xf32, #tpu.memory_space<vmem_shared>>
    tpu.enqueue_dma source(%dma_start3A_170 : memref<64x64xf32, #tpu.memory_space<vmem_shared>>) target(%dma_start3A_168 : memref<64x64xf32, #tpu.memory_space<hbm>>) target_semaphore(%arg11 : memref<!tpu.dma_semaphore, #tpu.memory_space<semaphore_mem>>)
    %mul3A_171 = arith.constant 640 : i32
    %mul3A_172 = arith.muli %arg1, %mul3A_171 : i32
    %add3A_173 = arith.constant 256 : i32
    %add3A_174 = arith.addi %mul3A_172, %add3A_173 : i32
    %mul3A_175 = arith.constant 640 : i32
    %mul3A_176 = arith.muli %arg1, %mul3A_175 : i32
    %add3A_177 = arith.constant 256 : i32
    %add3A_178 = arith.addi %mul3A_176, %add3A_177 : i32
    %dma_start3A_179 = arith.constant 0 : i32
    %dma_start3A_180 = tpu.memref_slice %arg5[%arg0, %add3A_178, %dma_start3A_179] : memref<2x10240x64xf32, #tpu.memory_space<hbm>> -> memref<1x64x64xf32, #tpu.memory_space<hbm>>
    %dma_start3A_181 = tpu.memref_squeeze %dma_start3A_180 : memref<1x64x64xf32, #tpu.memory_space<hbm>> -> memref<64x64xf32, #tpu.memory_space<hbm>>
    %dma_start3A_182 = arith.constant 0 : i32
    %dma_start3A_183 = tpu.memref_slice %arg10[%add3A_174, %dma_start3A_182] : memref<10240x64xf32, #tpu.memory_space<vmem_shared>> -> memref<64x64xf32, #tpu.memory_space<vmem_shared>>
    tpu.enqueue_dma source(%dma_start3A_183 : memref<64x64xf32, #tpu.memory_space<vmem_shared>>) target(%dma_start3A_181 : memref<64x64xf32, #tpu.memory_space<hbm>>) target_semaphore(%arg11 : memref<!tpu.dma_semaphore, #tpu.memory_space<semaphore_mem>>)
    %mul3A_184 = arith.constant 640 : i32
    %mul3A_185 = arith.muli %arg1, %mul3A_184 : i32
    %add3A_186 = arith.constant 320 : i32
    %add3A_187 = arith.addi %mul3A_185, %add3A_186 : i32
    %mul3A_188 = arith.constant 640 : i32
    %mul3A_189 = arith.muli %arg1, %mul3A_188 : i32
    %add3A_190 = arith.constant 320 : i32
    %add3A_191 = arith.addi %mul3A_189, %add3A_190 : i32
    %dma_start3A_192 = arith.constant 0 : i32
    %dma_start3A_193 = tpu.memref_slice %arg5[%arg0, %add3A_191, %dma_start3A_192] : memref<2x10240x64xf32, #tpu.memory_space<hbm>> -> memref<1x64x64xf32, #tpu.memory_space<hbm>>
    %dma_start3A_194 = tpu.memref_squeeze %dma_start3A_193 : memref<1x64x64xf32, #tpu.memory_space<hbm>> -> memref<64x64xf32, #tpu.memory_space<hbm>>
    %dma_start3A_195 = arith.constant 0 : i32
    %dma_start3A_196 = tpu.memref_slice %arg10[%add3A_187, %dma_start3A_195] : memref<10240x64xf32, #tpu.memory_space<vmem_shared>> -> memref<64x64xf32, #tpu.memory_space<vmem_shared>>
    tpu.enqueue_dma source(%dma_start3A_196 : memref<64x64xf32, #tpu.memory_space<vmem_shared>>) target(%dma_start3A_194 : memref<64x64xf32, #tpu.memory_space<hbm>>) target_semaphore(%arg11 : memref<!tpu.dma_semaphore, #tpu.memory_space<semaphore_mem>>)
    %mul3A_197 = arith.constant 640 : i32
    %mul3A_198 = arith.muli %arg1, %mul3A_197 : i32
    %add3A_199 = arith.constant 384 : i32
    %add3A_200 = arith.addi %mul3A_198, %add3A_199 : i32
    %mul3A_201 = arith.constant 640 : i32
    %mul3A_202 = arith.muli %arg1, %mul3A_201 : i32
    %add3A_203 = arith.constant 384 : i32
    %add3A_204 = arith.addi %mul3A_202, %add3A_203 : i32
    %dma_start3A_205 = arith.constant 0 : i32
    %dma_start3A_206 = tpu.memref_slice %arg5[%arg0, %add3A_204, %dma_start3A_205] : memref<2x10240x64xf32, #tpu.memory_space<hbm>> -> memref<1x64x64xf32, #tpu.memory_space<hbm>>
    %dma_start3A_207 = tpu.memref_squeeze %dma_start3A_206 : memref<1x64x64xf32, #tpu.memory_space<hbm>> -> memref<64x64xf32, #tpu.memory_space<hbm>>
    %dma_start3A_208 = arith.constant 0 : i32
    %dma_start3A_209 = tpu.memref_slice %arg10[%add3A_200, %dma_start3A_208] : memref<10240x64xf32, #tpu.memory_space<vmem_shared>> -> memref<64x64xf32, #tpu.memory_space<vmem_shared>>
    tpu.enqueue_dma source(%dma_start3A_209 : memref<64x64xf32, #tpu.memory_space<vmem_shared>>) target(%dma_start3A_207 : memref<64x64xf32, #tpu.memory_space<hbm>>) target_semaphore(%arg11 : memref<!tpu.dma_semaphore, #tpu.memory_space<semaphore_mem>>)
    %mul3A_210 = arith.constant 640 : i32
    %mul3A_211 = arith.muli %arg1, %mul3A_210 : i32
    %add3A_212 = arith.constant 448 : i32
    %add3A_213 = arith.addi %mul3A_211, %add3A_212 : i32
    %mul3A_214 = arith.constant 640 : i32
    %mul3A_215 = arith.muli %arg1, %mul3A_214 : i32
    %add3A_216 = arith.constant 448 : i32
    %add3A_217 = arith.addi %mul3A_215, %add3A_216 : i32
    %dma_start3A_218 = arith.constant 0 : i32
    %dma_start3A_219 = tpu.memref_slice %arg5[%arg0, %add3A_217, %dma_start3A_218] : memref<2x10240x64xf32, #tpu.memory_space<hbm>> -> memref<1x64x64xf32, #tpu.memory_space<hbm>>
    %dma_start3A_220 = tpu.memref_squeeze %dma_start3A_219 : memref<1x64x64xf32, #tpu.memory_space<hbm>> -> memref<64x64xf32, #tpu.memory_space<hbm>>
    %dma_start3A_221 = arith.constant 0 : i32
    %dma_start3A_222 = tpu.memref_slice %arg10[%add3A_213, %dma_start3A_221] : memref<10240x64xf32, #tpu.memory_space<vmem_shared>> -> memref<64x64xf32, #tpu.memory_space<vmem_shared>>
    tpu.enqueue_dma source(%dma_start3A_222 : memref<64x64xf32, #tpu.memory_space<vmem_shared>>) target(%dma_start3A_220 : memref<64x64xf32, #tpu.memory_space<hbm>>) target_semaphore(%arg11 : memref<!tpu.dma_semaphore, #tpu.memory_space<semaphore_mem>>)
    %mul3A_223 = arith.constant 640 : i32
    %mul3A_224 = arith.muli %arg1, %mul3A_223 : i32
    %add3A_225 = arith.constant 512 : i32
    %add3A_226 = arith.addi %mul3A_224, %add3A_225 : i32
    %mul3A_227 = arith.constant 640 : i32
    %mul3A_228 = arith.muli %arg1, %mul3A_227 : i32
    %add3A_229 = arith.constant 512 : i32
    %add3A_230 = arith.addi %mul3A_228, %add3A_229 : i32
    %dma_start3A_231 = arith.constant 0 : i32
    %dma_start3A_232 = tpu.memref_slice %arg5[%arg0, %add3A_230, %dma_start3A_231] : memref<2x10240x64xf32, #tpu.memory_space<hbm>> -> memref<1x64x64xf32, #tpu.memory_space<hbm>>
    %dma_start3A_233 = tpu.memref_squeeze %dma_start3A_232 : memref<1x64x64xf32, #tpu.memory_space<hbm>> -> memref<64x64xf32, #tpu.memory_space<hbm>>
    %dma_start3A_234 = arith.constant 0 : i32
    %dma_start3A_235 = tpu.memref_slice %arg10[%add3A_226, %dma_start3A_234] : memref<10240x64xf32, #tpu.memory_space<vmem_shared>> -> memref<64x64xf32, #tpu.memory_space<vmem_shared>>
    tpu.enqueue_dma source(%dma_start3A_235 : memref<64x64xf32, #tpu.memory_space<vmem_shared>>) target(%dma_start3A_233 : memref<64x64xf32, #tpu.memory_space<hbm>>) target_semaphore(%arg11 : memref<!tpu.dma_semaphore, #tpu.memory_space<semaphore_mem>>)
    %mul3A_236 = arith.constant 640 : i32
    %mul3A_237 = arith.muli %arg1, %mul3A_236 : i32
    %add3A_238 = arith.constant 576 : i32
    %add3A_239 = arith.addi %mul3A_237, %add3A_238 : i32
    %mul3A_240 = arith.constant 640 : i32
    %mul3A_241 = arith.muli %arg1, %mul3A_240 : i32
    %add3A_242 = arith.constant 576 : i32
    %add3A_243 = arith.addi %mul3A_241, %add3A_242 : i32
    %dma_start3A_244 = arith.constant 0 : i32
    %dma_start3A_245 = tpu.memref_slice %arg5[%arg0, %add3A_243, %dma_start3A_244] : memref<2x10240x64xf32, #tpu.memory_space<hbm>> -> memref<1x64x64xf32, #tpu.memory_space<hbm>>
    %dma_start3A_246 = tpu.memref_squeeze %dma_start3A_245 : memref<1x64x64xf32, #tpu.memory_space<hbm>> -> memref<64x64xf32, #tpu.memory_space<hbm>>
    %dma_start3A_247 = arith.constant 0 : i32
    %dma_start3A_248 = tpu.memref_slice %arg10[%add3A_239, %dma_start3A_247] : memref<10240x64xf32, #tpu.memory_space<vmem_shared>> -> memref<64x64xf32, #tpu.memory_space<vmem_shared>>
    tpu.enqueue_dma source(%dma_start3A_248 : memref<64x64xf32, #tpu.memory_space<vmem_shared>>) target(%dma_start3A_246 : memref<64x64xf32, #tpu.memory_space<hbm>>) target_semaphore(%arg11 : memref<!tpu.dma_semaphore, #tpu.memory_space<semaphore_mem>>)
    %mul3A_249 = arith.constant 640 : i32
    %mul3A_250 = arith.muli %arg1, %mul3A_249 : i32
    %add3A_251 = arith.constant 0 : i32
    %add3A_252 = arith.addi %mul3A_250, %add3A_251 : i32
    %mul3A_253 = arith.constant 640 : i32
    %mul3A_254 = arith.muli %arg1, %mul3A_253 : i32
    %add3A_255 = arith.constant 0 : i32
    %add3A_256 = arith.addi %mul3A_254, %add3A_255 : i32
    %dma_wait3A_257 = arith.constant 0 : i32
    %dma_wait3A_258 = tpu.memref_slice %arg5[%arg0, %add3A_256, %dma_wait3A_257] : memref<2x10240x64xf32, #tpu.memory_space<hbm>> -> memref<1x64x64xf32, #tpu.memory_space<hbm>>
    %dma_wait3A_259 = tpu.memref_squeeze %dma_wait3A_258 : memref<1x64x64xf32, #tpu.memory_space<hbm>> -> memref<64x64xf32, #tpu.memory_space<hbm>>
    %dma_wait3A_260 = arith.constant 0 : i32
    %dma_wait3A_261 = tpu.memref_slice %arg10[%add3A_252, %dma_wait3A_260] : memref<10240x64xf32, #tpu.memory_space<vmem_shared>> -> memref<64x64xf32, #tpu.memory_space<vmem_shared>>
    tpu.wait_dma2 semaphore(%arg11 : memref<!tpu.dma_semaphore, #tpu.memory_space<semaphore_mem>>) src(%dma_wait3A_261 : memref<64x64xf32, #tpu.memory_space<vmem_shared>>) dst(%dma_wait3A_259 : memref<64x64xf32, #tpu.memory_space<hbm>>)
    %mul3A_262 = arith.constant 640 : i32
    %mul3A_263 = arith.muli %arg1, %mul3A_262 : i32
    %add3A_264 = arith.constant 64 : i32
    %add3A_265 = arith.addi %mul3A_263, %add3A_264 : i32
    %mul3A_266 = arith.constant 640 : i32
    %mul3A_267 = arith.muli %arg1, %mul3A_266 : i32
    %add3A_268 = arith.constant 64 : i32
    %add3A_269 = arith.addi %mul3A_267, %add3A_268 : i32
    %dma_wait3A_270 = arith.constant 0 : i32
    %dma_wait3A_271 = tpu.memref_slice %arg5[%arg0, %add3A_269, %dma_wait3A_270] : memref<2x10240x64xf32, #tpu.memory_space<hbm>> -> memref<1x64x64xf32, #tpu.memory_space<hbm>>
    %dma_wait3A_272 = tpu.memref_squeeze %dma_wait3A_271 : memref<1x64x64xf32, #tpu.memory_space<hbm>> -> memref<64x64xf32, #tpu.memory_space<hbm>>
    %dma_wait3A_273 = arith.constant 0 : i32
    %dma_wait3A_274 = tpu.memref_slice %arg10[%add3A_265, %dma_wait3A_273] : memref<10240x64xf32, #tpu.memory_space<vmem_shared>> -> memref<64x64xf32, #tpu.memory_space<vmem_shared>>
    tpu.wait_dma2 semaphore(%arg11 : memref<!tpu.dma_semaphore, #tpu.memory_space<semaphore_mem>>) src(%dma_wait3A_274 : memref<64x64xf32, #tpu.memory_space<vmem_shared>>) dst(%dma_wait3A_272 : memref<64x64xf32, #tpu.memory_space<hbm>>)
    %mul3A_275 = arith.constant 640 : i32
    %mul3A_276 = arith.muli %arg1, %mul3A_275 : i32
    %add3A_277 = arith.constant 128 : i32
    %add3A_278 = arith.addi %mul3A_276, %add3A_277 : i32
    %mul3A_279 = arith.constant 640 : i32
    %mul3A_280 = arith.muli %arg1, %mul3A_279 : i32
    %add3A_281 = arith.constant 128 : i32
    %add3A_282 = arith.addi %mul3A_280, %add3A_281 : i32
    %dma_wait3A_283 = arith.constant 0 : i32
    %dma_wait3A_284 = tpu.memref_slice %arg5[%arg0, %add3A_282, %dma_wait3A_283] : memref<2x10240x64xf32, #tpu.memory_space<hbm>> -> memref<1x64x64xf32, #tpu.memory_space<hbm>>
    %dma_wait3A_285 = tpu.memref_squeeze %dma_wait3A_284 : memref<1x64x64xf32, #tpu.memory_space<hbm>> -> memref<64x64xf32, #tpu.memory_space<hbm>>
    %dma_wait3A_286 = arith.constant 0 : i32
    %dma_wait3A_287 = tpu.memref_slice %arg10[%add3A_278, %dma_wait3A_286] : memref<10240x64xf32, #tpu.memory_space<vmem_shared>> -> memref<64x64xf32, #tpu.memory_space<vmem_shared>>
    tpu.wait_dma2 semaphore(%arg11 : memref<!tpu.dma_semaphore, #tpu.memory_space<semaphore_mem>>) src(%dma_wait3A_287 : memref<64x64xf32, #tpu.memory_space<vmem_shared>>) dst(%dma_wait3A_285 : memref<64x64xf32, #tpu.memory_space<hbm>>)
    %mul3A_288 = arith.constant 640 : i32
    %mul3A_289 = arith.muli %arg1, %mul3A_288 : i32
    %add3A_290 = arith.constant 192 : i32
    %add3A_291 = arith.addi %mul3A_289, %add3A_290 : i32
    %mul3A_292 = arith.constant 640 : i32
    %mul3A_293 = arith.muli %arg1, %mul3A_292 : i32
    %add3A_294 = arith.constant 192 : i32
    %add3A_295 = arith.addi %mul3A_293, %add3A_294 : i32
    %dma_wait3A_296 = arith.constant 0 : i32
    %dma_wait3A_297 = tpu.memref_slice %arg5[%arg0, %add3A_295, %dma_wait3A_296] : memref<2x10240x64xf32, #tpu.memory_space<hbm>> -> memref<1x64x64xf32, #tpu.memory_space<hbm>>
    %dma_wait3A_298 = tpu.memref_squeeze %dma_wait3A_297 : memref<1x64x64xf32, #tpu.memory_space<hbm>> -> memref<64x64xf32, #tpu.memory_space<hbm>>
    %dma_wait3A_299 = arith.constant 0 : i32
    %dma_wait3A_300 = tpu.memref_slice %arg10[%add3A_291, %dma_wait3A_299] : memref<10240x64xf32, #tpu.memory_space<vmem_shared>> -> memref<64x64xf32, #tpu.memory_space<vmem_shared>>
    tpu.wait_dma2 semaphore(%arg11 : memref<!tpu.dma_semaphore, #tpu.memory_space<semaphore_mem>>) src(%dma_wait3A_300 : memref<64x64xf32, #tpu.memory_space<vmem_shared>>) dst(%dma_wait3A_298 : memref<64x64xf32, #tpu.memory_space<hbm>>)
    %mul3A_301 = arith.constant 640 : i32
    %mul3A_302 = arith.muli %arg1, %mul3A_301 : i32
    %add3A_303 = arith.constant 256 : i32
    %add3A_304 = arith.addi %mul3A_302, %add3A_303 : i32
    %mul3A_305 = arith.constant 640 : i32
    %mul3A_306 = arith.muli %arg1, %mul3A_305 : i32
    %add3A_307 = arith.constant 256 : i32
    %add3A_308 = arith.addi %mul3A_306, %add3A_307 : i32
    %dma_wait3A_309 = arith.constant 0 : i32
    %dma_wait3A_310 = tpu.memref_slice %arg5[%arg0, %add3A_308, %dma_wait3A_309] : memref<2x10240x64xf32, #tpu.memory_space<hbm>> -> memref<1x64x64xf32, #tpu.memory_space<hbm>>
    %dma_wait3A_311 = tpu.memref_squeeze %dma_wait3A_310 : memref<1x64x64xf32, #tpu.memory_space<hbm>> -> memref<64x64xf32, #tpu.memory_space<hbm>>
    %dma_wait3A_312 = arith.constant 0 : i32
    %dma_wait3A_313 = tpu.memref_slice %arg10[%add3A_304, %dma_wait3A_312] : memref<10240x64xf32, #tpu.memory_space<vmem_shared>> -> memref<64x64xf32, #tpu.memory_space<vmem_shared>>
    tpu.wait_dma2 semaphore(%arg11 : memref<!tpu.dma_semaphore, #tpu.memory_space<semaphore_mem>>) src(%dma_wait3A_313 : memref<64x64xf32, #tpu.memory_space<vmem_shared>>) dst(%dma_wait3A_311 : memref<64x64xf32, #tpu.memory_space<hbm>>)
    %mul3A_314 = arith.constant 640 : i32
    %mul3A_315 = arith.muli %arg1, %mul3A_314 : i32
    %add3A_316 = arith.constant 320 : i32
    %add3A_317 = arith.addi %mul3A_315, %add3A_316 : i32
    %mul3A_318 = arith.constant 640 : i32
    %mul3A_319 = arith.muli %arg1, %mul3A_318 : i32
    %add3A_320 = arith.constant 320 : i32
    %add3A_321 = arith.addi %mul3A_319, %add3A_320 : i32
    %dma_wait3A_322 = arith.constant 0 : i32
    %dma_wait3A_323 = tpu.memref_slice %arg5[%arg0, %add3A_321, %dma_wait3A_322] : memref<2x10240x64xf32, #tpu.memory_space<hbm>> -> memref<1x64x64xf32, #tpu.memory_space<hbm>>
    %dma_wait3A_324 = tpu.memref_squeeze %dma_wait3A_323 : memref<1x64x64xf32, #tpu.memory_space<hbm>> -> memref<64x64xf32, #tpu.memory_space<hbm>>
    %dma_wait3A_325 = arith.constant 0 : i32
    %dma_wait3A_326 = tpu.memref_slice %arg10[%add3A_317, %dma_wait3A_325] : memref<10240x64xf32, #tpu.memory_space<vmem_shared>> -> memref<64x64xf32, #tpu.memory_space<vmem_shared>>
    tpu.wait_dma2 semaphore(%arg11 : memref<!tpu.dma_semaphore, #tpu.memory_space<semaphore_mem>>) src(%dma_wait3A_326 : memref<64x64xf32, #tpu.memory_space<vmem_shared>>) dst(%dma_wait3A_324 : memref<64x64xf32, #tpu.memory_space<hbm>>)
    %mul3A_327 = arith.constant 640 : i32
    %mul3A_328 = arith.muli %arg1, %mul3A_327 : i32
    %add3A_329 = arith.constant 384 : i32
    %add3A_330 = arith.addi %mul3A_328, %add3A_329 : i32
    %mul3A_331 = arith.constant 640 : i32
    %mul3A_332 = arith.muli %arg1, %mul3A_331 : i32
    %add3A_333 = arith.constant 384 : i32
    %add3A_334 = arith.addi %mul3A_332, %add3A_333 : i32
    %dma_wait3A_335 = arith.constant 0 : i32
    %dma_wait3A_336 = tpu.memref_slice %arg5[%arg0, %add3A_334, %dma_wait3A_335] : memref<2x10240x64xf32, #tpu.memory_space<hbm>> -> memref<1x64x64xf32, #tpu.memory_space<hbm>>
    %dma_wait3A_337 = tpu.memref_squeeze %dma_wait3A_336 : memref<1x64x64xf32, #tpu.memory_space<hbm>> -> memref<64x64xf32, #tpu.memory_space<hbm>>
    %dma_wait3A_338 = arith.constant 0 : i32
    %dma_wait3A_339 = tpu.memref_slice %arg10[%add3A_330, %dma_wait3A_338] : memref<10240x64xf32, #tpu.memory_space<vmem_shared>> -> memref<64x64xf32, #tpu.memory_space<vmem_shared>>
    tpu.wait_dma2 semaphore(%arg11 : memref<!tpu.dma_semaphore, #tpu.memory_space<semaphore_mem>>) src(%dma_wait3A_339 : memref<64x64xf32, #tpu.memory_space<vmem_shared>>) dst(%dma_wait3A_337 : memref<64x64xf32, #tpu.memory_space<hbm>>)
    %mul3A_340 = arith.constant 640 : i32
    %mul3A_341 = arith.muli %arg1, %mul3A_340 : i32
    %add3A_342 = arith.constant 448 : i32
    %add3A_343 = arith.addi %mul3A_341, %add3A_342 : i32
    %mul3A_344 = arith.constant 640 : i32
    %mul3A_345 = arith.muli %arg1, %mul3A_344 : i32
    %add3A_346 = arith.constant 448 : i32
    %add3A_347 = arith.addi %mul3A_345, %add3A_346 : i32
    %dma_wait3A_348 = arith.constant 0 : i32
    %dma_wait3A_349 = tpu.memref_slice %arg5[%arg0, %add3A_347, %dma_wait3A_348] : memref<2x10240x64xf32, #tpu.memory_space<hbm>> -> memref<1x64x64xf32, #tpu.memory_space<hbm>>
    %dma_wait3A_350 = tpu.memref_squeeze %dma_wait3A_349 : memref<1x64x64xf32, #tpu.memory_space<hbm>> -> memref<64x64xf32, #tpu.memory_space<hbm>>
    %dma_wait3A_351 = arith.constant 0 : i32
    %dma_wait3A_352 = tpu.memref_slice %arg10[%add3A_343, %dma_wait3A_351] : memref<10240x64xf32, #tpu.memory_space<vmem_shared>> -> memref<64x64xf32, #tpu.memory_space<vmem_shared>>
    tpu.wait_dma2 semaphore(%arg11 : memref<!tpu.dma_semaphore, #tpu.memory_space<semaphore_mem>>) src(%dma_wait3A_352 : memref<64x64xf32, #tpu.memory_space<vmem_shared>>) dst(%dma_wait3A_350 : memref<64x64xf32, #tpu.memory_space<hbm>>)
    %mul3A_353 = arith.constant 640 : i32
    %mul3A_354 = arith.muli %arg1, %mul3A_353 : i32
    %add3A_355 = arith.constant 512 : i32
    %add3A_356 = arith.addi %mul3A_354, %add3A_355 : i32
    %mul3A_357 = arith.constant 640 : i32
    %mul3A_358 = arith.muli %arg1, %mul3A_357 : i32
    %add3A_359 = arith.constant 512 : i32
    %add3A_360 = arith.addi %mul3A_358, %add3A_359 : i32
    %dma_wait3A_361 = arith.constant 0 : i32
    %dma_wait3A_362 = tpu.memref_slice %arg5[%arg0, %add3A_360, %dma_wait3A_361] : memref<2x10240x64xf32, #tpu.memory_space<hbm>> -> memref<1x64x64xf32, #tpu.memory_space<hbm>>
    %dma_wait3A_363 = tpu.memref_squeeze %dma_wait3A_362 : memref<1x64x64xf32, #tpu.memory_space<hbm>> -> memref<64x64xf32, #tpu.memory_space<hbm>>
    %dma_wait3A_364 = arith.constant 0 : i32
    %dma_wait3A_365 = tpu.memref_slice %arg10[%add3A_356, %dma_wait3A_364] : memref<10240x64xf32, #tpu.memory_space<vmem_shared>> -> memref<64x64xf32, #tpu.memory_space<vmem_shared>>
    tpu.wait_dma2 semaphore(%arg11 : memref<!tpu.dma_semaphore, #tpu.memory_space<semaphore_mem>>) src(%dma_wait3A_365 : memref<64x64xf32, #tpu.memory_space<vmem_shared>>) dst(%dma_wait3A_363 : memref<64x64xf32, #tpu.memory_space<hbm>>)
    %mul3A_366 = arith.constant 640 : i32
    %mul3A_367 = arith.muli %arg1, %mul3A_366 : i32
    %add3A_368 = arith.constant 576 : i32
    %add3A_369 = arith.addi %mul3A_367, %add3A_368 : i32
    %mul3A_370 = arith.constant 640 : i32
    %mul3A_371 = arith.muli %arg1, %mul3A_370 : i32
    %add3A_372 = arith.constant 576 : i32
    %add3A_373 = arith.addi %mul3A_371, %add3A_372 : i32
    %dma_wait3A_374 = arith.constant 0 : i32
    %dma_wait3A_375 = tpu.memref_slice %arg5[%arg0, %add3A_373, %dma_wait3A_374] : memref<2x10240x64xf32, #tpu.memory_space<hbm>> -> memref<1x64x64xf32, #tpu.memory_space<hbm>>
    %dma_wait3A_376 = tpu.memref_squeeze %dma_wait3A_375 : memref<1x64x64xf32, #tpu.memory_space<hbm>> -> memref<64x64xf32, #tpu.memory_space<hbm>>
    %dma_wait3A_377 = arith.constant 0 : i32
    %dma_wait3A_378 = tpu.memref_slice %arg10[%add3A_369, %dma_wait3A_377] : memref<10240x64xf32, #tpu.memory_space<vmem_shared>> -> memref<64x64xf32, #tpu.memory_space<vmem_shared>>
    tpu.wait_dma2 semaphore(%arg11 : memref<!tpu.dma_semaphore, #tpu.memory_space<semaphore_mem>>) src(%dma_wait3A_378 : memref<64x64xf32, #tpu.memory_space<vmem_shared>>) dst(%dma_wait3A_376 : memref<64x64xf32, #tpu.memory_space<hbm>>)
    return
  }
}

module attributes {stable_mosaic.version = 14 : i64} {
  func.func @_tc0_body(%arg0: i32, %arg1: i32, %arg2: memref<1280x128xf32, #tpu.memory_space<vmem>>, %arg3: memref<1x128x64xf32, #tpu.memory_space<vmem>>, %arg4: memref<1280x2xf32, #tpu.memory_space<vmem>>, %arg5: memref<1280x64xf32, #tpu.memory_space<vmem>>) attributes {dimension_semantics = [#tpu.dimension_semantics<arbitrary>, #tpu.dimension_semantics<arbitrary>], iteration_bounds = array<i64: 8, 2>, scalar_prefetch = 0 : i64, scratch_operands = 0 : i64, tpu.core_type = #tpu.core_type<tc>, window_params = [{transform_indices = @transform_0, window_bounds = array<i64: 1280, 128>}, {transform_indices = @transform_1, window_bounds = array<i64: 1, 128, 64>}, {transform_indices = @transform_2, window_bounds = array<i64: 1280, 2>}, {transform_indices = @transform_3, window_bounds = array<i64: 1280, 64>}]} {
    %get3A = arith.constant 0 : index
    %get3A_0 = arith.constant 0 : index
    %get3A_1 = vector.load %arg2[%get3A, %get3A_0] : memref<1280x128xf32, #tpu.memory_space<vmem>>, vector<1280x128xf32>
    %get3A_2 = arith.constant 0 : index
    %get3A_3 = arith.constant 0 : index
    %get3A_4 = arith.constant 0 : index
    %get3A_5 = vector.load %arg3[%get3A_2, %get3A_3, %get3A_4] : memref<1x128x64xf32, #tpu.memory_space<vmem>>, vector<1x128x64xf32>
    %get3A_6 = vector.shape_cast %get3A_5 : vector<1x128x64xf32> to vector<128x64xf32>
    %dot_general3A = arith.constant dense<0.000000e+00> : vector<1280x64xf32>
    %dot_general3A_7 = tpu.matmul %get3A_1, %get3A_6, %dot_general3A {dimension_numbers = #tpu.dot_dimension_numbers<[1], [0], [0], [1], [0, 0, 1, 1], [], []>, transpose_lhs_hint = false} : vector<1280x128xf32>, vector<128x64xf32>, vector<1280x64xf32> -> vector<1280x64xf32>
    %get3A_8 = arith.constant 0 : index
    %get3A_9 = arith.constant 0 : index
    %get3A_10 = vector.load %arg4[%get3A_8, %get3A_9] : memref<1280x2xf32, #tpu.memory_space<vmem>>, vector<1280x2xf32>
    %slice3A = vector.extract_strided_slice %get3A_10 {offsets = [0, 0], sizes = [1280, 1], strides = [1, 1]} : vector<1280x2xf32> to vector<1280x1xf32>
    %slice3A_11 = vector.extract_strided_slice %get3A_10 {offsets = [0, 1], sizes = [1280, 1], strides = [1, 1]} : vector<1280x2xf32> to vector<1280x1xf32>
    %add3A = arith.addf %slice3A, %slice3A_11 : vector<1280x1xf32>
    %max3A = arith.constant 1.000000e+00 : f32
    %max3A_12 = vector.broadcast %max3A : f32 to vector<1280x1xf32>
    %max3A_13 = arith.maximumf %add3A, %max3A_12 : vector<1280x1xf32>
    %rsqrt3A = math.rsqrt %max3A_13 : vector<1280x1xf32>
    %mul3A = vector.broadcast %rsqrt3A : vector<1280x1xf32> to vector<1280x64xf32>
    %mul3A_14 = arith.mulf %dot_general3A_7, %mul3A : vector<1280x64xf32>
    %swap3A = arith.constant 0 : index
    %swap3A_15 = arith.constant 0 : index
    %swap3A_16 = vector.load %arg5[%swap3A, %swap3A_15] : memref<1280x64xf32, #tpu.memory_space<vmem>>, vector<1280x64xf32>
    tpu.vector_store %arg5[%swap3A, %swap3A_15], %mul3A_14 {strides = array<i32>} : memref<1280x64xf32, #tpu.memory_space<vmem>>, vector<1280x64xf32>,
    return
  }
  func.func @transform_0(%arg0: i32, %arg1: i32) -> (i32, i32) {
    %c0_i32 = arith.constant 0 : i32
    %c0_i32_0 = arith.constant 0 : i32
    return %arg0, %c0_i32 : i32, i32
  }
  func.func @transform_1(%arg0: i32, %arg1: i32) -> (i32, i32, i32) {
    %c0_i32 = arith.constant 0 : i32
    %c0_i32_0 = arith.constant 0 : i32
    %c0_i32_1 = arith.constant 0 : i32
    return %arg1, %c0_i32, %c0_i32_0 : i32, i32, i32
  }
  func.func @transform_2(%arg0: i32, %arg1: i32) -> (i32, i32) {
    %c0_i32 = arith.constant 0 : i32
    %c0_i32_0 = arith.constant 0 : i32
    return %arg0, %c0_i32 : i32, i32
  }
  func.func @transform_3(%arg0: i32, %arg1: i32) -> (i32, i32) {
    %mul3A = arith.constant 8 : i32
    %mul3A_0 = arith.muli %arg1, %mul3A : i32
    %add3A = arith.addi %mul3A_0, %arg0 : i32
    %c0_i32 = arith.constant 0 : i32
    %c0_i32_1 = arith.constant 0 : i32
    return %add3A, %c0_i32 : i32, i32
  }
}

module attributes {stable_mosaic.version = 14 : i64} {
  func.func @_tc1_body(%arg0: i32, %arg1: i32, %arg2: memref<2x1280x64xf32, #tpu.memory_space<vmem>>, %arg3: memref<1280x2xf32, #tpu.memory_space<vmem>>, %arg4: memref<1280x2xf32, #tpu.memory_space<vmem>>, %arg5: memref<128xf32, #tpu.memory_space<vmem>>, %arg6: memref<1x128x64xf32, #tpu.memory_space<vmem>>, %arg7: memref<1280x64xf32, #tpu.memory_space<vmem>>) attributes {dimension_semantics = [#tpu.dimension_semantics<arbitrary>, #tpu.dimension_semantics<arbitrary>], iteration_bounds = array<i64: 8, 2>, scalar_prefetch = 0 : i64, scratch_operands = 0 : i64, tpu.core_type = #tpu.core_type<tc>, window_params = [{transform_indices = @transform_0, window_bounds = array<i64: 2, 1280, 64>}, {transform_indices = @transform_1, window_bounds = array<i64: 1280, 2>}, {transform_indices = @transform_2, window_bounds = array<i64: 1280, 2>}, {pipeline_mode = #tpu.pipeline_mode<synchronous>, transform_indices = @transform_3, window_bounds = array<i64: 128>}, {transform_indices = @transform_4, window_bounds = array<i64: 1, 128, 64>}, {transform_indices = @transform_5, window_bounds = array<i64: 1280, 64>}]} {
    %get3A = arith.constant 0 : index
    %get3A_0 = arith.constant 0 : index
    %get3A_1 = arith.constant 0 : index
    %get3A_2 = vector.load %arg2[%get3A, %get3A_0, %get3A_1] : memref<2x1280x64xf32, #tpu.memory_space<vmem>>, vector<1x1280x64xf32>
    %get3A_3 = vector.shape_cast %get3A_2 : vector<1x1280x64xf32> to vector<1280x64xf32>
    %get3A_4 = arith.constant 1 : index
    %get3A_5 = arith.constant 0 : index
    %get3A_6 = arith.constant 0 : index
    %get3A_7 = vector.load %arg2[%get3A_4, %get3A_5, %get3A_6] : memref<2x1280x64xf32, #tpu.memory_space<vmem>>, vector<1x1280x64xf32>
    %get3A_8 = vector.shape_cast %get3A_7 : vector<1x1280x64xf32> to vector<1280x64xf32>
    %concatenate3A = tpu.concatenate %get3A_3, %get3A_8 in 1 : vector<1280x64xf32>, vector<1280x64xf32> -> vector<1280x128xf32>
    %get3A_9 = arith.constant 0 : index
    %get3A_10 = arith.constant 0 : index
    %get3A_11 = vector.load %arg3[%get3A_9, %get3A_10] : memref<1280x2xf32, #tpu.memory_space<vmem>>, vector<1280x2xf32>
    %slice3A = vector.extract_strided_slice %get3A_11 {offsets = [0, 0], sizes = [1280, 1], strides = [1, 1]} : vector<1280x2xf32> to vector<1280x1xf32>
    %slice3A_12 = vector.extract_strided_slice %get3A_11 {offsets = [0, 1], sizes = [1280, 1], strides = [1, 1]} : vector<1280x2xf32> to vector<1280x1xf32>
    %add3A = arith.addf %slice3A, %slice3A_12 : vector<1280x1xf32>
    %max3A = arith.constant 1.000000e+00 : f32
    %max3A_13 = vector.broadcast %max3A : f32 to vector<1280x1xf32>
    %max3A_14 = arith.maximumf %add3A, %max3A_13 : vector<1280x1xf32>
    %rsqrt3A = math.rsqrt %max3A_14 : vector<1280x1xf32>
    %mul3A = vector.broadcast %rsqrt3A : vector<1280x1xf32> to vector<1280x128xf32>
    %mul3A_15 = arith.mulf %concatenate3A, %mul3A : vector<1280x128xf32>
    %get3A_16 = arith.constant 0 : index
    %get3A_17 = vector.load %arg5[%get3A_16] : memref<128xf32, #tpu.memory_space<vmem>>, vector<128xf32>
    %broadcast_in_dim3A = vector.shape_cast %get3A_17 : vector<128xf32> to vector<1x128xf32>
    %add3A_18 = vector.broadcast %broadcast_in_dim3A : vector<1x128xf32> to vector<1280x128xf32>
    %add3A_19 = arith.addf %mul3A_15, %add3A_18 : vector<1280x128xf32>
    %max3A_20 = arith.constant 0.000000e+00 : f32
    %max3A_21 = vector.broadcast %max3A_20 : f32 to vector<1280x128xf32>
    %max3A_22 = arith.maximumf %add3A_19, %max3A_21 : vector<1280x128xf32>
    %get3A_23 = arith.constant 0 : index
    %get3A_24 = arith.constant 0 : index
    %get3A_25 = arith.constant 0 : index
    %get3A_26 = vector.load %arg6[%get3A_23, %get3A_24, %get3A_25] : memref<1x128x64xf32, #tpu.memory_space<vmem>>, vector<1x128x64xf32>
    %get3A_27 = vector.shape_cast %get3A_26 : vector<1x128x64xf32> to vector<128x64xf32>
    %dot_general3A = arith.constant dense<0.000000e+00> : vector<1280x64xf32>
    %dot_general3A_28 = tpu.matmul %max3A_22, %get3A_27, %dot_general3A {dimension_numbers = #tpu.dot_dimension_numbers<[1], [0], [0], [1], [0, 0, 1, 1], [], []>, transpose_lhs_hint = false} : vector<1280x128xf32>, vector<128x64xf32>, vector<1280x64xf32> -> vector<1280x64xf32>
    %get3A_29 = arith.constant 0 : index
    %get3A_30 = arith.constant 0 : index
    %get3A_31 = vector.load %arg4[%get3A_29, %get3A_30] : memref<1280x2xf32, #tpu.memory_space<vmem>>, vector<1280x2xf32>
    %slice3A_32 = vector.extract_strided_slice %get3A_31 {offsets = [0, 0], sizes = [1280, 1], strides = [1, 1]} : vector<1280x2xf32> to vector<1280x1xf32>
    %slice3A_33 = vector.extract_strided_slice %get3A_31 {offsets = [0, 1], sizes = [1280, 1], strides = [1, 1]} : vector<1280x2xf32> to vector<1280x1xf32>
    %add3A_34 = arith.addf %slice3A_32, %slice3A_33 : vector<1280x1xf32>
    %max3A_35 = arith.constant 1.000000e+00 : f32
    %max3A_36 = vector.broadcast %max3A_35 : f32 to vector<1280x1xf32>
    %max3A_37 = arith.maximumf %add3A_34, %max3A_36 : vector<1280x1xf32>
    %rsqrt3A_38 = math.rsqrt %max3A_37 : vector<1280x1xf32>
    %mul3A_39 = vector.broadcast %rsqrt3A_38 : vector<1280x1xf32> to vector<1280x64xf32>
    %mul3A_40 = arith.mulf %dot_general3A_28, %mul3A_39 : vector<1280x64xf32>
    %swap3A = arith.constant 0 : index
    %swap3A_41 = arith.constant 0 : index
    %swap3A_42 = vector.load %arg7[%swap3A, %swap3A_41] : memref<1280x64xf32, #tpu.memory_space<vmem>>, vector<1280x64xf32>
    tpu.vector_store %arg7[%swap3A, %swap3A_41], %mul3A_40 {strides = array<i32>} : memref<1280x64xf32, #tpu.memory_space<vmem>>, vector<1280x64xf32>,
    return
  }
  func.func @transform_0(%arg0: i32, %arg1: i32) -> (i32, i32, i32) {
    %c0_i32 = arith.constant 0 : i32
    %c0_i32_0 = arith.constant 0 : i32
    %c0_i32_1 = arith.constant 0 : i32
    return %c0_i32, %arg0, %c0_i32_0 : i32, i32, i32
  }
  func.func @transform_1(%arg0: i32, %arg1: i32) -> (i32, i32) {
    %c0_i32 = arith.constant 0 : i32
    %c0_i32_0 = arith.constant 0 : i32
    return %arg0, %c0_i32 : i32, i32
  }
  func.func @transform_2(%arg0: i32, %arg1: i32) -> (i32, i32) {
    %c0_i32 = arith.constant 0 : i32
    %c0_i32_0 = arith.constant 0 : i32
    return %arg0, %c0_i32 : i32, i32
  }
  func.func @transform_3(%arg0: i32, %arg1: i32) -> i32 {
    %c0_i32 = arith.constant 0 : i32
    %c0_i32_0 = arith.constant 0 : i32
    return %c0_i32 : i32
  }
  func.func @transform_4(%arg0: i32, %arg1: i32) -> (i32, i32, i32) {
    %c0_i32 = arith.constant 0 : i32
    %c0_i32_0 = arith.constant 0 : i32
    %c0_i32_1 = arith.constant 0 : i32
    return %arg1, %c0_i32, %c0_i32_0 : i32, i32, i32
  }
  func.func @transform_5(%arg0: i32, %arg1: i32) -> (i32, i32) {
    %mul3A = arith.constant 8 : i32
    %mul3A_0 = arith.muli %arg1, %mul3A : i32
    %add3A = arith.addi %mul3A_0, %arg0 : i32
    %c0_i32 = arith.constant 0 : i32
    %c0_i32_1 = arith.constant 0 : i32
    return %add3A, %c0_i32 : i32, i32
  }
}

module attributes {stable_mosaic.version = 14 : i64} {
  func.func @_tc2_body(%arg0: i32, %arg1: memref<2x1280x64xf32, #tpu.memory_space<vmem>>, %arg2: memref<1280x2xf32, #tpu.memory_space<vmem>>, %arg3: memref<128xf32, #tpu.memory_space<vmem>>, %arg4: memref<1280x128xf32, #tpu.memory_space<vmem>>) attributes {dimension_semantics = [#tpu.dimension_semantics<arbitrary>], iteration_bounds = array<i64: 8>, scalar_prefetch = 0 : i64, scratch_operands = 0 : i64, tpu.core_type = #tpu.core_type<tc>, window_params = [{transform_indices = @transform_0, window_bounds = array<i64: 2, 1280, 64>}, {transform_indices = @transform_1, window_bounds = array<i64: 1280, 2>}, {pipeline_mode = #tpu.pipeline_mode<synchronous>, transform_indices = @transform_2, window_bounds = array<i64: 128>}, {transform_indices = @transform_3, window_bounds = array<i64: 1280, 128>}]} {
    %get3A = arith.constant 0 : index
    %get3A_0 = arith.constant 0 : index
    %get3A_1 = arith.constant 0 : index
    %get3A_2 = vector.load %arg1[%get3A, %get3A_0, %get3A_1] : memref<2x1280x64xf32, #tpu.memory_space<vmem>>, vector<1x1280x64xf32>
    %get3A_3 = vector.shape_cast %get3A_2 : vector<1x1280x64xf32> to vector<1280x64xf32>
    %get3A_4 = arith.constant 1 : index
    %get3A_5 = arith.constant 0 : index
    %get3A_6 = arith.constant 0 : index
    %get3A_7 = vector.load %arg1[%get3A_4, %get3A_5, %get3A_6] : memref<2x1280x64xf32, #tpu.memory_space<vmem>>, vector<1x1280x64xf32>
    %get3A_8 = vector.shape_cast %get3A_7 : vector<1x1280x64xf32> to vector<1280x64xf32>
    %concatenate3A = tpu.concatenate %get3A_3, %get3A_8 in 1 : vector<1280x64xf32>, vector<1280x64xf32> -> vector<1280x128xf32>
    %get3A_9 = arith.constant 0 : index
    %get3A_10 = arith.constant 0 : index
    %get3A_11 = vector.load %arg2[%get3A_9, %get3A_10] : memref<1280x2xf32, #tpu.memory_space<vmem>>, vector<1280x2xf32>
    %slice3A = vector.extract_strided_slice %get3A_11 {offsets = [0, 0], sizes = [1280, 1], strides = [1, 1]} : vector<1280x2xf32> to vector<1280x1xf32>
    %slice3A_12 = vector.extract_strided_slice %get3A_11 {offsets = [0, 1], sizes = [1280, 1], strides = [1, 1]} : vector<1280x2xf32> to vector<1280x1xf32>
    %add3A = arith.addf %slice3A, %slice3A_12 : vector<1280x1xf32>
    %max3A = arith.constant 1.000000e+00 : f32
    %max3A_13 = vector.broadcast %max3A : f32 to vector<1280x1xf32>
    %max3A_14 = arith.maximumf %add3A, %max3A_13 : vector<1280x1xf32>
    %rsqrt3A = math.rsqrt %max3A_14 : vector<1280x1xf32>
    %mul3A = vector.broadcast %rsqrt3A : vector<1280x1xf32> to vector<1280x128xf32>
    %mul3A_15 = arith.mulf %concatenate3A, %mul3A : vector<1280x128xf32>
    %get3A_16 = arith.constant 0 : index
    %get3A_17 = vector.load %arg3[%get3A_16] : memref<128xf32, #tpu.memory_space<vmem>>, vector<128xf32>
    %broadcast_in_dim3A = vector.shape_cast %get3A_17 : vector<128xf32> to vector<1x128xf32>
    %add3A_18 = vector.broadcast %broadcast_in_dim3A : vector<1x128xf32> to vector<1280x128xf32>
    %add3A_19 = arith.addf %mul3A_15, %add3A_18 : vector<1280x128xf32>
    %swap3A = arith.constant 0 : index
    %swap3A_20 = arith.constant 0 : index
    %swap3A_21 = vector.load %arg4[%swap3A, %swap3A_20] : memref<1280x128xf32, #tpu.memory_space<vmem>>, vector<1280x128xf32>
    tpu.vector_store %arg4[%swap3A, %swap3A_20], %add3A_19 {strides = array<i32>} : memref<1280x128xf32, #tpu.memory_space<vmem>>, vector<1280x128xf32>,
    return
  }
  func.func @transform_0(%arg0: i32) -> (i32, i32, i32) {
    %c0_i32 = arith.constant 0 : i32
    %c0_i32_0 = arith.constant 0 : i32
    %c0_i32_1 = arith.constant 0 : i32
    return %c0_i32, %arg0, %c0_i32_0 : i32, i32, i32
  }
  func.func @transform_1(%arg0: i32) -> (i32, i32) {
    %c0_i32 = arith.constant 0 : i32
    %c0_i32_0 = arith.constant 0 : i32
    return %arg0, %c0_i32 : i32, i32
  }
  func.func @transform_2(%arg0: i32) -> i32 {
    %c0_i32 = arith.constant 0 : i32
    %c0_i32_0 = arith.constant 0 : i32
    return %c0_i32 : i32
  }
  func.func @transform_3(%arg0: i32) -> (i32, i32) {
    %c0_i32 = arith.constant 0 : i32
    %c0_i32_0 = arith.constant 0 : i32
    return %arg0, %c0_i32 : i32, i32
  }
}

</mosaic_0001>

<sc_bundles>
// kernel: kernel.11.cloned.1.call-start
scs
__scs_entry_jumppad:
0x0: {  	(pc) =	sbr.rel $0x88, $3  }
0x1: {  	(tag) =	ssettag $0x0;
	lr =	simm.s32 $0x1  }
0x2: {  	[smem:$0x3F9B] =	sst lr;
	_ =	strace $0xD0000000  }
0x3: {  	_ = 	snop  }
0x4: {  	_ = 	snop  }
0x5: {  	_ = 	snop  }
0x6: {  	_ = 	snop  }
0x7: {  	_ = 	snop  }
__scs_overlays_trampoline_lowered:
0x8: {  	[smem:$0x3FAA] =	sst s0  }
0x9: {  	[smem:$0x3FAB] =	sst s1  }
0xa: {  	[smem:$0x3FAC] =	sst s2  }
0xb: {  	[smem:$0x3FAD] =	sst s3  }
0xc: {  	[smem:$0x3FAE] =	sst s4  }
0xd: {  	[smem:$0x3FAF] =	sst s5  }
0xe: {  	[smem:$0x3FB0] =	sst s6  }
0xf: {  	[smem:$0x3FB1] =	sst s7  }
0x10: {  	[smem:$0x3FB2] =	sst s8  }
0x11: {  	[smem:$0x3FB3] =	sst s9;
	s0 =	simm.s32 @!p0 $0x0  }
0x12: {  	s1 =	sld [smem:$0x3F99];
	s0 =	simm.s32 @p0 $0x1  }
0x13: {  	[smem:$0x3FB4] =	sst s0;
	s0 =	simm.s32 @!p1 $0x0  }
0x14: {  	s2 =	sld [smem:$0x3F98];
	s0 =	simm.s32 @p1 $0x1  }
0x15: {  	[smem:$0x3FB5] =	sst s0;
	s0 =	simm.s32 @!p2 $0x0  }
0x16: {  	s3 =	sld [smem:$0x3FDB];
	s0 =	simm.s32 @p2 $0x1  }
0x17: {  	s4 =	simm.s32 $0x1BF5;
	[smem:$0x3FB7] =	sst s0  }
0x18: {  	s0 =	sld [smem:$0x3F9A];
	_ =	swait.ge [sflag:s4], $0x0  }
0x19: {  	s7 =	sld [smem:$0x3F9B]  }
0x1a: {  	s8 =	sadd.s32 $0xFFFFE003, lr  }
0x1b: {  	s9 =	sadd.s32 $0xFFFFFEF7, lr;
	s5 =	simm.s32 $0xFFFFFFFF;
	p2 =	slt.u32 s8, $0xFFFFF086  }
0x1c: {  	p1 =	slt.u32 s9, $0xF7A;
	s5 =	simm.s32 @!p2 $0x0  }
0x1d: {  	s5 =	simm.s32 @p1 $0x1;
	p0 =	seq.s32 s7, s2  }
0x1e: {  	s7 =	smul.u32 @!p0 $0xF7A, s2;
	p2 =	seq.s32 @!p0 s5, $0x0  }
0x1f: {  	s9 =	smul.u32 $0xF7A, s1;
	s8 =	simm.s32 @!p0 $0x1BF5;
	p2 =	por !p2, p0  }
0x20: {  	[sflag:s8] =	ssyncset.s32 @!p0 $0xFFFFF086;
	s6 =	sadd.s32 @!p0 s3, s7;
	s7 =	simm.s32 @!p0 $0x108  }
0x21: {  	s3 =	sadd.s32 s3, s9;
	s6 =	sadd.s32 @!p0 $0x88, s6;
	s7 =	simm.s32 @p2 $0x1082  }
0x22: {  	[simem:s7], [sflag:s8] =	dma.local @!p0 [hbm:s6], $0xF7A  }
0x23: {  	s9 =	sor.u32 $0xD0000000, s2;
	s6 =	simm.s32 $0x108;
	_ =	swait.ge @!p0 [sflag:s8], $0x0  }
0x24: {  	s3 =	sadd.s32 $0x88, s3;
	s6 =	simm.s32 @!p1 $0x1082;
	[sflag:s4] =	ssyncset.s32 $0xFFFFF086  }
0x25: {  	[simem:s6], [sflag:s4] =	dma.local [hbm:s3], $0xF7A  }
0x26: {  	[smem:$0x3F9B] =	sst s1;
	(tag) =	ssettag s2;
	_ =	strace s9  }
0x27: {  	s1 =	sld [smem:$0x3FAB]  }
0x28: {  	s2 =	sld [smem:$0x3FAC]  }
0x29: {  	s4 =	sld [smem:$0x3FAE]  }
0x2a: {  	p0 =	seq.s32 s5, $0x0;
	s5 =	sld [smem:$0x3FAF]  }
0x2b: {  	s6 =	sld [smem:$0x3FB0]  }
0x2c: {  	s7 =	sld [smem:$0x3FB1]  }
0x2d: {  	s3 =	simm.s32 $0x108;
	s8 =	sld [smem:$0x3FB2]  }
0x2e: {  	s3 =	simm.s32 @!p0 $0x1082;
	s9 =	sld [smem:$0x3FB3]  }
0x2f: {  	lr =	sadd.s32 s0, s3;
	s0 =	sld [smem:$0x3FAA]  }
0x30: {  	s3 =	sld [smem:$0x3FAD]  }
0x31: {  	[smem:$0x3FB6] =	sst s10  }
0x32: {  	s10 =	sld [smem:$0x3FB4];
	_ =	sdelay $0x3  }
0x33: {  	p0 =	seq.s32 s10, $0x1;
	s10 =	sld [smem:$0x3FB6];
	_ =	sdelay $0x3  }
0x34: {  	[smem:$0x3FB6] =	sst s10  }
0x35: {  	s10 =	sld [smem:$0x3FB5];
	_ =	sdelay $0x3  }
0x36: {  	p1 =	seq.s32 s10, $0x1;
	s10 =	sld [smem:$0x3FB6];
	_ =	sdelay $0x3  }
0x37: {  	[smem:$0x3FB6] =	sst s10  }
0x38: {  	s10 =	sld [smem:$0x3FB7]  }
0x39: {  	_ = 	snop;
	(pc) =	sbr.ind lr, $3  }
0x3a: {  	_ = 	snop  }
0x3b: {  	_ = 	snop  }
0x3c: {  	p2 =	seq.s32 s10, $0x1;
	s10 =	sld [smem:$0x3FB6]  }
0x3d: {  	_ =	shalt  }
0x3e: {  	_ =	shalt  }
0x3f: {  	_ =	shalt  }
0x40: {  	_ =	shalt  }
0x41: {  	_ =	shalt  }
0x42: {  	_ =	shalt  }
0x43: {  	_ =	shalt  }
0x44: {  	_ =	shalt  }
0x45: {  	_ =	shalt  }
0x46: {  	_ =	shalt  }
0x47: {  	_ =	shalt  }
0x48: {  	_ =	shalt  }
0x49: {  	_ =	shalt  }
0x4a: {  	_ =	shalt  }
0x4b: {  	_ =	shalt  }
0x4c: {  	_ =	shalt  }
0x4d: {  	_ =	shalt  }
0x4e: {  	_ =	shalt  }
0x4f: {  	_ =	shalt  }
0x50: {  	_ =	shalt  }
0x51: {  	_ =	shalt  }
0x52: {  	_ =	shalt  }
0x53: {  	_ =	shalt  }
0x54: {  	_ =	shalt  }
0x55: {  	_ =	shalt  }
0x56: {  	_ =	shalt  }
0x57: {  	_ =	shalt  }
0x58: {  	_ =	shalt  }
0x59: {  	_ =	shalt  }
0x5a: {  	_ =	shalt  }
0x5b: {  	_ =	shalt  }
0x5c: {  	_ =	shalt  }
0x5d: {  	_ =	shalt  }
0x5e: {  	_ =	shalt  }
0x5f: {  	_ =	shalt  }
0x60: {  	_ =	shalt  }
0x61: {  	_ =	shalt  }
0x62: {  	_ =	shalt  }
0x63: {  	_ =	shalt  }
0x64: {  	_ =	shalt  }
0x65: {  	_ =	shalt  }
0x66: {  	_ =	shalt  }
0x67: {  	_ =	shalt  }
0x68: {  	_ =	shalt  }
0x69: {  	_ =	shalt  }
0x6a: {  	_ =	shalt  }
0x6b: {  	_ =	shalt  }
0x6c: {  	_ =	shalt  }
0x6d: {  	_ =	shalt  }
0x6e: {  	_ =	shalt  }
0x6f: {  	_ =	shalt  }
0x70: {  	_ =	shalt  }
0x71: {  	_ =	shalt  }
0x72: {  	_ =	shalt  }
0x73: {  	_ =	shalt  }
0x74: {  	_ =	shalt  }
0x75: {  	_ =	shalt  }
0x76: {  	_ =	shalt  }
0x77: {  	_ =	shalt  }
0x78: {  	_ =	shalt  }
0x79: {  	_ =	shalt  }
0x7a: {  	_ =	shalt  }
0x7b: {  	_ =	shalt  }
0x7c: {  	_ =	shalt  }
0x7d: {  	_ =	shalt  }
0x7e: {  	_ =	shalt  }
0x7f: {  	_ =	shalt  }
0x80: {  	_ =	shalt  }
0x81: {  	_ =	shalt  }
0x82: {  	_ =	shalt  }
0x83: {  	_ =	shalt  }
0x84: {  	_ =	shalt  }
0x85: {  	_ =	shalt  }
0x86: {  	_ =	shalt  }
0x87: {  	_ =	shalt  }
.Lfunc_end0:
.L_simem_size_0:
called_computation.1_lowered:
.L_overlay_start_0:
0x88: {  	s2 =	sld [smem:$0x3FD9]  }
0x89: {  	s3 =	sld [smem:$0x3FFE];
	_ =	sdelay $0x1  }
0x8a: {  	s1 =	srdreg.scid  }
0x8b: {  	s0 =	sand.u32 $0x1, s1  }
0x8c: {  	s17 =	sshll.u32 s0, $0xA;
	s2 =	sadd.s32 s3, s2  }
0x8d: {  	s2 =	sadd.s32 s2, s17  }
0x8e: {  	[smem:$0x3FC2] =	sst s2  }
0x8f: {  	_ = 	snop  }
0x90: {  	s2 =	sld [smem:$0x3FD0];
	(tm) =	ssettm $0x1  }
0x91: {  	s18 =	sld [smem:$0x3FFB];
	_ =	sdelay $0x3  }
0x92: {  	_ =	strace s18  }
0x93: {  	s3 =	sld [smem:$0x3FFC];
	_ =	sdelay $0x3  }
0x94: {  	_ =	strace s3  }
0x95: {  	s3 =	sld [smem:$0x3FFD];
	_ =	sdelay $0x3  }
0x96: {  	_ =	strace s3  }
0x97: {  	_ =	strace $0x8FFFFFFF  }
0x98: {  	s19 =	sld [smem:$0x3FDB];
	_ =	sdelay $0x1  }
0x99: {  	s4 =	simm.s32 $_scs_section_size  }
0x9a: {  	s5 =	simm.s32 $_size__tile_overlayer_lowered;
	s6 =	simm.s32 $_tile_overlayer_lowered  }
0x9b: {  	s22 =	simm.s32 $0x1BFF;
	s21 =	sshll.u32 s6, $0x1;
	s3 =	sadd.s32 s4, s19  }
0x9c: {  	s7 =	simm.s32 $0x0;
	s20 =	sshll.u32 s5, $0x1;
	s5 =	sadd.s32 s21, s3  }
0x9d: {  	[timem:s7], [sflag:s22] =	dma.local [hbm:s5], s20  }
0x9e: {  	_ =	swait.ge [sflag:s22], s20  }
0x9f: {  	s4 =	ssub.s32 $0x0, s20;
	[sflag:s22] =	ssyncset.done $0x0  }
0xa0: {  	[sflag:s22] =	ssyncadd.s32 s4;
	_ =	sdelay $0x1  }
0xa1: {  	s23 =	simm.s32 $0x1B8B  }
0xa2: {  	_ =	swait.ge [sflag:s23], $0x1  }
0xa3: {  	[sflag:s23] =	ssyncset.done $0x0  }
0xa4: {  	s25 =	simm.s32 $0x1B8E;
	s24 =	sld [smem:$0x3FFE];
	[sflag:s23] =	ssyncadd.s32 $0xFFFFFFFF  }
0xa5: {  	s26 =	simm.s32 $execute0_lowered;
	[smem:$0x3FD2] =	sst s25  }
0xa6: {  	s5 =	sshll.u32 s26, $0x1;
	_ =	strace $0x80000049;
	[dreg:$0x1] =	wrdreg $0xFFFFFFFF  }
0xa7: {  	s28 =	simm.s32 $_size_execute0_lowered;
	s3 =	sadd.s32 s3, s5;
	[dreg:$0x0] =	wrdreg $0x0  }
0xa8: {  	s5 =	sshll.u32 s28, $0x1;
	[dreg:$0x2] =	wrdreg s3  }
0xa9: {  	[dreg:$0x3] =	wrdreg s5  }
0xaa: {  	[dreg:$0x4] =	wrdreg $0xC0  }
0xab: {  	_ =	task [dreg:s7], $0x5FFFF  }
0xac: {  	[dreg:$0x1] =	wrdreg $0xFFFFFFFF  }
0xad: {  	[dreg:$0x0] =	wrdreg $0x60  }
0xae: {  	[dreg:$0x2] =	wrdreg s24  }
0xaf: {  	[dreg:$0x3] =	wrdreg s2  }
0xb0: {  	[dreg:$0x4] =	wrdreg $0x150000  }
0xb1: {  	[dreg:$0x5] =	wrdreg $0x9  }
0xb2: {  	_ =	task.clear_ibuf [dreg:s7], $0x6FFFF;
	_ =	strace $0x90000049  }
0xb3: {  	s29 =	simm.s32 $0x9;
	_ =	strace $0x8000004B  }
0xb4: {  	_ =	swait.ge [sflag:s29], $0x1  }
0xb5: {  	[sflag:s29] =	ssyncadd.s32 $0xFFFFFFFF  }
0xb6: {  	_ =	strace $0x9000004B  }
0xb7: {  	_ =	sfence  }
0xb8: {  	s30 =	sld [smem:$0x0];
	_ =	sdelay $0x2  }
0xb9: {  	s31 =	sshll.u32 s1, $0xD;
	s1 =	sshrl.u32 s1, $0x2  }
0xba: {  	s3 =	sand.u32 $0x4000, s31;
	s1 =	sadd.s32 s1, s30  }
0xbb: {  	s0 =	sor.u32 s3, s0;
	s1 =	sshll.u32 s1, $0x11  }
0xbc: {  	s0 =	sor.u32 s1, s0  }
0xbd: {  	s0 =	sadd.s32 $0x8F2B, s0  }
0xbe: {  	[sflag:s0] =	ssyncadd.remote.s32 $0x1  }
0xbf: {  	_ =	sfence.sel $0xFFFF  }
0xc0: {  	[dreg:$0x0] =	wrdreg $0xFFFFFFFF;
	(pc) =	sbr.abs _section_cstart, $3  }
0xc1: {  	[dreg:$0x1] =	wrdreg $0xFFFFFFFF  }
0xc2: {  	_ =	task.clear_ibuf [dreg:s7], $0x2FFFF;
	_ =	strace $0x9FFFFFFF  }
0xc3: {  	(tm) =	ssettm $0x7FFFFFFF  }
tec
execute0_lowered:
.L_overlay_start_1:
0x0: {  	(tag) =	ssettag $0x1  }
0x1: {  	s15 =	stileid.u32  }
0x2: {  	s0 =	srdreg.scid;
	s2 =	rddreg [dreg:$0x0]  }
0x3: {  	s4 =	rddreg [dreg:$0x1];
	s1 =	simm.s32 $0x0;
	s28 =	simm.s32 $0x5  }
0x4: {  	s29 =	simm.s32 $0x9;
	s30 =	simm.s32 $0xA;
	s3 =	smul.u32 $0x5000, s15  }
0x5: {  	s31 =	simm.s32 $0x0;
	s0 =	sand.u32 $0x1, s0;
	s8 =	smul.u32 $0xA000, s15  }
0x6: {  	[smem:$0x7FF] =	sst s1;
	s9 =	sadd.s32 $0x33800, s2;
	s26 =	smul.u32 $0x28000, s15  }
0x7: {  	s15 =	sadd.s32 $0xB800, s2;
	s5 =	smul.u32 $0x50000, s0;
	s6 =	ssub.s32 $0x2, s0  }
0x8: {  	s0 =	smul.u32 $0xA0000, s0;
	s7 =	sshrl.u32 s6, $0x1;
	s10 =	sadd.s32 $0x2000, s8  }
0x9: {  	s11 =	sadd.s32 $0x4000, s8;
	s5 =	sadd.s32 s3, s5;
	s6 =	ssub.s32 s6, s7  }
0xa: {  	s12 =	sadd.s32 s8, s0;
	s16 =	sadd.s32 s0, s10;
	s7 =	sadd.s32 $0x3000, s8  }
0xb: {  	s3 =	sshrl.u32 s3, $0x3;
	s5 =	sshrl.u32 s5, $0x3;
	s17 =	sshrl.u32 s16, $0x3  }
0xc: {  	s18 =	sadd.s32 s0, s7;
	s16 =	sadd.s32 $0x7000, s8;
	s4 =	sadd.s32 s4, s5  }
0xd: {  	s6 =	smax.u32 s6, $0x1;
	s5 =	sor.u32 $0x1000, s8;
	[dreg:$0x4] =	wrdreg s4  }
0xe: {  	s4 =	sshrl.u32 s12, $0x3;
	s13 =	sadd.s32 s0, s5;
	s12 =	sadd.s32 s0, s11  }
0xf: {  	s4 =	sadd.s32 s9, s4;
	s14 =	sshrl.u32 s13, $0x3;
	s19 =	sshrl.u32 s12, $0x3  }
0x10: {  	s12 =	sadd.s32 $0x6000, s8;
	s13 =	sadd.s32 s0, s16;
	[dreg:$0x5] =	wrdreg s4  }
0x11: {  	s4 =	sadd.s32 s9, s14;
	s23 =	sshrl.u32 s13, $0x3;
	s13 =	rddreg [dreg:$0x2]  }
0x12: {  	s14 =	sadd.s32 $0x5000, s8;
	s22 =	sadd.s32 s0, s12;
	[dreg:$0x6] =	wrdreg s4  }
0x13: {  	s4 =	sadd.s32 s9, s17;
	s20 =	sadd.s32 s0, s14;
	s10 =	sadd.s32 s10, s13  }
0x14: {  	[dreg:$0x7] =	wrdreg s4;
	s4 =	sshrl.u32 s18, $0x3;
	s21 =	sshrl.u32 s20, $0x3  }
0x15: {  	s18 =	sadd.s32 $0x8000, s8;
	s20 =	sadd.s32 s7, s13;
	s4 =	sadd.s32 s9, s4  }
0x16: {  	s24 =	sadd.s32 s0, s18;
	[dreg:$0x8] =	wrdreg s4;
	s4 =	sadd.s32 s9, s19  }
0x17: {  	s19 =	sadd.s32 $0x9000, s8;
	[dreg:$0x9] =	wrdreg s4;
	s4 =	sadd.s32 s9, s21  }
0x18: {  	s0 =	sadd.s32 s0, s19;
	[dreg:$0xa] =	wrdreg s4;
	s4 =	sshrl.u32 s22, $0x3  }
0x19: {  	s7 =	simm.s32 $0xB;
	s0 =	sshrl.u32 s0, $0x3;
	s4 =	sadd.s32 s9, s4  }
0x1a: {  	s25 =	sshrl.u32 s24, $0x3;
	s0 =	sadd.s32 s9, s0;
	[dreg:$0xb] =	wrdreg s4  }
0x1b: {  	s8 =	sadd.s32 s8, s13;
	s4 =	sadd.s32 s9, s23;
	[dreg:$0xe] =	wrdreg s0  }
0x1c: {  	s0 =	sadd.s32 s3, s2;
	[dreg:$0xc] =	wrdreg s4;
	s4 =	sadd.s32 s9, s25  }
0x1d: {  	s24 =	sadd.s32 s16, s13;
	s0 =	sadd.s32 $0x1800, s0;
	[dreg:$0xd] =	wrdreg s4  }
0x1e: {  	s9 =	sadd.s32 s5, s13;
	_ =	strace $0x8000004A;
	[dreg:$0xf] =	wrdreg s0  }
0x1f: {  	s21 =	sadd.s32 s11, s13;
	s2 =	sshrl.u32 s9, $0x3;
	[dreg:$0x10] =	wrdreg s6  }
0x20: {  	s22 =	sadd.s32 s14, s13;
	s3 =	sshrl.u32 s10, $0x3;
	[dreg:$0x12] =	wrdreg s2  }
0x21: {  	s23 =	sadd.s32 s12, s13;
	s12 =	sshrl.u32 s22, $0x3;
	[dreg:$0x13] =	wrdreg s3  }
0x22: {  	s16 =	sshrl.u32 s24, $0x3;
	s14 =	sshrl.u32 s23, $0x3;
	[dreg:$0x16] =	wrdreg s12  }
0x23: {  	s10 =	simm.s32 $0xA000;
	s25 =	sadd.s32 s18, s13;
	[dreg:$0x17] =	wrdreg s14  }
0x24: {  	s4 =	sshrl.u32 s26, $0x2;
	s18 =	sshrl.u32 s25, $0x3;
	[dreg:$0x18] =	wrdreg s16  }
0x25: {  	s26 =	sadd.s32 s19, s13;
	s0 =	sshrl.u32 s8, $0x3;
	[dreg:$0x19] =	wrdreg s18  }
0x26: {  	s17 =	sadd.s32 s4, s13;
	s4 =	sshrl.u32 s20, $0x3;
	[dreg:$0x11] =	wrdreg s0  }
0x27: {  	s9 =	simm.s32 $0x80;
	s6 =	sshrl.u32 s21, $0x3;
	[dreg:$0x14] =	wrdreg s4  }
0x28: {  	s19 =	sshrl.u32 s26, $0x3;
	s3 =	simm.s32 $0x5000;
	[dreg:$0x15] =	wrdreg s6  }
0x29: {  	s12 =	simm.s32 $0xC000;
	[dreg:$0x1a] =	wrdreg s19;
	s20 =	sadd.s32 $0x1000, s17  }
0x2a: {  	s14 =	simm.s32 $0xE000;
	s21 =	sadd.s32 $0x2000, s17;
	[dreg:$0x1b] =	wrdreg s20  }
0x2b: {  	s16 =	simm.s32 $0x10000;
	s22 =	sadd.s32 $0x3000, s17;
	[dreg:$0x1c] =	wrdreg s21  }
0x2c: {  	s18 =	simm.s32 $0x14000;
	s23 =	sadd.s32 $0x4000, s17;
	[dreg:$0x1d] =	wrdreg s22  }
0x2d: {  	s24 =	sadd.s32 $0x5000, s17;
	s25 =	sadd.s32 $0x6000, s17;
	[dreg:$0x1e] =	wrdreg s23  }
.Ltmp0:
0x2e: {  	s26 =	sadd.s32 $0x7000, s17;
	[dreg:$0x1f] =	wrdreg s24;
	(pc) =	sbr.rel .LBB2_1-.Ltmp0, $4  }
0x2f: {  	s5 =	sadd.s32 $0x8000, s17;
	s6 =	sadd.s32 $0x9000, s17;
	[smem:$0x7FC] =	sst s25  }
0x30: {  	s19 =	simm.s32 $0x1;
	[smem:$0x7FD] =	sst s26;
	s20 =	simm.s32 $0x12000  }
0x31: {  	s21 =	simm.s32 $0x2;
	s22 =	simm.s32 $0x6;
	s23 =	simm.s32 $0x3  }
0x32: {  	v0 =	vimm.f32 $0.0e+00;
	s24 =	simm.s32 $0x7;
	s25 =	simm.s32 $0x4;
	s26 =	simm.s32 $0x8  }
.LBB2_6:
0x33: {  	_ =	swait.ge [sflag:s28], $0x2000  }
0x34: {  	[sflag:s28] =	ssyncset.done $0x0  }
0x35: {  	[sflag:s28] =	ssyncadd.s32 $0xFFFFE000  }
0x36: {  	[spmem:s13] =	stream.indirect.scatter.add.f32 [tilespmem:s20], [sflag:$0xA], $0x40, s2, s9, $0xb8;
	[tilespmem:$0x1F000] =	vst v63  }
0x37: {  	_ =	swait.ge [sflag:s22], $0x2000  }
0x38: {  	[sflag:s22] =	ssyncset.done $0x0  }
0x39: {  	[sflag:s22] =	ssyncadd.s32 $0xFFFFE000  }
0x3a: {  	_ =	swait.ge [sflag:s24], $0x2000  }
0x3b: {  	[sflag:s24] =	ssyncset.done $0x0  }
0x3c: {  	[sflag:s24] =	ssyncadd.s32 $0xFFFFE000  }
0x3d: {  	_ =	swait.ge [sflag:s26], $0x2000  }
0x3e: {  	[sflag:s26] =	ssyncset.done $0x0  }
0x3f: {  	[sflag:s26] =	ssyncadd.s32 $0xFFFFE000  }
0x40: {  	_ =	swait.ge [sflag:s29], $0x2000  }
0x41: {  	[sflag:s29] =	ssyncset.done $0x0  }
0x42: {  	[sflag:s29] =	ssyncadd.s32 $0xFFFFE000  }
0x43: {  	_ =	swait.ge [sflag:s30], $0x2000  }
0x44: {  	[sflag:s30] =	ssyncset.done $0x0  }
0x45: {  	[sflag:s30] =	ssyncadd.s32 $0xFFFFE000  }
0x46: {  	s0 =	stileid.u32;
	[bflag:$0x0] =	sbarrier.arrive $0xFFFF  }
0x47: {  	s0 =	sshll.u32 s0, $0x6;
	s8 =	rddreg [dreg:$0x5]  }
0x48: {  	s0 =	sor.u32 $0x1C01, s0;
	s3 =	rddreg [dreg:$0x11]  }
0x49: {  	[hbm:s8], [sflag:s0] =	dma.local [spmem:s3], $0x200  }
0x4a: {  	s2 =	rddreg [dreg:$0x6]  }
0x4b: {  	s3 =	rddreg [dreg:$0x12]  }
0x4c: {  	[hbm:s2], [sflag:s0] =	dma.local [spmem:s3], $0x200  }
0x4d: {  	s2 =	rddreg [dreg:$0x7]  }
0x4e: {  	s3 =	rddreg [dreg:$0x13]  }
0x4f: {  	[hbm:s2], [sflag:s0] =	dma.local [spmem:s3], $0x200  }
0x50: {  	s2 =	rddreg [dreg:$0x8]  }
0x51: {  	s3 =	rddreg [dreg:$0x14]  }
0x52: {  	[hbm:s2], [sflag:s0] =	dma.local [spmem:s3], $0x200  }
0x53: {  	s2 =	rddreg [dreg:$0x9]  }
0x54: {  	s3 =	rddreg [dreg:$0x15]  }
0x55: {  	[hbm:s2], [sflag:s0] =	dma.local [spmem:s3], $0x200  }
0x56: {  	s2 =	rddreg [dreg:$0xa]  }
0x57: {  	s3 =	rddreg [dreg:$0x16]  }
0x58: {  	[hbm:s2], [sflag:s0] =	dma.local [spmem:s3], $0x200  }
0x59: {  	s2 =	rddreg [dreg:$0xb]  }
0x5a: {  	s3 =	rddreg [dreg:$0x17]  }
0x5b: {  	[hbm:s2], [sflag:s0] =	dma.local [spmem:s3], $0x200  }
0x5c: {  	s2 =	rddreg [dreg:$0xc]  }
0x5d: {  	s3 =	rddreg [dreg:$0x18]  }
0x5e: {  	[hbm:s2], [sflag:s0] =	dma.local [spmem:s3], $0x200  }
0x5f: {  	s2 =	rddreg [dreg:$0xd]  }
0x60: {  	s3 =	rddreg [dreg:$0x19]  }
0x61: {  	[hbm:s2], [sflag:s0] =	dma.local [spmem:s3], $0x200  }
0x62: {  	s2 =	rddreg [dreg:$0xe]  }
0x63: {  	s3 =	rddreg [dreg:$0x1a]  }
0x64: {  	[hbm:s2], [sflag:s0] =	dma.local [spmem:s3], $0x200  }
0x65: {  	_ =	swait.ge [sflag:s19], $0x200  }
0x66: {  	[sflag:s19] =	ssyncset.done $0x0  }
0x67: {  	[sflag:s19] =	ssyncadd.s32 $0xFFFFFE00  }
0x68: {  	_ =	swait.ge [sflag:s19], $0x200  }
0x69: {  	[sflag:s19] =	ssyncset.done $0x0  }
0x6a: {  	[sflag:s19] =	ssyncadd.s32 $0xFFFFFE00  }
0x6b: {  	_ =	swait.ge [sflag:s19], $0x200  }
0x6c: {  	[sflag:s19] =	ssyncset.done $0x0  }
0x6d: {  	[sflag:s19] =	ssyncadd.s32 $0xFFFFFE00  }
0x6e: {  	_ =	swait.ge [sflag:s19], $0x200  }
0x6f: {  	[sflag:s19] =	ssyncset.done $0x0  }
0x70: {  	[sflag:s19] =	ssyncadd.s32 $0xFFFFFE00  }
0x71: {  	_ =	swait.ge [sflag:s19], $0x200  }
0x72: {  	[sflag:s19] =	ssyncset.done $0x0  }
0x73: {  	[sflag:s19] =	ssyncadd.s32 $0xFFFFFE00  }
0x74: {  	_ =	swait.ge [sflag:s19], $0x200  }
0x75: {  	[sflag:s19] =	ssyncset.done $0x0  }
0x76: {  	[sflag:s19] =	ssyncadd.s32 $0xFFFFFE00  }
0x77: {  	_ =	swait.ge [sflag:s19], $0x200  }
0x78: {  	[sflag:s19] =	ssyncset.done $0x0  }
0x79: {  	[sflag:s19] =	ssyncadd.s32 $0xFFFFFE00  }
0x7a: {  	_ =	swait.ge [sflag:s19], $0x200  }
0x7b: {  	[sflag:s19] =	ssyncset.done $0x0  }
0x7c: {  	[sflag:s19] =	ssyncadd.s32 $0xFFFFFE00  }
0x7d: {  	_ =	swait.ge [sflag:s19], $0x200  }
0x7e: {  	[sflag:s19] =	ssyncset.done $0x0  }
0x7f: {  	[sflag:s19] =	ssyncadd.s32 $0xFFFFFE00  }
0x80: {  	_ =	swait.ge [sflag:s19], $0x200  }
0x81: {  	s31 =	sadd.s32 $0x1, s31;
	s11 =	rddreg [dreg:$0x10]  }
0x82: {  	p0 =	sne.s32 s31, s11  }
.Ltmp1:
0x83: {  	_ = 	snop;
	(pc) =	sbr.rel @!p0 .LBB2_7-.Ltmp1, $3  }
0x84: {  	_ =	sdelay $0x1  }
0x85: {  	[sflag:s19] =	ssyncset.done $0x0  }
0x86: {  	s3 =	simm.s32 $0x5000;
	[sflag:s19] =	ssyncadd.s32 $0xFFFFFE00  }
.LBB2_1:
0x87: {  	s0 =	rddreg [dreg:$0x4]  }
0x88: {  	[tilespmem:s1], [sflag:$0xB] =	stream.linear.gather [hbm4b:s0+s1], $0x5000, $0x38;
	[tilespmem:$0x1F000] =	vst v63  }
0x89: {  	_ =	swait.ge [sflag:s7], $0x5000  }
0x8a: {  	[sflag:s7] =	ssyncset.done $0x0  }
0x8b: {  	s4 =	rddreg [dreg:$0xf];
	[sflag:s7] =	ssyncadd.s32 $0xFFFFB000  }
0x8c: {  	[tilespmem:s3], [sflag:$0xB] =	stream.linear.gather [hbm4b:s4+s1], $0x5000, $0x38;
	[tilespmem:$0x1F000] =	vst v63  }
0x8d: {  	_ =	swait.ge [sflag:s7], $0x5000  }
0x8e: {  	[sflag:s7] =	ssyncset.done $0x0  }
0x8f: {  	[sflag:s7] =	ssyncadd.s32 $0xFFFFB000  }
0x90: {  	[tilespmem:s10], [sflag:$0x1] =	stream.indirect.gather [hbm4b:s15+s9], $0x40, s1, s9, $0xb8;
	[tilespmem:$0x1F000] =	vst v63  }
0x91: {  	_ = 	snop  }
0x92: {  	[tilespmem:s12], [sflag:$0x2] =	stream.indirect.gather [hbm4b:s15+s9], $0x40, s9, s9, $0xb8;
	[tilespmem:$0x1F000] =	vst v63  }
0x93: {  	s8 =	simm.s32 $0x100  }
0x94: {  	[tilespmem:s14], [sflag:$0x3] =	stream.indirect.gather [hbm4b:s15+s9], $0x40, s8, s9, $0xb8;
	[tilespmem:$0x1F000] =	vst v63  }
0x95: {  	s11 =	simm.s32 $0x180  }
0x96: {  	[tilespmem:s16], [sflag:$0x4] =	stream.indirect.gather [hbm4b:s15+s9], $0x40, s11, s9, $0xb8;
	[tilespmem:$0x1F000] =	vst v63  }
0x97: {  	s0 =	simm.s32 $0x0;
	s11 =	simm.s32 $0x100  }
.LBB2_2:
0x98: {  	p0 =	sne.s32 s11, $0x3F00;
	[tilespmem:s0+$0x14030] =	vst v0;
	s2 =	smov.u32 s11;
	s11 =	sadd.s32 $0x100, s11  }
.Ltmp2:
0x99: {  	[tilespmem:s0+$0x14020] =	vst v0;
	(pc) =	sbr.rel @p0 .LBB2_2-.Ltmp2, $3  }
0x9a: {  	[tilespmem:s0+$0x14000] =	vst v0  }
0x9b: {  	[tilespmem:s0+$0x14010] =	vst v0;
	_ =	sdelay $0x1  }
0x9c: {  	s0 =	sshra.s32 s2, $0x2  }
0x9d: {  	[tilespmem:s0+$0x14030] =	vst v0  }
0x9e: {  	[tilespmem:s0+$0x14020] =	vst v0  }
0x9f: {  	[tilespmem:s0+$0x14000] =	vst v0  }
0xa0: {  	[tilespmem:s0+$0x14010] =	vst v0  }
0xa1: {  	[spmem:s17] =	stream.linear.scatter [tilespmem:s18], [sflag:$0xB], $0x1000, $0x38;
	[tilespmem:$0x1F000] =	vst v63  }
0xa2: {  	_ =	swait.ge [sflag:s7], $0x1000  }
0xa3: {  	[sflag:s7] =	ssyncset.done $0x0  }
0xa4: {  	s8 =	rddreg [dreg:$0x1b];
	[sflag:s7] =	ssyncadd.s32 $0xFFFFF000  }
0xa5: {  	[spmem:s8] =	stream.linear.scatter [tilespmem:s18], [sflag:$0xB], $0x1000, $0x38;
	[tilespmem:$0x1F000] =	vst v63  }
0xa6: {  	_ =	swait.ge [sflag:s7], $0x1000  }
0xa7: {  	[sflag:s7] =	ssyncset.done $0x0  }
0xa8: {  	s11 =	rddreg [dreg:$0x1c];
	[sflag:s7] =	ssyncadd.s32 $0xFFFFF000  }
0xa9: {  	[spmem:s11] =	stream.linear.scatter [tilespmem:s18], [sflag:$0xB], $0x1000, $0x38;
	[tilespmem:$0x1F000] =	vst v63  }
0xaa: {  	_ =	swait.ge [sflag:s7], $0x1000  }
0xab: {  	[sflag:s7] =	ssyncset.done $0x0  }
0xac: {  	s2 =	rddreg [dreg:$0x1d];
	[sflag:s7] =	ssyncadd.s32 $0xFFFFF000  }
0xad: {  	[spmem:s2] =	stream.linear.scatter [tilespmem:s18], [sflag:$0xB], $0x1000, $0x38;
	[tilespmem:$0x1F000] =	vst v63  }
0xae: {  	_ =	swait.ge [sflag:s7], $0x1000  }
0xaf: {  	[sflag:s7] =	ssyncset.done $0x0  }
0xb0: {  	s4 =	rddreg [dreg:$0x1e];
	[sflag:s7] =	ssyncadd.s32 $0xFFFFF000  }
0xb1: {  	[spmem:s4] =	stream.linear.scatter [tilespmem:s18], [sflag:$0xB], $0x1000, $0x38;
	[tilespmem:$0x1F000] =	vst v63  }
0xb2: {  	_ =	swait.ge [sflag:s7], $0x1000  }
0xb3: {  	[sflag:s7] =	ssyncset.done $0x0  }
0xb4: {  	s8 =	rddreg [dreg:$0x1f];
	[sflag:s7] =	ssyncadd.s32 $0xFFFFF000  }
0xb5: {  	[spmem:s8] =	stream.linear.scatter [tilespmem:s18], [sflag:$0xB], $0x1000, $0x38;
	[tilespmem:$0x1F000] =	vst v63  }
0xb6: {  	_ =	swait.ge [sflag:s7], $0x1000  }
0xb7: {  	s11 =	sld [smem:$0x7FC]  }
0xb8: {  	[sflag:s7] =	ssyncset.done $0x0  }
0xb9: {  	[sflag:s7] =	ssyncadd.s32 $0xFFFFF000  }
0xba: {  	[spmem:s11] =	stream.linear.scatter [tilespmem:s18], [sflag:$0xB], $0x1000, $0x38;
	[tilespmem:$0x1F000] =	vst v63  }
0xbb: {  	_ =	swait.ge [sflag:s7], $0x1000  }
0xbc: {  	s2 =	sld [smem:$0x7FD]  }
0xbd: {  	[sflag:s7] =	ssyncset.done $0x0  }
0xbe: {  	[sflag:s7] =	ssyncadd.s32 $0xFFFFF000  }
0xbf: {  	[spmem:s2] =	stream.linear.scatter [tilespmem:s18], [sflag:$0xB], $0x1000, $0x38;
	[tilespmem:$0x1F000] =	vst v63  }
0xc0: {  	_ =	swait.ge [sflag:s7], $0x1000  }
0xc1: {  	[sflag:s7] =	ssyncset.done $0x0  }
0xc2: {  	[sflag:s7] =	ssyncadd.s32 $0xFFFFF000  }
0xc3: {  	[spmem:s5] =	stream.linear.scatter [tilespmem:s18], [sflag:$0xB], $0x1000, $0x38;
	[tilespmem:$0x1F000] =	vst v63  }
0xc4: {  	_ =	swait.ge [sflag:s7], $0x1000  }
0xc5: {  	[sflag:s7] =	ssyncset.done $0x0  }
0xc6: {  	[sflag:s7] =	ssyncadd.s32 $0xFFFFF000  }
0xc7: {  	[spmem:s6] =	stream.linear.scatter [tilespmem:s18], [sflag:$0xB], $0x1000, $0x38;
	[tilespmem:$0x1F000] =	vst v63  }
0xc8: {  	_ =	swait.ge [sflag:s7], $0x1000  }
0xc9: {  	[sflag:s7] =	ssyncset.done $0x0  }
0xca: {  	[sflag:s7] =	ssyncadd.s32 $0xFFFFF000  }
0xcb: {  	[bflag:$0x0] =	sbarrier.arrive $0xFFFF  }
0xcc: {  	_ =	swait.ge [sflag:s19], $0x2000  }
0xcd: {  	[sflag:s19] =	ssyncset.done $0x0  }
0xce: {  	[sflag:s19] =	ssyncadd.s32 $0xFFFFE000  }
0xcf: {  	[spmem:s13] =	stream.indirect.scatter.add.f32 [tilespmem:s10], [sflag:$0x6], $0x40, s3, s9, $0xb8;
	[tilespmem:$0x1F000] =	vst v63  }
0xd0: {  	s3 =	simm.s32 $0x200  }
0xd1: {  	[tilespmem:s20], [sflag:$0x5] =	stream.indirect.gather [hbm4b:s15+s9], $0x40, s3, s9, $0xb8;
	[tilespmem:$0x1F000] =	vst v63  }
0xd2: {  	_ =	swait.ge [sflag:s21], $0x2000  }
0xd3: {  	[sflag:s21] =	ssyncset.done $0x0  }
0xd4: {  	s4 =	simm.s32 $0x5080;
	[sflag:s21] =	ssyncadd.s32 $0xFFFFE000  }
0xd5: {  	[spmem:s13] =	stream.indirect.scatter.add.f32 [tilespmem:s12], [sflag:$0x7], $0x40, s4, s9, $0xb8;
	[tilespmem:$0x1F000] =	vst v63  }
0xd6: {  	_ =	swait.ge [sflag:s22], $0x2000  }
0xd7: {  	[sflag:s22] =	ssyncset.done $0x0  }
0xd8: {  	s8 =	simm.s32 $0x280;
	[sflag:s22] =	ssyncadd.s32 $0xFFFFE000  }
0xd9: {  	[tilespmem:s10], [sflag:$0x1] =	stream.indirect.gather [hbm4b:s15+s9], $0x40, s8, s9, $0xb8;
	[tilespmem:$0x1F000] =	vst v63  }
0xda: {  	_ =	swait.ge [sflag:s23], $0x2000  }
0xdb: {  	[sflag:s23] =	ssyncset.done $0x0  }
0xdc: {  	s11 =	simm.s32 $0x5100;
	[sflag:s23] =	ssyncadd.s32 $0xFFFFE000  }
0xdd: {  	[spmem:s13] =	stream.indirect.scatter.add.f32 [tilespmem:s14], [sflag:$0x8], $0x40, s11, s9, $0xb8;
	[tilespmem:$0x1F000] =	vst v63  }
0xde: {  	_ =	swait.ge [sflag:s24], $0x2000  }
0xdf: {  	[sflag:s24] =	ssyncset.done $0x0  }
0xe0: {  	s2 =	simm.s32 $0x300;
	[sflag:s24] =	ssyncadd.s32 $0xFFFFE000  }
0xe1: {  	[tilespmem:s12], [sflag:$0x2] =	stream.indirect.gather [hbm4b:s15+s9], $0x40, s2, s9, $0xb8;
	[tilespmem:$0x1F000] =	vst v63  }
0xe2: {  	_ =	swait.ge [sflag:s25], $0x2000  }
0xe3: {  	[sflag:s25] =	ssyncset.done $0x0  }
0xe4: {  	s3 =	simm.s32 $0x5180;
	[sflag:s25] =	ssyncadd.s32 $0xFFFFE000  }
0xe5: {  	[spmem:s13] =	stream.indirect.scatter.add.f32 [tilespmem:s16], [sflag:$0x9], $0x40, s3, s9, $0xb8;
	[tilespmem:$0x1F000] =	vst v63  }
0xe6: {  	_ =	swait.ge [sflag:s26], $0x2000  }
0xe7: {  	[sflag:s26] =	ssyncset.done $0x0  }
0xe8: {  	s4 =	simm.s32 $0x380;
	[sflag:s26] =	ssyncadd.s32 $0xFFFFE000  }
0xe9: {  	[tilespmem:s14], [sflag:$0x3] =	stream.indirect.gather [hbm4b:s15+s9], $0x40, s4, s9, $0xb8;
	[tilespmem:$0x1F000] =	vst v63  }
0xea: {  	_ =	swait.ge [sflag:s28], $0x2000  }
0xeb: {  	[sflag:s28] =	ssyncset.done $0x0  }
0xec: {  	s8 =	simm.s32 $0x5200;
	[sflag:s28] =	ssyncadd.s32 $0xFFFFE000  }
0xed: {  	[spmem:s13] =	stream.indirect.scatter.add.f32 [tilespmem:s20], [sflag:$0xA], $0x40, s8, s9, $0xb8;
	[tilespmem:$0x1F000] =	vst v63  }
0xee: {  	_ =	swait.ge [sflag:s29], $0x2000  }
0xef: {  	[sflag:s29] =	ssyncset.done $0x0  }
0xf0: {  	s11 =	simm.s32 $0x400;
	[sflag:s29] =	ssyncadd.s32 $0xFFFFE000  }
0xf1: {  	[tilespmem:s16], [sflag:$0x4] =	stream.indirect.gather [hbm4b:s15+s9], $0x40, s11, s9, $0xb8;
	[tilespmem:$0x1F000] =	vst v63  }
0xf2: {  	s11 =	simm.s32 $0x0  }
.LBB2_4:
0xf3: {  	_ =	swait.ge [sflag:s19], $0x2000  }
0xf4: {  	s0 =	sshra.s32 s11, $0x2;
	[sflag:s19] =	ssyncset.done $0x0  }
0xf5: {  	s2 =	sadd.s32 $0x5280, s0;
	[sflag:s19] =	ssyncadd.s32 $0xFFFFE000  }
0xf6: {  	[spmem:s13] =	stream.indirect.scatter.add.f32 [tilespmem:s10], [sflag:$0x6], $0x40, s2, s9, $0xb8;
	[tilespmem:$0x1F000] =	vst v63  }
0xf7: {  	_ =	swait.ge [sflag:s30], $0x2000  }
0xf8: {  	[sflag:s30] =	ssyncset.done $0x0  }
0xf9: {  	s3 =	sadd.s32 $0x480, s0;
	[sflag:s30] =	ssyncadd.s32 $0xFFFFE000  }
0xfa: {  	[tilespmem:s20], [sflag:$0x5] =	stream.indirect.gather [hbm4b:s15+s9], $0x40, s3, s9, $0xb8;
	[tilespmem:$0x1F000] =	vst v63  }
0xfb: {  	_ =	swait.ge [sflag:s21], $0x2000  }
0xfc: {  	p0 =	seq.s32 s11, $0x12C00;
	[sflag:s21] =	ssyncset.done $0x0  }
0xfd: {  	s4 =	sadd.s32 $0x5300, s0;
	s2 =	simm.s32 @p0 $0x3;
	[sflag:s21] =	ssyncadd.s32 $0xFFFFE000  }
0xfe: {  	[spmem:s13] =	stream.indirect.scatter.add.f32 [tilespmem:s12], [sflag:$0x7], $0x40, s4, s9, $0xb8;
	[tilespmem:$0x1F000] =	vst v63  }
0xff: {  	_ =	swait.ge @p0 [sflag:s2], $0x2000  }
0x100: {  	[sflag:s2] =	ssyncset.done @p0 $0x0  }
0x101: {  	[sflag:s2] =	ssyncadd.s32 @p0 $0xFFFFE000;
	s2 =	sshra.s32 @p0 s11, $0x2  }
0x102: {  	s8 =	simm.s32 @p0 $0xE000;
	s3 =	simm.s32 @p0 $0x80;
	s2 =	sadd.s32 @p0 $0x5380, s2  }
0x103: {  	[spmem:s13] =	stream.indirect.scatter.add.f32 @p0 [tilespmem:s8], [sflag:$0x8], $0x40, s2, s3, $0xb8;
	[tilespmem:$0x1F000] =	vst v63  }
0x104: {  	s2 =	simm.s32 @!p0 $0x6  }
0x105: {  	_ =	swait.ge @!p0 [sflag:s2], $0x2000  }
0x106: {  	[sflag:s2] =	ssyncset.done @!p0 $0x0  }
0x107: {  	[sflag:s2] =	ssyncadd.s32 @!p0 $0xFFFFE000;
	s2 =	sshra.s32 @!p0 s11, $0x2  }
0x108: {  	s4 =	simm.s32 @!p0 $0xA000;
	s8 =	simm.s32 @!p0 $0x80;
	s3 =	sadd.s32 @!p0 $0x500, s2  }
0x109: {  	[tilespmem:s4], [sflag:$0x1] =	stream.indirect.gather @!p0 [hbm4b:s15+s8], $0x40, s3, s8, $0xb8;
	[tilespmem:$0x1F000] =	vst v63  }
0x10a: {  	s3 =	simm.s32 @!p0 $0x3  }
0x10b: {  	_ =	swait.ge @!p0 [sflag:s3], $0x2000  }
0x10c: {  	[sflag:s3] =	ssyncset.done @!p0 $0x0  }
0x10d: {  	s4 =	simm.s32 @!p0 $0xE000;
	[sflag:s3] =	ssyncadd.s32 @!p0 $0xFFFFE000;
	s3 =	sadd.s32 @!p0 $0x5380, s2  }
0x10e: {  	[spmem:s13] =	stream.indirect.scatter.add.f32 @!p0 [tilespmem:s4], [sflag:$0x8], $0x40, s3, s8, $0xb8;
	[tilespmem:$0x1F000] =	vst v63  }
0x10f: {  	s3 =	simm.s32 @!p0 $0x7  }
0x110: {  	_ =	swait.ge @!p0 [sflag:s3], $0x2000  }
0x111: {  	[sflag:s3] =	ssyncset.done @!p0 $0x0  }
0x112: {  	s2 =	sadd.s32 @!p0 $0x580, s2;
	[sflag:s3] =	ssyncadd.s32 @!p0 $0xFFFFE000;
	s3 =	simm.s32 @!p0 $0xC000  }
0x113: {  	[tilespmem:s3], [sflag:$0x2] =	stream.indirect.gather @!p0 [hbm4b:s15+s8], $0x40, s2, s8, $0xb8;
	[tilespmem:$0x1F000] =	vst v63  }
.Ltmp3:
0x114: {  	_ = 	snop;
	(pc) =	sbr.rel @p0 .LBB2_6-.Ltmp3, $4  }
0x115: {  	_ =	swait.ge [sflag:s25], $0x2000  }
0x116: {  	[sflag:s25] =	ssyncset.done $0x0  }
0x117: {  	s8 =	sadd.s32 $0x5400, s0;
	s2 =	sadd.s32 $0x5480, s0;
	[sflag:s25] =	ssyncadd.s32 $0xFFFFE000  }
0x118: {  	[spmem:s13] =	stream.indirect.scatter.add.f32 [tilespmem:s16], [sflag:$0x9], $0x40, s8, s9, $0xb8;
	[tilespmem:$0x1F000] =	vst v63  }
0x119: {  	_ =	swait.ge [sflag:s26], $0x2000  }
0x11a: {  	[sflag:s26] =	ssyncset.done $0x0  }
0x11b: {  	s3 =	sadd.s32 $0x600, s0;
	[sflag:s26] =	ssyncadd.s32 $0xFFFFE000  }
0x11c: {  	[tilespmem:s14], [sflag:$0x3] =	stream.indirect.gather [hbm4b:s15+s9], $0x40, s3, s9, $0xb8;
	[tilespmem:$0x1F000] =	vst v63  }
0x11d: {  	_ =	swait.ge [sflag:s28], $0x2000  }
0x11e: {  	[sflag:s28] =	ssyncset.done $0x0  }
0x11f: {  	[sflag:s28] =	ssyncadd.s32 $0xFFFFE000  }
0x120: {  	[spmem:s13] =	stream.indirect.scatter.add.f32 [tilespmem:s20], [sflag:$0xA], $0x40, s2, s9, $0xb8;
	[tilespmem:$0x1F000] =	vst v63  }
.Ltmp4:
0x121: {  	_ = 	snop;
	(pc) =	sbr.rel .LBB2_4-.Ltmp4, $4  }
0x122: {  	_ =	swait.ge [sflag:s29], $0x2000  }
0x123: {  	[sflag:s29] =	ssyncset.done $0x0  }
0x124: {  	s8 =	sadd.s32 $0x680, s0;
	s11 =	sadd.s32 $0xA00, s11;
	[sflag:s29] =	ssyncadd.s32 $0xFFFFE000  }
0x125: {  	[tilespmem:s16], [sflag:$0x4] =	stream.indirect.gather [hbm4b:s15+s9], $0x40, s8, s9, $0xb8;
	[tilespmem:$0x1F000] =	vst v63  }
.LBB2_7:
0x126: {  	_ =	sfence.sel $0x180000  }
0x127: {  	[bflag:$0x0] =	sbarrier.arrive $0xFFFF  }
0x128: {  	_ =	strace $0x9000004A  }
0x129: {  	s0 =	stileid.u32;
	[bflag:$0x2] =	sbarrier.arrive $0xFFFF  }
0x12a: {  	p0 =	sne.s32 s0, $0x0;
	s0 =	rddreg [dreg:$0x3]  }
0x12b: {  	s0 =	sadd.s32 @!p0 $0x100000, s0  }
0x12c: {  	[sflag:s0] =	ssyncadd.tile.s32 @!p0 $0x1;
	_ =	shalt  }
.Lfunc_end2:
_tile_overlayer_lowered:
.L_overlay_start_2:
0x12d: {  	(tag) =	ssettag $0x2  }
0x12e: {  	s0 =	rddreg [dreg:$0x0];
	s2 =	stileid.u32  }
0x12f: {  	s1 =	rddreg [dreg:$0x1];
	p0 =	sne.s32 s2, $0x0  }
0x130: {  	s3 =	rddreg [dreg:$0x2];
	[bflag:$0x3] =	sbarrier.arrive $0xFFFF;
	s2 =	simm.s32 @!p0 $0x1C0B  }
0x131: {  	[timem:s3], [sflag:s2] =	dma.local @!p0 [hbm:s0], s1  }
0x132: {  	s0 =	simm.s32 @!p0 $0xB  }
0x133: {  	_ =	swait.ge @!p0 [sflag:s0], s1  }
0x134: {  	s1 =	ssub.s32 @!p0 $0x0, s1;
	[sflag:s0] =	ssyncset.done @!p0 $0x0  }
0x135: {  	[sflag:s0] =	ssyncadd.s32 @!p0 s1  }
0x136: {  	[bflag:$0x3] =	sbarrier.arrive $0xFFFF  }
0x137: {  	_ =	shalt  }

// kernel: kernel.14.cloned.1.call-start
scs
__scs_entry_jumppad:
0x0: {  	(pc) =	sbr.rel $0x88, $3  }
0x1: {  	(tag) =	ssettag $0x0;
	lr =	simm.s32 $0x1  }
0x2: {  	[smem:$0x3F9B] =	sst lr;
	_ =	strace $0xD0000000  }
0x3: {  	_ = 	snop  }
0x4: {  	_ = 	snop  }
0x5: {  	_ = 	snop  }
0x6: {  	_ = 	snop  }
0x7: {  	_ = 	snop  }
__scs_overlays_trampoline_lowered:
0x8: {  	[smem:$0x3FAA] =	sst s0  }
0x9: {  	[smem:$0x3FAB] =	sst s1  }
0xa: {  	[smem:$0x3FAC] =	sst s2  }
0xb: {  	[smem:$0x3FAD] =	sst s3  }
0xc: {  	[smem:$0x3FAE] =	sst s4  }
0xd: {  	[smem:$0x3FAF] =	sst s5  }
0xe: {  	[smem:$0x3FB0] =	sst s6  }
0xf: {  	[smem:$0x3FB1] =	sst s7  }
0x10: {  	[smem:$0x3FB2] =	sst s8  }
0x11: {  	[smem:$0x3FB3] =	sst s9;
	s0 =	simm.s32 @!p0 $0x0  }
0x12: {  	s1 =	sld [smem:$0x3F99];
	s0 =	simm.s32 @p0 $0x1  }
0x13: {  	[smem:$0x3FB4] =	sst s0;
	s0 =	simm.s32 @!p1 $0x0  }
0x14: {  	s2 =	sld [smem:$0x3F98];
	s0 =	simm.s32 @p1 $0x1  }
0x15: {  	[smem:$0x3FB5] =	sst s0;
	s0 =	simm.s32 @!p2 $0x0  }
0x16: {  	s3 =	sld [smem:$0x3FDB];
	s0 =	simm.s32 @p2 $0x1  }
0x17: {  	s4 =	simm.s32 $0x1BF5;
	[smem:$0x3FB7] =	sst s0  }
0x18: {  	s0 =	sld [smem:$0x3F9A];
	_ =	swait.ge [sflag:s4], $0x0  }
0x19: {  	s7 =	sld [smem:$0x3F9B]  }
0x1a: {  	s8 =	sadd.s32 $0xFFFFE003, lr  }
0x1b: {  	s9 =	sadd.s32 $0xFFFFFEF7, lr;
	s5 =	simm.s32 $0xFFFFFFFF;
	p2 =	slt.u32 s8, $0xFFFFF086  }
0x1c: {  	p1 =	slt.u32 s9, $0xF7A;
	s5 =	simm.s32 @!p2 $0x0  }
0x1d: {  	s5 =	simm.s32 @p1 $0x1;
	p0 =	seq.s32 s7, s2  }
0x1e: {  	s7 =	smul.u32 @!p0 $0xF7A, s2;
	p2 =	seq.s32 @!p0 s5, $0x0  }
0x1f: {  	s9 =	smul.u32 $0xF7A, s1;
	s8 =	simm.s32 @!p0 $0x1BF5;
	p2 =	por !p2, p0  }
0x20: {  	[sflag:s8] =	ssyncset.s32 @!p0 $0xFFFFF086;
	s6 =	sadd.s32 @!p0 s3, s7;
	s7 =	simm.s32 @!p0 $0x108  }
0x21: {  	s3 =	sadd.s32 s3, s9;
	s6 =	sadd.s32 @!p0 $0x88, s6;
	s7 =	simm.s32 @p2 $0x1082  }
0x22: {  	[simem:s7], [sflag:s8] =	dma.local @!p0 [hbm:s6], $0xF7A  }
0x23: {  	s9 =	sor.u32 $0xD0000000, s2;
	s6 =	simm.s32 $0x108;
	_ =	swait.ge @!p0 [sflag:s8], $0x0  }
0x24: {  	s3 =	sadd.s32 $0x88, s3;
	s6 =	simm.s32 @!p1 $0x1082;
	[sflag:s4] =	ssyncset.s32 $0xFFFFF086  }
0x25: {  	[simem:s6], [sflag:s4] =	dma.local [hbm:s3], $0xF7A  }
0x26: {  	[smem:$0x3F9B] =	sst s1;
	(tag) =	ssettag s2;
	_ =	strace s9  }
0x27: {  	s1 =	sld [smem:$0x3FAB]  }
0x28: {  	s2 =	sld [smem:$0x3FAC]  }
0x29: {  	s4 =	sld [smem:$0x3FAE]  }
0x2a: {  	p0 =	seq.s32 s5, $0x0;
	s5 =	sld [smem:$0x3FAF]  }
0x2b: {  	s6 =	sld [smem:$0x3FB0]  }
0x2c: {  	s7 =	sld [smem:$0x3FB1]  }
0x2d: {  	s3 =	simm.s32 $0x108;
	s8 =	sld [smem:$0x3FB2]  }
0x2e: {  	s3 =	simm.s32 @!p0 $0x1082;
	s9 =	sld [smem:$0x3FB3]  }
0x2f: {  	lr =	sadd.s32 s0, s3;
	s0 =	sld [smem:$0x3FAA]  }
0x30: {  	s3 =	sld [smem:$0x3FAD]  }
0x31: {  	[smem:$0x3FB6] =	sst s10  }
0x32: {  	s10 =	sld [smem:$0x3FB4];
	_ =	sdelay $0x3  }
0x33: {  	p0 =	seq.s32 s10, $0x1;
	s10 =	sld [smem:$0x3FB6];
	_ =	sdelay $0x3  }
0x34: {  	[smem:$0x3FB6] =	sst s10  }
0x35: {  	s10 =	sld [smem:$0x3FB5];
	_ =	sdelay $0x3  }
0x36: {  	p1 =	seq.s32 s10, $0x1;
	s10 =	sld [smem:$0x3FB6];
	_ =	sdelay $0x3  }
0x37: {  	[smem:$0x3FB6] =	sst s10  }
0x38: {  	s10 =	sld [smem:$0x3FB7]  }
0x39: {  	_ = 	snop;
	(pc) =	sbr.ind lr, $3  }
0x3a: {  	_ = 	snop  }
0x3b: {  	_ = 	snop  }
0x3c: {  	p2 =	seq.s32 s10, $0x1;
	s10 =	sld [smem:$0x3FB6]  }
0x3d: {  	_ =	shalt  }
0x3e: {  	_ =	shalt  }
0x3f: {  	_ =	shalt  }
0x40: {  	_ =	shalt  }
0x41: {  	_ =	shalt  }
0x42: {  	_ =	shalt  }
0x43: {  	_ =	shalt  }
0x44: {  	_ =	shalt  }
0x45: {  	_ =	shalt  }
0x46: {  	_ =	shalt  }
0x47: {  	_ =	shalt  }
0x48: {  	_ =	shalt  }
0x49: {  	_ =	shalt  }
0x4a: {  	_ =	shalt  }
0x4b: {  	_ =	shalt  }
0x4c: {  	_ =	shalt  }
0x4d: {  	_ =	shalt  }
0x4e: {  	_ =	shalt  }
0x4f: {  	_ =	shalt  }
0x50: {  	_ =	shalt  }
0x51: {  	_ =	shalt  }
0x52: {  	_ =	shalt  }
0x53: {  	_ =	shalt  }
0x54: {  	_ =	shalt  }
0x55: {  	_ =	shalt  }
0x56: {  	_ =	shalt  }
0x57: {  	_ =	shalt  }
0x58: {  	_ =	shalt  }
0x59: {  	_ =	shalt  }
0x5a: {  	_ =	shalt  }
0x5b: {  	_ =	shalt  }
0x5c: {  	_ =	shalt  }
0x5d: {  	_ =	shalt  }
0x5e: {  	_ =	shalt  }
0x5f: {  	_ =	shalt  }
0x60: {  	_ =	shalt  }
0x61: {  	_ =	shalt  }
0x62: {  	_ =	shalt  }
0x63: {  	_ =	shalt  }
0x64: {  	_ =	shalt  }
0x65: {  	_ =	shalt  }
0x66: {  	_ =	shalt  }
0x67: {  	_ =	shalt  }
0x68: {  	_ =	shalt  }
0x69: {  	_ =	shalt  }
0x6a: {  	_ =	shalt  }
0x6b: {  	_ =	shalt  }
0x6c: {  	_ =	shalt  }
0x6d: {  	_ =	shalt  }
0x6e: {  	_ =	shalt  }
0x6f: {  	_ =	shalt  }
0x70: {  	_ =	shalt  }
0x71: {  	_ =	shalt  }
0x72: {  	_ =	shalt  }
0x73: {  	_ =	shalt  }
0x74: {  	_ =	shalt  }
0x75: {  	_ =	shalt  }
0x76: {  	_ =	shalt  }
0x77: {  	_ =	shalt  }
0x78: {  	_ =	shalt  }
0x79: {  	_ =	shalt  }
0x7a: {  	_ =	shalt  }
0x7b: {  	_ =	shalt  }
0x7c: {  	_ =	shalt  }
0x7d: {  	_ =	shalt  }
0x7e: {  	_ =	shalt  }
0x7f: {  	_ =	shalt  }
0x80: {  	_ =	shalt  }
0x81: {  	_ =	shalt  }
0x82: {  	_ =	shalt  }
0x83: {  	_ =	shalt  }
0x84: {  	_ =	shalt  }
0x85: {  	_ =	shalt  }
0x86: {  	_ =	shalt  }
0x87: {  	_ =	shalt  }
.Lfunc_end0:
.L_simem_size_0:
called_computation.2_lowered:
.L_overlay_start_0:
0x88: {  	s2 =	sld [smem:$0x3FD9]  }
0x89: {  	s3 =	sld [smem:$0x3FFE];
	_ =	sdelay $0x1  }
0x8a: {  	s1 =	srdreg.scid  }
0x8b: {  	s0 =	sand.u32 $0x1, s1  }
0x8c: {  	s17 =	sshll.u32 s0, $0xA;
	s2 =	sadd.s32 s3, s2  }
0x8d: {  	s2 =	sadd.s32 s2, s17  }
0x8e: {  	[smem:$0x3FC2] =	sst s2  }
0x8f: {  	_ = 	snop  }
0x90: {  	s2 =	sld [smem:$0x3FD0];
	(tm) =	ssettm $0x1  }
0x91: {  	s18 =	sld [smem:$0x3FFB];
	_ =	sdelay $0x3  }
0x92: {  	_ =	strace s18  }
0x93: {  	s3 =	sld [smem:$0x3FFC];
	_ =	sdelay $0x3  }
0x94: {  	_ =	strace s3  }
0x95: {  	s3 =	sld [smem:$0x3FFD];
	_ =	sdelay $0x3  }
0x96: {  	_ =	strace s3  }
0x97: {  	_ =	strace $0x8FFFFFFF  }
0x98: {  	s19 =	sld [smem:$0x3FDB];
	_ =	sdelay $0x1  }
0x99: {  	s4 =	simm.s32 $_scs_section_size  }
0x9a: {  	s5 =	simm.s32 $_size__tile_overlayer_lowered;
	s6 =	simm.s32 $_tile_overlayer_lowered  }
0x9b: {  	s22 =	simm.s32 $0x1BFF;
	s21 =	sshll.u32 s6, $0x1;
	s3 =	sadd.s32 s4, s19  }
0x9c: {  	s7 =	simm.s32 $0x0;
	s20 =	sshll.u32 s5, $0x1;
	s5 =	sadd.s32 s21, s3  }
0x9d: {  	[timem:s7], [sflag:s22] =	dma.local [hbm:s5], s20  }
0x9e: {  	_ =	swait.ge [sflag:s22], s20  }
0x9f: {  	s4 =	ssub.s32 $0x0, s20;
	[sflag:s22] =	ssyncset.done $0x0  }
0xa0: {  	[sflag:s22] =	ssyncadd.s32 s4;
	_ =	sdelay $0x1  }
0xa1: {  	s23 =	simm.s32 $0x1B8B  }
0xa2: {  	_ =	swait.ge [sflag:s23], $0x1  }
0xa3: {  	[sflag:s23] =	ssyncset.done $0x0  }
0xa4: {  	s25 =	simm.s32 $0x1B8E;
	s24 =	sld [smem:$0x3FFE];
	[sflag:s23] =	ssyncadd.s32 $0xFFFFFFFF  }
0xa5: {  	s26 =	simm.s32 $execute0_lowered;
	[smem:$0x3FD2] =	sst s25  }
0xa6: {  	s5 =	sshll.u32 s26, $0x1;
	_ =	strace $0x8000004C;
	[dreg:$0x1] =	wrdreg $0xFFFFFFFF  }
0xa7: {  	s28 =	simm.s32 $_size_execute0_lowered;
	s3 =	sadd.s32 s3, s5;
	[dreg:$0x0] =	wrdreg $0x0  }
0xa8: {  	s5 =	sshll.u32 s28, $0x1;
	[dreg:$0x2] =	wrdreg s3  }
0xa9: {  	[dreg:$0x3] =	wrdreg s5  }
0xaa: {  	[dreg:$0x4] =	wrdreg $0xC0  }
0xab: {  	_ =	task [dreg:s7], $0x5FFFF  }
0xac: {  	[dreg:$0x1] =	wrdreg $0xFFFFFFFF  }
0xad: {  	[dreg:$0x0] =	wrdreg $0x60  }
0xae: {  	[dreg:$0x2] =	wrdreg s24  }
0xaf: {  	[dreg:$0x3] =	wrdreg s2  }
0xb0: {  	[dreg:$0x4] =	wrdreg $0x150000  }
0xb1: {  	[dreg:$0x5] =	wrdreg $0x9  }
0xb2: {  	_ =	task.clear_ibuf [dreg:s7], $0x6FFFF;
	_ =	strace $0x9000004C  }
0xb3: {  	s29 =	simm.s32 $0x9;
	_ =	strace $0x8000004E  }
0xb4: {  	_ =	swait.ge [sflag:s29], $0x1  }
0xb5: {  	[sflag:s29] =	ssyncadd.s32 $0xFFFFFFFF  }
0xb6: {  	_ =	strace $0x9000004E  }
0xb7: {  	_ =	sfence  }
0xb8: {  	s30 =	sld [smem:$0x0];
	_ =	sdelay $0x2  }
0xb9: {  	s31 =	sshll.u32 s1, $0xD;
	s1 =	sshrl.u32 s1, $0x2  }
0xba: {  	s3 =	sand.u32 $0x4000, s31;
	s1 =	sadd.s32 s1, s30  }
0xbb: {  	s0 =	sor.u32 s3, s0;
	s1 =	sshll.u32 s1, $0x11  }
0xbc: {  	s0 =	sor.u32 s1, s0  }
0xbd: {  	s0 =	sadd.s32 $0x8F2B, s0  }
0xbe: {  	[sflag:s0] =	ssyncadd.remote.s32 $0x1  }
0xbf: {  	_ =	sfence.sel $0xFFFF  }
0xc0: {  	[dreg:$0x0] =	wrdreg $0xFFFFFFFF;
	(pc) =	sbr.abs _section_cstart, $3  }
0xc1: {  	[dreg:$0x1] =	wrdreg $0xFFFFFFFF  }
0xc2: {  	_ =	task.clear_ibuf [dreg:s7], $0x2FFFF;
	_ =	strace $0x9FFFFFFF  }
0xc3: {  	(tm) =	ssettm $0x7FFFFFFF  }
tec
execute0_lowered:
.L_overlay_start_1:
0x0: {  	(tag) =	ssettag $0x1  }
0x1: {  	s15 =	stileid.u32  }
0x2: {  	s0 =	srdreg.scid;
	s2 =	rddreg [dreg:$0x0]  }
0x3: {  	s4 =	rddreg [dreg:$0x1];
	s1 =	simm.s32 $0x0;
	s28 =	simm.s32 $0x5  }
0x4: {  	s29 =	simm.s32 $0x9;
	s30 =	simm.s32 $0xA;
	s3 =	smul.u32 $0x5000, s15  }
0x5: {  	s31 =	simm.s32 $0x0;
	s0 =	sand.u32 $0x1, s0;
	s8 =	smul.u32 $0xA000, s15  }
0x6: {  	[smem:$0x7FF] =	sst s1;
	s9 =	sadd.s32 $0x33800, s2;
	s26 =	smul.u32 $0x28000, s15  }
0x7: {  	s15 =	sadd.s32 $0xB800, s2;
	s5 =	smul.u32 $0x50000, s0;
	s6 =	ssub.s32 $0x2, s0  }
0x8: {  	s0 =	smul.u32 $0xA0000, s0;
	s7 =	sshrl.u32 s6, $0x1;
	s10 =	sadd.s32 $0x2000, s8  }
0x9: {  	s11 =	sadd.s32 $0x4000, s8;
	s5 =	sadd.s32 s3, s5;
	s6 =	ssub.s32 s6, s7  }
0xa: {  	s12 =	sadd.s32 s8, s0;
	s16 =	sadd.s32 s0, s10;
	s7 =	sadd.s32 $0x3000, s8  }
0xb: {  	s3 =	sshrl.u32 s3, $0x3;
	s5 =	sshrl.u32 s5, $0x3;
	s17 =	sshrl.u32 s16, $0x3  }
0xc: {  	s18 =	sadd.s32 s0, s7;
	s16 =	sadd.s32 $0x7000, s8;
	s4 =	sadd.s32 s4, s5  }
0xd: {  	s6 =	smax.u32 s6, $0x1;
	s5 =	sor.u32 $0x1000, s8;
	[dreg:$0x4] =	wrdreg s4  }
0xe: {  	s4 =	sshrl.u32 s12, $0x3;
	s13 =	sadd.s32 s0, s5;
	s12 =	sadd.s32 s0, s11  }
0xf: {  	s4 =	sadd.s32 s9, s4;
	s14 =	sshrl.u32 s13, $0x3;
	s19 =	sshrl.u32 s12, $0x3  }
0x10: {  	s12 =	sadd.s32 $0x6000, s8;
	s13 =	sadd.s32 s0, s16;
	[dreg:$0x5] =	wrdreg s4  }
0x11: {  	s4 =	sadd.s32 s9, s14;
	s23 =	sshrl.u32 s13, $0x3;
	s13 =	rddreg [dreg:$0x2]  }
0x12: {  	s14 =	sadd.s32 $0x5000, s8;
	s22 =	sadd.s32 s0, s12;
	[dreg:$0x6] =	wrdreg s4  }
0x13: {  	s4 =	sadd.s32 s9, s17;
	s20 =	sadd.s32 s0, s14;
	s10 =	sadd.s32 s10, s13  }
0x14: {  	[dreg:$0x7] =	wrdreg s4;
	s4 =	sshrl.u32 s18, $0x3;
	s21 =	sshrl.u32 s20, $0x3  }
0x15: {  	s18 =	sadd.s32 $0x8000, s8;
	s20 =	sadd.s32 s7, s13;
	s4 =	sadd.s32 s9, s4  }
0x16: {  	s24 =	sadd.s32 s0, s18;
	[dreg:$0x8] =	wrdreg s4;
	s4 =	sadd.s32 s9, s19  }
0x17: {  	s19 =	sadd.s32 $0x9000, s8;
	[dreg:$0x9] =	wrdreg s4;
	s4 =	sadd.s32 s9, s21  }
0x18: {  	s0 =	sadd.s32 s0, s19;
	[dreg:$0xa] =	wrdreg s4;
	s4 =	sshrl.u32 s22, $0x3  }
0x19: {  	s7 =	simm.s32 $0xB;
	s0 =	sshrl.u32 s0, $0x3;
	s4 =	sadd.s32 s9, s4  }
0x1a: {  	s25 =	sshrl.u32 s24, $0x3;
	s0 =	sadd.s32 s9, s0;
	[dreg:$0xb] =	wrdreg s4  }
0x1b: {  	s8 =	sadd.s32 s8, s13;
	s4 =	sadd.s32 s9, s23;
	[dreg:$0xe] =	wrdreg s0  }
0x1c: {  	s0 =	sadd.s32 s3, s2;
	[dreg:$0xc] =	wrdreg s4;
	s4 =	sadd.s32 s9, s25  }
0x1d: {  	s24 =	sadd.s32 s16, s13;
	s0 =	sadd.s32 $0x1800, s0;
	[dreg:$0xd] =	wrdreg s4  }
0x1e: {  	s9 =	sadd.s32 s5, s13;
	_ =	strace $0x8000004D;
	[dreg:$0xf] =	wrdreg s0  }
0x1f: {  	s21 =	sadd.s32 s11, s13;
	s2 =	sshrl.u32 s9, $0x3;
	[dreg:$0x10] =	wrdreg s6  }
0x20: {  	s22 =	sadd.s32 s14, s13;
	s3 =	sshrl.u32 s10, $0x3;
	[dreg:$0x12] =	wrdreg s2  }
0x21: {  	s23 =	sadd.s32 s12, s13;
	s12 =	sshrl.u32 s22, $0x3;
	[dreg:$0x13] =	wrdreg s3  }
0x22: {  	s16 =	sshrl.u32 s24, $0x3;
	s14 =	sshrl.u32 s23, $0x3;
	[dreg:$0x16] =	wrdreg s12  }
0x23: {  	s10 =	simm.s32 $0xA000;
	s25 =	sadd.s32 s18, s13;
	[dreg:$0x17] =	wrdreg s14  }
0x24: {  	s4 =	sshrl.u32 s26, $0x2;
	s18 =	sshrl.u32 s25, $0x3;
	[dreg:$0x18] =	wrdreg s16  }
0x25: {  	s26 =	sadd.s32 s19, s13;
	s0 =	sshrl.u32 s8, $0x3;
	[dreg:$0x19] =	wrdreg s18  }
0x26: {  	s17 =	sadd.s32 s4, s13;
	s4 =	sshrl.u32 s20, $0x3;
	[dreg:$0x11] =	wrdreg s0  }
0x27: {  	s9 =	simm.s32 $0x80;
	s6 =	sshrl.u32 s21, $0x3;
	[dreg:$0x14] =	wrdreg s4  }
0x28: {  	s19 =	sshrl.u32 s26, $0x3;
	s3 =	simm.s32 $0x5000;
	[dreg:$0x15] =	wrdreg s6  }
0x29: {  	s12 =	simm.s32 $0xC000;
	[dreg:$0x1a] =	wrdreg s19;
	s20 =	sadd.s32 $0x1000, s17  }
0x2a: {  	s14 =	simm.s32 $0xE000;
	s21 =	sadd.s32 $0x2000, s17;
	[dreg:$0x1b] =	wrdreg s20  }
0x2b: {  	s16 =	simm.s32 $0x10000;
	s22 =	sadd.s32 $0x3000, s17;
	[dreg:$0x1c] =	wrdreg s21  }
0x2c: {  	s18 =	simm.s32 $0x14000;
	s23 =	sadd.s32 $0x4000, s17;
	[dreg:$0x1d] =	wrdreg s22  }
0x2d: {  	s24 =	sadd.s32 $0x5000, s17;
	s25 =	sadd.s32 $0x6000, s17;
	[dreg:$0x1e] =	wrdreg s23  }
.Ltmp0:
0x2e: {  	s26 =	sadd.s32 $0x7000, s17;
	[dreg:$0x1f] =	wrdreg s24;
	(pc) =	sbr.rel .LBB2_1-.Ltmp0, $4  }
0x2f: {  	s5 =	sadd.s32 $0x8000, s17;
	s6 =	sadd.s32 $0x9000, s17;
	[smem:$0x7FC] =	sst s25  }
0x30: {  	s19 =	simm.s32 $0x1;
	[smem:$0x7FD] =	sst s26;
	s20 =	simm.s32 $0x12000  }
0x31: {  	s21 =	simm.s32 $0x2;
	s22 =	simm.s32 $0x6;
	s23 =	simm.s32 $0x3  }
0x32: {  	v0 =	vimm.f32 $0.0e+00;
	s24 =	simm.s32 $0x7;
	s25 =	simm.s32 $0x4;
	s26 =	simm.s32 $0x8  }
.LBB2_6:
0x33: {  	_ =	swait.ge [sflag:s28], $0x2000  }
0x34: {  	[sflag:s28] =	ssyncset.done $0x0  }
0x35: {  	[sflag:s28] =	ssyncadd.s32 $0xFFFFE000  }
0x36: {  	[spmem:s13] =	stream.indirect.scatter.add.f32 [tilespmem:s20], [sflag:$0xA], $0x40, s2, s9, $0xb8;
	[tilespmem:$0x1F000] =	vst v63  }
0x37: {  	_ =	swait.ge [sflag:s22], $0x2000  }
0x38: {  	[sflag:s22] =	ssyncset.done $0x0  }
0x39: {  	[sflag:s22] =	ssyncadd.s32 $0xFFFFE000  }
0x3a: {  	_ =	swait.ge [sflag:s24], $0x2000  }
0x3b: {  	[sflag:s24] =	ssyncset.done $0x0  }
0x3c: {  	[sflag:s24] =	ssyncadd.s32 $0xFFFFE000  }
0x3d: {  	_ =	swait.ge [sflag:s26], $0x2000  }
0x3e: {  	[sflag:s26] =	ssyncset.done $0x0  }
0x3f: {  	[sflag:s26] =	ssyncadd.s32 $0xFFFFE000  }
0x40: {  	_ =	swait.ge [sflag:s29], $0x2000  }
0x41: {  	[sflag:s29] =	ssyncset.done $0x0  }
0x42: {  	[sflag:s29] =	ssyncadd.s32 $0xFFFFE000  }
0x43: {  	_ =	swait.ge [sflag:s30], $0x2000  }
0x44: {  	[sflag:s30] =	ssyncset.done $0x0  }
0x45: {  	[sflag:s30] =	ssyncadd.s32 $0xFFFFE000  }
0x46: {  	s0 =	stileid.u32;
	[bflag:$0x0] =	sbarrier.arrive $0xFFFF  }
0x47: {  	s0 =	sshll.u32 s0, $0x6;
	s8 =	rddreg [dreg:$0x5]  }
0x48: {  	s0 =	sor.u32 $0x1C01, s0;
	s3 =	rddreg [dreg:$0x11]  }
0x49: {  	[hbm:s8], [sflag:s0] =	dma.local [spmem:s3], $0x200  }
0x4a: {  	s2 =	rddreg [dreg:$0x6]  }
0x4b: {  	s3 =	rddreg [dreg:$0x12]  }
0x4c: {  	[hbm:s2], [sflag:s0] =	dma.local [spmem:s3], $0x200  }
0x4d: {  	s2 =	rddreg [dreg:$0x7]  }
0x4e: {  	s3 =	rddreg [dreg:$0x13]  }
0x4f: {  	[hbm:s2], [sflag:s0] =	dma.local [spmem:s3], $0x200  }
0x50: {  	s2 =	rddreg [dreg:$0x8]  }
0x51: {  	s3 =	rddreg [dreg:$0x14]  }
0x52: {  	[hbm:s2], [sflag:s0] =	dma.local [spmem:s3], $0x200  }
0x53: {  	s2 =	rddreg [dreg:$0x9]  }
0x54: {  	s3 =	rddreg [dreg:$0x15]  }
0x55: {  	[hbm:s2], [sflag:s0] =	dma.local [spmem:s3], $0x200  }
0x56: {  	s2 =	rddreg [dreg:$0xa]  }
0x57: {  	s3 =	rddreg [dreg:$0x16]  }
0x58: {  	[hbm:s2], [sflag:s0] =	dma.local [spmem:s3], $0x200  }
0x59: {  	s2 =	rddreg [dreg:$0xb]  }
0x5a: {  	s3 =	rddreg [dreg:$0x17]  }
0x5b: {  	[hbm:s2], [sflag:s0] =	dma.local [spmem:s3], $0x200  }
0x5c: {  	s2 =	rddreg [dreg:$0xc]  }
0x5d: {  	s3 =	rddreg [dreg:$0x18]  }
0x5e: {  	[hbm:s2], [sflag:s0] =	dma.local [spmem:s3], $0x200  }
0x5f: {  	s2 =	rddreg [dreg:$0xd]  }
0x60: {  	s3 =	rddreg [dreg:$0x19]  }
0x61: {  	[hbm:s2], [sflag:s0] =	dma.local [spmem:s3], $0x200  }
0x62: {  	s2 =	rddreg [dreg:$0xe]  }
0x63: {  	s3 =	rddreg [dreg:$0x1a]  }
0x64: {  	[hbm:s2], [sflag:s0] =	dma.local [spmem:s3], $0x200  }
0x65: {  	_ =	swait.ge [sflag:s19], $0x200  }
0x66: {  	[sflag:s19] =	ssyncset.done $0x0  }
0x67: {  	[sflag:s19] =	ssyncadd.s32 $0xFFFFFE00  }
0x68: {  	_ =	swait.ge [sflag:s19], $0x200  }
0x69: {  	[sflag:s19] =	ssyncset.done $0x0  }
0x6a: {  	[sflag:s19] =	ssyncadd.s32 $0xFFFFFE00  }
0x6b: {  	_ =	swait.ge [sflag:s19], $0x200  }
0x6c: {  	[sflag:s19] =	ssyncset.done $0x0  }
0x6d: {  	[sflag:s19] =	ssyncadd.s32 $0xFFFFFE00  }
0x6e: {  	_ =	swait.ge [sflag:s19], $0x200  }
0x6f: {  	[sflag:s19] =	ssyncset.done $0x0  }
0x70: {  	[sflag:s19] =	ssyncadd.s32 $0xFFFFFE00  }
0x71: {  	_ =	swait.ge [sflag:s19], $0x200  }
0x72: {  	[sflag:s19] =	ssyncset.done $0x0  }
0x73: {  	[sflag:s19] =	ssyncadd.s32 $0xFFFFFE00  }
0x74: {  	_ =	swait.ge [sflag:s19], $0x200  }
0x75: {  	[sflag:s19] =	ssyncset.done $0x0  }
0x76: {  	[sflag:s19] =	ssyncadd.s32 $0xFFFFFE00  }
0x77: {  	_ =	swait.ge [sflag:s19], $0x200  }
0x78: {  	[sflag:s19] =	ssyncset.done $0x0  }
0x79: {  	[sflag:s19] =	ssyncadd.s32 $0xFFFFFE00  }
0x7a: {  	_ =	swait.ge [sflag:s19], $0x200  }
0x7b: {  	[sflag:s19] =	ssyncset.done $0x0  }
0x7c: {  	[sflag:s19] =	ssyncadd.s32 $0xFFFFFE00  }
0x7d: {  	_ =	swait.ge [sflag:s19], $0x200  }
0x7e: {  	[sflag:s19] =	ssyncset.done $0x0  }
0x7f: {  	[sflag:s19] =	ssyncadd.s32 $0xFFFFFE00  }
0x80: {  	_ =	swait.ge [sflag:s19], $0x200  }
0x81: {  	s31 =	sadd.s32 $0x1, s31;
	s11 =	rddreg [dreg:$0x10]  }
0x82: {  	p0 =	sne.s32 s31, s11  }
.Ltmp1:
0x83: {  	_ = 	snop;
	(pc) =	sbr.rel @!p0 .LBB2_7-.Ltmp1, $3  }
0x84: {  	_ =	sdelay $0x1  }
0x85: {  	[sflag:s19] =	ssyncset.done $0x0  }
0x86: {  	s3 =	simm.s32 $0x5000;
	[sflag:s19] =	ssyncadd.s32 $0xFFFFFE00  }
.LBB2_1:
0x87: {  	s0 =	rddreg [dreg:$0x4]  }
0x88: {  	[tilespmem:s1], [sflag:$0xB] =	stream.linear.gather [hbm4b:s0+s1], $0x5000, $0x38;
	[tilespmem:$0x1F000] =	vst v63  }
0x89: {  	_ =	swait.ge [sflag:s7], $0x5000  }
0x8a: {  	[sflag:s7] =	ssyncset.done $0x0  }
0x8b: {  	s4 =	rddreg [dreg:$0xf];
	[sflag:s7] =	ssyncadd.s32 $0xFFFFB000  }
0x8c: {  	[tilespmem:s3], [sflag:$0xB] =	stream.linear.gather [hbm4b:s4+s1], $0x5000, $0x38;
	[tilespmem:$0x1F000] =	vst v63  }
0x8d: {  	_ =	swait.ge [sflag:s7], $0x5000  }
0x8e: {  	[sflag:s7] =	ssyncset.done $0x0  }
0x8f: {  	[sflag:s7] =	ssyncadd.s32 $0xFFFFB000  }
0x90: {  	[tilespmem:s10], [sflag:$0x1] =	stream.indirect.gather [hbm4b:s15+s9], $0x40, s1, s9, $0xb8;
	[tilespmem:$0x1F000] =	vst v63  }
0x91: {  	_ = 	snop  }
0x92: {  	[tilespmem:s12], [sflag:$0x2] =	stream.indirect.gather [hbm4b:s15+s9], $0x40, s9, s9, $0xb8;
	[tilespmem:$0x1F000] =	vst v63  }
0x93: {  	s8 =	simm.s32 $0x100  }
0x94: {  	[tilespmem:s14], [sflag:$0x3] =	stream.indirect.gather [hbm4b:s15+s9], $0x40, s8, s9, $0xb8;
	[tilespmem:$0x1F000] =	vst v63  }
0x95: {  	s11 =	simm.s32 $0x180  }
0x96: {  	[tilespmem:s16], [sflag:$0x4] =	stream.indirect.gather [hbm4b:s15+s9], $0x40, s11, s9, $0xb8;
	[tilespmem:$0x1F000] =	vst v63  }
0x97: {  	s0 =	simm.s32 $0x0;
	s11 =	simm.s32 $0x100  }
.LBB2_2:
0x98: {  	p0 =	sne.s32 s11, $0x3F00;
	[tilespmem:s0+$0x14030] =	vst v0;
	s2 =	smov.u32 s11;
	s11 =	sadd.s32 $0x100, s11  }
.Ltmp2:
0x99: {  	[tilespmem:s0+$0x14020] =	vst v0;
	(pc) =	sbr.rel @p0 .LBB2_2-.Ltmp2, $3  }
0x9a: {  	[tilespmem:s0+$0x14000] =	vst v0  }
0x9b: {  	[tilespmem:s0+$0x14010] =	vst v0;
	_ =	sdelay $0x1  }
0x9c: {  	s0 =	sshra.s32 s2, $0x2  }
0x9d: {  	[tilespmem:s0+$0x14030] =	vst v0  }
0x9e: {  	[tilespmem:s0+$0x14020] =	vst v0  }
0x9f: {  	[tilespmem:s0+$0x14000] =	vst v0  }
0xa0: {  	[tilespmem:s0+$0x14010] =	vst v0  }
0xa1: {  	[spmem:s17] =	stream.linear.scatter [tilespmem:s18], [sflag:$0xB], $0x1000, $0x38;
	[tilespmem:$0x1F000] =	vst v63  }
0xa2: {  	_ =	swait.ge [sflag:s7], $0x1000  }
0xa3: {  	[sflag:s7] =	ssyncset.done $0x0  }
0xa4: {  	s8 =	rddreg [dreg:$0x1b];
	[sflag:s7] =	ssyncadd.s32 $0xFFFFF000  }
0xa5: {  	[spmem:s8] =	stream.linear.scatter [tilespmem:s18], [sflag:$0xB], $0x1000, $0x38;
	[tilespmem:$0x1F000] =	vst v63  }
0xa6: {  	_ =	swait.ge [sflag:s7], $0x1000  }
0xa7: {  	[sflag:s7] =	ssyncset.done $0x0  }
0xa8: {  	s11 =	rddreg [dreg:$0x1c];
	[sflag:s7] =	ssyncadd.s32 $0xFFFFF000  }
0xa9: {  	[spmem:s11] =	stream.linear.scatter [tilespmem:s18], [sflag:$0xB], $0x1000, $0x38;
	[tilespmem:$0x1F000] =	vst v63  }
0xaa: {  	_ =	swait.ge [sflag:s7], $0x1000  }
0xab: {  	[sflag:s7] =	ssyncset.done $0x0  }
0xac: {  	s2 =	rddreg [dreg:$0x1d];
	[sflag:s7] =	ssyncadd.s32 $0xFFFFF000  }
0xad: {  	[spmem:s2] =	stream.linear.scatter [tilespmem:s18], [sflag:$0xB], $0x1000, $0x38;
	[tilespmem:$0x1F000] =	vst v63  }
0xae: {  	_ =	swait.ge [sflag:s7], $0x1000  }
0xaf: {  	[sflag:s7] =	ssyncset.done $0x0  }
0xb0: {  	s4 =	rddreg [dreg:$0x1e];
	[sflag:s7] =	ssyncadd.s32 $0xFFFFF000  }
0xb1: {  	[spmem:s4] =	stream.linear.scatter [tilespmem:s18], [sflag:$0xB], $0x1000, $0x38;
	[tilespmem:$0x1F000] =	vst v63  }
0xb2: {  	_ =	swait.ge [sflag:s7], $0x1000  }
0xb3: {  	[sflag:s7] =	ssyncset.done $0x0  }
0xb4: {  	s8 =	rddreg [dreg:$0x1f];
	[sflag:s7] =	ssyncadd.s32 $0xFFFFF000  }
0xb5: {  	[spmem:s8] =	stream.linear.scatter [tilespmem:s18], [sflag:$0xB], $0x1000, $0x38;
	[tilespmem:$0x1F000] =	vst v63  }
0xb6: {  	_ =	swait.ge [sflag:s7], $0x1000  }
0xb7: {  	s11 =	sld [smem:$0x7FC]  }
0xb8: {  	[sflag:s7] =	ssyncset.done $0x0  }
0xb9: {  	[sflag:s7] =	ssyncadd.s32 $0xFFFFF000  }
0xba: {  	[spmem:s11] =	stream.linear.scatter [tilespmem:s18], [sflag:$0xB], $0x1000, $0x38;
	[tilespmem:$0x1F000] =	vst v63  }
0xbb: {  	_ =	swait.ge [sflag:s7], $0x1000  }
0xbc: {  	s2 =	sld [smem:$0x7FD]  }
0xbd: {  	[sflag:s7] =	ssyncset.done $0x0  }
0xbe: {  	[sflag:s7] =	ssyncadd.s32 $0xFFFFF000  }
0xbf: {  	[spmem:s2] =	stream.linear.scatter [tilespmem:s18], [sflag:$0xB], $0x1000, $0x38;
	[tilespmem:$0x1F000] =	vst v63  }
0xc0: {  	_ =	swait.ge [sflag:s7], $0x1000  }
0xc1: {  	[sflag:s7] =	ssyncset.done $0x0  }
0xc2: {  	[sflag:s7] =	ssyncadd.s32 $0xFFFFF000  }
0xc3: {  	[spmem:s5] =	stream.linear.scatter [tilespmem:s18], [sflag:$0xB], $0x1000, $0x38;
	[tilespmem:$0x1F000] =	vst v63  }
0xc4: {  	_ =	swait.ge [sflag:s7], $0x1000  }
0xc5: {  	[sflag:s7] =	ssyncset.done $0x0  }
0xc6: {  	[sflag:s7] =	ssyncadd.s32 $0xFFFFF000  }
0xc7: {  	[spmem:s6] =	stream.linear.scatter [tilespmem:s18], [sflag:$0xB], $0x1000, $0x38;
	[tilespmem:$0x1F000] =	vst v63  }
0xc8: {  	_ =	swait.ge [sflag:s7], $0x1000  }
0xc9: {  	[sflag:s7] =	ssyncset.done $0x0  }
0xca: {  	[sflag:s7] =	ssyncadd.s32 $0xFFFFF000  }
0xcb: {  	[bflag:$0x0] =	sbarrier.arrive $0xFFFF  }
0xcc: {  	_ =	swait.ge [sflag:s19], $0x2000  }
0xcd: {  	[sflag:s19] =	ssyncset.done $0x0  }
0xce: {  	[sflag:s19] =	ssyncadd.s32 $0xFFFFE000  }
0xcf: {  	[spmem:s13] =	stream.indirect.scatter.add.f32 [tilespmem:s10], [sflag:$0x6], $0x40, s3, s9, $0xb8;
	[tilespmem:$0x1F000] =	vst v63  }
0xd0: {  	s3 =	simm.s32 $0x200  }
0xd1: {  	[tilespmem:s20], [sflag:$0x5] =	stream.indirect.gather [hbm4b:s15+s9], $0x40, s3, s9, $0xb8;
	[tilespmem:$0x1F000] =	vst v63  }
0xd2: {  	_ =	swait.ge [sflag:s21], $0x2000  }
0xd3: {  	[sflag:s21] =	ssyncset.done $0x0  }
0xd4: {  	s4 =	simm.s32 $0x5080;
	[sflag:s21] =	ssyncadd.s32 $0xFFFFE000  }
0xd5: {  	[spmem:s13] =	stream.indirect.scatter.add.f32 [tilespmem:s12], [sflag:$0x7], $0x40, s4, s9, $0xb8;
	[tilespmem:$0x1F000] =	vst v63  }
0xd6: {  	_ =	swait.ge [sflag:s22], $0x2000  }
0xd7: {  	[sflag:s22] =	ssyncset.done $0x0  }
0xd8: {  	s8 =	simm.s32 $0x280;
	[sflag:s22] =	ssyncadd.s32 $0xFFFFE000  }
0xd9: {  	[tilespmem:s10], [sflag:$0x1] =	stream.indirect.gather [hbm4b:s15+s9], $0x40, s8, s9, $0xb8;
	[tilespmem:$0x1F000] =	vst v63  }
0xda: {  	_ =	swait.ge [sflag:s23], $0x2000  }
0xdb: {  	[sflag:s23] =	ssyncset.done $0x0  }
0xdc: {  	s11 =	simm.s32 $0x5100;
	[sflag:s23] =	ssyncadd.s32 $0xFFFFE000  }
0xdd: {  	[spmem:s13] =	stream.indirect.scatter.add.f32 [tilespmem:s14], [sflag:$0x8], $0x40, s11, s9, $0xb8;
	[tilespmem:$0x1F000] =	vst v63  }
0xde: {  	_ =	swait.ge [sflag:s24], $0x2000  }
0xdf: {  	[sflag:s24] =	ssyncset.done $0x0  }
0xe0: {  	s2 =	simm.s32 $0x300;
	[sflag:s24] =	ssyncadd.s32 $0xFFFFE000  }
0xe1: {  	[tilespmem:s12], [sflag:$0x2] =	stream.indirect.gather [hbm4b:s15+s9], $0x40, s2, s9, $0xb8;
	[tilespmem:$0x1F000] =	vst v63  }
0xe2: {  	_ =	swait.ge [sflag:s25], $0x2000  }
0xe3: {  	[sflag:s25] =	ssyncset.done $0x0  }
0xe4: {  	s3 =	simm.s32 $0x5180;
	[sflag:s25] =	ssyncadd.s32 $0xFFFFE000  }
0xe5: {  	[spmem:s13] =	stream.indirect.scatter.add.f32 [tilespmem:s16], [sflag:$0x9], $0x40, s3, s9, $0xb8;
	[tilespmem:$0x1F000] =	vst v63  }
0xe6: {  	_ =	swait.ge [sflag:s26], $0x2000  }
0xe7: {  	[sflag:s26] =	ssyncset.done $0x0  }
0xe8: {  	s4 =	simm.s32 $0x380;
	[sflag:s26] =	ssyncadd.s32 $0xFFFFE000  }
0xe9: {  	[tilespmem:s14], [sflag:$0x3] =	stream.indirect.gather [hbm4b:s15+s9], $0x40, s4, s9, $0xb8;
	[tilespmem:$0x1F000] =	vst v63  }
0xea: {  	_ =	swait.ge [sflag:s28], $0x2000  }
0xeb: {  	[sflag:s28] =	ssyncset.done $0x0  }
0xec: {  	s8 =	simm.s32 $0x5200;
	[sflag:s28] =	ssyncadd.s32 $0xFFFFE000  }
0xed: {  	[spmem:s13] =	stream.indirect.scatter.add.f32 [tilespmem:s20], [sflag:$0xA], $0x40, s8, s9, $0xb8;
	[tilespmem:$0x1F000] =	vst v63  }
0xee: {  	_ =	swait.ge [sflag:s29], $0x2000  }
0xef: {  	[sflag:s29] =	ssyncset.done $0x0  }
0xf0: {  	s11 =	simm.s32 $0x400;
	[sflag:s29] =	ssyncadd.s32 $0xFFFFE000  }
0xf1: {  	[tilespmem:s16], [sflag:$0x4] =	stream.indirect.gather [hbm4b:s15+s9], $0x40, s11, s9, $0xb8;
	[tilespmem:$0x1F000] =	vst v63  }
0xf2: {  	s11 =	simm.s32 $0x0  }
.LBB2_4:
0xf3: {  	_ =	swait.ge [sflag:s19], $0x2000  }
0xf4: {  	s0 =	sshra.s32 s11, $0x2;
	[sflag:s19] =	ssyncset.done $0x0  }
0xf5: {  	s2 =	sadd.s32 $0x5280, s0;
	[sflag:s19] =	ssyncadd.s32 $0xFFFFE000  }
0xf6: {  	[spmem:s13] =	stream.indirect.scatter.add.f32 [tilespmem:s10], [sflag:$0x6], $0x40, s2, s9, $0xb8;
	[tilespmem:$0x1F000] =	vst v63  }
0xf7: {  	_ =	swait.ge [sflag:s30], $0x2000  }
0xf8: {  	[sflag:s30] =	ssyncset.done $0x0  }
0xf9: {  	s3 =	sadd.s32 $0x480, s0;
	[sflag:s30] =	ssyncadd.s32 $0xFFFFE000  }
0xfa: {  	[tilespmem:s20], [sflag:$0x5] =	stream.indirect.gather [hbm4b:s15+s9], $0x40, s3, s9, $0xb8;
	[tilespmem:$0x1F000] =	vst v63  }
0xfb: {  	_ =	swait.ge [sflag:s21], $0x2000  }
0xfc: {  	p0 =	seq.s32 s11, $0x12C00;
	[sflag:s21] =	ssyncset.done $0x0  }
0xfd: {  	s4 =	sadd.s32 $0x5300, s0;
	s2 =	simm.s32 @p0 $0x3;
	[sflag:s21] =	ssyncadd.s32 $0xFFFFE000  }
0xfe: {  	[spmem:s13] =	stream.indirect.scatter.add.f32 [tilespmem:s12], [sflag:$0x7], $0x40, s4, s9, $0xb8;
	[tilespmem:$0x1F000] =	vst v63  }
0xff: {  	_ =	swait.ge @p0 [sflag:s2], $0x2000  }
0x100: {  	[sflag:s2] =	ssyncset.done @p0 $0x0  }
0x101: {  	[sflag:s2] =	ssyncadd.s32 @p0 $0xFFFFE000;
	s2 =	sshra.s32 @p0 s11, $0x2  }
0x102: {  	s8 =	simm.s32 @p0 $0xE000;
	s3 =	simm.s32 @p0 $0x80;
	s2 =	sadd.s32 @p0 $0x5380, s2  }
0x103: {  	[spmem:s13] =	stream.indirect.scatter.add.f32 @p0 [tilespmem:s8], [sflag:$0x8], $0x40, s2, s3, $0xb8;
	[tilespmem:$0x1F000] =	vst v63  }
0x104: {  	s2 =	simm.s32 @!p0 $0x6  }
0x105: {  	_ =	swait.ge @!p0 [sflag:s2], $0x2000  }
0x106: {  	[sflag:s2] =	ssyncset.done @!p0 $0x0  }
0x107: {  	[sflag:s2] =	ssyncadd.s32 @!p0 $0xFFFFE000;
	s2 =	sshra.s32 @!p0 s11, $0x2  }
0x108: {  	s4 =	simm.s32 @!p0 $0xA000;
	s8 =	simm.s32 @!p0 $0x80;
	s3 =	sadd.s32 @!p0 $0x500, s2  }
0x109: {  	[tilespmem:s4], [sflag:$0x1] =	stream.indirect.gather @!p0 [hbm4b:s15+s8], $0x40, s3, s8, $0xb8;
	[tilespmem:$0x1F000] =	vst v63  }
0x10a: {  	s3 =	simm.s32 @!p0 $0x3  }
0x10b: {  	_ =	swait.ge @!p0 [sflag:s3], $0x2000  }
0x10c: {  	[sflag:s3] =	ssyncset.done @!p0 $0x0  }
0x10d: {  	s4 =	simm.s32 @!p0 $0xE000;
	[sflag:s3] =	ssyncadd.s32 @!p0 $0xFFFFE000;
	s3 =	sadd.s32 @!p0 $0x5380, s2  }
0x10e: {  	[spmem:s13] =	stream.indirect.scatter.add.f32 @!p0 [tilespmem:s4], [sflag:$0x8], $0x40, s3, s8, $0xb8;
	[tilespmem:$0x1F000] =	vst v63  }
0x10f: {  	s3 =	simm.s32 @!p0 $0x7  }
0x110: {  	_ =	swait.ge @!p0 [sflag:s3], $0x2000  }
0x111: {  	[sflag:s3] =	ssyncset.done @!p0 $0x0  }
0x112: {  	s2 =	sadd.s32 @!p0 $0x580, s2;
	[sflag:s3] =	ssyncadd.s32 @!p0 $0xFFFFE000;
	s3 =	simm.s32 @!p0 $0xC000  }
0x113: {  	[tilespmem:s3], [sflag:$0x2] =	stream.indirect.gather @!p0 [hbm4b:s15+s8], $0x40, s2, s8, $0xb8;
	[tilespmem:$0x1F000] =	vst v63  }
.Ltmp3:
0x114: {  	_ = 	snop;
	(pc) =	sbr.rel @p0 .LBB2_6-.Ltmp3, $4  }
0x115: {  	_ =	swait.ge [sflag:s25], $0x2000  }
0x116: {  	[sflag:s25] =	ssyncset.done $0x0  }
0x117: {  	s8 =	sadd.s32 $0x5400, s0;
	s2 =	sadd.s32 $0x5480, s0;
	[sflag:s25] =	ssyncadd.s32 $0xFFFFE000  }
0x118: {  	[spmem:s13] =	stream.indirect.scatter.add.f32 [tilespmem:s16], [sflag:$0x9], $0x40, s8, s9, $0xb8;
	[tilespmem:$0x1F000] =	vst v63  }
0x119: {  	_ =	swait.ge [sflag:s26], $0x2000  }
0x11a: {  	[sflag:s26] =	ssyncset.done $0x0  }
0x11b: {  	s3 =	sadd.s32 $0x600, s0;
	[sflag:s26] =	ssyncadd.s32 $0xFFFFE000  }
0x11c: {  	[tilespmem:s14], [sflag:$0x3] =	stream.indirect.gather [hbm4b:s15+s9], $0x40, s3, s9, $0xb8;
	[tilespmem:$0x1F000] =	vst v63  }
0x11d: {  	_ =	swait.ge [sflag:s28], $0x2000  }
0x11e: {  	[sflag:s28] =	ssyncset.done $0x0  }
0x11f: {  	[sflag:s28] =	ssyncadd.s32 $0xFFFFE000  }
0x120: {  	[spmem:s13] =	stream.indirect.scatter.add.f32 [tilespmem:s20], [sflag:$0xA], $0x40, s2, s9, $0xb8;
	[tilespmem:$0x1F000] =	vst v63  }
.Ltmp4:
0x121: {  	_ = 	snop;
	(pc) =	sbr.rel .LBB2_4-.Ltmp4, $4  }
0x122: {  	_ =	swait.ge [sflag:s29], $0x2000  }
0x123: {  	[sflag:s29] =	ssyncset.done $0x0  }
0x124: {  	s8 =	sadd.s32 $0x680, s0;
	s11 =	sadd.s32 $0xA00, s11;
	[sflag:s29] =	ssyncadd.s32 $0xFFFFE000  }
0x125: {  	[tilespmem:s16], [sflag:$0x4] =	stream.indirect.gather [hbm4b:s15+s9], $0x40, s8, s9, $0xb8;
	[tilespmem:$0x1F000] =	vst v63  }
.LBB2_7:
0x126: {  	_ =	sfence.sel $0x180000  }
0x127: {  	[bflag:$0x0] =	sbarrier.arrive $0xFFFF  }
0x128: {  	_ =	strace $0x9000004D  }
0x129: {  	s0 =	stileid.u32;
	[bflag:$0x2] =	sbarrier.arrive $0xFFFF  }
0x12a: {  	p0 =	sne.s32 s0, $0x0;
	s0 =	rddreg [dreg:$0x3]  }
0x12b: {  	s0 =	sadd.s32 @!p0 $0x100000, s0  }
0x12c: {  	[sflag:s0] =	ssyncadd.tile.s32 @!p0 $0x1;
	_ =	shalt  }
.Lfunc_end2:
_tile_overlayer_lowered:
.L_overlay_start_2:
0x12d: {  	(tag) =	ssettag $0x2  }
0x12e: {  	s0 =	rddreg [dreg:$0x0];
	s2 =	stileid.u32  }
0x12f: {  	s1 =	rddreg [dreg:$0x1];
	p0 =	sne.s32 s2, $0x0  }
0x130: {  	s3 =	rddreg [dreg:$0x2];
	[bflag:$0x3] =	sbarrier.arrive $0xFFFF;
	s2 =	simm.s32 @!p0 $0x1C0B  }
0x131: {  	[timem:s3], [sflag:s2] =	dma.local @!p0 [hbm:s0], s1  }
0x132: {  	s0 =	simm.s32 @!p0 $0xB  }
0x133: {  	_ =	swait.ge @!p0 [sflag:s0], s1  }
0x134: {  	s1 =	ssub.s32 @!p0 $0x0, s1;
	[sflag:s0] =	ssyncset.done @!p0 $0x0  }
0x135: {  	[sflag:s0] =	ssyncadd.s32 @!p0 s1  }
0x136: {  	[bflag:$0x3] =	sbarrier.arrive $0xFFFF  }
0x137: {  	_ =	shalt  }

// kernel: kernel.8.cloned.1.call-start
scs
__scs_entry_jumppad:
0x0: {  	(pc) =	sbr.rel $0x88, $3  }
0x1: {  	(tag) =	ssettag $0x0;
	lr =	simm.s32 $0x1  }
0x2: {  	[smem:$0x3F9B] =	sst lr;
	_ =	strace $0xD0000000  }
0x3: {  	_ = 	snop  }
0x4: {  	_ = 	snop  }
0x5: {  	_ = 	snop  }
0x6: {  	_ = 	snop  }
0x7: {  	_ = 	snop  }
__scs_overlays_trampoline_lowered:
0x8: {  	[smem:$0x3FAA] =	sst s0  }
0x9: {  	[smem:$0x3FAB] =	sst s1  }
0xa: {  	[smem:$0x3FAC] =	sst s2  }
0xb: {  	[smem:$0x3FAD] =	sst s3  }
0xc: {  	[smem:$0x3FAE] =	sst s4  }
0xd: {  	[smem:$0x3FAF] =	sst s5  }
0xe: {  	[smem:$0x3FB0] =	sst s6  }
0xf: {  	[smem:$0x3FB1] =	sst s7  }
0x10: {  	[smem:$0x3FB2] =	sst s8  }
0x11: {  	[smem:$0x3FB3] =	sst s9;
	s0 =	simm.s32 @!p0 $0x0  }
0x12: {  	s1 =	sld [smem:$0x3F99];
	s0 =	simm.s32 @p0 $0x1  }
0x13: {  	[smem:$0x3FB4] =	sst s0;
	s0 =	simm.s32 @!p1 $0x0  }
0x14: {  	s2 =	sld [smem:$0x3F98];
	s0 =	simm.s32 @p1 $0x1  }
0x15: {  	[smem:$0x3FB5] =	sst s0;
	s0 =	simm.s32 @!p2 $0x0  }
0x16: {  	s3 =	sld [smem:$0x3FDB];
	s0 =	simm.s32 @p2 $0x1  }
0x17: {  	s4 =	simm.s32 $0x1BF5;
	[smem:$0x3FB7] =	sst s0  }
0x18: {  	s0 =	sld [smem:$0x3F9A];
	_ =	swait.ge [sflag:s4], $0x0  }
0x19: {  	s7 =	sld [smem:$0x3F9B]  }
0x1a: {  	s8 =	sadd.s32 $0xFFFFE003, lr  }
0x1b: {  	s9 =	sadd.s32 $0xFFFFFEF7, lr;
	s5 =	simm.s32 $0xFFFFFFFF;
	p2 =	slt.u32 s8, $0xFFFFF086  }
0x1c: {  	p1 =	slt.u32 s9, $0xF7A;
	s5 =	simm.s32 @!p2 $0x0  }
0x1d: {  	s5 =	simm.s32 @p1 $0x1;
	p0 =	seq.s32 s7, s2  }
0x1e: {  	s7 =	smul.u32 @!p0 $0xF7A, s2;
	p2 =	seq.s32 @!p0 s5, $0x0  }
0x1f: {  	s9 =	smul.u32 $0xF7A, s1;
	s8 =	simm.s32 @!p0 $0x1BF5;
	p2 =	por !p2, p0  }
0x20: {  	[sflag:s8] =	ssyncset.s32 @!p0 $0xFFFFF086;
	s6 =	sadd.s32 @!p0 s3, s7;
	s7 =	simm.s32 @!p0 $0x108  }
0x21: {  	s3 =	sadd.s32 s3, s9;
	s6 =	sadd.s32 @!p0 $0x88, s6;
	s7 =	simm.s32 @p2 $0x1082  }
0x22: {  	[simem:s7], [sflag:s8] =	dma.local @!p0 [hbm:s6], $0xF7A  }
0x23: {  	s9 =	sor.u32 $0xD0000000, s2;
	s6 =	simm.s32 $0x108;
	_ =	swait.ge @!p0 [sflag:s8], $0x0  }
0x24: {  	s3 =	sadd.s32 $0x88, s3;
	s6 =	simm.s32 @!p1 $0x1082;
	[sflag:s4] =	ssyncset.s32 $0xFFFFF086  }
0x25: {  	[simem:s6], [sflag:s4] =	dma.local [hbm:s3], $0xF7A  }
0x26: {  	[smem:$0x3F9B] =	sst s1;
	(tag) =	ssettag s2;
	_ =	strace s9  }
0x27: {  	s1 =	sld [smem:$0x3FAB]  }
0x28: {  	s2 =	sld [smem:$0x3FAC]  }
0x29: {  	s4 =	sld [smem:$0x3FAE]  }
0x2a: {  	p0 =	seq.s32 s5, $0x0;
	s5 =	sld [smem:$0x3FAF]  }
0x2b: {  	s6 =	sld [smem:$0x3FB0]  }
0x2c: {  	s7 =	sld [smem:$0x3FB1]  }
0x2d: {  	s3 =	simm.s32 $0x108;
	s8 =	sld [smem:$0x3FB2]  }
0x2e: {  	s3 =	simm.s32 @!p0 $0x1082;
	s9 =	sld [smem:$0x3FB3]  }
0x2f: {  	lr =	sadd.s32 s0, s3;
	s0 =	sld [smem:$0x3FAA]  }
0x30: {  	s3 =	sld [smem:$0x3FAD]  }
0x31: {  	[smem:$0x3FB6] =	sst s10  }
0x32: {  	s10 =	sld [smem:$0x3FB4];
	_ =	sdelay $0x3  }
0x33: {  	p0 =	seq.s32 s10, $0x1;
	s10 =	sld [smem:$0x3FB6];
	_ =	sdelay $0x3  }
0x34: {  	[smem:$0x3FB6] =	sst s10  }
0x35: {  	s10 =	sld [smem:$0x3FB5];
	_ =	sdelay $0x3  }
0x36: {  	p1 =	seq.s32 s10, $0x1;
	s10 =	sld [smem:$0x3FB6];
	_ =	sdelay $0x3  }
0x37: {  	[smem:$0x3FB6] =	sst s10  }
0x38: {  	s10 =	sld [smem:$0x3FB7]  }
0x39: {  	_ = 	snop;
	(pc) =	sbr.ind lr, $3  }
0x3a: {  	_ = 	snop  }
0x3b: {  	_ = 	snop  }
0x3c: {  	p2 =	seq.s32 s10, $0x1;
	s10 =	sld [smem:$0x3FB6]  }
0x3d: {  	_ =	shalt  }
0x3e: {  	_ =	shalt  }
0x3f: {  	_ =	shalt  }
0x40: {  	_ =	shalt  }
0x41: {  	_ =	shalt  }
0x42: {  	_ =	shalt  }
0x43: {  	_ =	shalt  }
0x44: {  	_ =	shalt  }
0x45: {  	_ =	shalt  }
0x46: {  	_ =	shalt  }
0x47: {  	_ =	shalt  }
0x48: {  	_ =	shalt  }
0x49: {  	_ =	shalt  }
0x4a: {  	_ =	shalt  }
0x4b: {  	_ =	shalt  }
0x4c: {  	_ =	shalt  }
0x4d: {  	_ =	shalt  }
0x4e: {  	_ =	shalt  }
0x4f: {  	_ =	shalt  }
0x50: {  	_ =	shalt  }
0x51: {  	_ =	shalt  }
0x52: {  	_ =	shalt  }
0x53: {  	_ =	shalt  }
0x54: {  	_ =	shalt  }
0x55: {  	_ =	shalt  }
0x56: {  	_ =	shalt  }
0x57: {  	_ =	shalt  }
0x58: {  	_ =	shalt  }
0x59: {  	_ =	shalt  }
0x5a: {  	_ =	shalt  }
0x5b: {  	_ =	shalt  }
0x5c: {  	_ =	shalt  }
0x5d: {  	_ =	shalt  }
0x5e: {  	_ =	shalt  }
0x5f: {  	_ =	shalt  }
0x60: {  	_ =	shalt  }
0x61: {  	_ =	shalt  }
0x62: {  	_ =	shalt  }
0x63: {  	_ =	shalt  }
0x64: {  	_ =	shalt  }
0x65: {  	_ =	shalt  }
0x66: {  	_ =	shalt  }
0x67: {  	_ =	shalt  }
0x68: {  	_ =	shalt  }
0x69: {  	_ =	shalt  }
0x6a: {  	_ =	shalt  }
0x6b: {  	_ =	shalt  }
0x6c: {  	_ =	shalt  }
0x6d: {  	_ =	shalt  }
0x6e: {  	_ =	shalt  }
0x6f: {  	_ =	shalt  }
0x70: {  	_ =	shalt  }
0x71: {  	_ =	shalt  }
0x72: {  	_ =	shalt  }
0x73: {  	_ =	shalt  }
0x74: {  	_ =	shalt  }
0x75: {  	_ =	shalt  }
0x76: {  	_ =	shalt  }
0x77: {  	_ =	shalt  }
0x78: {  	_ =	shalt  }
0x79: {  	_ =	shalt  }
0x7a: {  	_ =	shalt  }
0x7b: {  	_ =	shalt  }
0x7c: {  	_ =	shalt  }
0x7d: {  	_ =	shalt  }
0x7e: {  	_ =	shalt  }
0x7f: {  	_ =	shalt  }
0x80: {  	_ =	shalt  }
0x81: {  	_ =	shalt  }
0x82: {  	_ =	shalt  }
0x83: {  	_ =	shalt  }
0x84: {  	_ =	shalt  }
0x85: {  	_ =	shalt  }
0x86: {  	_ =	shalt  }
0x87: {  	_ =	shalt  }
.Lfunc_end0:
.L_simem_size_0:
called_computation_lowered:
.L_overlay_start_0:
0x88: {  	s2 =	sld [smem:$0x3FD9]  }
0x89: {  	s3 =	sld [smem:$0x3FFE];
	_ =	sdelay $0x1  }
0x8a: {  	s1 =	srdreg.scid  }
0x8b: {  	s0 =	sand.u32 $0x1, s1  }
0x8c: {  	s16 =	sshll.u32 s0, $0xA;
	s2 =	sadd.s32 s3, s2  }
0x8d: {  	s2 =	sadd.s32 s2, s16  }
0x8e: {  	[smem:$0x3FC2] =	sst s2  }
0x8f: {  	_ = 	snop  }
0x90: {  	(tm) =	ssettm $0x1  }
0x91: {  	s17 =	sld [smem:$0x3FFB];
	_ =	sdelay $0x3  }
0x92: {  	_ =	strace s17  }
0x93: {  	s2 =	sld [smem:$0x3FFC];
	_ =	sdelay $0x3  }
0x94: {  	_ =	strace s2  }
0x95: {  	s2 =	sld [smem:$0x3FFD];
	_ =	sdelay $0x3  }
0x96: {  	_ =	strace s2  }
0x97: {  	_ =	strace $0x8FFFFFFF  }
0x98: {  	s18 =	sld [smem:$0x3FDB];
	_ =	sdelay $0x1  }
0x99: {  	s19 =	simm.s32 $_scs_section_size  }
0x9a: {  	s4 =	simm.s32 $_size__tile_overlayer_lowered;
	s5 =	simm.s32 $_tile_overlayer_lowered  }
0x9b: {  	s22 =	simm.s32 $0x1BFF;
	s21 =	sshll.u32 s5, $0x1;
	s2 =	sadd.s32 s19, s18  }
0x9c: {  	s6 =	simm.s32 $0x0;
	s20 =	sshll.u32 s4, $0x1;
	s4 =	sadd.s32 s21, s2  }
0x9d: {  	[timem:s6], [sflag:s22] =	dma.local [hbm:s4], s20  }
0x9e: {  	_ =	swait.ge [sflag:s22], s20  }
0x9f: {  	s3 =	ssub.s32 $0x0, s20;
	[sflag:s22] =	ssyncset.done $0x0  }
0xa0: {  	[sflag:s22] =	ssyncadd.s32 s3;
	_ =	sdelay $0x1  }
0xa1: {  	s23 =	simm.s32 $0x1B8B  }
0xa2: {  	_ =	swait.ge [sflag:s23], $0x1  }
0xa3: {  	[sflag:s23] =	ssyncset.done $0x0  }
0xa4: {  	s25 =	simm.s32 $0x1B8E;
	s24 =	sld [smem:$0x3FFE];
	[sflag:s23] =	ssyncadd.s32 $0xFFFFFFFF  }
0xa5: {  	s26 =	simm.s32 $execute0_lowered;
	[smem:$0x3FD2] =	sst s25  }
0xa6: {  	s4 =	sshll.u32 s26, $0x1;
	_ =	strace $0x80000046;
	[dreg:$0x1] =	wrdreg $0xFFFFFFFF  }
0xa7: {  	s28 =	simm.s32 $_size_execute0_lowered;
	s2 =	sadd.s32 s2, s4;
	[dreg:$0x0] =	wrdreg $0x0  }
0xa8: {  	s4 =	sshll.u32 s28, $0x1;
	[dreg:$0x2] =	wrdreg s2  }
0xa9: {  	[dreg:$0x3] =	wrdreg s4  }
0xaa: {  	[dreg:$0x4] =	wrdreg $0xC0  }
0xab: {  	_ =	task [dreg:s6], $0x5FFFF  }
0xac: {  	[dreg:$0x1] =	wrdreg $0xFFFFFFFF  }
0xad: {  	[dreg:$0x0] =	wrdreg $0x60  }
0xae: {  	[dreg:$0x2] =	wrdreg s24  }
0xaf: {  	[dreg:$0x3] =	wrdreg $0x53000  }
0xb0: {  	[dreg:$0x4] =	wrdreg $0x55800  }
0xb1: {  	[dreg:$0x5] =	wrdreg $0x9  }
0xb2: {  	_ =	task.clear_ibuf [dreg:s6], $0x6FFFF;
	_ =	strace $0x90000046  }
0xb3: {  	s29 =	simm.s32 $0x9;
	_ =	strace $0x80000048  }
0xb4: {  	_ =	swait.ge [sflag:s29], $0x1  }
0xb5: {  	[sflag:s29] =	ssyncadd.s32 $0xFFFFFFFF  }
0xb6: {  	_ =	strace $0x90000048  }
0xb7: {  	_ =	sfence  }
0xb8: {  	s30 =	sld [smem:$0x0];
	_ =	sdelay $0x2  }
0xb9: {  	s31 =	sshll.u32 s1, $0xD;
	s1 =	sshrl.u32 s1, $0x2  }
0xba: {  	s3 =	sand.u32 $0x4000, s31;
	s1 =	sadd.s32 s1, s30  }
0xbb: {  	s0 =	sor.u32 s3, s0;
	s1 =	sshll.u32 s1, $0x11  }
0xbc: {  	s0 =	sor.u32 s1, s0  }
0xbd: {  	s0 =	sadd.s32 $0x8F2B, s0  }
0xbe: {  	[sflag:s0] =	ssyncadd.remote.s32 $0x1  }
0xbf: {  	_ =	sfence.sel $0xFFFF  }
0xc0: {  	[dreg:$0x0] =	wrdreg $0xFFFFFFFF;
	(pc) =	sbr.abs _section_cstart, $3  }
0xc1: {  	[dreg:$0x1] =	wrdreg $0xFFFFFFFF  }
0xc2: {  	_ =	task.clear_ibuf [dreg:s6], $0x2FFFF;
	_ =	strace $0x9FFFFFFF  }
0xc3: {  	(tm) =	ssettm $0x7FFFFFFF  }
tec
execute0_lowered:
.L_overlay_start_1:
0x0: {  	(tag) =	ssettag $0x1  }
0x1: {  	s5 =	rddreg [dreg:$0x0]  }
0x2: {  	s1 =	rddreg [dreg:$0x1]  }
0x3: {  	s3 =	rddreg [dreg:$0x2];
	s2 =	srdreg.scid  }
0x4: {  	s0 =	rddreg [dreg:$0x3];
	s4 =	simm.s32 $0x0;
	s12 =	simm.s32 $0x3  }
0x5: {  	s13 =	simm.s32 $0x2800;
	s14 =	simm.s32 $0x5080;
	s15 =	simm.s32 $0x80  }
0x6: {  	s16 =	simm.s32 $0x5000;
	s17 =	simm.s32 $0x1;
	s18 =	simm.s32 $0x2  }
0x7: {  	s21 =	simm.s32 $0x20;
	s22 =	simm.s32 $0x10;
	s6 =	sand.u32 $0x1, s2  }
0x8: {  	s23 =	simm.s32 $0x0;
	s2 =	stileid.u32;
	s8 =	smul.u32 $0x5000, s6  }
0x9: {  	[smem:$0x7FF] =	sst s4;
	s7 =	sshll.u32 s6, $0x4;
	s9 =	smul.u32 $0x500, s2  }
0xa: {  	_ =	strace $0x80000047;
	s6 =	ssub.s32 $0x2, s6;
	s31 =	smul.u32 $0x280, s2  }
0xb: {  	s19 =	sshll.u32 s2, $0x6;
	s7 =	sor.u32 s2, s7;
	s30 =	sshrl.u32 s6, $0x1  }
0xc: {  	s7 =	smul.u32 $0x500, s7;
	s8 =	sadd.s32 s9, s8;
	s11 =	ssub.s32 s6, s30  }
0xd: {  	s19 =	sor.u32 $0x1C03, s19;
	s8 =	sshrl.u32 s8, $0x3;
	s11 =	smax.u32 s11, $0x1  }
0xe: {  	s7 =	sadd.s32 s7, s5;
	s10 =	sadd.s32 s8, s5;
	s8 =	sadd.s32 s31, s3  }
0xf: {  	s5 =	sadd.s32 $0xB800, s7;
	s6 =	sadd.s32 $0x1800, s7;
	s7 =	sadd.s32 s31, s1  }
0x10: {  	v0 =	vimm.f32 $1.000000000e+00;
	v1 =	vimm.f32 $0.0e+00;
	s9 =	sadd.s32 $0x15800, s10;
	s10 =	sadd.s32 $0x15810, s10;
	s20 =	sshrl.u32 s7, $0x3  }
.LBB2_1:
0x11: {  	[tilespmem:s4], [sflag:$0x3] =	stream.linear.gather [hbm4b:s5+s4], $0x2800, $0x38;
	[tilespmem:$0x5800] =	vst v63  }
0x12: {  	_ =	swait.ge [sflag:s12], $0x2800  }
0x13: {  	[sflag:s12] =	ssyncset.done $0x0  }
0x14: {  	[sflag:s12] =	ssyncadd.s32 $0xFFFFD800  }
0x15: {  	[tilespmem:s13], [sflag:$0x3] =	stream.linear.gather [hbm4b:s6+s4], $0x2800, $0x38;
	[tilespmem:$0x5800] =	vst v63  }
0x16: {  	_ =	swait.ge [sflag:s12], $0x2800  }
0x17: {  	[sflag:s12] =	ssyncset.done $0x0  }
0x18: {  	[sflag:s12] =	ssyncadd.s32 $0xFFFFD800  }
0x19: {  	[tilespmem:$0x5000] =	vst v0  }
0x1a: {  	[tilespmem:$0x5010] =	vst v0  }
0x1b: {  	[tilespmem:$0x5020] =	vst v0  }
0x1c: {  	[tilespmem:$0x5030] =	vst v0  }
0x1d: {  	[tilespmem:$0x5040] =	vst v0  }
0x1e: {  	[tilespmem:$0x5050] =	vst v0  }
0x1f: {  	[tilespmem:$0x5060] =	vst v0  }
0x20: {  	[tilespmem:$0x5070] =	vst v0  }
0x21: {  	[tilespmem:$0x5080] =	vst v1  }
0x22: {  	[tilespmem:$0x5090] =	vst v1  }
0x23: {  	[tilespmem:$0x50A0] =	vst v1  }
0x24: {  	[tilespmem:$0x50B0] =	vst v1  }
0x25: {  	[tilespmem:$0x50C0] =	vst v1  }
0x26: {  	[tilespmem:$0x50D0] =	vst v1  }
0x27: {  	[tilespmem:$0x50E0] =	vst v1  }
0x28: {  	[tilespmem:$0x50F0] =	vst v1  }
0x29: {  	[tilespmem:$0x5100] =	vst v1  }
0x2a: {  	[tilespmem:$0x5110] =	vst v1  }
0x2b: {  	[tilespmem:$0x5120] =	vst v1  }
0x2c: {  	[tilespmem:$0x5130] =	vst v1  }
0x2d: {  	[tilespmem:$0x5140] =	vst v1  }
0x2e: {  	[tilespmem:$0x5150] =	vst v1  }
0x2f: {  	[tilespmem:$0x5160] =	vst v1  }
0x30: {  	[tilespmem:$0x5170] =	vst v1  }
0x31: {  	[tilespmem:$0x5180] =	vst v1  }
0x32: {  	[tilespmem:$0x5190] =	vst v1  }
0x33: {  	[tilespmem:$0x51A0] =	vst v1  }
0x34: {  	[tilespmem:$0x51B0] =	vst v1  }
0x35: {  	[tilespmem:$0x51C0] =	vst v1  }
0x36: {  	[tilespmem:$0x51D0] =	vst v1  }
0x37: {  	[tilespmem:$0x51E0] =	vst v1  }
0x38: {  	[tilespmem:$0x51F0] =	vst v1  }
0x39: {  	[tilespmem:$0x5200] =	vst v1  }
0x3a: {  	[tilespmem:$0x5210] =	vst v1  }
0x3b: {  	[tilespmem:$0x5220] =	vst v1  }
0x3c: {  	[tilespmem:$0x5230] =	vst v1  }
0x3d: {  	[tilespmem:$0x5240] =	vst v1  }
0x3e: {  	[tilespmem:$0x5250] =	vst v1  }
0x3f: {  	[tilespmem:$0x5260] =	vst v1  }
0x40: {  	[tilespmem:$0x5270] =	vst v1  }
0x41: {  	[tilespmem:$0x5280] =	vst v1  }
0x42: {  	[tilespmem:$0x5290] =	vst v1  }
0x43: {  	[tilespmem:$0x52A0] =	vst v1  }
0x44: {  	[tilespmem:$0x52B0] =	vst v1  }
0x45: {  	[tilespmem:$0x52C0] =	vst v1  }
0x46: {  	[tilespmem:$0x52D0] =	vst v1  }
0x47: {  	[tilespmem:$0x52E0] =	vst v1  }
0x48: {  	[tilespmem:$0x52F0] =	vst v1  }
0x49: {  	[spmem:s7] =	stream.linear.scatter [tilespmem:s14], [sflag:$0x3], $0x280, $0x38;
	[tilespmem:$0x5800] =	vst v63  }
0x4a: {  	_ =	swait.ge [sflag:s12], $0x280  }
0x4b: {  	[sflag:s12] =	ssyncset.done $0x0  }
0x4c: {  	[sflag:s12] =	ssyncadd.s32 $0xFFFFFD80  }
0x4d: {  	[spmem:s8] =	stream.linear.scatter [tilespmem:s14], [sflag:$0x3], $0x280, $0x38;
	[tilespmem:$0x5800] =	vst v63  }
0x4e: {  	_ =	swait.ge [sflag:s12], $0x280  }
0x4f: {  	[sflag:s12] =	ssyncset.done $0x0  }
0x50: {  	[sflag:s12] =	ssyncadd.s32 $0xFFFFFD80  }
0x51: {  	s24 =	simm.s32 $0x0;
	[bflag:$0x0] =	sbarrier.arrive $0xFFFF  }
0x52: {  	[spmem:s1] =	stream.indirect.scatter.add.f32 [tilespmem:s16], [sflag:$0x1], $0x1, s24, s15, $0xb8;
	[tilespmem:$0x5800] =	vst v63  }
0x53: {  	s31 =	simm.s32 $0x2800  }
0x54: {  	[spmem:s3] =	stream.indirect.scatter.add.f32 [tilespmem:s16], [sflag:$0x2], $0x1, s31, s15, $0xb8;
	[tilespmem:$0x5800] =	vst v63  }
0x55: {  	s25 =	simm.s32 $0x80  }
0x56: {  	[spmem:s1] =	stream.indirect.scatter.add.f32 [tilespmem:s16], [sflag:$0x1], $0x1, s25, s15, $0xb8;
	[tilespmem:$0x5800] =	vst v63  }
0x57: {  	s26 =	simm.s32 $0x2880  }
0x58: {  	[spmem:s3] =	stream.indirect.scatter.add.f32 [tilespmem:s16], [sflag:$0x2], $0x1, s26, s15, $0xb8;
	[tilespmem:$0x5800] =	vst v63  }
0x59: {  	s28 =	simm.s32 $0x100  }
0x5a: {  	[spmem:s1] =	stream.indirect.scatter.add.f32 [tilespmem:s16], [sflag:$0x1], $0x1, s28, s15, $0xb8;
	[tilespmem:$0x5800] =	vst v63  }
0x5b: {  	s29 =	simm.s32 $0x2900  }
0x5c: {  	[spmem:s3] =	stream.indirect.scatter.add.f32 [tilespmem:s16], [sflag:$0x2], $0x1, s29, s15, $0xb8;
	[tilespmem:$0x5800] =	vst v63  }
0x5d: {  	s30 =	simm.s32 $0x180  }
0x5e: {  	[spmem:s1] =	stream.indirect.scatter.add.f32 [tilespmem:s16], [sflag:$0x1], $0x1, s30, s15, $0xb8;
	[tilespmem:$0x5800] =	vst v63  }
0x5f: {  	s31 =	simm.s32 $0x2980  }
0x60: {  	[spmem:s3] =	stream.indirect.scatter.add.f32 [tilespmem:s16], [sflag:$0x2], $0x1, s31, s15, $0xb8;
	[tilespmem:$0x5800] =	vst v63  }
0x61: {  	_ =	swait.ge [sflag:s17], $0x80  }
0x62: {  	[sflag:s17] =	ssyncset.done $0x0  }
0x63: {  	[sflag:s17] =	ssyncadd.s32 $0xFFFFFF80  }
0x64: {  	_ =	swait.ge [sflag:s18], $0x80  }
0x65: {  	[sflag:s18] =	ssyncset.done $0x0  }
0x66: {  	[sflag:s18] =	ssyncadd.s32 $0xFFFFFF80  }
0x67: {  	_ =	swait.ge [sflag:s17], $0x80  }
0x68: {  	[sflag:s17] =	ssyncset.done $0x0  }
0x69: {  	[sflag:s17] =	ssyncadd.s32 $0xFFFFFF80  }
0x6a: {  	_ =	swait.ge [sflag:s18], $0x80  }
0x6b: {  	[sflag:s18] =	ssyncset.done $0x0  }
0x6c: {  	[sflag:s18] =	ssyncadd.s32 $0xFFFFFF80  }
0x6d: {  	_ =	swait.ge [sflag:s17], $0x80  }
0x6e: {  	[sflag:s17] =	ssyncset.done $0x0  }
0x6f: {  	[sflag:s17] =	ssyncadd.s32 $0xFFFFFF80  }
0x70: {  	_ =	swait.ge [sflag:s18], $0x80  }
0x71: {  	[sflag:s18] =	ssyncset.done $0x0  }
0x72: {  	[sflag:s18] =	ssyncadd.s32 $0xFFFFFF80  }
0x73: {  	_ =	swait.ge [sflag:s17], $0x80  }
0x74: {  	[sflag:s17] =	ssyncset.done $0x0  }
0x75: {  	[sflag:s17] =	ssyncadd.s32 $0xFFFFFF80  }
0x76: {  	_ =	swait.ge [sflag:s18], $0x80  }
0x77: {  	s24 =	simm.s32 $0x800;
	s26 =	simm.s32 $0x1000;
	[sflag:s18] =	ssyncset.done $0x0  }
.LBB2_2:
0x78: {  	s28 =	sshra.s32 s24, $0x2  }
0x79: {  	[sflag:s18] =	ssyncadd.s32 $0xFFFFFF80;
	s24 =	smov.u32 s26;
	s25 =	sadd.s32 $0x800, s26  }
0x7a: {  	[spmem:s1] =	stream.indirect.scatter.add.f32 [tilespmem:s16], [sflag:$0x1], $0x1, s28, s15, $0xb8;
	[tilespmem:$0x5800] =	vst v63  }
0x7b: {  	p0 =	sne.s32 s26, $0x9800;
	s26 =	sadd.s32 $0x2800, s28  }
0x7c: {  	[spmem:s3] =	stream.indirect.scatter.add.f32 [tilespmem:s16], [sflag:$0x2], $0x1, s26, s15, $0xb8;
	[tilespmem:$0x5800] =	vst v63  }
0x7d: {  	s26 =	sadd.s32 $0x80, s28  }
0x7e: {  	[spmem:s1] =	stream.indirect.scatter.add.f32 [tilespmem:s16], [sflag:$0x1], $0x1, s26, s15, $0xb8;
	[tilespmem:$0x5800] =	vst v63  }
0x7f: {  	s26 =	sadd.s32 $0x2880, s28  }
0x80: {  	[spmem:s3] =	stream.indirect.scatter.add.f32 [tilespmem:s16], [sflag:$0x2], $0x1, s26, s15, $0xb8;
	[tilespmem:$0x5800] =	vst v63  }
0x81: {  	s26 =	sadd.s32 $0x100, s28  }
0x82: {  	[spmem:s1] =	stream.indirect.scatter.add.f32 [tilespmem:s16], [sflag:$0x1], $0x1, s26, s15, $0xb8;
	[tilespmem:$0x5800] =	vst v63  }
0x83: {  	s26 =	sadd.s32 $0x2900, s28  }
0x84: {  	[spmem:s3] =	stream.indirect.scatter.add.f32 [tilespmem:s16], [sflag:$0x2], $0x1, s26, s15, $0xb8;
	[tilespmem:$0x5800] =	vst v63  }
0x85: {  	s26 =	sadd.s32 $0x180, s28  }
0x86: {  	[spmem:s1] =	stream.indirect.scatter.add.f32 [tilespmem:s16], [sflag:$0x1], $0x1, s26, s15, $0xb8;
	[tilespmem:$0x5800] =	vst v63  }
0x87: {  	s26 =	sadd.s32 $0x2980, s28  }
0x88: {  	[spmem:s3] =	stream.indirect.scatter.add.f32 [tilespmem:s16], [sflag:$0x2], $0x1, s26, s15, $0xb8;
	[tilespmem:$0x5800] =	vst v63  }
0x89: {  	_ =	swait.ge [sflag:s17], $0x80  }
0x8a: {  	[sflag:s17] =	ssyncset.done $0x0  }
0x8b: {  	[sflag:s17] =	ssyncadd.s32 $0xFFFFFF80  }
0x8c: {  	_ =	swait.ge [sflag:s18], $0x80  }
0x8d: {  	[sflag:s18] =	ssyncset.done $0x0  }
0x8e: {  	[sflag:s18] =	ssyncadd.s32 $0xFFFFFF80  }
0x8f: {  	_ =	swait.ge [sflag:s17], $0x80  }
0x90: {  	[sflag:s17] =	ssyncset.done $0x0  }
0x91: {  	[sflag:s17] =	ssyncadd.s32 $0xFFFFFF80  }
0x92: {  	_ =	swait.ge [sflag:s18], $0x80  }
0x93: {  	[sflag:s18] =	ssyncset.done $0x0  }
0x94: {  	[sflag:s18] =	ssyncadd.s32 $0xFFFFFF80  }
0x95: {  	_ =	swait.ge [sflag:s17], $0x80  }
0x96: {  	[sflag:s17] =	ssyncset.done $0x0  }
0x97: {  	[sflag:s17] =	ssyncadd.s32 $0xFFFFFF80  }
0x98: {  	_ =	swait.ge [sflag:s18], $0x80  }
0x99: {  	[sflag:s18] =	ssyncset.done $0x0  }
0x9a: {  	[sflag:s18] =	ssyncadd.s32 $0xFFFFFF80  }
.Ltmp0:
0x9b: {  	_ =	swait.ge [sflag:s17], $0x80;
	(pc) =	sbr.rel @p0 .LBB2_2-.Ltmp0, $4  }
0x9c: {  	[sflag:s17] =	ssyncset.done $0x0  }
0x9d: {  	[sflag:s17] =	ssyncadd.s32 $0xFFFFFF80  }
0x9e: {  	_ =	swait.ge [sflag:s18], $0x80  }
0x9f: {  	s26 =	smov.u32 s25;
	[sflag:s18] =	ssyncset.done $0x0  }
0xa0: {  	s24 =	sshra.s32 s24, $0x2;
	[sflag:s18] =	ssyncadd.s32 $0xFFFFFF80  }
0xa1: {  	[spmem:s1] =	stream.indirect.scatter.add.f32 [tilespmem:s16], [sflag:$0x1], $0x1, s24, s15, $0xb8;
	[tilespmem:$0x5800] =	vst v63  }
0xa2: {  	s25 =	sadd.s32 $0x2800, s24  }
0xa3: {  	[spmem:s3] =	stream.indirect.scatter.add.f32 [tilespmem:s16], [sflag:$0x2], $0x1, s25, s15, $0xb8;
	[tilespmem:$0x5800] =	vst v63  }
0xa4: {  	s31 =	sadd.s32 $0x80, s24  }
0xa5: {  	[spmem:s1] =	stream.indirect.scatter.add.f32 [tilespmem:s16], [sflag:$0x1], $0x1, s31, s15, $0xb8;
	[tilespmem:$0x5800] =	vst v63  }
0xa6: {  	s26 =	sadd.s32 $0x2880, s24  }
0xa7: {  	[spmem:s3] =	stream.indirect.scatter.add.f32 [tilespmem:s16], [sflag:$0x2], $0x1, s26, s15, $0xb8;
	[tilespmem:$0x5800] =	vst v63  }
0xa8: {  	s28 =	sadd.s32 $0x100, s24  }
0xa9: {  	[spmem:s1] =	stream.indirect.scatter.add.f32 [tilespmem:s16], [sflag:$0x1], $0x1, s28, s15, $0xb8;
	[tilespmem:$0x5800] =	vst v63  }
0xaa: {  	s29 =	sadd.s32 $0x2900, s24  }
0xab: {  	[spmem:s3] =	stream.indirect.scatter.add.f32 [tilespmem:s16], [sflag:$0x2], $0x1, s29, s15, $0xb8;
	[tilespmem:$0x5800] =	vst v63  }
0xac: {  	s30 =	sadd.s32 $0x180, s24  }
0xad: {  	[spmem:s1] =	stream.indirect.scatter.add.f32 [tilespmem:s16], [sflag:$0x1], $0x1, s30, s15, $0xb8;
	[tilespmem:$0x5800] =	vst v63  }
0xae: {  	s24 =	sadd.s32 $0x2980, s24  }
0xaf: {  	[spmem:s3] =	stream.indirect.scatter.add.f32 [tilespmem:s16], [sflag:$0x2], $0x1, s24, s15, $0xb8;
	[tilespmem:$0x5800] =	vst v63  }
0xb0: {  	_ =	swait.ge [sflag:s17], $0x80  }
0xb1: {  	[sflag:s17] =	ssyncset.done $0x0  }
0xb2: {  	[sflag:s17] =	ssyncadd.s32 $0xFFFFFF80  }
0xb3: {  	_ =	swait.ge [sflag:s18], $0x80  }
0xb4: {  	[sflag:s18] =	ssyncset.done $0x0  }
0xb5: {  	[sflag:s18] =	ssyncadd.s32 $0xFFFFFF80  }
0xb6: {  	_ =	swait.ge [sflag:s17], $0x80  }
0xb7: {  	[sflag:s17] =	ssyncset.done $0x0  }
0xb8: {  	[sflag:s17] =	ssyncadd.s32 $0xFFFFFF80  }
0xb9: {  	_ =	swait.ge [sflag:s18], $0x80  }
0xba: {  	[sflag:s18] =	ssyncset.done $0x0  }
0xbb: {  	[sflag:s18] =	ssyncadd.s32 $0xFFFFFF80  }
0xbc: {  	_ =	swait.ge [sflag:s17], $0x80  }
0xbd: {  	[sflag:s17] =	ssyncset.done $0x0  }
0xbe: {  	[sflag:s17] =	ssyncadd.s32 $0xFFFFFF80  }
0xbf: {  	_ =	swait.ge [sflag:s18], $0x80  }
0xc0: {  	[sflag:s18] =	ssyncset.done $0x0  }
0xc1: {  	[sflag:s18] =	ssyncadd.s32 $0xFFFFFF80  }
0xc2: {  	_ =	swait.ge [sflag:s17], $0x80  }
0xc3: {  	[sflag:s17] =	ssyncset.done $0x0  }
0xc4: {  	[sflag:s17] =	ssyncadd.s32 $0xFFFFFF80  }
0xc5: {  	_ =	swait.ge [sflag:s18], $0x80  }
0xc6: {  	[sflag:s18] =	ssyncset.done $0x0  }
0xc7: {  	[sflag:s18] =	ssyncadd.s32 $0xFFFFFF80  }
0xc8: {  	[bflag:$0x0] =	sbarrier.arrive $0xFFFF  }
0xc9: {  	[hbm:s9@s21], [sflag:s19] =	dma.strided [spmem:s20@s22], $0x50, s17, $0x10   }
0xca: {  	s23 =	sadd.s32 $0x1, s23;
	_ =	swait.ge [sflag:s12], $0x50  }
0xcb: {  	p0 =	sne.s32 s23, s11;
	[sflag:s12] =	ssyncset.done $0x0  }
.Ltmp1:
0xcc: {  	s31 =	sshrl.u32 s8, $0x3;
	[sflag:s12] =	ssyncadd.s32 $0xFFFFFFB0;
	(pc) =	sbr.rel @p0 .LBB2_1-.Ltmp1, $4  }
0xcd: {  	[hbm:s10@s21], [sflag:s19] =	dma.strided [spmem:s31@s22], $0x50, s17, $0x10   }
0xce: {  	_ =	swait.ge [sflag:s12], $0x50  }
0xcf: {  	[sflag:s12] =	ssyncset.done $0x0  }
0xd0: {  	[sflag:s12] =	ssyncadd.s32 $0xFFFFFFB0  }
0xd1: {  	_ =	sfence.sel $0x180000  }
0xd2: {  	[bflag:$0x0] =	sbarrier.arrive $0xFFFF  }
0xd3: {  	p0 =	sne.s32 s2, $0x0;
	_ =	strace $0x90000047  }
0xd4: {  	s0 =	sadd.s32 @!p0 $0x100000, s0;
	[bflag:$0x2] =	sbarrier.arrive $0xFFFF  }
0xd5: {  	[sflag:s0] =	ssyncadd.tile.s32 @!p0 $0x1;
	_ =	shalt  }
.Lfunc_end2:
_tile_overlayer_lowered:
.L_overlay_start_2:
0xd6: {  	(tag) =	ssettag $0x2  }
0xd7: {  	s0 =	rddreg [dreg:$0x0];
	s2 =	stileid.u32  }
0xd8: {  	s1 =	rddreg [dreg:$0x1];
	p0 =	sne.s32 s2, $0x0  }
0xd9: {  	s3 =	rddreg [dreg:$0x2];
	[bflag:$0x3] =	sbarrier.arrive $0xFFFF;
	s2 =	simm.s32 @!p0 $0x1C03  }
0xda: {  	[timem:s3], [sflag:s2] =	dma.local @!p0 [hbm:s0], s1  }
0xdb: {  	s0 =	simm.s32 @!p0 $0x3  }
0xdc: {  	_ =	swait.ge @!p0 [sflag:s0], s1  }
0xdd: {  	s1 =	ssub.s32 @!p0 $0x0, s1;
	[sflag:s0] =	ssyncset.done @!p0 $0x0  }
0xde: {  	[sflag:s0] =	ssyncadd.s32 @!p0 s1  }
0xdf: {  	[bflag:$0x3] =	sbarrier.arrive $0xFFFF  }
0xe0: {  	_ =	shalt  }

</sc_bundles>
